<compile_context>
chip_gen: v7x
topology: tpu7x:2x2x1
jax: 0.10.2.dev20260603
libtpu: 0.0.44.dev20260713+nightly
codegen_flags: <defaults>
</compile_context>

<pallas_src>
import functools

import jax
import jax.numpy as jnp
from jax import lax
from jax.experimental import pallas as pl
from jax.experimental.pallas import tpu as pltpu
from jax.experimental.pallas import tpu_sc as plsc

N_NODES = 10000
N_EDGES = 320000
D = 128

NC = 2
NS = 16
NW = NC * NS
CHUNK = 64
TOTCH = N_EDGES // CHUNK
NITER = 158
NPAD = 10240
ROWS_PER_TILE = NPAD // NS
DROWS = NPAD // D

_sc_mesh = plsc.VectorSubcoreMesh(core_axis_name="c", subcore_axis_name="s")


@functools.partial(
    pl.kernel,
    out_type=[
        jax.ShapeDtypeStruct((NC, NPAD, D), jnp.float32),
        jax.ShapeDtypeStruct((NC, DROWS, D), jnp.float32),
    ],
    mesh=_sc_mesh,
    scratch_types=[
        pltpu.VMEM((2, CHUNK), jnp.int32),
        pltpu.VMEM((2, CHUNK), jnp.int32),
        pltpu.VMEM((2, CHUNK), jnp.int32),
        pltpu.VMEM((2, CHUNK, D), jnp.float32),
        pltpu.VMEM((2, CHUNK, D), jnp.float32),
        pltpu.VMEM((DROWS,), jnp.int32),
        pltpu.VMEM((DROWS, D), jnp.float32),
        pltpu.VMEM_SHARED((NPAD, D), jnp.float32),
        pltpu.VMEM_SHARED((DROWS, D), jnp.float32),
        pltpu.SemaphoreType.DMA,
        pltpu.SemaphoreType.DMA,
        pltpu.SemaphoreType.DMA,
        pltpu.SemaphoreType.DMA,
        pltpu.SemaphoreType.DMA,
        pltpu.SemaphoreType.DMA,
    ],
)
def _sc_edge_kernel(a_hbm, b_hbm, src_hbm, dst_hbm, s_out, deg_out,
                    src_v, dst_v, dsc_v, a_v, b_v, ident_v, deg_v,
                    s_sh, deg_sh,
                    sem_i0, sem_i1, sem_g0, sem_g1, sem_s0, sem_s1):
    c = lax.axis_index("c")
    s = lax.axis_index("s")
    w = s * NC + c
    sem_i = (sem_i0, sem_i1)
    sem_g = (sem_g0, sem_g1)
    sem_s = (sem_s0, sem_s1)

    zeros16 = jnp.zeros((16,), jnp.float32)
    ones16 = jnp.ones((16,), jnp.float32)
    iota16 = lax.iota(jnp.int32, 16)

    def chunk_id(ci):
        return w + ci * NW

    def base_of(ci):
        return chunk_id(ci) * CHUNK

    def issue_idx(ci, b):
        @pl.when(chunk_id(ci) < TOTCH)
        def _():
            base = base_of(ci)
            pltpu.async_copy(src_hbm.at[pl.ds(base, CHUNK)], src_v.at[b],
                             sem_i[b])
            pltpu.async_copy(dst_hbm.at[pl.ds(base, CHUNK)], dst_v.at[b],
                             sem_i[b])

    def drain_idx(b):
        pltpu.make_async_copy(src_hbm.at[pl.ds(0, CHUNK)], src_v.at[b],
                              sem_i[b]).wait()
        pltpu.make_async_copy(dst_hbm.at[pl.ds(0, CHUNK)], dst_v.at[b],
                              sem_i[b]).wait()

    def issue_gather(b):
        pltpu.async_copy(a_hbm.at[dst_v.at[b]], a_v.at[b], sem_g[b])
        pltpu.async_copy(b_hbm.at[src_v.at[b]], b_v.at[b], sem_g[b])

    def drain_gather(b):
        pltpu.make_async_copy(a_hbm.at[pl.ds(0, CHUNK)], a_v.at[b],
                              sem_g[b]).wait()
        pltpu.make_async_copy(b_hbm.at[pl.ds(0, CHUNK)], b_v.at[b],
                              sem_g[b]).wait()

    def drain_scatter(b):
        pltpu.make_async_copy(a_hbm.at[pl.ds(0, CHUNK)], a_v.at[b],
                              sem_s[b]).wait()

    def zrow(i, _):
        for j in range(D // 16):
            a_v[0, i, pl.ds(j * 16, 16)] = zeros16
        return 0
    lax.fori_loop(0, CHUNK, zrow, 0)

    def zdeg(i, _):
        for j in range(D // 16):
            deg_v[i, pl.ds(j * 16, 16)] = zeros16
        return 0
    lax.fori_loop(0, DROWS, zdeg, 0)

    for k in range(ROWS_PER_TILE // CHUNK):
        pltpu.sync_copy(a_v.at[0],
                        s_sh.at[pl.ds(s * ROWS_PER_TILE + k * CHUNK, CHUNK)])

    @pl.when(s == 0)
    def _():
        pltpu.sync_copy(a_v.at[0], deg_sh.at[pl.ds(0, CHUNK)])

    @pl.when(s == 1)
    def _():
        pltpu.sync_copy(a_v.at[0].at[pl.ds(0, DROWS - CHUNK)],
                        deg_sh.at[pl.ds(CHUNK, DROWS - CHUNK)])

    for k in range(DROWS // 16):
        ident_v[pl.ds(k * 16, 16)] = iota16 + k * 16

    plsc.subcore_barrier()

    issue_idx(0, 0)
    issue_idx(1, 1)
    drain_idx(0)
    issue_gather(0)

    def pair_body(kk, _):
        for b in (0, 1):
            ci = 2 * kk + b
            o = 1 - b
            valid_c = chunk_id(ci) < TOTCH

            @pl.when(valid_c)
            def _(b=b, ci=ci):
                drain_gather(b)

                for g in range(CHUNK // 16):
                    dsc_v[b, pl.ds(g * 16, 16)] = dst_v[b, pl.ds(g * 16, 16)]

            issue_idx(ci + 2, b)

            @pl.when(jnp.logical_and(ci >= 1, chunk_id(ci - 1) < TOTCH))
            def _(o=o):
                drain_scatter(o)

            @pl.when(chunk_id(ci + 1) < TOTCH)
            def _(o=o):
                drain_idx(o)
                issue_gather(o)

            @pl.when(valid_c)
            def _(b=b):
                def hist_body(k, _):
                    dvec = dsc_v[b, pl.ds(k * 16, 16)]
                    for l in range(16):
                        d = dvec[l]
                        row = lax.shift_right_logical(d, 7)
                        cb = lax.bitwise_and(d, 112)
                        lane = lax.bitwise_and(d, 15)
                        hv = deg_v[row, pl.ds(cb, 16)]
                        deg_v[row, pl.ds(cb, 16)] = hv + jnp.where(
                            iota16 == lane, ones16, zeros16)
                    return 0
                lax.fori_loop(0, CHUNK // 16, hist_body, 0)

                @plsc.parallel_loop(0, CHUNK, unroll=4)
                def _(e):
                    for j in range(D // 16):
                        av = a_v[b, e, pl.ds(j * 16, 16)]
                        bv = b_v[b, e, pl.ds(j * 16, 16)]
                        a_v[b, e, pl.ds(j * 16, 16)] = jnp.maximum(
                            av + bv, 0.0)

                pltpu.async_copy(a_v.at[b], s_sh.at[dsc_v.at[b]], sem_s[b],
                                 add=True)
        return 0
    lax.fori_loop(0, NITER // 2, pair_body, 0)

    plsc.subcore_barrier()
    pltpu.sync_copy(deg_v, deg_sh.at[ident_v], add=True)
    plsc.subcore_barrier()

    row0 = s * ROWS_PER_TILE
    pltpu.sync_copy(s_sh.at[pl.ds(row0, ROWS_PER_TILE)],
                    s_out.at[c, pl.ds(row0, ROWS_PER_TILE)])

    @pl.when(s == 0)
    def _():
        pltpu.sync_copy(deg_sh, deg_out.at[c])


_ROWS_BLK = 1280


def _proj_body(ns_ref, w1a_ref, w1b_ref, b1_ref, a_ref, b_ref):
    x = ns_ref[...]
    a_ref[...] = (jnp.dot(x, w1a_ref[...], preferred_element_type=jnp.float32)
                  + b1_ref[...])
    b_ref[...] = jnp.dot(x, w1b_ref[...], preferred_element_type=jnp.float32)


def _proj(node_states, w1a, w1b, b1):
    blk = 1000
    grid = (N_NODES // blk,)
    return pl.pallas_call(
        _proj_body,
        grid=grid,
        in_specs=[
            pl.BlockSpec((blk, D), lambda i: (i, 0)),
            pl.BlockSpec((D, D), lambda i: (0, 0)),
            pl.BlockSpec((D, D), lambda i: (0, 0)),
            pl.BlockSpec((1, D), lambda i: (0, 0)),
        ],
        out_specs=[
            pl.BlockSpec((blk, D), lambda i: (i, 0)),
            pl.BlockSpec((blk, D), lambda i: (i, 0)),
        ],
        out_shape=[
            jax.ShapeDtypeStruct((N_NODES, D), jnp.float32),
            jax.ShapeDtypeStruct((N_NODES, D), jnp.float32),
        ],
    )(node_states, w1a, w1b, b1)


def _update_body(s0_ref, s1_ref, d0_ref, d1_ref, ns_ref, w2_ref, b2_ref,
                 u1a_ref, u1b_ref, c1_ref, u2_ref, c2_ref, out_ref):
    sm = s0_ref[...] + s1_ref[...]
    deg = d0_ref[...] + d1_ref[...]
    m_agg = (jnp.dot(sm, w2_ref[...], preferred_element_type=jnp.float32)
             + deg * b2_ref[...])
    pre = (jnp.dot(ns_ref[...], u1a_ref[...], preferred_element_type=jnp.float32)
           + jnp.dot(m_agg, u1b_ref[...], preferred_element_type=jnp.float32)
           + c1_ref[...])
    h = jnp.maximum(pre, 0.0)
    out_ref[...] = (jnp.dot(h, u2_ref[...], preferred_element_type=jnp.float32)
                    + c2_ref[...])


def _update(s0, s1, d0, d1, ns_pad, w2, b2, u1a, u1b, c1, u2, c2):
    grid = (NPAD // _ROWS_BLK,)
    full = lambda r, c_: pl.BlockSpec((r, c_), lambda i: (0, 0))
    return pl.pallas_call(
        _update_body,
        grid=grid,
        in_specs=[
            pl.BlockSpec((_ROWS_BLK, D), lambda i: (i, 0)),
            pl.BlockSpec((_ROWS_BLK, D), lambda i: (i, 0)),
            pl.BlockSpec((_ROWS_BLK, 1), lambda i: (i, 0)),
            pl.BlockSpec((_ROWS_BLK, 1), lambda i: (i, 0)),
            pl.BlockSpec((_ROWS_BLK, D), lambda i: (i, 0)),
            full(D, D), full(1, D), full(D, D), full(D, D),
            full(1, D), full(D, D), full(1, D),
        ],
        out_specs=pl.BlockSpec((_ROWS_BLK, D), lambda i: (i, 0)),
        out_shape=jax.ShapeDtypeStruct((NPAD, D), jnp.float32),
    )(s0, s1, d0, d1, ns_pad, w2, b2, u1a, u1b, c1, u2, c2)


def kernel(node_states, edge_index, W1, b1, W2, b2, U1, c1, U2, c2):
    src = edge_index[0].astype(jnp.int32)
    dst = edge_index[1].astype(jnp.int32)
    a, b = _proj(node_states, W1[:D], W1[D:], b1.reshape(1, D))
    s_parts, deg_parts = _sc_edge_kernel(a, b, src, dst)
    deg_cols = deg_parts.reshape(NC, NPAD, 1)
    ns_pad = jnp.pad(node_states, ((0, NPAD - N_NODES), (0, 0)))
    out = _update(s_parts[0], s_parts[1], deg_cols[0], deg_cols[1], ns_pad,
                  W2, b2.reshape(1, D), U1[:D], U1[D:],
                  c1.reshape(1, D), U2, c2.reshape(1, D))
    return out[:N_NODES]

# --- scband reference (transcript-rebuilt; emitter-appended) ---
"""Pipeline reference for scband-mpnnlayer-25881472926354 (READ-ONLY COPY).

The authoritative reference and input builder live on the scoring server;
editing this copy changes nothing except your own understanding.
"""

import jax, jax.numpy as jnp
import numpy as np

N_NODES = 10000
N_EDGES = 320000
STATE_DIM = 128
MESSAGE_DIM = 128
HIDDEN_DIM = 128


def setup_inputs(seed: int = 0) -> dict:
    key = jax.random.key(seed)
    ks = jax.random.split(key, 12)
    node_states = jax.random.normal(ks[0], (N_NODES, STATE_DIM), dtype=jnp.float32)
    edge_index = jax.random.randint(ks[1], (2, N_EDGES), 0, N_NODES, dtype=jnp.int64)
    s = 1.0 / np.sqrt(2 * STATE_DIM)
    W1 = jax.random.uniform(ks[2], (2 * STATE_DIM, HIDDEN_DIM), jnp.float32, -s, s)
    b1 = jax.random.uniform(ks[3], (HIDDEN_DIM,), jnp.float32, -s, s)
    s2 = 1.0 / np.sqrt(HIDDEN_DIM)
    W2 = jax.random.uniform(ks[4], (HIDDEN_DIM, MESSAGE_DIM), jnp.float32, -s2, s2)
    b2 = jax.random.uniform(ks[5], (MESSAGE_DIM,), jnp.float32, -s2, s2)
    su = 1.0 / np.sqrt(STATE_DIM + MESSAGE_DIM)
    U1 = jax.random.uniform(ks[6], (STATE_DIM + MESSAGE_DIM, HIDDEN_DIM), jnp.float32, -su, su)
    c1 = jax.random.uniform(ks[7], (HIDDEN_DIM,), jnp.float32, -su, su)
    U2 = jax.random.uniform(ks[8], (HIDDEN_DIM, STATE_DIM), jnp.float32, -s2, s2)
    c2 = jax.random.uniform(ks[9], (STATE_DIM,), jnp.float32, -s2, s2)
    return {"node_states": node_states, "edge_index": edge_index,
            "W1": W1, "b1": b1, "W2": W2, "b2": b2,
            "U1": U1, "c1": c1, "U2": U2, "c2": c2}


def reference(node_states, edge_index, W1, b1, W2, b2, U1, c1, U2, c2):
    # edge_index[0] = source/parent node j, edge_index[1] = destination node i.
    src = edge_index[0]
    dst = edge_index[1]
    h_j = jnp.take(node_states, src, axis=0)  # gather parents
    h_i = jnp.take(node_states, dst, axis=0)  # gather receivers
    # message MLP: phi_m([h_i, h_j])
    h_cat = jnp.concatenate([h_i, h_j], axis=-1)
    m = jnp.maximum(h_cat @ W1 + b1, 0.0) @ W2 + b2
    # aggregate: sum over parents; isolated nodes get zeros automatically
    m_agg = jax.ops.segment_sum(m, dst, num_segments=node_states.shape[0])
    # update MLP: phi_h([h_i, m_i])
    u_in = jnp.concatenate([node_states, m_agg], axis=-1)
    updated = jnp.maximum(u_in @ U1 + c1, 0.0) @ U2 + c2
    return updated

if __name__ == "__main__":
    import jax
    _d = setup_inputs()
    print(jax.jit(kernel)(*tuple(_d.values())))

</pallas_src>

<mosaic_0001>
#map = affine_map<(d0, d1) -> (0, 0)>
#map1 = affine_map<(d0, d1) -> (0)>
#map2 = affine_map<(d0, d1) -> (0, 0, 0)>
module attributes {stable_mosaic.version = 14 : i64} {
  func.func @_sc_edge_kernel(%arg0: i32, %arg1: i32, %arg2: memref<10000x128xf32, #tpu.memory_space<hbm>>, %arg3: memref<10000x128xf32, #tpu.memory_space<hbm>>, %arg4: memref<320000xi32, #tpu.memory_space<hbm>>, %arg5: memref<320000xi32, #tpu.memory_space<hbm>>, %arg6: memref<2x10240x128xf32, #tpu.memory_space<hbm>>, %arg7: memref<2x80x128xf32, #tpu.memory_space<hbm>>, %arg8: memref<2x64xi32, #tpu.memory_space<vmem>>, %arg9: memref<2x64xi32, #tpu.memory_space<vmem>>, %arg10: memref<2x64xi32, #tpu.memory_space<vmem>>, %arg11: memref<2x64x128xf32, #tpu.memory_space<vmem>>, %arg12: memref<2x64x128xf32, #tpu.memory_space<vmem>>, %arg13: memref<80xi32, #tpu.memory_space<vmem>>, %arg14: memref<80x128xf32, #tpu.memory_space<vmem>>, %arg15: memref<10240x128xf32, #tpu.memory_space<vmem_shared>>, %arg16: memref<80x128xf32, #tpu.memory_space<vmem_shared>>, %arg17: memref<!tpu.dma_semaphore, #tpu.memory_space<semaphore_mem>>, %arg18: memref<!tpu.dma_semaphore, #tpu.memory_space<semaphore_mem>>, %arg19: memref<!tpu.dma_semaphore, #tpu.memory_space<semaphore_mem>>, %arg20: memref<!tpu.dma_semaphore, #tpu.memory_space<semaphore_mem>>, %arg21: memref<!tpu.dma_semaphore, #tpu.memory_space<semaphore_mem>>, %arg22: memref<!tpu.dma_semaphore, #tpu.memory_space<semaphore_mem>>) attributes {dimension_semantics = [#tpu.dimension_semantics<core_parallel>, #tpu.dimension_semantics<subcore_parallel>], iteration_bounds = array<i64: 2, 16>, scalar_prefetch = 0 : i64, scratch_operands = 15 : i64, tpu.core_type = #tpu.core_type<sc_vector_subcore>, window_params = [{transform_indices = #map}, {transform_indices = #map}, {transform_indices = #map1}, {transform_indices = #map1}, {transform_indices = #map2}, {transform_indices = #map2}]} {
    %mul3A = arith.constant 2 : i32
    %mul3A_0 = arith.muli %arg1, %mul3A : i32
    %add3A = arith.addi %mul3A_0, %arg0 : i32
    %broadcast_in_dim3A = arith.constant 0.000000e+00 : f32
    %broadcast_in_dim3A_1 = vector.broadcast %broadcast_in_dim3A : f32 to vector<16xf32>
    %broadcast_in_dim3A_2 = arith.constant 1.000000e+00 : f32
    %broadcast_in_dim3A_3 = vector.broadcast %broadcast_in_dim3A_2 : f32 to vector<16xf32>
    %iota3A = tpu.iota {dimensions = array<i32: 0>} : vector<16xi32>
    %scan3A = arith.constant 0 : i32
    %scan3A_4 = arith.constant 0 : i32
    %scan3A_5 = arith.constant 64 : i32
    %scan3A_6 = arith.addi %scan3A_4, %scan3A_5 : i32
    %scan3A_7 = arith.constant 1 : i32
    %scan3A_8 = scf.for %scan3A_180 = %scan3A_4 to %scan3A_6 step %scan3A_7 iter_args(%scan3A_181 = %scan3A) -> (i32)  : i32 {
      %swap3A_182 = arith.constant 0 : i32
      %swap3A_183 = arith.index_cast %swap3A_182 : i32 to index
      %swap3A_184 = arith.index_cast %scan3A_180 : i32 to index
      %swap3A_185 = arith.constant 0 : index
      %swap3A_186 = tpu.vector_load %arg11[%swap3A_183, %swap3A_184, %swap3A_185] {strides = array<i32>} : memref<2x64x128xf32, #tpu.memory_space<vmem>>, vector<1x1x16xf32>,
      %swap3A_187 = vector.shape_cast %swap3A_186 : vector<1x1x16xf32> to vector<16xf32>
      %swap3A_188 = vector.shape_cast %broadcast_in_dim3A_1 : vector<16xf32> to vector<1x1x16xf32>
      tpu.vector_store %arg11[%swap3A_183, %swap3A_184, %swap3A_185], %swap3A_188 {strides = array<i32>} : memref<2x64x128xf32, #tpu.memory_space<vmem>>, vector<1x1x16xf32>,
      %swap3A_189 = arith.constant 0 : i32
      %swap3A_190 = arith.index_cast %swap3A_189 : i32 to index
      %swap3A_191 = arith.index_cast %scan3A_180 : i32 to index
      %swap3A_192 = arith.constant 16 : index
      %swap3A_193 = tpu.vector_load %arg11[%swap3A_190, %swap3A_191, %swap3A_192] {strides = array<i32>} : memref<2x64x128xf32, #tpu.memory_space<vmem>>, vector<1x1x16xf32>,
      %swap3A_194 = vector.shape_cast %swap3A_193 : vector<1x1x16xf32> to vector<16xf32>
      %swap3A_195 = vector.shape_cast %broadcast_in_dim3A_1 : vector<16xf32> to vector<1x1x16xf32>
      tpu.vector_store %arg11[%swap3A_190, %swap3A_191, %swap3A_192], %swap3A_195 {strides = array<i32>} : memref<2x64x128xf32, #tpu.memory_space<vmem>>, vector<1x1x16xf32>,
      %swap3A_196 = arith.constant 0 : i32
      %swap3A_197 = arith.index_cast %swap3A_196 : i32 to index
      %swap3A_198 = arith.index_cast %scan3A_180 : i32 to index
      %swap3A_199 = arith.constant 32 : index
      %swap3A_200 = tpu.vector_load %arg11[%swap3A_197, %swap3A_198, %swap3A_199] {strides = array<i32>} : memref<2x64x128xf32, #tpu.memory_space<vmem>>, vector<1x1x16xf32>,
      %swap3A_201 = vector.shape_cast %swap3A_200 : vector<1x1x16xf32> to vector<16xf32>
      %swap3A_202 = vector.shape_cast %broadcast_in_dim3A_1 : vector<16xf32> to vector<1x1x16xf32>
      tpu.vector_store %arg11[%swap3A_197, %swap3A_198, %swap3A_199], %swap3A_202 {strides = array<i32>} : memref<2x64x128xf32, #tpu.memory_space<vmem>>, vector<1x1x16xf32>,
      %swap3A_203 = arith.constant 0 : i32
      %swap3A_204 = arith.index_cast %swap3A_203 : i32 to index
      %swap3A_205 = arith.index_cast %scan3A_180 : i32 to index
      %swap3A_206 = arith.constant 48 : index
      %swap3A_207 = tpu.vector_load %arg11[%swap3A_204, %swap3A_205, %swap3A_206] {strides = array<i32>} : memref<2x64x128xf32, #tpu.memory_space<vmem>>, vector<1x1x16xf32>,
      %swap3A_208 = vector.shape_cast %swap3A_207 : vector<1x1x16xf32> to vector<16xf32>
      %swap3A_209 = vector.shape_cast %broadcast_in_dim3A_1 : vector<16xf32> to vector<1x1x16xf32>
      tpu.vector_store %arg11[%swap3A_204, %swap3A_205, %swap3A_206], %swap3A_209 {strides = array<i32>} : memref<2x64x128xf32, #tpu.memory_space<vmem>>, vector<1x1x16xf32>,
      %swap3A_210 = arith.constant 0 : i32
      %swap3A_211 = arith.index_cast %swap3A_210 : i32 to index
      %swap3A_212 = arith.index_cast %scan3A_180 : i32 to index
      %swap3A_213 = arith.constant 64 : index
      %swap3A_214 = tpu.vector_load %arg11[%swap3A_211, %swap3A_212, %swap3A_213] {strides = array<i32>} : memref<2x64x128xf32, #tpu.memory_space<vmem>>, vector<1x1x16xf32>,
      %swap3A_215 = vector.shape_cast %swap3A_214 : vector<1x1x16xf32> to vector<16xf32>
      %swap3A_216 = vector.shape_cast %broadcast_in_dim3A_1 : vector<16xf32> to vector<1x1x16xf32>
      tpu.vector_store %arg11[%swap3A_211, %swap3A_212, %swap3A_213], %swap3A_216 {strides = array<i32>} : memref<2x64x128xf32, #tpu.memory_space<vmem>>, vector<1x1x16xf32>,
      %swap3A_217 = arith.constant 0 : i32
      %swap3A_218 = arith.index_cast %swap3A_217 : i32 to index
      %swap3A_219 = arith.index_cast %scan3A_180 : i32 to index
      %swap3A_220 = arith.constant 80 : index
      %swap3A_221 = tpu.vector_load %arg11[%swap3A_218, %swap3A_219, %swap3A_220] {strides = array<i32>} : memref<2x64x128xf32, #tpu.memory_space<vmem>>, vector<1x1x16xf32>,
      %swap3A_222 = vector.shape_cast %swap3A_221 : vector<1x1x16xf32> to vector<16xf32>
      %swap3A_223 = vector.shape_cast %broadcast_in_dim3A_1 : vector<16xf32> to vector<1x1x16xf32>
      tpu.vector_store %arg11[%swap3A_218, %swap3A_219, %swap3A_220], %swap3A_223 {strides = array<i32>} : memref<2x64x128xf32, #tpu.memory_space<vmem>>, vector<1x1x16xf32>,
      %swap3A_224 = arith.constant 0 : i32
      %swap3A_225 = arith.index_cast %swap3A_224 : i32 to index
      %swap3A_226 = arith.index_cast %scan3A_180 : i32 to index
      %swap3A_227 = arith.constant 96 : index
      %swap3A_228 = tpu.vector_load %arg11[%swap3A_225, %swap3A_226, %swap3A_227] {strides = array<i32>} : memref<2x64x128xf32, #tpu.memory_space<vmem>>, vector<1x1x16xf32>,
      %swap3A_229 = vector.shape_cast %swap3A_228 : vector<1x1x16xf32> to vector<16xf32>
      %swap3A_230 = vector.shape_cast %broadcast_in_dim3A_1 : vector<16xf32> to vector<1x1x16xf32>
      tpu.vector_store %arg11[%swap3A_225, %swap3A_226, %swap3A_227], %swap3A_230 {strides = array<i32>} : memref<2x64x128xf32, #tpu.memory_space<vmem>>, vector<1x1x16xf32>,
      %swap3A_231 = arith.constant 0 : i32
      %swap3A_232 = arith.index_cast %swap3A_231 : i32 to index
      %swap3A_233 = arith.index_cast %scan3A_180 : i32 to index
      %swap3A_234 = arith.constant 112 : index
      %swap3A_235 = tpu.vector_load %arg11[%swap3A_232, %swap3A_233, %swap3A_234] {strides = array<i32>} : memref<2x64x128xf32, #tpu.memory_space<vmem>>, vector<1x1x16xf32>,
      %swap3A_236 = vector.shape_cast %swap3A_235 : vector<1x1x16xf32> to vector<16xf32>
      %swap3A_237 = vector.shape_cast %broadcast_in_dim3A_1 : vector<16xf32> to vector<1x1x16xf32>
      tpu.vector_store %arg11[%swap3A_232, %swap3A_233, %swap3A_234], %swap3A_237 {strides = array<i32>} : memref<2x64x128xf32, #tpu.memory_space<vmem>>, vector<1x1x16xf32>,
      %scan3A_238 = arith.constant 0 : i32
      scf.yield %scan3A_238 : i32
    }
    %scan3A_9 = arith.constant 64 : i32
    %scan3A_10 = arith.constant 0 : i32
    %scan3A_11 = arith.constant 0 : i32
    %scan3A_12 = arith.constant 80 : i32
    %scan3A_13 = arith.addi %scan3A_11, %scan3A_12 : i32
    %scan3A_14 = arith.constant 1 : i32
    %scan3A_15 = scf.for %scan3A_180 = %scan3A_11 to %scan3A_13 step %scan3A_14 iter_args(%scan3A_181 = %scan3A_10) -> (i32)  : i32 {
      %swap3A_182 = arith.index_cast %scan3A_180 : i32 to index
      %swap3A_183 = arith.constant 0 : index
      %swap3A_184 = tpu.vector_load %arg14[%swap3A_182, %swap3A_183] {strides = array<i32>} : memref<80x128xf32, #tpu.memory_space<vmem>>, vector<1x16xf32>,
      %swap3A_185 = vector.shape_cast %swap3A_184 : vector<1x16xf32> to vector<16xf32>
      %swap3A_186 = vector.shape_cast %broadcast_in_dim3A_1 : vector<16xf32> to vector<1x16xf32>
      tpu.vector_store %arg14[%swap3A_182, %swap3A_183], %swap3A_186 {strides = array<i32>} : memref<80x128xf32, #tpu.memory_space<vmem>>, vector<1x16xf32>,
      %swap3A_187 = arith.index_cast %scan3A_180 : i32 to index
      %swap3A_188 = arith.constant 16 : index
      %swap3A_189 = tpu.vector_load %arg14[%swap3A_187, %swap3A_188] {strides = array<i32>} : memref<80x128xf32, #tpu.memory_space<vmem>>, vector<1x16xf32>,
      %swap3A_190 = vector.shape_cast %swap3A_189 : vector<1x16xf32> to vector<16xf32>
      %swap3A_191 = vector.shape_cast %broadcast_in_dim3A_1 : vector<16xf32> to vector<1x16xf32>
      tpu.vector_store %arg14[%swap3A_187, %swap3A_188], %swap3A_191 {strides = array<i32>} : memref<80x128xf32, #tpu.memory_space<vmem>>, vector<1x16xf32>,
      %swap3A_192 = arith.index_cast %scan3A_180 : i32 to index
      %swap3A_193 = arith.constant 32 : index
      %swap3A_194 = tpu.vector_load %arg14[%swap3A_192, %swap3A_193] {strides = array<i32>} : memref<80x128xf32, #tpu.memory_space<vmem>>, vector<1x16xf32>,
      %swap3A_195 = vector.shape_cast %swap3A_194 : vector<1x16xf32> to vector<16xf32>
      %swap3A_196 = vector.shape_cast %broadcast_in_dim3A_1 : vector<16xf32> to vector<1x16xf32>
      tpu.vector_store %arg14[%swap3A_192, %swap3A_193], %swap3A_196 {strides = array<i32>} : memref<80x128xf32, #tpu.memory_space<vmem>>, vector<1x16xf32>,
      %swap3A_197 = arith.index_cast %scan3A_180 : i32 to index
      %swap3A_198 = arith.constant 48 : index
      %swap3A_199 = tpu.vector_load %arg14[%swap3A_197, %swap3A_198] {strides = array<i32>} : memref<80x128xf32, #tpu.memory_space<vmem>>, vector<1x16xf32>,
      %swap3A_200 = vector.shape_cast %swap3A_199 : vector<1x16xf32> to vector<16xf32>
      %swap3A_201 = vector.shape_cast %broadcast_in_dim3A_1 : vector<16xf32> to vector<1x16xf32>
      tpu.vector_store %arg14[%swap3A_197, %swap3A_198], %swap3A_201 {strides = array<i32>} : memref<80x128xf32, #tpu.memory_space<vmem>>, vector<1x16xf32>,
      %swap3A_202 = arith.index_cast %scan3A_180 : i32 to index
      %swap3A_203 = arith.constant 64 : index
      %swap3A_204 = tpu.vector_load %arg14[%swap3A_202, %swap3A_203] {strides = array<i32>} : memref<80x128xf32, #tpu.memory_space<vmem>>, vector<1x16xf32>,
      %swap3A_205 = vector.shape_cast %swap3A_204 : vector<1x16xf32> to vector<16xf32>
      %swap3A_206 = vector.shape_cast %broadcast_in_dim3A_1 : vector<16xf32> to vector<1x16xf32>
      tpu.vector_store %arg14[%swap3A_202, %swap3A_203], %swap3A_206 {strides = array<i32>} : memref<80x128xf32, #tpu.memory_space<vmem>>, vector<1x16xf32>,
      %swap3A_207 = arith.index_cast %scan3A_180 : i32 to index
      %swap3A_208 = arith.constant 80 : index
      %swap3A_209 = tpu.vector_load %arg14[%swap3A_207, %swap3A_208] {strides = array<i32>} : memref<80x128xf32, #tpu.memory_space<vmem>>, vector<1x16xf32>,
      %swap3A_210 = vector.shape_cast %swap3A_209 : vector<1x16xf32> to vector<16xf32>
      %swap3A_211 = vector.shape_cast %broadcast_in_dim3A_1 : vector<16xf32> to vector<1x16xf32>
      tpu.vector_store %arg14[%swap3A_207, %swap3A_208], %swap3A_211 {strides = array<i32>} : memref<80x128xf32, #tpu.memory_space<vmem>>, vector<1x16xf32>,
      %swap3A_212 = arith.index_cast %scan3A_180 : i32 to index
      %swap3A_213 = arith.constant 96 : index
      %swap3A_214 = tpu.vector_load %arg14[%swap3A_212, %swap3A_213] {strides = array<i32>} : memref<80x128xf32, #tpu.memory_space<vmem>>, vector<1x16xf32>,
      %swap3A_215 = vector.shape_cast %swap3A_214 : vector<1x16xf32> to vector<16xf32>
      %swap3A_216 = vector.shape_cast %broadcast_in_dim3A_1 : vector<16xf32> to vector<1x16xf32>
      tpu.vector_store %arg14[%swap3A_212, %swap3A_213], %swap3A_216 {strides = array<i32>} : memref<80x128xf32, #tpu.memory_space<vmem>>, vector<1x16xf32>,
      %swap3A_217 = arith.index_cast %scan3A_180 : i32 to index
      %swap3A_218 = arith.constant 112 : index
      %swap3A_219 = tpu.vector_load %arg14[%swap3A_217, %swap3A_218] {strides = array<i32>} : memref<80x128xf32, #tpu.memory_space<vmem>>, vector<1x16xf32>,
      %swap3A_220 = vector.shape_cast %swap3A_219 : vector<1x16xf32> to vector<16xf32>
      %swap3A_221 = vector.shape_cast %broadcast_in_dim3A_1 : vector<16xf32> to vector<1x16xf32>
      tpu.vector_store %arg14[%swap3A_217, %swap3A_218], %swap3A_221 {strides = array<i32>} : memref<80x128xf32, #tpu.memory_space<vmem>>, vector<1x16xf32>,
      %scan3A_222 = arith.constant 0 : i32
      scf.yield %scan3A_222 : i32
    }
    %scan3A_16 = arith.constant 80 : i32
    %mul3A_17 = arith.constant 640 : i32
    %mul3A_18 = arith.muli %arg1, %mul3A_17 : i32
    %add3A_19 = arith.constant 0 : i32
    %add3A_20 = arith.addi %mul3A_18, %add3A_19 : i32
    %run_scoped3A = arith.constant 0 : i32
    "tpu.region"() ({
      %run_scoped3A_180 = tpu.sem_alloc : memref<!tpu.dma_semaphore, #tpu.memory_space<semaphore_mem>>
      %dma_start3A_181 = arith.constant 0 : i32
      %dma_start3A_182 = arith.constant 0 : i32
      %dma_start3A_183 = tpu.memref_slice %arg11[%run_scoped3A, %dma_start3A_181, %dma_start3A_182] : memref<2x64x128xf32, #tpu.memory_space<vmem>> -> memref<1x64x128xf32, #tpu.memory_space<vmem>>
      %dma_start3A_184 = tpu.memref_squeeze %dma_start3A_183 : memref<1x64x128xf32, #tpu.memory_space<vmem>> -> memref<64x128xf32, #tpu.memory_space<vmem>>
      %dma_start3A_185 = arith.constant 0 : i32
      %dma_start3A_186 = tpu.memref_slice %arg15[%add3A_20, %dma_start3A_185] : memref<10240x128xf32, #tpu.memory_space<vmem_shared>> -> memref<64x128xf32, #tpu.memory_space<vmem_shared>>
      %dma_start3A_187 = arith.constant 0 : i32
      %dma_start3A_188 = tpu.memref_slice %arg15[%add3A_20, %dma_start3A_187] : memref<10240x128xf32, #tpu.memory_space<vmem_shared>> -> memref<64x128xf32, #tpu.memory_space<vmem_shared>>
      %dma_start3A_189 = arith.constant 0 : i32
      %dma_start3A_190 = arith.constant 0 : i32
      %dma_start3A_191 = tpu.memref_slice %arg11[%run_scoped3A, %dma_start3A_189, %dma_start3A_190] : memref<2x64x128xf32, #tpu.memory_space<vmem>> -> memref<1x64x128xf32, #tpu.memory_space<vmem>>
      %dma_start3A_192 = tpu.memref_squeeze %dma_start3A_191 : memref<1x64x128xf32, #tpu.memory_space<vmem>> -> memref<64x128xf32, #tpu.memory_space<vmem>>
      tpu.enqueue_dma source(%dma_start3A_192 : memref<64x128xf32, #tpu.memory_space<vmem>>) target(%dma_start3A_188 : memref<64x128xf32, #tpu.memory_space<vmem_shared>>) target_semaphore(%run_scoped3A_180 : memref<!tpu.dma_semaphore, #tpu.memory_space<semaphore_mem>>)
      %dma_wait3A_193 = arith.constant 0 : i32
      %dma_wait3A_194 = arith.constant 0 : i32
      %dma_wait3A_195 = tpu.memref_slice %arg11[%run_scoped3A, %dma_wait3A_193, %dma_wait3A_194] : memref<2x64x128xf32, #tpu.memory_space<vmem>> -> memref<1x64x128xf32, #tpu.memory_space<vmem>>
      %dma_wait3A_196 = tpu.memref_squeeze %dma_wait3A_195 : memref<1x64x128xf32, #tpu.memory_space<vmem>> -> memref<64x128xf32, #tpu.memory_space<vmem>>
      %dma_wait3A_197 = arith.constant 0 : i32
      %dma_wait3A_198 = tpu.memref_slice %arg15[%add3A_20, %dma_wait3A_197] : memref<10240x128xf32, #tpu.memory_space<vmem_shared>> -> memref<64x128xf32, #tpu.memory_space<vmem_shared>>
      %dma_wait3A_199 = arith.constant 0 : i32
      %dma_wait3A_200 = tpu.memref_slice %arg15[%add3A_20, %dma_wait3A_199] : memref<10240x128xf32, #tpu.memory_space<vmem_shared>> -> memref<64x128xf32, #tpu.memory_space<vmem_shared>>
      %dma_wait3A_201 = arith.constant 0 : i32
      %dma_wait3A_202 = arith.constant 0 : i32
      %dma_wait3A_203 = tpu.memref_slice %arg11[%run_scoped3A, %dma_wait3A_201, %dma_wait3A_202] : memref<2x64x128xf32, #tpu.memory_space<vmem>> -> memref<1x64x128xf32, #tpu.memory_space<vmem>>
      %dma_wait3A_204 = tpu.memref_squeeze %dma_wait3A_203 : memref<1x64x128xf32, #tpu.memory_space<vmem>> -> memref<64x128xf32, #tpu.memory_space<vmem>>
      tpu.wait_dma2 semaphore(%run_scoped3A_180 : memref<!tpu.dma_semaphore, #tpu.memory_space<semaphore_mem>>) src(%dma_wait3A_204 : memref<64x128xf32, #tpu.memory_space<vmem>>) dst(%dma_wait3A_200 : memref<64x128xf32, #tpu.memory_space<vmem_shared>>)
      tpu.yield
    }) : () -> ()
    %mul3A_21 = arith.constant 640 : i32
    %mul3A_22 = arith.muli %arg1, %mul3A_21 : i32
    %add3A_23 = arith.constant 64 : i32
    %add3A_24 = arith.addi %mul3A_22, %add3A_23 : i32
    %run_scoped3A_25 = arith.constant 0 : i32
    "tpu.region"() ({
      %run_scoped3A_180 = tpu.sem_alloc : memref<!tpu.dma_semaphore, #tpu.memory_space<semaphore_mem>>
      %dma_start3A_181 = arith.constant 0 : i32
      %dma_start3A_182 = arith.constant 0 : i32
      %dma_start3A_183 = tpu.memref_slice %arg11[%run_scoped3A_25, %dma_start3A_181, %dma_start3A_182] : memref<2x64x128xf32, #tpu.memory_space<vmem>> -> memref<1x64x128xf32, #tpu.memory_space<vmem>>
      %dma_start3A_184 = tpu.memref_squeeze %dma_start3A_183 : memref<1x64x128xf32, #tpu.memory_space<vmem>> -> memref<64x128xf32, #tpu.memory_space<vmem>>
      %dma_start3A_185 = arith.constant 0 : i32
      %dma_start3A_186 = tpu.memref_slice %arg15[%add3A_24, %dma_start3A_185] : memref<10240x128xf32, #tpu.memory_space<vmem_shared>> -> memref<64x128xf32, #tpu.memory_space<vmem_shared>>
      %dma_start3A_187 = arith.constant 0 : i32
      %dma_start3A_188 = tpu.memref_slice %arg15[%add3A_24, %dma_start3A_187] : memref<10240x128xf32, #tpu.memory_space<vmem_shared>> -> memref<64x128xf32, #tpu.memory_space<vmem_shared>>
      %dma_start3A_189 = arith.constant 0 : i32
      %dma_start3A_190 = arith.constant 0 : i32
      %dma_start3A_191 = tpu.memref_slice %arg11[%run_scoped3A_25, %dma_start3A_189, %dma_start3A_190] : memref<2x64x128xf32, #tpu.memory_space<vmem>> -> memref<1x64x128xf32, #tpu.memory_space<vmem>>
      %dma_start3A_192 = tpu.memref_squeeze %dma_start3A_191 : memref<1x64x128xf32, #tpu.memory_space<vmem>> -> memref<64x128xf32, #tpu.memory_space<vmem>>
      tpu.enqueue_dma source(%dma_start3A_192 : memref<64x128xf32, #tpu.memory_space<vmem>>) target(%dma_start3A_188 : memref<64x128xf32, #tpu.memory_space<vmem_shared>>) target_semaphore(%run_scoped3A_180 : memref<!tpu.dma_semaphore, #tpu.memory_space<semaphore_mem>>)
      %dma_wait3A_193 = arith.constant 0 : i32
      %dma_wait3A_194 = arith.constant 0 : i32
      %dma_wait3A_195 = tpu.memref_slice %arg11[%run_scoped3A_25, %dma_wait3A_193, %dma_wait3A_194] : memref<2x64x128xf32, #tpu.memory_space<vmem>> -> memref<1x64x128xf32, #tpu.memory_space<vmem>>
      %dma_wait3A_196 = tpu.memref_squeeze %dma_wait3A_195 : memref<1x64x128xf32, #tpu.memory_space<vmem>> -> memref<64x128xf32, #tpu.memory_space<vmem>>
      %dma_wait3A_197 = arith.constant 0 : i32
      %dma_wait3A_198 = tpu.memref_slice %arg15[%add3A_24, %dma_wait3A_197] : memref<10240x128xf32, #tpu.memory_space<vmem_shared>> -> memref<64x128xf32, #tpu.memory_space<vmem_shared>>
      %dma_wait3A_199 = arith.constant 0 : i32
      %dma_wait3A_200 = tpu.memref_slice %arg15[%add3A_24, %dma_wait3A_199] : memref<10240x128xf32, #tpu.memory_space<vmem_shared>> -> memref<64x128xf32, #tpu.memory_space<vmem_shared>>
      %dma_wait3A_201 = arith.constant 0 : i32
      %dma_wait3A_202 = arith.constant 0 : i32
      %dma_wait3A_203 = tpu.memref_slice %arg11[%run_scoped3A_25, %dma_wait3A_201, %dma_wait3A_202] : memref<2x64x128xf32, #tpu.memory_space<vmem>> -> memref<1x64x128xf32, #tpu.memory_space<vmem>>
      %dma_wait3A_204 = tpu.memref_squeeze %dma_wait3A_203 : memref<1x64x128xf32, #tpu.memory_space<vmem>> -> memref<64x128xf32, #tpu.memory_space<vmem>>
      tpu.wait_dma2 semaphore(%run_scoped3A_180 : memref<!tpu.dma_semaphore, #tpu.memory_space<semaphore_mem>>) src(%dma_wait3A_204 : memref<64x128xf32, #tpu.memory_space<vmem>>) dst(%dma_wait3A_200 : memref<64x128xf32, #tpu.memory_space<vmem_shared>>)
      tpu.yield
    }) : () -> ()
    %mul3A_26 = arith.constant 640 : i32
    %mul3A_27 = arith.muli %arg1, %mul3A_26 : i32
    %add3A_28 = arith.constant 128 : i32
    %add3A_29 = arith.addi %mul3A_27, %add3A_28 : i32
    %run_scoped3A_30 = arith.constant 0 : i32
    "tpu.region"() ({
      %run_scoped3A_180 = tpu.sem_alloc : memref<!tpu.dma_semaphore, #tpu.memory_space<semaphore_mem>>
      %dma_start3A_181 = arith.constant 0 : i32
      %dma_start3A_182 = arith.constant 0 : i32
      %dma_start3A_183 = tpu.memref_slice %arg11[%run_scoped3A_30, %dma_start3A_181, %dma_start3A_182] : memref<2x64x128xf32, #tpu.memory_space<vmem>> -> memref<1x64x128xf32, #tpu.memory_space<vmem>>
      %dma_start3A_184 = tpu.memref_squeeze %dma_start3A_183 : memref<1x64x128xf32, #tpu.memory_space<vmem>> -> memref<64x128xf32, #tpu.memory_space<vmem>>
      %dma_start3A_185 = arith.constant 0 : i32
      %dma_start3A_186 = tpu.memref_slice %arg15[%add3A_29, %dma_start3A_185] : memref<10240x128xf32, #tpu.memory_space<vmem_shared>> -> memref<64x128xf32, #tpu.memory_space<vmem_shared>>
      %dma_start3A_187 = arith.constant 0 : i32
      %dma_start3A_188 = tpu.memref_slice %arg15[%add3A_29, %dma_start3A_187] : memref<10240x128xf32, #tpu.memory_space<vmem_shared>> -> memref<64x128xf32, #tpu.memory_space<vmem_shared>>
      %dma_start3A_189 = arith.constant 0 : i32
      %dma_start3A_190 = arith.constant 0 : i32
      %dma_start3A_191 = tpu.memref_slice %arg11[%run_scoped3A_30, %dma_start3A_189, %dma_start3A_190] : memref<2x64x128xf32, #tpu.memory_space<vmem>> -> memref<1x64x128xf32, #tpu.memory_space<vmem>>
      %dma_start3A_192 = tpu.memref_squeeze %dma_start3A_191 : memref<1x64x128xf32, #tpu.memory_space<vmem>> -> memref<64x128xf32, #tpu.memory_space<vmem>>
      tpu.enqueue_dma source(%dma_start3A_192 : memref<64x128xf32, #tpu.memory_space<vmem>>) target(%dma_start3A_188 : memref<64x128xf32, #tpu.memory_space<vmem_shared>>) target_semaphore(%run_scoped3A_180 : memref<!tpu.dma_semaphore, #tpu.memory_space<semaphore_mem>>)
      %dma_wait3A_193 = arith.constant 0 : i32
      %dma_wait3A_194 = arith.constant 0 : i32
      %dma_wait3A_195 = tpu.memref_slice %arg11[%run_scoped3A_30, %dma_wait3A_193, %dma_wait3A_194] : memref<2x64x128xf32, #tpu.memory_space<vmem>> -> memref<1x64x128xf32, #tpu.memory_space<vmem>>
      %dma_wait3A_196 = tpu.memref_squeeze %dma_wait3A_195 : memref<1x64x128xf32, #tpu.memory_space<vmem>> -> memref<64x128xf32, #tpu.memory_space<vmem>>
      %dma_wait3A_197 = arith.constant 0 : i32
      %dma_wait3A_198 = tpu.memref_slice %arg15[%add3A_29, %dma_wait3A_197] : memref<10240x128xf32, #tpu.memory_space<vmem_shared>> -> memref<64x128xf32, #tpu.memory_space<vmem_shared>>
      %dma_wait3A_199 = arith.constant 0 : i32
      %dma_wait3A_200 = tpu.memref_slice %arg15[%add3A_29, %dma_wait3A_199] : memref<10240x128xf32, #tpu.memory_space<vmem_shared>> -> memref<64x128xf32, #tpu.memory_space<vmem_shared>>
      %dma_wait3A_201 = arith.constant 0 : i32
      %dma_wait3A_202 = arith.constant 0 : i32
      %dma_wait3A_203 = tpu.memref_slice %arg11[%run_scoped3A_30, %dma_wait3A_201, %dma_wait3A_202] : memref<2x64x128xf32, #tpu.memory_space<vmem>> -> memref<1x64x128xf32, #tpu.memory_space<vmem>>
      %dma_wait3A_204 = tpu.memref_squeeze %dma_wait3A_203 : memref<1x64x128xf32, #tpu.memory_space<vmem>> -> memref<64x128xf32, #tpu.memory_space<vmem>>
      tpu.wait_dma2 semaphore(%run_scoped3A_180 : memref<!tpu.dma_semaphore, #tpu.memory_space<semaphore_mem>>) src(%dma_wait3A_204 : memref<64x128xf32, #tpu.memory_space<vmem>>) dst(%dma_wait3A_200 : memref<64x128xf32, #tpu.memory_space<vmem_shared>>)
      tpu.yield
    }) : () -> ()
    %mul3A_31 = arith.constant 640 : i32
    %mul3A_32 = arith.muli %arg1, %mul3A_31 : i32
    %add3A_33 = arith.constant 192 : i32
    %add3A_34 = arith.addi %mul3A_32, %add3A_33 : i32
    %run_scoped3A_35 = arith.constant 0 : i32
    "tpu.region"() ({
      %run_scoped3A_180 = tpu.sem_alloc : memref<!tpu.dma_semaphore, #tpu.memory_space<semaphore_mem>>
      %dma_start3A_181 = arith.constant 0 : i32
      %dma_start3A_182 = arith.constant 0 : i32
      %dma_start3A_183 = tpu.memref_slice %arg11[%run_scoped3A_35, %dma_start3A_181, %dma_start3A_182] : memref<2x64x128xf32, #tpu.memory_space<vmem>> -> memref<1x64x128xf32, #tpu.memory_space<vmem>>
      %dma_start3A_184 = tpu.memref_squeeze %dma_start3A_183 : memref<1x64x128xf32, #tpu.memory_space<vmem>> -> memref<64x128xf32, #tpu.memory_space<vmem>>
      %dma_start3A_185 = arith.constant 0 : i32
      %dma_start3A_186 = tpu.memref_slice %arg15[%add3A_34, %dma_start3A_185] : memref<10240x128xf32, #tpu.memory_space<vmem_shared>> -> memref<64x128xf32, #tpu.memory_space<vmem_shared>>
      %dma_start3A_187 = arith.constant 0 : i32
      %dma_start3A_188 = tpu.memref_slice %arg15[%add3A_34, %dma_start3A_187] : memref<10240x128xf32, #tpu.memory_space<vmem_shared>> -> memref<64x128xf32, #tpu.memory_space<vmem_shared>>
      %dma_start3A_189 = arith.constant 0 : i32
      %dma_start3A_190 = arith.constant 0 : i32
      %dma_start3A_191 = tpu.memref_slice %arg11[%run_scoped3A_35, %dma_start3A_189, %dma_start3A_190] : memref<2x64x128xf32, #tpu.memory_space<vmem>> -> memref<1x64x128xf32, #tpu.memory_space<vmem>>
      %dma_start3A_192 = tpu.memref_squeeze %dma_start3A_191 : memref<1x64x128xf32, #tpu.memory_space<vmem>> -> memref<64x128xf32, #tpu.memory_space<vmem>>
      tpu.enqueue_dma source(%dma_start3A_192 : memref<64x128xf32, #tpu.memory_space<vmem>>) target(%dma_start3A_188 : memref<64x128xf32, #tpu.memory_space<vmem_shared>>) target_semaphore(%run_scoped3A_180 : memref<!tpu.dma_semaphore, #tpu.memory_space<semaphore_mem>>)
      %dma_wait3A_193 = arith.constant 0 : i32
      %dma_wait3A_194 = arith.constant 0 : i32
      %dma_wait3A_195 = tpu.memref_slice %arg11[%run_scoped3A_35, %dma_wait3A_193, %dma_wait3A_194] : memref<2x64x128xf32, #tpu.memory_space<vmem>> -> memref<1x64x128xf32, #tpu.memory_space<vmem>>
      %dma_wait3A_196 = tpu.memref_squeeze %dma_wait3A_195 : memref<1x64x128xf32, #tpu.memory_space<vmem>> -> memref<64x128xf32, #tpu.memory_space<vmem>>
      %dma_wait3A_197 = arith.constant 0 : i32
      %dma_wait3A_198 = tpu.memref_slice %arg15[%add3A_34, %dma_wait3A_197] : memref<10240x128xf32, #tpu.memory_space<vmem_shared>> -> memref<64x128xf32, #tpu.memory_space<vmem_shared>>
      %dma_wait3A_199 = arith.constant 0 : i32
      %dma_wait3A_200 = tpu.memref_slice %arg15[%add3A_34, %dma_wait3A_199] : memref<10240x128xf32, #tpu.memory_space<vmem_shared>> -> memref<64x128xf32, #tpu.memory_space<vmem_shared>>
      %dma_wait3A_201 = arith.constant 0 : i32
      %dma_wait3A_202 = arith.constant 0 : i32
      %dma_wait3A_203 = tpu.memref_slice %arg11[%run_scoped3A_35, %dma_wait3A_201, %dma_wait3A_202] : memref<2x64x128xf32, #tpu.memory_space<vmem>> -> memref<1x64x128xf32, #tpu.memory_space<vmem>>
      %dma_wait3A_204 = tpu.memref_squeeze %dma_wait3A_203 : memref<1x64x128xf32, #tpu.memory_space<vmem>> -> memref<64x128xf32, #tpu.memory_space<vmem>>
      tpu.wait_dma2 semaphore(%run_scoped3A_180 : memref<!tpu.dma_semaphore, #tpu.memory_space<semaphore_mem>>) src(%dma_wait3A_204 : memref<64x128xf32, #tpu.memory_space<vmem>>) dst(%dma_wait3A_200 : memref<64x128xf32, #tpu.memory_space<vmem_shared>>)
      tpu.yield
    }) : () -> ()
    %mul3A_36 = arith.constant 640 : i32
    %mul3A_37 = arith.muli %arg1, %mul3A_36 : i32
    %add3A_38 = arith.constant 256 : i32
    %add3A_39 = arith.addi %mul3A_37, %add3A_38 : i32
    %run_scoped3A_40 = arith.constant 0 : i32
    "tpu.region"() ({
      %run_scoped3A_180 = tpu.sem_alloc : memref<!tpu.dma_semaphore, #tpu.memory_space<semaphore_mem>>
      %dma_start3A_181 = arith.constant 0 : i32
      %dma_start3A_182 = arith.constant 0 : i32
      %dma_start3A_183 = tpu.memref_slice %arg11[%run_scoped3A_40, %dma_start3A_181, %dma_start3A_182] : memref<2x64x128xf32, #tpu.memory_space<vmem>> -> memref<1x64x128xf32, #tpu.memory_space<vmem>>
      %dma_start3A_184 = tpu.memref_squeeze %dma_start3A_183 : memref<1x64x128xf32, #tpu.memory_space<vmem>> -> memref<64x128xf32, #tpu.memory_space<vmem>>
      %dma_start3A_185 = arith.constant 0 : i32
      %dma_start3A_186 = tpu.memref_slice %arg15[%add3A_39, %dma_start3A_185] : memref<10240x128xf32, #tpu.memory_space<vmem_shared>> -> memref<64x128xf32, #tpu.memory_space<vmem_shared>>
      %dma_start3A_187 = arith.constant 0 : i32
      %dma_start3A_188 = tpu.memref_slice %arg15[%add3A_39, %dma_start3A_187] : memref<10240x128xf32, #tpu.memory_space<vmem_shared>> -> memref<64x128xf32, #tpu.memory_space<vmem_shared>>
      %dma_start3A_189 = arith.constant 0 : i32
      %dma_start3A_190 = arith.constant 0 : i32
      %dma_start3A_191 = tpu.memref_slice %arg11[%run_scoped3A_40, %dma_start3A_189, %dma_start3A_190] : memref<2x64x128xf32, #tpu.memory_space<vmem>> -> memref<1x64x128xf32, #tpu.memory_space<vmem>>
      %dma_start3A_192 = tpu.memref_squeeze %dma_start3A_191 : memref<1x64x128xf32, #tpu.memory_space<vmem>> -> memref<64x128xf32, #tpu.memory_space<vmem>>
      tpu.enqueue_dma source(%dma_start3A_192 : memref<64x128xf32, #tpu.memory_space<vmem>>) target(%dma_start3A_188 : memref<64x128xf32, #tpu.memory_space<vmem_shared>>) target_semaphore(%run_scoped3A_180 : memref<!tpu.dma_semaphore, #tpu.memory_space<semaphore_mem>>)
      %dma_wait3A_193 = arith.constant 0 : i32
      %dma_wait3A_194 = arith.constant 0 : i32
      %dma_wait3A_195 = tpu.memref_slice %arg11[%run_scoped3A_40, %dma_wait3A_193, %dma_wait3A_194] : memref<2x64x128xf32, #tpu.memory_space<vmem>> -> memref<1x64x128xf32, #tpu.memory_space<vmem>>
      %dma_wait3A_196 = tpu.memref_squeeze %dma_wait3A_195 : memref<1x64x128xf32, #tpu.memory_space<vmem>> -> memref<64x128xf32, #tpu.memory_space<vmem>>
      %dma_wait3A_197 = arith.constant 0 : i32
      %dma_wait3A_198 = tpu.memref_slice %arg15[%add3A_39, %dma_wait3A_197] : memref<10240x128xf32, #tpu.memory_space<vmem_shared>> -> memref<64x128xf32, #tpu.memory_space<vmem_shared>>
      %dma_wait3A_199 = arith.constant 0 : i32
      %dma_wait3A_200 = tpu.memref_slice %arg15[%add3A_39, %dma_wait3A_199] : memref<10240x128xf32, #tpu.memory_space<vmem_shared>> -> memref<64x128xf32, #tpu.memory_space<vmem_shared>>
      %dma_wait3A_201 = arith.constant 0 : i32
      %dma_wait3A_202 = arith.constant 0 : i32
      %dma_wait3A_203 = tpu.memref_slice %arg11[%run_scoped3A_40, %dma_wait3A_201, %dma_wait3A_202] : memref<2x64x128xf32, #tpu.memory_space<vmem>> -> memref<1x64x128xf32, #tpu.memory_space<vmem>>
      %dma_wait3A_204 = tpu.memref_squeeze %dma_wait3A_203 : memref<1x64x128xf32, #tpu.memory_space<vmem>> -> memref<64x128xf32, #tpu.memory_space<vmem>>
      tpu.wait_dma2 semaphore(%run_scoped3A_180 : memref<!tpu.dma_semaphore, #tpu.memory_space<semaphore_mem>>) src(%dma_wait3A_204 : memref<64x128xf32, #tpu.memory_space<vmem>>) dst(%dma_wait3A_200 : memref<64x128xf32, #tpu.memory_space<vmem_shared>>)
      tpu.yield
    }) : () -> ()
    %mul3A_41 = arith.constant 640 : i32
    %mul3A_42 = arith.muli %arg1, %mul3A_41 : i32
    %add3A_43 = arith.constant 320 : i32
    %add3A_44 = arith.addi %mul3A_42, %add3A_43 : i32
    %run_scoped3A_45 = arith.constant 0 : i32
    "tpu.region"() ({
      %run_scoped3A_180 = tpu.sem_alloc : memref<!tpu.dma_semaphore, #tpu.memory_space<semaphore_mem>>
      %dma_start3A_181 = arith.constant 0 : i32
      %dma_start3A_182 = arith.constant 0 : i32
      %dma_start3A_183 = tpu.memref_slice %arg11[%run_scoped3A_45, %dma_start3A_181, %dma_start3A_182] : memref<2x64x128xf32, #tpu.memory_space<vmem>> -> memref<1x64x128xf32, #tpu.memory_space<vmem>>
      %dma_start3A_184 = tpu.memref_squeeze %dma_start3A_183 : memref<1x64x128xf32, #tpu.memory_space<vmem>> -> memref<64x128xf32, #tpu.memory_space<vmem>>
      %dma_start3A_185 = arith.constant 0 : i32
      %dma_start3A_186 = tpu.memref_slice %arg15[%add3A_44, %dma_start3A_185] : memref<10240x128xf32, #tpu.memory_space<vmem_shared>> -> memref<64x128xf32, #tpu.memory_space<vmem_shared>>
      %dma_start3A_187 = arith.constant 0 : i32
      %dma_start3A_188 = tpu.memref_slice %arg15[%add3A_44, %dma_start3A_187] : memref<10240x128xf32, #tpu.memory_space<vmem_shared>> -> memref<64x128xf32, #tpu.memory_space<vmem_shared>>
      %dma_start3A_189 = arith.constant 0 : i32
      %dma_start3A_190 = arith.constant 0 : i32
      %dma_start3A_191 = tpu.memref_slice %arg11[%run_scoped3A_45, %dma_start3A_189, %dma_start3A_190] : memref<2x64x128xf32, #tpu.memory_space<vmem>> -> memref<1x64x128xf32, #tpu.memory_space<vmem>>
      %dma_start3A_192 = tpu.memref_squeeze %dma_start3A_191 : memref<1x64x128xf32, #tpu.memory_space<vmem>> -> memref<64x128xf32, #tpu.memory_space<vmem>>
      tpu.enqueue_dma source(%dma_start3A_192 : memref<64x128xf32, #tpu.memory_space<vmem>>) target(%dma_start3A_188 : memref<64x128xf32, #tpu.memory_space<vmem_shared>>) target_semaphore(%run_scoped3A_180 : memref<!tpu.dma_semaphore, #tpu.memory_space<semaphore_mem>>)
      %dma_wait3A_193 = arith.constant 0 : i32
      %dma_wait3A_194 = arith.constant 0 : i32
      %dma_wait3A_195 = tpu.memref_slice %arg11[%run_scoped3A_45, %dma_wait3A_193, %dma_wait3A_194] : memref<2x64x128xf32, #tpu.memory_space<vmem>> -> memref<1x64x128xf32, #tpu.memory_space<vmem>>
      %dma_wait3A_196 = tpu.memref_squeeze %dma_wait3A_195 : memref<1x64x128xf32, #tpu.memory_space<vmem>> -> memref<64x128xf32, #tpu.memory_space<vmem>>
      %dma_wait3A_197 = arith.constant 0 : i32
      %dma_wait3A_198 = tpu.memref_slice %arg15[%add3A_44, %dma_wait3A_197] : memref<10240x128xf32, #tpu.memory_space<vmem_shared>> -> memref<64x128xf32, #tpu.memory_space<vmem_shared>>
      %dma_wait3A_199 = arith.constant 0 : i32
      %dma_wait3A_200 = tpu.memref_slice %arg15[%add3A_44, %dma_wait3A_199] : memref<10240x128xf32, #tpu.memory_space<vmem_shared>> -> memref<64x128xf32, #tpu.memory_space<vmem_shared>>
      %dma_wait3A_201 = arith.constant 0 : i32
      %dma_wait3A_202 = arith.constant 0 : i32
      %dma_wait3A_203 = tpu.memref_slice %arg11[%run_scoped3A_45, %dma_wait3A_201, %dma_wait3A_202] : memref<2x64x128xf32, #tpu.memory_space<vmem>> -> memref<1x64x128xf32, #tpu.memory_space<vmem>>
      %dma_wait3A_204 = tpu.memref_squeeze %dma_wait3A_203 : memref<1x64x128xf32, #tpu.memory_space<vmem>> -> memref<64x128xf32, #tpu.memory_space<vmem>>
      tpu.wait_dma2 semaphore(%run_scoped3A_180 : memref<!tpu.dma_semaphore, #tpu.memory_space<semaphore_mem>>) src(%dma_wait3A_204 : memref<64x128xf32, #tpu.memory_space<vmem>>) dst(%dma_wait3A_200 : memref<64x128xf32, #tpu.memory_space<vmem_shared>>)
      tpu.yield
    }) : () -> ()
    %mul3A_46 = arith.constant 640 : i32
    %mul3A_47 = arith.muli %arg1, %mul3A_46 : i32
    %add3A_48 = arith.constant 384 : i32
    %add3A_49 = arith.addi %mul3A_47, %add3A_48 : i32
    %run_scoped3A_50 = arith.constant 0 : i32
    "tpu.region"() ({
      %run_scoped3A_180 = tpu.sem_alloc : memref<!tpu.dma_semaphore, #tpu.memory_space<semaphore_mem>>
      %dma_start3A_181 = arith.constant 0 : i32
      %dma_start3A_182 = arith.constant 0 : i32
      %dma_start3A_183 = tpu.memref_slice %arg11[%run_scoped3A_50, %dma_start3A_181, %dma_start3A_182] : memref<2x64x128xf32, #tpu.memory_space<vmem>> -> memref<1x64x128xf32, #tpu.memory_space<vmem>>
      %dma_start3A_184 = tpu.memref_squeeze %dma_start3A_183 : memref<1x64x128xf32, #tpu.memory_space<vmem>> -> memref<64x128xf32, #tpu.memory_space<vmem>>
      %dma_start3A_185 = arith.constant 0 : i32
      %dma_start3A_186 = tpu.memref_slice %arg15[%add3A_49, %dma_start3A_185] : memref<10240x128xf32, #tpu.memory_space<vmem_shared>> -> memref<64x128xf32, #tpu.memory_space<vmem_shared>>
      %dma_start3A_187 = arith.constant 0 : i32
      %dma_start3A_188 = tpu.memref_slice %arg15[%add3A_49, %dma_start3A_187] : memref<10240x128xf32, #tpu.memory_space<vmem_shared>> -> memref<64x128xf32, #tpu.memory_space<vmem_shared>>
      %dma_start3A_189 = arith.constant 0 : i32
      %dma_start3A_190 = arith.constant 0 : i32
      %dma_start3A_191 = tpu.memref_slice %arg11[%run_scoped3A_50, %dma_start3A_189, %dma_start3A_190] : memref<2x64x128xf32, #tpu.memory_space<vmem>> -> memref<1x64x128xf32, #tpu.memory_space<vmem>>
      %dma_start3A_192 = tpu.memref_squeeze %dma_start3A_191 : memref<1x64x128xf32, #tpu.memory_space<vmem>> -> memref<64x128xf32, #tpu.memory_space<vmem>>
      tpu.enqueue_dma source(%dma_start3A_192 : memref<64x128xf32, #tpu.memory_space<vmem>>) target(%dma_start3A_188 : memref<64x128xf32, #tpu.memory_space<vmem_shared>>) target_semaphore(%run_scoped3A_180 : memref<!tpu.dma_semaphore, #tpu.memory_space<semaphore_mem>>)
      %dma_wait3A_193 = arith.constant 0 : i32
      %dma_wait3A_194 = arith.constant 0 : i32
      %dma_wait3A_195 = tpu.memref_slice %arg11[%run_scoped3A_50, %dma_wait3A_193, %dma_wait3A_194] : memref<2x64x128xf32, #tpu.memory_space<vmem>> -> memref<1x64x128xf32, #tpu.memory_space<vmem>>
      %dma_wait3A_196 = tpu.memref_squeeze %dma_wait3A_195 : memref<1x64x128xf32, #tpu.memory_space<vmem>> -> memref<64x128xf32, #tpu.memory_space<vmem>>
      %dma_wait3A_197 = arith.constant 0 : i32
      %dma_wait3A_198 = tpu.memref_slice %arg15[%add3A_49, %dma_wait3A_197] : memref<10240x128xf32, #tpu.memory_space<vmem_shared>> -> memref<64x128xf32, #tpu.memory_space<vmem_shared>>
      %dma_wait3A_199 = arith.constant 0 : i32
      %dma_wait3A_200 = tpu.memref_slice %arg15[%add3A_49, %dma_wait3A_199] : memref<10240x128xf32, #tpu.memory_space<vmem_shared>> -> memref<64x128xf32, #tpu.memory_space<vmem_shared>>
      %dma_wait3A_201 = arith.constant 0 : i32
      %dma_wait3A_202 = arith.constant 0 : i32
      %dma_wait3A_203 = tpu.memref_slice %arg11[%run_scoped3A_50, %dma_wait3A_201, %dma_wait3A_202] : memref<2x64x128xf32, #tpu.memory_space<vmem>> -> memref<1x64x128xf32, #tpu.memory_space<vmem>>
      %dma_wait3A_204 = tpu.memref_squeeze %dma_wait3A_203 : memref<1x64x128xf32, #tpu.memory_space<vmem>> -> memref<64x128xf32, #tpu.memory_space<vmem>>
      tpu.wait_dma2 semaphore(%run_scoped3A_180 : memref<!tpu.dma_semaphore, #tpu.memory_space<semaphore_mem>>) src(%dma_wait3A_204 : memref<64x128xf32, #tpu.memory_space<vmem>>) dst(%dma_wait3A_200 : memref<64x128xf32, #tpu.memory_space<vmem_shared>>)
      tpu.yield
    }) : () -> ()
    %mul3A_51 = arith.constant 640 : i32
    %mul3A_52 = arith.muli %arg1, %mul3A_51 : i32
    %add3A_53 = arith.constant 448 : i32
    %add3A_54 = arith.addi %mul3A_52, %add3A_53 : i32
    %run_scoped3A_55 = arith.constant 0 : i32
    "tpu.region"() ({
      %run_scoped3A_180 = tpu.sem_alloc : memref<!tpu.dma_semaphore, #tpu.memory_space<semaphore_mem>>
      %dma_start3A_181 = arith.constant 0 : i32
      %dma_start3A_182 = arith.constant 0 : i32
      %dma_start3A_183 = tpu.memref_slice %arg11[%run_scoped3A_55, %dma_start3A_181, %dma_start3A_182] : memref<2x64x128xf32, #tpu.memory_space<vmem>> -> memref<1x64x128xf32, #tpu.memory_space<vmem>>
      %dma_start3A_184 = tpu.memref_squeeze %dma_start3A_183 : memref<1x64x128xf32, #tpu.memory_space<vmem>> -> memref<64x128xf32, #tpu.memory_space<vmem>>
      %dma_start3A_185 = arith.constant 0 : i32
      %dma_start3A_186 = tpu.memref_slice %arg15[%add3A_54, %dma_start3A_185] : memref<10240x128xf32, #tpu.memory_space<vmem_shared>> -> memref<64x128xf32, #tpu.memory_space<vmem_shared>>
      %dma_start3A_187 = arith.constant 0 : i32
      %dma_start3A_188 = tpu.memref_slice %arg15[%add3A_54, %dma_start3A_187] : memref<10240x128xf32, #tpu.memory_space<vmem_shared>> -> memref<64x128xf32, #tpu.memory_space<vmem_shared>>
      %dma_start3A_189 = arith.constant 0 : i32
      %dma_start3A_190 = arith.constant 0 : i32
      %dma_start3A_191 = tpu.memref_slice %arg11[%run_scoped3A_55, %dma_start3A_189, %dma_start3A_190] : memref<2x64x128xf32, #tpu.memory_space<vmem>> -> memref<1x64x128xf32, #tpu.memory_space<vmem>>
      %dma_start3A_192 = tpu.memref_squeeze %dma_start3A_191 : memref<1x64x128xf32, #tpu.memory_space<vmem>> -> memref<64x128xf32, #tpu.memory_space<vmem>>
      tpu.enqueue_dma source(%dma_start3A_192 : memref<64x128xf32, #tpu.memory_space<vmem>>) target(%dma_start3A_188 : memref<64x128xf32, #tpu.memory_space<vmem_shared>>) target_semaphore(%run_scoped3A_180 : memref<!tpu.dma_semaphore, #tpu.memory_space<semaphore_mem>>)
      %dma_wait3A_193 = arith.constant 0 : i32
      %dma_wait3A_194 = arith.constant 0 : i32
      %dma_wait3A_195 = tpu.memref_slice %arg11[%run_scoped3A_55, %dma_wait3A_193, %dma_wait3A_194] : memref<2x64x128xf32, #tpu.memory_space<vmem>> -> memref<1x64x128xf32, #tpu.memory_space<vmem>>
      %dma_wait3A_196 = tpu.memref_squeeze %dma_wait3A_195 : memref<1x64x128xf32, #tpu.memory_space<vmem>> -> memref<64x128xf32, #tpu.memory_space<vmem>>
      %dma_wait3A_197 = arith.constant 0 : i32
      %dma_wait3A_198 = tpu.memref_slice %arg15[%add3A_54, %dma_wait3A_197] : memref<10240x128xf32, #tpu.memory_space<vmem_shared>> -> memref<64x128xf32, #tpu.memory_space<vmem_shared>>
      %dma_wait3A_199 = arith.constant 0 : i32
      %dma_wait3A_200 = tpu.memref_slice %arg15[%add3A_54, %dma_wait3A_199] : memref<10240x128xf32, #tpu.memory_space<vmem_shared>> -> memref<64x128xf32, #tpu.memory_space<vmem_shared>>
      %dma_wait3A_201 = arith.constant 0 : i32
      %dma_wait3A_202 = arith.constant 0 : i32
      %dma_wait3A_203 = tpu.memref_slice %arg11[%run_scoped3A_55, %dma_wait3A_201, %dma_wait3A_202] : memref<2x64x128xf32, #tpu.memory_space<vmem>> -> memref<1x64x128xf32, #tpu.memory_space<vmem>>
      %dma_wait3A_204 = tpu.memref_squeeze %dma_wait3A_203 : memref<1x64x128xf32, #tpu.memory_space<vmem>> -> memref<64x128xf32, #tpu.memory_space<vmem>>
      tpu.wait_dma2 semaphore(%run_scoped3A_180 : memref<!tpu.dma_semaphore, #tpu.memory_space<semaphore_mem>>) src(%dma_wait3A_204 : memref<64x128xf32, #tpu.memory_space<vmem>>) dst(%dma_wait3A_200 : memref<64x128xf32, #tpu.memory_space<vmem_shared>>)
      tpu.yield
    }) : () -> ()
    %mul3A_56 = arith.constant 640 : i32
    %mul3A_57 = arith.muli %arg1, %mul3A_56 : i32
    %add3A_58 = arith.constant 512 : i32
    %add3A_59 = arith.addi %mul3A_57, %add3A_58 : i32
    %run_scoped3A_60 = arith.constant 0 : i32
    "tpu.region"() ({
      %run_scoped3A_180 = tpu.sem_alloc : memref<!tpu.dma_semaphore, #tpu.memory_space<semaphore_mem>>
      %dma_start3A_181 = arith.constant 0 : i32
      %dma_start3A_182 = arith.constant 0 : i32
      %dma_start3A_183 = tpu.memref_slice %arg11[%run_scoped3A_60, %dma_start3A_181, %dma_start3A_182] : memref<2x64x128xf32, #tpu.memory_space<vmem>> -> memref<1x64x128xf32, #tpu.memory_space<vmem>>
      %dma_start3A_184 = tpu.memref_squeeze %dma_start3A_183 : memref<1x64x128xf32, #tpu.memory_space<vmem>> -> memref<64x128xf32, #tpu.memory_space<vmem>>
      %dma_start3A_185 = arith.constant 0 : i32
      %dma_start3A_186 = tpu.memref_slice %arg15[%add3A_59, %dma_start3A_185] : memref<10240x128xf32, #tpu.memory_space<vmem_shared>> -> memref<64x128xf32, #tpu.memory_space<vmem_shared>>
      %dma_start3A_187 = arith.constant 0 : i32
      %dma_start3A_188 = tpu.memref_slice %arg15[%add3A_59, %dma_start3A_187] : memref<10240x128xf32, #tpu.memory_space<vmem_shared>> -> memref<64x128xf32, #tpu.memory_space<vmem_shared>>
      %dma_start3A_189 = arith.constant 0 : i32
      %dma_start3A_190 = arith.constant 0 : i32
      %dma_start3A_191 = tpu.memref_slice %arg11[%run_scoped3A_60, %dma_start3A_189, %dma_start3A_190] : memref<2x64x128xf32, #tpu.memory_space<vmem>> -> memref<1x64x128xf32, #tpu.memory_space<vmem>>
      %dma_start3A_192 = tpu.memref_squeeze %dma_start3A_191 : memref<1x64x128xf32, #tpu.memory_space<vmem>> -> memref<64x128xf32, #tpu.memory_space<vmem>>
      tpu.enqueue_dma source(%dma_start3A_192 : memref<64x128xf32, #tpu.memory_space<vmem>>) target(%dma_start3A_188 : memref<64x128xf32, #tpu.memory_space<vmem_shared>>) target_semaphore(%run_scoped3A_180 : memref<!tpu.dma_semaphore, #tpu.memory_space<semaphore_mem>>)
      %dma_wait3A_193 = arith.constant 0 : i32
      %dma_wait3A_194 = arith.constant 0 : i32
      %dma_wait3A_195 = tpu.memref_slice %arg11[%run_scoped3A_60, %dma_wait3A_193, %dma_wait3A_194] : memref<2x64x128xf32, #tpu.memory_space<vmem>> -> memref<1x64x128xf32, #tpu.memory_space<vmem>>
      %dma_wait3A_196 = tpu.memref_squeeze %dma_wait3A_195 : memref<1x64x128xf32, #tpu.memory_space<vmem>> -> memref<64x128xf32, #tpu.memory_space<vmem>>
      %dma_wait3A_197 = arith.constant 0 : i32
      %dma_wait3A_198 = tpu.memref_slice %arg15[%add3A_59, %dma_wait3A_197] : memref<10240x128xf32, #tpu.memory_space<vmem_shared>> -> memref<64x128xf32, #tpu.memory_space<vmem_shared>>
      %dma_wait3A_199 = arith.constant 0 : i32
      %dma_wait3A_200 = tpu.memref_slice %arg15[%add3A_59, %dma_wait3A_199] : memref<10240x128xf32, #tpu.memory_space<vmem_shared>> -> memref<64x128xf32, #tpu.memory_space<vmem_shared>>
      %dma_wait3A_201 = arith.constant 0 : i32
      %dma_wait3A_202 = arith.constant 0 : i32
      %dma_wait3A_203 = tpu.memref_slice %arg11[%run_scoped3A_60, %dma_wait3A_201, %dma_wait3A_202] : memref<2x64x128xf32, #tpu.memory_space<vmem>> -> memref<1x64x128xf32, #tpu.memory_space<vmem>>
      %dma_wait3A_204 = tpu.memref_squeeze %dma_wait3A_203 : memref<1x64x128xf32, #tpu.memory_space<vmem>> -> memref<64x128xf32, #tpu.memory_space<vmem>>
      tpu.wait_dma2 semaphore(%run_scoped3A_180 : memref<!tpu.dma_semaphore, #tpu.memory_space<semaphore_mem>>) src(%dma_wait3A_204 : memref<64x128xf32, #tpu.memory_space<vmem>>) dst(%dma_wait3A_200 : memref<64x128xf32, #tpu.memory_space<vmem_shared>>)
      tpu.yield
    }) : () -> ()
    %mul3A_61 = arith.constant 640 : i32
    %mul3A_62 = arith.muli %arg1, %mul3A_61 : i32
    %add3A_63 = arith.constant 576 : i32
    %add3A_64 = arith.addi %mul3A_62, %add3A_63 : i32
    %run_scoped3A_65 = arith.constant 0 : i32
    "tpu.region"() ({
      %run_scoped3A_180 = tpu.sem_alloc : memref<!tpu.dma_semaphore, #tpu.memory_space<semaphore_mem>>
      %dma_start3A_181 = arith.constant 0 : i32
      %dma_start3A_182 = arith.constant 0 : i32
      %dma_start3A_183 = tpu.memref_slice %arg11[%run_scoped3A_65, %dma_start3A_181, %dma_start3A_182] : memref<2x64x128xf32, #tpu.memory_space<vmem>> -> memref<1x64x128xf32, #tpu.memory_space<vmem>>
      %dma_start3A_184 = tpu.memref_squeeze %dma_start3A_183 : memref<1x64x128xf32, #tpu.memory_space<vmem>> -> memref<64x128xf32, #tpu.memory_space<vmem>>
      %dma_start3A_185 = arith.constant 0 : i32
      %dma_start3A_186 = tpu.memref_slice %arg15[%add3A_64, %dma_start3A_185] : memref<10240x128xf32, #tpu.memory_space<vmem_shared>> -> memref<64x128xf32, #tpu.memory_space<vmem_shared>>
      %dma_start3A_187 = arith.constant 0 : i32
      %dma_start3A_188 = tpu.memref_slice %arg15[%add3A_64, %dma_start3A_187] : memref<10240x128xf32, #tpu.memory_space<vmem_shared>> -> memref<64x128xf32, #tpu.memory_space<vmem_shared>>
      %dma_start3A_189 = arith.constant 0 : i32
      %dma_start3A_190 = arith.constant 0 : i32
      %dma_start3A_191 = tpu.memref_slice %arg11[%run_scoped3A_65, %dma_start3A_189, %dma_start3A_190] : memref<2x64x128xf32, #tpu.memory_space<vmem>> -> memref<1x64x128xf32, #tpu.memory_space<vmem>>
      %dma_start3A_192 = tpu.memref_squeeze %dma_start3A_191 : memref<1x64x128xf32, #tpu.memory_space<vmem>> -> memref<64x128xf32, #tpu.memory_space<vmem>>
      tpu.enqueue_dma source(%dma_start3A_192 : memref<64x128xf32, #tpu.memory_space<vmem>>) target(%dma_start3A_188 : memref<64x128xf32, #tpu.memory_space<vmem_shared>>) target_semaphore(%run_scoped3A_180 : memref<!tpu.dma_semaphore, #tpu.memory_space<semaphore_mem>>)
      %dma_wait3A_193 = arith.constant 0 : i32
      %dma_wait3A_194 = arith.constant 0 : i32
      %dma_wait3A_195 = tpu.memref_slice %arg11[%run_scoped3A_65, %dma_wait3A_193, %dma_wait3A_194] : memref<2x64x128xf32, #tpu.memory_space<vmem>> -> memref<1x64x128xf32, #tpu.memory_space<vmem>>
      %dma_wait3A_196 = tpu.memref_squeeze %dma_wait3A_195 : memref<1x64x128xf32, #tpu.memory_space<vmem>> -> memref<64x128xf32, #tpu.memory_space<vmem>>
      %dma_wait3A_197 = arith.constant 0 : i32
      %dma_wait3A_198 = tpu.memref_slice %arg15[%add3A_64, %dma_wait3A_197] : memref<10240x128xf32, #tpu.memory_space<vmem_shared>> -> memref<64x128xf32, #tpu.memory_space<vmem_shared>>
      %dma_wait3A_199 = arith.constant 0 : i32
      %dma_wait3A_200 = tpu.memref_slice %arg15[%add3A_64, %dma_wait3A_199] : memref<10240x128xf32, #tpu.memory_space<vmem_shared>> -> memref<64x128xf32, #tpu.memory_space<vmem_shared>>
      %dma_wait3A_201 = arith.constant 0 : i32
      %dma_wait3A_202 = arith.constant 0 : i32
      %dma_wait3A_203 = tpu.memref_slice %arg11[%run_scoped3A_65, %dma_wait3A_201, %dma_wait3A_202] : memref<2x64x128xf32, #tpu.memory_space<vmem>> -> memref<1x64x128xf32, #tpu.memory_space<vmem>>
      %dma_wait3A_204 = tpu.memref_squeeze %dma_wait3A_203 : memref<1x64x128xf32, #tpu.memory_space<vmem>> -> memref<64x128xf32, #tpu.memory_space<vmem>>
      tpu.wait_dma2 semaphore(%run_scoped3A_180 : memref<!tpu.dma_semaphore, #tpu.memory_space<semaphore_mem>>) src(%dma_wait3A_204 : memref<64x128xf32, #tpu.memory_space<vmem>>) dst(%dma_wait3A_200 : memref<64x128xf32, #tpu.memory_space<vmem_shared>>)
      tpu.yield
    }) : () -> ()
    %eq3A = arith.constant 0 : i32
    %eq3A_66 = arith.cmpi eq, %arg1, %eq3A : i32
    %convert_element_type3A = arith.extui %eq3A_66 : i1 to i32
    %cond3A = arith.constant 0 : i32
    %cond3A_67 = arith.cmpi ne, %convert_element_type3A, %cond3A : i32
    scf.if %cond3A_67 {
      %run_scoped3A_180 = arith.constant 0 : i32
      "tpu.region"() ({
        %run_scoped3A_181 = tpu.sem_alloc : memref<!tpu.dma_semaphore, #tpu.memory_space<semaphore_mem>>
        %dma_start3A_182 = arith.constant 0 : i32
        %dma_start3A_183 = arith.constant 0 : i32
        %dma_start3A_184 = tpu.memref_slice %arg11[%run_scoped3A_180, %dma_start3A_182, %dma_start3A_183] : memref<2x64x128xf32, #tpu.memory_space<vmem>> -> memref<1x64x128xf32, #tpu.memory_space<vmem>>
        %dma_start3A_185 = tpu.memref_squeeze %dma_start3A_184 : memref<1x64x128xf32, #tpu.memory_space<vmem>> -> memref<64x128xf32, #tpu.memory_space<vmem>>
        %dma_start3A_186 = arith.constant 0 : i32
        %dma_start3A_187 = arith.constant 0 : i32
        %dma_start3A_188 = tpu.memref_slice %arg16[%dma_start3A_186, %dma_start3A_187] : memref<80x128xf32, #tpu.memory_space<vmem_shared>> -> memref<64x128xf32, #tpu.memory_space<vmem_shared>>
        %dma_start3A_189 = arith.constant 0 : i32
        %dma_start3A_190 = arith.constant 0 : i32
        %dma_start3A_191 = tpu.memref_slice %arg16[%dma_start3A_189, %dma_start3A_190] : memref<80x128xf32, #tpu.memory_space<vmem_shared>> -> memref<64x128xf32, #tpu.memory_space<vmem_shared>>
        %dma_start3A_192 = arith.constant 0 : i32
        %dma_start3A_193 = arith.constant 0 : i32
        %dma_start3A_194 = tpu.memref_slice %arg11[%run_scoped3A_180, %dma_start3A_192, %dma_start3A_193] : memref<2x64x128xf32, #tpu.memory_space<vmem>> -> memref<1x64x128xf32, #tpu.memory_space<vmem>>
        %dma_start3A_195 = tpu.memref_squeeze %dma_start3A_194 : memref<1x64x128xf32, #tpu.memory_space<vmem>> -> memref<64x128xf32, #tpu.memory_space<vmem>>
        tpu.enqueue_dma source(%dma_start3A_195 : memref<64x128xf32, #tpu.memory_space<vmem>>) target(%dma_start3A_191 : memref<64x128xf32, #tpu.memory_space<vmem_shared>>) target_semaphore(%run_scoped3A_181 : memref<!tpu.dma_semaphore, #tpu.memory_space<semaphore_mem>>)
        %dma_wait3A_196 = arith.constant 0 : i32
        %dma_wait3A_197 = arith.constant 0 : i32
        %dma_wait3A_198 = tpu.memref_slice %arg11[%run_scoped3A_180, %dma_wait3A_196, %dma_wait3A_197] : memref<2x64x128xf32, #tpu.memory_space<vmem>> -> memref<1x64x128xf32, #tpu.memory_space<vmem>>
        %dma_wait3A_199 = tpu.memref_squeeze %dma_wait3A_198 : memref<1x64x128xf32, #tpu.memory_space<vmem>> -> memref<64x128xf32, #tpu.memory_space<vmem>>
        %dma_wait3A_200 = arith.constant 0 : i32
        %dma_wait3A_201 = arith.constant 0 : i32
        %dma_wait3A_202 = tpu.memref_slice %arg16[%dma_wait3A_200, %dma_wait3A_201] : memref<80x128xf32, #tpu.memory_space<vmem_shared>> -> memref<64x128xf32, #tpu.memory_space<vmem_shared>>
        %dma_wait3A_203 = arith.constant 0 : i32
        %dma_wait3A_204 = arith.constant 0 : i32
        %dma_wait3A_205 = tpu.memref_slice %arg16[%dma_wait3A_203, %dma_wait3A_204] : memref<80x128xf32, #tpu.memory_space<vmem_shared>> -> memref<64x128xf32, #tpu.memory_space<vmem_shared>>
        %dma_wait3A_206 = arith.constant 0 : i32
        %dma_wait3A_207 = arith.constant 0 : i32
        %dma_wait3A_208 = tpu.memref_slice %arg11[%run_scoped3A_180, %dma_wait3A_206, %dma_wait3A_207] : memref<2x64x128xf32, #tpu.memory_space<vmem>> -> memref<1x64x128xf32, #tpu.memory_space<vmem>>
        %dma_wait3A_209 = tpu.memref_squeeze %dma_wait3A_208 : memref<1x64x128xf32, #tpu.memory_space<vmem>> -> memref<64x128xf32, #tpu.memory_space<vmem>>
        tpu.wait_dma2 semaphore(%run_scoped3A_181 : memref<!tpu.dma_semaphore, #tpu.memory_space<semaphore_mem>>) src(%dma_wait3A_209 : memref<64x128xf32, #tpu.memory_space<vmem>>) dst(%dma_wait3A_205 : memref<64x128xf32, #tpu.memory_space<vmem_shared>>)
        tpu.yield
      }) : () -> ()
    } else {
    }
    %eq3A_68 = arith.constant 1 : i32
    %eq3A_69 = arith.cmpi eq, %arg1, %eq3A_68 : i32
    %convert_element_type3A_70 = arith.extui %eq3A_69 : i1 to i32
    %cond3A_71 = arith.constant 0 : i32
    %cond3A_72 = arith.cmpi ne, %convert_element_type3A_70, %cond3A_71 : i32
    scf.if %cond3A_72 {
      %run_scoped3A_180 = arith.constant 0 : i32
      "tpu.region"() ({
        %run_scoped3A_181 = tpu.sem_alloc : memref<!tpu.dma_semaphore, #tpu.memory_space<semaphore_mem>>
        %dma_start3A_182 = arith.constant 0 : i32
        %dma_start3A_183 = arith.constant 0 : i32
        %dma_start3A_184 = tpu.memref_slice %arg11[%run_scoped3A_180, %dma_start3A_182, %dma_start3A_183] : memref<2x64x128xf32, #tpu.memory_space<vmem>> -> memref<1x64x128xf32, #tpu.memory_space<vmem>>
        %dma_start3A_185 = tpu.memref_squeeze %dma_start3A_184 : memref<1x64x128xf32, #tpu.memory_space<vmem>> -> memref<64x128xf32, #tpu.memory_space<vmem>>
        %dma_start3A_186 = arith.constant 0 : i32
        %dma_start3A_187 = arith.constant 0 : i32
        %dma_start3A_188 = tpu.memref_slice %dma_start3A_185[%dma_start3A_186, %dma_start3A_187] : memref<64x128xf32, #tpu.memory_space<vmem>> -> memref<16x128xf32, #tpu.memory_space<vmem>>
        %dma_start3A_189 = arith.constant 64 : i32
        %dma_start3A_190 = arith.constant 0 : i32
        %dma_start3A_191 = tpu.memref_slice %arg16[%dma_start3A_189, %dma_start3A_190] : memref<80x128xf32, #tpu.memory_space<vmem_shared>> -> memref<16x128xf32, #tpu.memory_space<vmem_shared>>
        %dma_start3A_192 = arith.constant 64 : i32
        %dma_start3A_193 = arith.constant 0 : i32
        %dma_start3A_194 = tpu.memref_slice %arg16[%dma_start3A_192, %dma_start3A_193] : memref<80x128xf32, #tpu.memory_space<vmem_shared>> -> memref<16x128xf32, #tpu.memory_space<vmem_shared>>
        %dma_start3A_195 = arith.constant 0 : i32
        %dma_start3A_196 = arith.constant 0 : i32
        %dma_start3A_197 = tpu.memref_slice %arg11[%run_scoped3A_180, %dma_start3A_195, %dma_start3A_196] : memref<2x64x128xf32, #tpu.memory_space<vmem>> -> memref<1x64x128xf32, #tpu.memory_space<vmem>>
        %dma_start3A_198 = tpu.memref_squeeze %dma_start3A_197 : memref<1x64x128xf32, #tpu.memory_space<vmem>> -> memref<64x128xf32, #tpu.memory_space<vmem>>
        %dma_start3A_199 = arith.constant 0 : i32
        %dma_start3A_200 = arith.constant 0 : i32
        %dma_start3A_201 = tpu.memref_slice %dma_start3A_198[%dma_start3A_199, %dma_start3A_200] : memref<64x128xf32, #tpu.memory_space<vmem>> -> memref<16x128xf32, #tpu.memory_space<vmem>>
        tpu.enqueue_dma source(%dma_start3A_201 : memref<16x128xf32, #tpu.memory_space<vmem>>) target(%dma_start3A_194 : memref<16x128xf32, #tpu.memory_space<vmem_shared>>) target_semaphore(%run_scoped3A_181 : memref<!tpu.dma_semaphore, #tpu.memory_space<semaphore_mem>>)
        %dma_wait3A_202 = arith.constant 0 : i32
        %dma_wait3A_203 = arith.constant 0 : i32
        %dma_wait3A_204 = tpu.memref_slice %arg11[%run_scoped3A_180, %dma_wait3A_202, %dma_wait3A_203] : memref<2x64x128xf32, #tpu.memory_space<vmem>> -> memref<1x64x128xf32, #tpu.memory_space<vmem>>
        %dma_wait3A_205 = tpu.memref_squeeze %dma_wait3A_204 : memref<1x64x128xf32, #tpu.memory_space<vmem>> -> memref<64x128xf32, #tpu.memory_space<vmem>>
        %dma_wait3A_206 = arith.constant 0 : i32
        %dma_wait3A_207 = arith.constant 0 : i32
        %dma_wait3A_208 = tpu.memref_slice %dma_wait3A_205[%dma_wait3A_206, %dma_wait3A_207] : memref<64x128xf32, #tpu.memory_space<vmem>> -> memref<16x128xf32, #tpu.memory_space<vmem>>
        %dma_wait3A_209 = arith.constant 64 : i32
        %dma_wait3A_210 = arith.constant 0 : i32
        %dma_wait3A_211 = tpu.memref_slice %arg16[%dma_wait3A_209, %dma_wait3A_210] : memref<80x128xf32, #tpu.memory_space<vmem_shared>> -> memref<16x128xf32, #tpu.memory_space<vmem_shared>>
        %dma_wait3A_212 = arith.constant 64 : i32
        %dma_wait3A_213 = arith.constant 0 : i32
        %dma_wait3A_214 = tpu.memref_slice %arg16[%dma_wait3A_212, %dma_wait3A_213] : memref<80x128xf32, #tpu.memory_space<vmem_shared>> -> memref<16x128xf32, #tpu.memory_space<vmem_shared>>
        %dma_wait3A_215 = arith.constant 0 : i32
        %dma_wait3A_216 = arith.constant 0 : i32
        %dma_wait3A_217 = tpu.memref_slice %arg11[%run_scoped3A_180, %dma_wait3A_215, %dma_wait3A_216] : memref<2x64x128xf32, #tpu.memory_space<vmem>> -> memref<1x64x128xf32, #tpu.memory_space<vmem>>
        %dma_wait3A_218 = tpu.memref_squeeze %dma_wait3A_217 : memref<1x64x128xf32, #tpu.memory_space<vmem>> -> memref<64x128xf32, #tpu.memory_space<vmem>>
        %dma_wait3A_219 = arith.constant 0 : i32
        %dma_wait3A_220 = arith.constant 0 : i32
        %dma_wait3A_221 = tpu.memref_slice %dma_wait3A_218[%dma_wait3A_219, %dma_wait3A_220] : memref<64x128xf32, #tpu.memory_space<vmem>> -> memref<16x128xf32, #tpu.memory_space<vmem>>
        tpu.wait_dma2 semaphore(%run_scoped3A_181 : memref<!tpu.dma_semaphore, #tpu.memory_space<semaphore_mem>>) src(%dma_wait3A_221 : memref<16x128xf32, #tpu.memory_space<vmem>>) dst(%dma_wait3A_214 : memref<16x128xf32, #tpu.memory_space<vmem_shared>>)
        tpu.yield
      }) : () -> ()
    } else {
    }
    %add3A_73 = arith.constant 0 : i32
    %add3A_74 = vector.broadcast %add3A_73 : i32 to vector<16xi32>
    %add3A_75 = arith.addi %iota3A, %add3A_74 : vector<16xi32>
    %swap3A = arith.constant 0 : index
    %swap3A_76 = tpu.vector_load %arg13[%swap3A] {strides = array<i32>} : memref<80xi32, #tpu.memory_space<vmem>>, vector<16xi32>,
    %swap3A_77 = vector.shape_cast %swap3A_76 : vector<16xi32> to vector<16xi32>
    %swap3A_78 = vector.shape_cast %add3A_75 : vector<16xi32> to vector<16xi32>
    tpu.vector_store %arg13[%swap3A], %swap3A_78 {strides = array<i32>} : memref<80xi32, #tpu.memory_space<vmem>>, vector<16xi32>,
    %add3A_79 = arith.constant 16 : i32
    %add3A_80 = vector.broadcast %add3A_79 : i32 to vector<16xi32>
    %add3A_81 = arith.addi %iota3A, %add3A_80 : vector<16xi32>
    %swap3A_82 = arith.constant 16 : index
    %swap3A_83 = tpu.vector_load %arg13[%swap3A_82] {strides = array<i32>} : memref<80xi32, #tpu.memory_space<vmem>>, vector<16xi32>,
    %swap3A_84 = vector.shape_cast %swap3A_83 : vector<16xi32> to vector<16xi32>
    %swap3A_85 = vector.shape_cast %add3A_81 : vector<16xi32> to vector<16xi32>
    tpu.vector_store %arg13[%swap3A_82], %swap3A_85 {strides = array<i32>} : memref<80xi32, #tpu.memory_space<vmem>>, vector<16xi32>,
    %add3A_86 = arith.constant 32 : i32
    %add3A_87 = vector.broadcast %add3A_86 : i32 to vector<16xi32>
    %add3A_88 = arith.addi %iota3A, %add3A_87 : vector<16xi32>
    %swap3A_89 = arith.constant 32 : index
    %swap3A_90 = tpu.vector_load %arg13[%swap3A_89] {strides = array<i32>} : memref<80xi32, #tpu.memory_space<vmem>>, vector<16xi32>,
    %swap3A_91 = vector.shape_cast %swap3A_90 : vector<16xi32> to vector<16xi32>
    %swap3A_92 = vector.shape_cast %add3A_88 : vector<16xi32> to vector<16xi32>
    tpu.vector_store %arg13[%swap3A_89], %swap3A_92 {strides = array<i32>} : memref<80xi32, #tpu.memory_space<vmem>>, vector<16xi32>,
    %add3A_93 = arith.constant 48 : i32
    %add3A_94 = vector.broadcast %add3A_93 : i32 to vector<16xi32>
    %add3A_95 = arith.addi %iota3A, %add3A_94 : vector<16xi32>
    %swap3A_96 = arith.constant 48 : index
    %swap3A_97 = tpu.vector_load %arg13[%swap3A_96] {strides = array<i32>} : memref<80xi32, #tpu.memory_space<vmem>>, vector<16xi32>,
    %swap3A_98 = vector.shape_cast %swap3A_97 : vector<16xi32> to vector<16xi32>
    %swap3A_99 = vector.shape_cast %add3A_95 : vector<16xi32> to vector<16xi32>
    tpu.vector_store %arg13[%swap3A_96], %swap3A_99 {strides = array<i32>} : memref<80xi32, #tpu.memory_space<vmem>>, vector<16xi32>,
    %add3A_100 = arith.constant 64 : i32
    %add3A_101 = vector.broadcast %add3A_100 : i32 to vector<16xi32>
    %add3A_102 = arith.addi %iota3A, %add3A_101 : vector<16xi32>
    %swap3A_103 = arith.constant 64 : index
    %swap3A_104 = tpu.vector_load %arg13[%swap3A_103] {strides = array<i32>} : memref<80xi32, #tpu.memory_space<vmem>>, vector<16xi32>,
    %swap3A_105 = vector.shape_cast %swap3A_104 : vector<16xi32> to vector<16xi32>
    %swap3A_106 = vector.shape_cast %add3A_102 : vector<16xi32> to vector<16xi32>
    tpu.vector_store %arg13[%swap3A_103], %swap3A_106 {strides = array<i32>} : memref<80xi32, #tpu.memory_space<vmem>>, vector<16xi32>,
    %barrier3A = arith.constant 0 : index
    tpu.barrier barrier_id(%barrier3A)
    %add3A_107 = arith.constant 0 : i32
    %add3A_108 = arith.addi %add3A, %add3A_107 : i32
    %lt3A = arith.constant 5000 : i32
    %lt3A_109 = arith.cmpi slt, %add3A_108, %lt3A : i32
    %convert_element_type3A_110 = arith.extui %lt3A_109 : i1 to i32
    %cond3A_111 = arith.constant 0 : i32
    %cond3A_112 = arith.cmpi ne, %convert_element_type3A_110, %cond3A_111 : i32
    scf.if %cond3A_112 {
      %add3A_180 = arith.constant 0 : i32
      %add3A_181 = arith.addi %add3A, %add3A_180 : i32
      %mul3A_182 = arith.constant 64 : i32
      %mul3A_183 = arith.muli %add3A_181, %mul3A_182 : i32
      %dma_start3A_184 = arith.constant 0 : i32
      %dma_start3A_185 = arith.constant 0 : i32
      %dma_start3A_186 = tpu.memref_slice %arg8[%dma_start3A_184, %dma_start3A_185] : memref<2x64xi32, #tpu.memory_space<vmem>> -> memref<1x64xi32, #tpu.memory_space<vmem>>
      %dma_start3A_187 = tpu.memref_squeeze %dma_start3A_186 : memref<1x64xi32, #tpu.memory_space<vmem>> -> memref<64xi32, #tpu.memory_space<vmem>>
      %dma_start3A_188 = tpu.memref_slice %arg4[%mul3A_183] : memref<320000xi32, #tpu.memory_space<hbm>> -> memref<64xi32, #tpu.memory_space<hbm>>
      %dma_start3A_189 = arith.constant 0 : i32
      %dma_start3A_190 = tpu.memref_slice %arg8[%dma_start3A_184, %dma_start3A_189] : memref<2x64xi32, #tpu.memory_space<vmem>> -> memref<1x64xi32, #tpu.memory_space<vmem>>
      %dma_start3A_191 = tpu.memref_squeeze %dma_start3A_190 : memref<1x64xi32, #tpu.memory_space<vmem>> -> memref<64xi32, #tpu.memory_space<vmem>>
      %dma_start3A_192 = tpu.memref_slice %arg4[%mul3A_183] : memref<320000xi32, #tpu.memory_space<hbm>> -> memref<64xi32, #tpu.memory_space<hbm>>
      tpu.enqueue_dma source(%dma_start3A_192 : memref<64xi32, #tpu.memory_space<hbm>>) target(%dma_start3A_191 : memref<64xi32, #tpu.memory_space<vmem>>) target_semaphore(%arg17 : memref<!tpu.dma_semaphore, #tpu.memory_space<semaphore_mem>>)
      %dma_start3A_193 = arith.constant 0 : i32
      %dma_start3A_194 = arith.constant 0 : i32
      %dma_start3A_195 = tpu.memref_slice %arg9[%dma_start3A_193, %dma_start3A_194] : memref<2x64xi32, #tpu.memory_space<vmem>> -> memref<1x64xi32, #tpu.memory_space<vmem>>
      %dma_start3A_196 = tpu.memref_squeeze %dma_start3A_195 : memref<1x64xi32, #tpu.memory_space<vmem>> -> memref<64xi32, #tpu.memory_space<vmem>>
      %dma_start3A_197 = tpu.memref_slice %arg5[%mul3A_183] : memref<320000xi32, #tpu.memory_space<hbm>> -> memref<64xi32, #tpu.memory_space<hbm>>
      %dma_start3A_198 = arith.constant 0 : i32
      %dma_start3A_199 = tpu.memref_slice %arg9[%dma_start3A_193, %dma_start3A_198] : memref<2x64xi32, #tpu.memory_space<vmem>> -> memref<1x64xi32, #tpu.memory_space<vmem>>
      %dma_start3A_200 = tpu.memref_squeeze %dma_start3A_199 : memref<1x64xi32, #tpu.memory_space<vmem>> -> memref<64xi32, #tpu.memory_space<vmem>>
      %dma_start3A_201 = tpu.memref_slice %arg5[%mul3A_183] : memref<320000xi32, #tpu.memory_space<hbm>> -> memref<64xi32, #tpu.memory_space<hbm>>
      tpu.enqueue_dma source(%dma_start3A_201 : memref<64xi32, #tpu.memory_space<hbm>>) target(%dma_start3A_200 : memref<64xi32, #tpu.memory_space<vmem>>) target_semaphore(%arg17 : memref<!tpu.dma_semaphore, #tpu.memory_space<semaphore_mem>>)
    } else {
    }
    %add3A_113 = arith.constant 32 : i32
    %add3A_114 = arith.addi %add3A, %add3A_113 : i32
    %lt3A_115 = arith.constant 5000 : i32
    %lt3A_116 = arith.cmpi slt, %add3A_114, %lt3A_115 : i32
    %convert_element_type3A_117 = arith.extui %lt3A_116 : i1 to i32
    %cond3A_118 = arith.constant 0 : i32
    %cond3A_119 = arith.cmpi ne, %convert_element_type3A_117, %cond3A_118 : i32
    scf.if %cond3A_119 {
      %add3A_180 = arith.constant 32 : i32
      %add3A_181 = arith.addi %add3A, %add3A_180 : i32
      %mul3A_182 = arith.constant 64 : i32
      %mul3A_183 = arith.muli %add3A_181, %mul3A_182 : i32
      %dma_start3A_184 = arith.constant 1 : i32
      %dma_start3A_185 = arith.constant 0 : i32
      %dma_start3A_186 = tpu.memref_slice %arg8[%dma_start3A_184, %dma_start3A_185] : memref<2x64xi32, #tpu.memory_space<vmem>> -> memref<1x64xi32, #tpu.memory_space<vmem>>
      %dma_start3A_187 = tpu.memref_squeeze %dma_start3A_186 : memref<1x64xi32, #tpu.memory_space<vmem>> -> memref<64xi32, #tpu.memory_space<vmem>>
      %dma_start3A_188 = tpu.memref_slice %arg4[%mul3A_183] : memref<320000xi32, #tpu.memory_space<hbm>> -> memref<64xi32, #tpu.memory_space<hbm>>
      %dma_start3A_189 = arith.constant 0 : i32
      %dma_start3A_190 = tpu.memref_slice %arg8[%dma_start3A_184, %dma_start3A_189] : memref<2x64xi32, #tpu.memory_space<vmem>> -> memref<1x64xi32, #tpu.memory_space<vmem>>
      %dma_start3A_191 = tpu.memref_squeeze %dma_start3A_190 : memref<1x64xi32, #tpu.memory_space<vmem>> -> memref<64xi32, #tpu.memory_space<vmem>>
      %dma_start3A_192 = tpu.memref_slice %arg4[%mul3A_183] : memref<320000xi32, #tpu.memory_space<hbm>> -> memref<64xi32, #tpu.memory_space<hbm>>
      tpu.enqueue_dma source(%dma_start3A_192 : memref<64xi32, #tpu.memory_space<hbm>>) target(%dma_start3A_191 : memref<64xi32, #tpu.memory_space<vmem>>) target_semaphore(%arg18 : memref<!tpu.dma_semaphore, #tpu.memory_space<semaphore_mem>>)
      %dma_start3A_193 = arith.constant 1 : i32
      %dma_start3A_194 = arith.constant 0 : i32
      %dma_start3A_195 = tpu.memref_slice %arg9[%dma_start3A_193, %dma_start3A_194] : memref<2x64xi32, #tpu.memory_space<vmem>> -> memref<1x64xi32, #tpu.memory_space<vmem>>
      %dma_start3A_196 = tpu.memref_squeeze %dma_start3A_195 : memref<1x64xi32, #tpu.memory_space<vmem>> -> memref<64xi32, #tpu.memory_space<vmem>>
      %dma_start3A_197 = tpu.memref_slice %arg5[%mul3A_183] : memref<320000xi32, #tpu.memory_space<hbm>> -> memref<64xi32, #tpu.memory_space<hbm>>
      %dma_start3A_198 = arith.constant 0 : i32
      %dma_start3A_199 = tpu.memref_slice %arg9[%dma_start3A_193, %dma_start3A_198] : memref<2x64xi32, #tpu.memory_space<vmem>> -> memref<1x64xi32, #tpu.memory_space<vmem>>
      %dma_start3A_200 = tpu.memref_squeeze %dma_start3A_199 : memref<1x64xi32, #tpu.memory_space<vmem>> -> memref<64xi32, #tpu.memory_space<vmem>>
      %dma_start3A_201 = tpu.memref_slice %arg5[%mul3A_183] : memref<320000xi32, #tpu.memory_space<hbm>> -> memref<64xi32, #tpu.memory_space<hbm>>
      tpu.enqueue_dma source(%dma_start3A_201 : memref<64xi32, #tpu.memory_space<hbm>>) target(%dma_start3A_200 : memref<64xi32, #tpu.memory_space<vmem>>) target_semaphore(%arg18 : memref<!tpu.dma_semaphore, #tpu.memory_space<semaphore_mem>>)
    } else {
    }
    %dma_wait3A = arith.constant 0 : i32
    %dma_wait3A_120 = arith.constant 0 : i32
    %dma_wait3A_121 = tpu.memref_slice %arg8[%dma_wait3A, %dma_wait3A_120] : memref<2x64xi32, #tpu.memory_space<vmem>> -> memref<1x64xi32, #tpu.memory_space<vmem>>
    %dma_wait3A_122 = tpu.memref_squeeze %dma_wait3A_121 : memref<1x64xi32, #tpu.memory_space<vmem>> -> memref<64xi32, #tpu.memory_space<vmem>>
    %dma_wait3A_123 = arith.constant 0 : i32
    %dma_wait3A_124 = tpu.memref_slice %arg4[%dma_wait3A_123] : memref<320000xi32, #tpu.memory_space<hbm>> -> memref<64xi32, #tpu.memory_space<hbm>>
    %dma_wait3A_125 = arith.constant 0 : i32
    %dma_wait3A_126 = tpu.memref_slice %arg8[%dma_wait3A, %dma_wait3A_125] : memref<2x64xi32, #tpu.memory_space<vmem>> -> memref<1x64xi32, #tpu.memory_space<vmem>>
    %dma_wait3A_127 = tpu.memref_squeeze %dma_wait3A_126 : memref<1x64xi32, #tpu.memory_space<vmem>> -> memref<64xi32, #tpu.memory_space<vmem>>
    %dma_wait3A_128 = arith.constant 0 : i32
    %dma_wait3A_129 = tpu.memref_slice %arg4[%dma_wait3A_128] : memref<320000xi32, #tpu.memory_space<hbm>> -> memref<64xi32, #tpu.memory_space<hbm>>
    tpu.wait_dma2 semaphore(%arg17 : memref<!tpu.dma_semaphore, #tpu.memory_space<semaphore_mem>>) src(%dma_wait3A_129 : memref<64xi32, #tpu.memory_space<hbm>>) dst(%dma_wait3A_127 : memref<64xi32, #tpu.memory_space<vmem>>)
    %dma_wait3A_130 = arith.constant 0 : i32
    %dma_wait3A_131 = arith.constant 0 : i32
    %dma_wait3A_132 = tpu.memref_slice %arg9[%dma_wait3A_130, %dma_wait3A_131] : memref<2x64xi32, #tpu.memory_space<vmem>> -> memref<1x64xi32, #tpu.memory_space<vmem>>
    %dma_wait3A_133 = tpu.memref_squeeze %dma_wait3A_132 : memref<1x64xi32, #tpu.memory_space<vmem>> -> memref<64xi32, #tpu.memory_space<vmem>>
    %dma_wait3A_134 = arith.constant 0 : i32
    %dma_wait3A_135 = tpu.memref_slice %arg5[%dma_wait3A_134] : memref<320000xi32, #tpu.memory_space<hbm>> -> memref<64xi32, #tpu.memory_space<hbm>>
    %dma_wait3A_136 = arith.constant 0 : i32
    %dma_wait3A_137 = tpu.memref_slice %arg9[%dma_wait3A_130, %dma_wait3A_136] : memref<2x64xi32, #tpu.memory_space<vmem>> -> memref<1x64xi32, #tpu.memory_space<vmem>>
    %dma_wait3A_138 = tpu.memref_squeeze %dma_wait3A_137 : memref<1x64xi32, #tpu.memory_space<vmem>> -> memref<64xi32, #tpu.memory_space<vmem>>
    %dma_wait3A_139 = arith.constant 0 : i32
    %dma_wait3A_140 = tpu.memref_slice %arg5[%dma_wait3A_139] : memref<320000xi32, #tpu.memory_space<hbm>> -> memref<64xi32, #tpu.memory_space<hbm>>
    tpu.wait_dma2 semaphore(%arg17 : memref<!tpu.dma_semaphore, #tpu.memory_space<semaphore_mem>>) src(%dma_wait3A_140 : memref<64xi32, #tpu.memory_space<hbm>>) dst(%dma_wait3A_138 : memref<64xi32, #tpu.memory_space<vmem>>)
    %dma_start3A = arith.constant 0 : i32
    %dma_start3A_141 = arith.constant 0 : i32
    %dma_start3A_142 = arith.constant 0 : i32
    %dma_start3A_143 = arith.constant 0 : i32
    %dma_start3A_144 = tpu.memref_slice %arg11[%dma_start3A_141, %dma_start3A_142, %dma_start3A_143] : memref<2x64x128xf32, #tpu.memory_space<vmem>> -> memref<1x64x128xf32, #tpu.memory_space<vmem>>
    %dma_start3A_145 = tpu.memref_squeeze %dma_start3A_144 : memref<1x64x128xf32, #tpu.memory_space<vmem>> -> memref<64x128xf32, #tpu.memory_space<vmem>>
    %dma_start3A_146 = arith.constant 0 : i32
    %dma_start3A_147 = tpu.memref_slice %arg9[%dma_start3A, %dma_start3A_146] : memref<2x64xi32, #tpu.memory_space<vmem>> -> memref<1x64xi32, #tpu.memory_space<vmem>>
    %dma_start3A_148 = tpu.memref_squeeze %dma_start3A_147 : memref<1x64xi32, #tpu.memory_space<vmem>> -> memref<64xi32, #tpu.memory_space<vmem>>
    %dma_start3A_149 = arith.constant 0 : i32
    %dma_start3A_150 = arith.constant 0 : i32
    %dma_start3A_151 = tpu.memref_slice %arg2[%dma_start3A_149, %dma_start3A_150] : memref<10000x128xf32, #tpu.memory_space<hbm>> -> memref<10000x128xf32, #tpu.memory_space<hbm>>
    tpu.enqueue_indirect_dma source(%dma_start3A_151 : memref<10000x128xf32, #tpu.memory_space<hbm>>) target(%dma_start3A_145 : memref<64x128xf32, #tpu.memory_space<vmem>>) offsets(%dma_start3A_148 : memref<64xi32, #tpu.memory_space<vmem>>) semaphore(%arg19 : memref<!tpu.dma_semaphore, #tpu.memory_space<semaphore_mem>>)
    %dma_start3A_152 = arith.constant 0 : i32
    %dma_start3A_153 = arith.constant 0 : i32
    %dma_start3A_154 = arith.constant 0 : i32
    %dma_start3A_155 = arith.constant 0 : i32
    %dma_start3A_156 = tpu.memref_slice %arg12[%dma_start3A_153, %dma_start3A_154, %dma_start3A_155] : memref<2x64x128xf32, #tpu.memory_space<vmem>> -> memref<1x64x128xf32, #tpu.memory_space<vmem>>
    %dma_start3A_157 = tpu.memref_squeeze %dma_start3A_156 : memref<1x64x128xf32, #tpu.memory_space<vmem>> -> memref<64x128xf32, #tpu.memory_space<vmem>>
    %dma_start3A_158 = arith.constant 0 : i32
    %dma_start3A_159 = tpu.memref_slice %arg8[%dma_start3A_152, %dma_start3A_158] : memref<2x64xi32, #tpu.memory_space<vmem>> -> memref<1x64xi32, #tpu.memory_space<vmem>>
    %dma_start3A_160 = tpu.memref_squeeze %dma_start3A_159 : memref<1x64xi32, #tpu.memory_space<vmem>> -> memref<64xi32, #tpu.memory_space<vmem>>
    %dma_start3A_161 = arith.constant 0 : i32
    %dma_start3A_162 = arith.constant 0 : i32
    %dma_start3A_163 = tpu.memref_slice %arg3[%dma_start3A_161, %dma_start3A_162] : memref<10000x128xf32, #tpu.memory_space<hbm>> -> memref<10000x128xf32, #tpu.memory_space<hbm>>
    tpu.enqueue_indirect_dma source(%dma_start3A_163 : memref<10000x128xf32, #tpu.memory_space<hbm>>) target(%dma_start3A_157 : memref<64x128xf32, #tpu.memory_space<vmem>>) offsets(%dma_start3A_160 : memref<64xi32, #tpu.memory_space<vmem>>) semaphore(%arg19 : memref<!tpu.dma_semaphore, #tpu.memory_space<semaphore_mem>>)
    %scan3A_164 = arith.constant 0 : i32
    %scan3A_165 = arith.constant 0 : i32
    %scan3A_166 = arith.constant 79 : i32
    %scan3A_167 = arith.addi %scan3A_165, %scan3A_166 : i32
    %scan3A_168 = arith.constant 1 : i32
    %scan3A_169 = scf.for %scan3A_180 = %scan3A_165 to %scan3A_167 step %scan3A_168 iter_args(%scan3A_181 = %scan3A_164) -> (i32)  : i32 {
      %mul3A_182 = arith.constant 2 : i32
      %mul3A_183 = arith.muli %mul3A_182, %scan3A_180 : i32
      %add3A_184 = arith.constant 0 : i32
      %add3A_185 = arith.addi %mul3A_183, %add3A_184 : i32
      %mul3A_186 = arith.constant 32 : i32
      %mul3A_187 = arith.muli %add3A_185, %mul3A_186 : i32
      %add3A_188 = arith.addi %add3A, %mul3A_187 : i32
      %lt3A_189 = arith.constant 5000 : i32
      %lt3A_190 = arith.cmpi slt, %add3A_188, %lt3A_189 : i32
      %convert_element_type3A_191 = arith.extui %lt3A_190 : i1 to i32
      %cond3A_192 = arith.constant 0 : i32
      %cond3A_193 = arith.cmpi ne, %convert_element_type3A_191, %cond3A_192 : i32
      scf.if %cond3A_193 {
        %dma_wait3A_276 = arith.constant 0 : i32
        %dma_wait3A_277 = arith.constant 0 : i32
        %dma_wait3A_278 = arith.constant 0 : i32
        %dma_wait3A_279 = tpu.memref_slice %arg11[%dma_wait3A_276, %dma_wait3A_277, %dma_wait3A_278] : memref<2x64x128xf32, #tpu.memory_space<vmem>> -> memref<1x64x128xf32, #tpu.memory_space<vmem>>
        %dma_wait3A_280 = tpu.memref_squeeze %dma_wait3A_279 : memref<1x64x128xf32, #tpu.memory_space<vmem>> -> memref<64x128xf32, #tpu.memory_space<vmem>>
        %dma_wait3A_281 = arith.constant 0 : i32
        %dma_wait3A_282 = arith.constant 0 : i32
        %dma_wait3A_283 = tpu.memref_slice %arg2[%dma_wait3A_281, %dma_wait3A_282] : memref<10000x128xf32, #tpu.memory_space<hbm>> -> memref<64x128xf32, #tpu.memory_space<hbm>>
        %dma_wait3A_284 = arith.constant 0 : i32
        %dma_wait3A_285 = arith.constant 0 : i32
        %dma_wait3A_286 = tpu.memref_slice %arg11[%dma_wait3A_276, %dma_wait3A_284, %dma_wait3A_285] : memref<2x64x128xf32, #tpu.memory_space<vmem>> -> memref<1x64x128xf32, #tpu.memory_space<vmem>>
        %dma_wait3A_287 = tpu.memref_squeeze %dma_wait3A_286 : memref<1x64x128xf32, #tpu.memory_space<vmem>> -> memref<64x128xf32, #tpu.memory_space<vmem>>
        %dma_wait3A_288 = arith.constant 0 : i32
        %dma_wait3A_289 = arith.constant 0 : i32
        %dma_wait3A_290 = tpu.memref_slice %arg2[%dma_wait3A_288, %dma_wait3A_289] : memref<10000x128xf32, #tpu.memory_space<hbm>> -> memref<64x128xf32, #tpu.memory_space<hbm>>
        tpu.wait_dma2 semaphore(%arg19 : memref<!tpu.dma_semaphore, #tpu.memory_space<semaphore_mem>>) src(%dma_wait3A_290 : memref<64x128xf32, #tpu.memory_space<hbm>>) dst(%dma_wait3A_287 : memref<64x128xf32, #tpu.memory_space<vmem>>)
        %dma_wait3A_291 = arith.constant 0 : i32
        %dma_wait3A_292 = arith.constant 0 : i32
        %dma_wait3A_293 = arith.constant 0 : i32
        %dma_wait3A_294 = tpu.memref_slice %arg12[%dma_wait3A_291, %dma_wait3A_292, %dma_wait3A_293] : memref<2x64x128xf32, #tpu.memory_space<vmem>> -> memref<1x64x128xf32, #tpu.memory_space<vmem>>
        %dma_wait3A_295 = tpu.memref_squeeze %dma_wait3A_294 : memref<1x64x128xf32, #tpu.memory_space<vmem>> -> memref<64x128xf32, #tpu.memory_space<vmem>>
        %dma_wait3A_296 = arith.constant 0 : i32
        %dma_wait3A_297 = arith.constant 0 : i32
        %dma_wait3A_298 = tpu.memref_slice %arg3[%dma_wait3A_296, %dma_wait3A_297] : memref<10000x128xf32, #tpu.memory_space<hbm>> -> memref<64x128xf32, #tpu.memory_space<hbm>>
        %dma_wait3A_299 = arith.constant 0 : i32
        %dma_wait3A_300 = arith.constant 0 : i32
        %dma_wait3A_301 = tpu.memref_slice %arg12[%dma_wait3A_291, %dma_wait3A_299, %dma_wait3A_300] : memref<2x64x128xf32, #tpu.memory_space<vmem>> -> memref<1x64x128xf32, #tpu.memory_space<vmem>>
        %dma_wait3A_302 = tpu.memref_squeeze %dma_wait3A_301 : memref<1x64x128xf32, #tpu.memory_space<vmem>> -> memref<64x128xf32, #tpu.memory_space<vmem>>
        %dma_wait3A_303 = arith.constant 0 : i32
        %dma_wait3A_304 = arith.constant 0 : i32
        %dma_wait3A_305 = tpu.memref_slice %arg3[%dma_wait3A_303, %dma_wait3A_304] : memref<10000x128xf32, #tpu.memory_space<hbm>> -> memref<64x128xf32, #tpu.memory_space<hbm>>
        tpu.wait_dma2 semaphore(%arg19 : memref<!tpu.dma_semaphore, #tpu.memory_space<semaphore_mem>>) src(%dma_wait3A_305 : memref<64x128xf32, #tpu.memory_space<hbm>>) dst(%dma_wait3A_302 : memref<64x128xf32, #tpu.memory_space<vmem>>)
        %get3A = arith.constant 0 : i32
        %get3A_306 = arith.index_cast %get3A : i32 to index
        %get3A_307 = arith.constant 0 : index
        %get3A_308 = tpu.vector_load %arg9[%get3A_306, %get3A_307] {strides = array<i32>} : memref<2x64xi32, #tpu.memory_space<vmem>>, vector<1x16xi32>,
        %get3A_309 = vector.shape_cast %get3A_308 : vector<1x16xi32> to vector<16xi32>
        %swap3A_310 = arith.constant 0 : i32
        %swap3A_311 = arith.index_cast %swap3A_310 : i32 to index
        %swap3A_312 = arith.constant 0 : index
        %swap3A_313 = tpu.vector_load %arg10[%swap3A_311, %swap3A_312] {strides = array<i32>} : memref<2x64xi32, #tpu.memory_space<vmem>>, vector<1x16xi32>,
        %swap3A_314 = vector.shape_cast %swap3A_313 : vector<1x16xi32> to vector<16xi32>
        %swap3A_315 = vector.shape_cast %get3A_309 : vector<16xi32> to vector<1x16xi32>
        tpu.vector_store %arg10[%swap3A_311, %swap3A_312], %swap3A_315 {strides = array<i32>} : memref<2x64xi32, #tpu.memory_space<vmem>>, vector<1x16xi32>,
        %get3A_316 = arith.constant 0 : i32
        %get3A_317 = arith.index_cast %get3A_316 : i32 to index
        %get3A_318 = arith.constant 16 : index
        %get3A_319 = tpu.vector_load %arg9[%get3A_317, %get3A_318] {strides = array<i32>} : memref<2x64xi32, #tpu.memory_space<vmem>>, vector<1x16xi32>,
        %get3A_320 = vector.shape_cast %get3A_319 : vector<1x16xi32> to vector<16xi32>
        %swap3A_321 = arith.constant 0 : i32
        %swap3A_322 = arith.index_cast %swap3A_321 : i32 to index
        %swap3A_323 = arith.constant 16 : index
        %swap3A_324 = tpu.vector_load %arg10[%swap3A_322, %swap3A_323] {strides = array<i32>} : memref<2x64xi32, #tpu.memory_space<vmem>>, vector<1x16xi32>,
        %swap3A_325 = vector.shape_cast %swap3A_324 : vector<1x16xi32> to vector<16xi32>
        %swap3A_326 = vector.shape_cast %get3A_320 : vector<16xi32> to vector<1x16xi32>
        tpu.vector_store %arg10[%swap3A_322, %swap3A_323], %swap3A_326 {strides = array<i32>} : memref<2x64xi32, #tpu.memory_space<vmem>>, vector<1x16xi32>,
        %get3A_327 = arith.constant 0 : i32
        %get3A_328 = arith.index_cast %get3A_327 : i32 to index
        %get3A_329 = arith.constant 32 : index
        %get3A_330 = tpu.vector_load %arg9[%get3A_328, %get3A_329] {strides = array<i32>} : memref<2x64xi32, #tpu.memory_space<vmem>>, vector<1x16xi32>,
        %get3A_331 = vector.shape_cast %get3A_330 : vector<1x16xi32> to vector<16xi32>
        %swap3A_332 = arith.constant 0 : i32
        %swap3A_333 = arith.index_cast %swap3A_332 : i32 to index
        %swap3A_334 = arith.constant 32 : index
        %swap3A_335 = tpu.vector_load %arg10[%swap3A_333, %swap3A_334] {strides = array<i32>} : memref<2x64xi32, #tpu.memory_space<vmem>>, vector<1x16xi32>,
        %swap3A_336 = vector.shape_cast %swap3A_335 : vector<1x16xi32> to vector<16xi32>
        %swap3A_337 = vector.shape_cast %get3A_331 : vector<16xi32> to vector<1x16xi32>
        tpu.vector_store %arg10[%swap3A_333, %swap3A_334], %swap3A_337 {strides = array<i32>} : memref<2x64xi32, #tpu.memory_space<vmem>>, vector<1x16xi32>,
        %get3A_338 = arith.constant 0 : i32
        %get3A_339 = arith.index_cast %get3A_338 : i32 to index
        %get3A_340 = arith.constant 48 : index
        %get3A_341 = tpu.vector_load %arg9[%get3A_339, %get3A_340] {strides = array<i32>} : memref<2x64xi32, #tpu.memory_space<vmem>>, vector<1x16xi32>,
        %get3A_342 = vector.shape_cast %get3A_341 : vector<1x16xi32> to vector<16xi32>
        %swap3A_343 = arith.constant 0 : i32
        %swap3A_344 = arith.index_cast %swap3A_343 : i32 to index
        %swap3A_345 = arith.constant 48 : index
        %swap3A_346 = tpu.vector_load %arg10[%swap3A_344, %swap3A_345] {strides = array<i32>} : memref<2x64xi32, #tpu.memory_space<vmem>>, vector<1x16xi32>,
        %swap3A_347 = vector.shape_cast %swap3A_346 : vector<1x16xi32> to vector<16xi32>
        %swap3A_348 = vector.shape_cast %get3A_342 : vector<16xi32> to vector<1x16xi32>
        tpu.vector_store %arg10[%swap3A_344, %swap3A_345], %swap3A_348 {strides = array<i32>} : memref<2x64xi32, #tpu.memory_space<vmem>>, vector<1x16xi32>,
      } else {
      }
      %add3A_194 = arith.constant 2 : i32
      %add3A_195 = arith.addi %add3A_185, %add3A_194 : i32
      %mul3A_196 = arith.constant 32 : i32
      %mul3A_197 = arith.muli %add3A_195, %mul3A_196 : i32
      %add3A_198 = arith.addi %add3A, %mul3A_197 : i32
      %lt3A_199 = arith.constant 5000 : i32
      %lt3A_200 = arith.cmpi slt, %add3A_198, %lt3A_199 : i32
      %convert_element_type3A_201 = arith.extui %lt3A_200 : i1 to i32
      %cond3A_202 = arith.constant 0 : i32
      %cond3A_203 = arith.cmpi ne, %convert_element_type3A_201, %cond3A_202 : i32
      scf.if %cond3A_203 {
        %mul3A_276 = arith.constant 32 : i32
        %mul3A_277 = arith.muli %add3A_195, %mul3A_276 : i32
        %add3A_278 = arith.addi %add3A, %mul3A_277 : i32
        %mul3A_279 = arith.constant 64 : i32
        %mul3A_280 = arith.muli %add3A_278, %mul3A_279 : i32
        %dma_start3A_281 = arith.constant 0 : i32
        %dma_start3A_282 = arith.constant 0 : i32
        %dma_start3A_283 = tpu.memref_slice %arg8[%dma_start3A_281, %dma_start3A_282] : memref<2x64xi32, #tpu.memory_space<vmem>> -> memref<1x64xi32, #tpu.memory_space<vmem>>
        %dma_start3A_284 = tpu.memref_squeeze %dma_start3A_283 : memref<1x64xi32, #tpu.memory_space<vmem>> -> memref<64xi32, #tpu.memory_space<vmem>>
        %dma_start3A_285 = tpu.memref_slice %arg4[%mul3A_280] : memref<320000xi32, #tpu.memory_space<hbm>> -> memref<64xi32, #tpu.memory_space<hbm>>
        %dma_start3A_286 = arith.constant 0 : i32
        %dma_start3A_287 = tpu.memref_slice %arg8[%dma_start3A_281, %dma_start3A_286] : memref<2x64xi32, #tpu.memory_space<vmem>> -> memref<1x64xi32, #tpu.memory_space<vmem>>
        %dma_start3A_288 = tpu.memref_squeeze %dma_start3A_287 : memref<1x64xi32, #tpu.memory_space<vmem>> -> memref<64xi32, #tpu.memory_space<vmem>>
        %dma_start3A_289 = tpu.memref_slice %arg4[%mul3A_280] : memref<320000xi32, #tpu.memory_space<hbm>> -> memref<64xi32, #tpu.memory_space<hbm>>
        tpu.enqueue_dma source(%dma_start3A_289 : memref<64xi32, #tpu.memory_space<hbm>>) target(%dma_start3A_288 : memref<64xi32, #tpu.memory_space<vmem>>) target_semaphore(%arg17 : memref<!tpu.dma_semaphore, #tpu.memory_space<semaphore_mem>>)
        %dma_start3A_290 = arith.constant 0 : i32
        %dma_start3A_291 = arith.constant 0 : i32
        %dma_start3A_292 = tpu.memref_slice %arg9[%dma_start3A_290, %dma_start3A_291] : memref<2x64xi32, #tpu.memory_space<vmem>> -> memref<1x64xi32, #tpu.memory_space<vmem>>
        %dma_start3A_293 = tpu.memref_squeeze %dma_start3A_292 : memref<1x64xi32, #tpu.memory_space<vmem>> -> memref<64xi32, #tpu.memory_space<vmem>>
        %dma_start3A_294 = tpu.memref_slice %arg5[%mul3A_280] : memref<320000xi32, #tpu.memory_space<hbm>> -> memref<64xi32, #tpu.memory_space<hbm>>
        %dma_start3A_295 = arith.constant 0 : i32
        %dma_start3A_296 = tpu.memref_slice %arg9[%dma_start3A_290, %dma_start3A_295] : memref<2x64xi32, #tpu.memory_space<vmem>> -> memref<1x64xi32, #tpu.memory_space<vmem>>
        %dma_start3A_297 = tpu.memref_squeeze %dma_start3A_296 : memref<1x64xi32, #tpu.memory_space<vmem>> -> memref<64xi32, #tpu.memory_space<vmem>>
        %dma_start3A_298 = tpu.memref_slice %arg5[%mul3A_280] : memref<320000xi32, #tpu.memory_space<hbm>> -> memref<64xi32, #tpu.memory_space<hbm>>
        tpu.enqueue_dma source(%dma_start3A_298 : memref<64xi32, #tpu.memory_space<hbm>>) target(%dma_start3A_297 : memref<64xi32, #tpu.memory_space<vmem>>) target_semaphore(%arg17 : memref<!tpu.dma_semaphore, #tpu.memory_space<semaphore_mem>>)
      } else {
      }
      %ge3A = arith.constant 1 : i32
      %ge3A_204 = arith.cmpi sge, %add3A_185, %ge3A : i32
      %sub3A = arith.constant 1 : i32
      %sub3A_205 = arith.subi %add3A_185, %sub3A : i32
      %mul3A_206 = arith.constant 32 : i32
      %mul3A_207 = arith.muli %sub3A_205, %mul3A_206 : i32
      %add3A_208 = arith.addi %add3A, %mul3A_207 : i32
      %lt3A_209 = arith.constant 5000 : i32
      %lt3A_210 = arith.cmpi slt, %add3A_208, %lt3A_209 : i32
      %and3A = arith.andi %ge3A_204, %lt3A_210 : i1
      %convert_element_type3A_211 = arith.extui %and3A : i1 to i32
      %cond3A_212 = arith.constant 0 : i32
      %cond3A_213 = arith.cmpi ne, %convert_element_type3A_211, %cond3A_212 : i32
      scf.if %cond3A_213 {
        %dma_wait3A_276 = arith.constant 1 : i32
        %dma_wait3A_277 = arith.constant 0 : i32
        %dma_wait3A_278 = arith.constant 0 : i32
        %dma_wait3A_279 = tpu.memref_slice %arg11[%dma_wait3A_276, %dma_wait3A_277, %dma_wait3A_278] : memref<2x64x128xf32, #tpu.memory_space<vmem>> -> memref<1x64x128xf32, #tpu.memory_space<vmem>>
        %dma_wait3A_280 = tpu.memref_squeeze %dma_wait3A_279 : memref<1x64x128xf32, #tpu.memory_space<vmem>> -> memref<64x128xf32, #tpu.memory_space<vmem>>
        %dma_wait3A_281 = arith.constant 0 : i32
        %dma_wait3A_282 = arith.constant 0 : i32
        %dma_wait3A_283 = tpu.memref_slice %arg2[%dma_wait3A_281, %dma_wait3A_282] : memref<10000x128xf32, #tpu.memory_space<hbm>> -> memref<64x128xf32, #tpu.memory_space<hbm>>
        %dma_wait3A_284 = arith.constant 0 : i32
        %dma_wait3A_285 = arith.constant 0 : i32
        %dma_wait3A_286 = tpu.memref_slice %arg11[%dma_wait3A_276, %dma_wait3A_284, %dma_wait3A_285] : memref<2x64x128xf32, #tpu.memory_space<vmem>> -> memref<1x64x128xf32, #tpu.memory_space<vmem>>
        %dma_wait3A_287 = tpu.memref_squeeze %dma_wait3A_286 : memref<1x64x128xf32, #tpu.memory_space<vmem>> -> memref<64x128xf32, #tpu.memory_space<vmem>>
        %dma_wait3A_288 = arith.constant 0 : i32
        %dma_wait3A_289 = arith.constant 0 : i32
        %dma_wait3A_290 = tpu.memref_slice %arg2[%dma_wait3A_288, %dma_wait3A_289] : memref<10000x128xf32, #tpu.memory_space<hbm>> -> memref<64x128xf32, #tpu.memory_space<hbm>>
        tpu.wait_dma2 semaphore(%arg22 : memref<!tpu.dma_semaphore, #tpu.memory_space<semaphore_mem>>) src(%dma_wait3A_290 : memref<64x128xf32, #tpu.memory_space<hbm>>) dst(%dma_wait3A_287 : memref<64x128xf32, #tpu.memory_space<vmem>>)
      } else {
      }
      %add3A_214 = arith.constant 1 : i32
      %add3A_215 = arith.addi %add3A_185, %add3A_214 : i32
      %mul3A_216 = arith.constant 32 : i32
      %mul3A_217 = arith.muli %add3A_215, %mul3A_216 : i32
      %add3A_218 = arith.addi %add3A, %mul3A_217 : i32
      %lt3A_219 = arith.constant 5000 : i32
      %lt3A_220 = arith.cmpi slt, %add3A_218, %lt3A_219 : i32
      %convert_element_type3A_221 = arith.extui %lt3A_220 : i1 to i32
      %cond3A_222 = arith.constant 0 : i32
      %cond3A_223 = arith.cmpi ne, %convert_element_type3A_221, %cond3A_222 : i32
      scf.if %cond3A_223 {
        %dma_wait3A_276 = arith.constant 1 : i32
        %dma_wait3A_277 = arith.constant 0 : i32
        %dma_wait3A_278 = tpu.memref_slice %arg8[%dma_wait3A_276, %dma_wait3A_277] : memref<2x64xi32, #tpu.memory_space<vmem>> -> memref<1x64xi32, #tpu.memory_space<vmem>>
        %dma_wait3A_279 = tpu.memref_squeeze %dma_wait3A_278 : memref<1x64xi32, #tpu.memory_space<vmem>> -> memref<64xi32, #tpu.memory_space<vmem>>
        %dma_wait3A_280 = arith.constant 0 : i32
        %dma_wait3A_281 = tpu.memref_slice %arg4[%dma_wait3A_280] : memref<320000xi32, #tpu.memory_space<hbm>> -> memref<64xi32, #tpu.memory_space<hbm>>
        %dma_wait3A_282 = arith.constant 0 : i32
        %dma_wait3A_283 = tpu.memref_slice %arg8[%dma_wait3A_276, %dma_wait3A_282] : memref<2x64xi32, #tpu.memory_space<vmem>> -> memref<1x64xi32, #tpu.memory_space<vmem>>
        %dma_wait3A_284 = tpu.memref_squeeze %dma_wait3A_283 : memref<1x64xi32, #tpu.memory_space<vmem>> -> memref<64xi32, #tpu.memory_space<vmem>>
        %dma_wait3A_285 = arith.constant 0 : i32
        %dma_wait3A_286 = tpu.memref_slice %arg4[%dma_wait3A_285] : memref<320000xi32, #tpu.memory_space<hbm>> -> memref<64xi32, #tpu.memory_space<hbm>>
        tpu.wait_dma2 semaphore(%arg18 : memref<!tpu.dma_semaphore, #tpu.memory_space<semaphore_mem>>) src(%dma_wait3A_286 : memref<64xi32, #tpu.memory_space<hbm>>) dst(%dma_wait3A_284 : memref<64xi32, #tpu.memory_space<vmem>>)
        %dma_wait3A_287 = arith.constant 1 : i32
        %dma_wait3A_288 = arith.constant 0 : i32
        %dma_wait3A_289 = tpu.memref_slice %arg9[%dma_wait3A_287, %dma_wait3A_288] : memref<2x64xi32, #tpu.memory_space<vmem>> -> memref<1x64xi32, #tpu.memory_space<vmem>>
        %dma_wait3A_290 = tpu.memref_squeeze %dma_wait3A_289 : memref<1x64xi32, #tpu.memory_space<vmem>> -> memref<64xi32, #tpu.memory_space<vmem>>
        %dma_wait3A_291 = arith.constant 0 : i32
        %dma_wait3A_292 = tpu.memref_slice %arg5[%dma_wait3A_291] : memref<320000xi32, #tpu.memory_space<hbm>> -> memref<64xi32, #tpu.memory_space<hbm>>
        %dma_wait3A_293 = arith.constant 0 : i32
        %dma_wait3A_294 = tpu.memref_slice %arg9[%dma_wait3A_287, %dma_wait3A_293] : memref<2x64xi32, #tpu.memory_space<vmem>> -> memref<1x64xi32, #tpu.memory_space<vmem>>
        %dma_wait3A_295 = tpu.memref_squeeze %dma_wait3A_294 : memref<1x64xi32, #tpu.memory_space<vmem>> -> memref<64xi32, #tpu.memory_space<vmem>>
        %dma_wait3A_296 = arith.constant 0 : i32
        %dma_wait3A_297 = tpu.memref_slice %arg5[%dma_wait3A_296] : memref<320000xi32, #tpu.memory_space<hbm>> -> memref<64xi32, #tpu.memory_space<hbm>>
        tpu.wait_dma2 semaphore(%arg18 : memref<!tpu.dma_semaphore, #tpu.memory_space<semaphore_mem>>) src(%dma_wait3A_297 : memref<64xi32, #tpu.memory_space<hbm>>) dst(%dma_wait3A_295 : memref<64xi32, #tpu.memory_space<vmem>>)
        %dma_start3A_298 = arith.constant 1 : i32
        %dma_start3A_299 = arith.constant 1 : i32
        %dma_start3A_300 = arith.constant 0 : i32
        %dma_start3A_301 = arith.constant 0 : i32
        %dma_start3A_302 = tpu.memref_slice %arg11[%dma_start3A_299, %dma_start3A_300, %dma_start3A_301] : memref<2x64x128xf32, #tpu.memory_space<vmem>> -> memref<1x64x128xf32, #tpu.memory_space<vmem>>
        %dma_start3A_303 = tpu.memref_squeeze %dma_start3A_302 : memref<1x64x128xf32, #tpu.memory_space<vmem>> -> memref<64x128xf32, #tpu.memory_space<vmem>>
        %dma_start3A_304 = arith.constant 0 : i32
        %dma_start3A_305 = tpu.memref_slice %arg9[%dma_start3A_298, %dma_start3A_304] : memref<2x64xi32, #tpu.memory_space<vmem>> -> memref<1x64xi32, #tpu.memory_space<vmem>>
        %dma_start3A_306 = tpu.memref_squeeze %dma_start3A_305 : memref<1x64xi32, #tpu.memory_space<vmem>> -> memref<64xi32, #tpu.memory_space<vmem>>
        %dma_start3A_307 = arith.constant 0 : i32
        %dma_start3A_308 = arith.constant 0 : i32
        %dma_start3A_309 = tpu.memref_slice %arg2[%dma_start3A_307, %dma_start3A_308] : memref<10000x128xf32, #tpu.memory_space<hbm>> -> memref<10000x128xf32, #tpu.memory_space<hbm>>
        tpu.enqueue_indirect_dma source(%dma_start3A_309 : memref<10000x128xf32, #tpu.memory_space<hbm>>) target(%dma_start3A_303 : memref<64x128xf32, #tpu.memory_space<vmem>>) offsets(%dma_start3A_306 : memref<64xi32, #tpu.memory_space<vmem>>) semaphore(%arg20 : memref<!tpu.dma_semaphore, #tpu.memory_space<semaphore_mem>>)
        %dma_start3A_310 = arith.constant 1 : i32
        %dma_start3A_311 = arith.constant 1 : i32
        %dma_start3A_312 = arith.constant 0 : i32
        %dma_start3A_313 = arith.constant 0 : i32
        %dma_start3A_314 = tpu.memref_slice %arg12[%dma_start3A_311, %dma_start3A_312, %dma_start3A_313] : memref<2x64x128xf32, #tpu.memory_space<vmem>> -> memref<1x64x128xf32, #tpu.memory_space<vmem>>
        %dma_start3A_315 = tpu.memref_squeeze %dma_start3A_314 : memref<1x64x128xf32, #tpu.memory_space<vmem>> -> memref<64x128xf32, #tpu.memory_space<vmem>>
        %dma_start3A_316 = arith.constant 0 : i32
        %dma_start3A_317 = tpu.memref_slice %arg8[%dma_start3A_310, %dma_start3A_316] : memref<2x64xi32, #tpu.memory_space<vmem>> -> memref<1x64xi32, #tpu.memory_space<vmem>>
        %dma_start3A_318 = tpu.memref_squeeze %dma_start3A_317 : memref<1x64xi32, #tpu.memory_space<vmem>> -> memref<64xi32, #tpu.memory_space<vmem>>
        %dma_start3A_319 = arith.constant 0 : i32
        %dma_start3A_320 = arith.constant 0 : i32
        %dma_start3A_321 = tpu.memref_slice %arg3[%dma_start3A_319, %dma_start3A_320] : memref<10000x128xf32, #tpu.memory_space<hbm>> -> memref<10000x128xf32, #tpu.memory_space<hbm>>
        tpu.enqueue_indirect_dma source(%dma_start3A_321 : memref<10000x128xf32, #tpu.memory_space<hbm>>) target(%dma_start3A_315 : memref<64x128xf32, #tpu.memory_space<vmem>>) offsets(%dma_start3A_318 : memref<64xi32, #tpu.memory_space<vmem>>) semaphore(%arg20 : memref<!tpu.dma_semaphore, #tpu.memory_space<semaphore_mem>>)
      } else {
      }
      %convert_element_type3A_224 = arith.extui %lt3A_190 : i1 to i32
      %cond3A_225 = arith.constant 0 : i32
      %cond3A_226 = arith.cmpi ne, %convert_element_type3A_224, %cond3A_225 : i32
      scf.if %cond3A_226 {
        %scan3A_276 = arith.constant 0 : i32
        %scan3A_277 = arith.constant 0 : i32
        %scan3A_278 = arith.constant 4 : i32
        %scan3A_279 = arith.addi %scan3A_277, %scan3A_278 : i32
        %scan3A_280 = arith.constant 1 : i32
        %scan3A_281 = scf.for %scan3A_297 = %scan3A_277 to %scan3A_279 step %scan3A_280 iter_args(%scan3A_298 = %scan3A_276) -> (i32)  : i32 {
          %mul3A_299 = arith.constant 16 : i32
          %mul3A_300 = arith.muli %scan3A_297, %mul3A_299 : i32
          %get3A = arith.constant 0 : i32
          %get3A_301 = arith.index_cast %get3A : i32 to index
          %get3A_302 = arith.index_cast %mul3A_300 : i32 to index
          %get3A_303 = tpu.vector_load %arg10[%get3A_301, %get3A_302] {strides = array<i32>} : memref<2x64xi32, #tpu.memory_space<vmem>>, vector<1x16xi32>,
          %get3A_304 = vector.shape_cast %get3A_303 : vector<1x16xi32> to vector<16xi32>
          %slice3A = vector.extract_strided_slice %get3A_304 {offsets = [0], sizes = [1], strides = [1]} : vector<16xi32> to vector<1xi32>
          %squeeze3A = vector.extract %slice3A[0] : i32 from vector<1xi32>
          %shift_right_logical3A = arith.constant 7 : i32
          %shift_right_logical3A_305 = arith.shrui %squeeze3A, %shift_right_logical3A : i32
          %and3A_306 = arith.constant 112 : i32
          %and3A_307 = arith.andi %squeeze3A, %and3A_306 : i32
          %and3A_308 = arith.constant 15 : i32
          %and3A_309 = arith.andi %squeeze3A, %and3A_308 : i32
          %get3A_310 = arith.index_cast %shift_right_logical3A_305 : i32 to index
          %get3A_311 = arith.index_cast %and3A_307 : i32 to index
          %get3A_312 = tpu.vector_load %arg14[%get3A_310, %get3A_311] {strides = array<i32>} : memref<80x128xf32, #tpu.memory_space<vmem>>, vector<1x16xf32>,
          %get3A_313 = vector.shape_cast %get3A_312 : vector<1x16xf32> to vector<16xf32>
          %eq3A_314 = vector.broadcast %and3A_309 : i32 to vector<16xi32>
          %eq3A_315 = arith.cmpi eq, %iota3A, %eq3A_314 : vector<16xi32>
          %select_n3A = arith.select %eq3A_315, %broadcast_in_dim3A_3, %broadcast_in_dim3A_1 : vector<16xi1>, vector<16xf32>
          %add3A_316 = arith.addf %get3A_313, %select_n3A : vector<16xf32>
          %swap3A_317 = arith.index_cast %shift_right_logical3A_305 : i32 to index
          %swap3A_318 = arith.index_cast %and3A_307 : i32 to index
          %swap3A_319 = tpu.vector_load %arg14[%swap3A_317, %swap3A_318] {strides = array<i32>} : memref<80x128xf32, #tpu.memory_space<vmem>>, vector<1x16xf32>,
          %swap3A_320 = vector.shape_cast %swap3A_319 : vector<1x16xf32> to vector<16xf32>
          %swap3A_321 = vector.shape_cast %add3A_316 : vector<16xf32> to vector<1x16xf32>
          tpu.vector_store %arg14[%swap3A_317, %swap3A_318], %swap3A_321 {strides = array<i32>} : memref<80x128xf32, #tpu.memory_space<vmem>>, vector<1x16xf32>,
          %slice3A_322 = vector.extract_strided_slice %get3A_304 {offsets = [1], sizes = [1], strides = [1]} : vector<16xi32> to vector<1xi32>
          %squeeze3A_323 = vector.extract %slice3A_322[0] : i32 from vector<1xi32>
          %shift_right_logical3A_324 = arith.constant 7 : i32
          %shift_right_logical3A_325 = arith.shrui %squeeze3A_323, %shift_right_logical3A_324 : i32
          %and3A_326 = arith.constant 112 : i32
          %and3A_327 = arith.andi %squeeze3A_323, %and3A_326 : i32
          %and3A_328 = arith.constant 15 : i32
          %and3A_329 = arith.andi %squeeze3A_323, %and3A_328 : i32
          %get3A_330 = arith.index_cast %shift_right_logical3A_325 : i32 to index
          %get3A_331 = arith.index_cast %and3A_327 : i32 to index
          %get3A_332 = tpu.vector_load %arg14[%get3A_330, %get3A_331] {strides = array<i32>} : memref<80x128xf32, #tpu.memory_space<vmem>>, vector<1x16xf32>,
          %get3A_333 = vector.shape_cast %get3A_332 : vector<1x16xf32> to vector<16xf32>
          %eq3A_334 = vector.broadcast %and3A_329 : i32 to vector<16xi32>
          %eq3A_335 = arith.cmpi eq, %iota3A, %eq3A_334 : vector<16xi32>
          %select_n3A_336 = arith.select %eq3A_335, %broadcast_in_dim3A_3, %broadcast_in_dim3A_1 : vector<16xi1>, vector<16xf32>
          %add3A_337 = arith.addf %get3A_333, %select_n3A_336 : vector<16xf32>
          %swap3A_338 = arith.index_cast %shift_right_logical3A_325 : i32 to index
          %swap3A_339 = arith.index_cast %and3A_327 : i32 to index
          %swap3A_340 = tpu.vector_load %arg14[%swap3A_338, %swap3A_339] {strides = array<i32>} : memref<80x128xf32, #tpu.memory_space<vmem>>, vector<1x16xf32>,
          %swap3A_341 = vector.shape_cast %swap3A_340 : vector<1x16xf32> to vector<16xf32>
          %swap3A_342 = vector.shape_cast %add3A_337 : vector<16xf32> to vector<1x16xf32>
          tpu.vector_store %arg14[%swap3A_338, %swap3A_339], %swap3A_342 {strides = array<i32>} : memref<80x128xf32, #tpu.memory_space<vmem>>, vector<1x16xf32>,
          %slice3A_343 = vector.extract_strided_slice %get3A_304 {offsets = [2], sizes = [1], strides = [1]} : vector<16xi32> to vector<1xi32>
          %squeeze3A_344 = vector.extract %slice3A_343[0] : i32 from vector<1xi32>
          %shift_right_logical3A_345 = arith.constant 7 : i32
          %shift_right_logical3A_346 = arith.shrui %squeeze3A_344, %shift_right_logical3A_345 : i32
          %and3A_347 = arith.constant 112 : i32
          %and3A_348 = arith.andi %squeeze3A_344, %and3A_347 : i32
          %and3A_349 = arith.constant 15 : i32
          %and3A_350 = arith.andi %squeeze3A_344, %and3A_349 : i32
          %get3A_351 = arith.index_cast %shift_right_logical3A_346 : i32 to index
          %get3A_352 = arith.index_cast %and3A_348 : i32 to index
          %get3A_353 = tpu.vector_load %arg14[%get3A_351, %get3A_352] {strides = array<i32>} : memref<80x128xf32, #tpu.memory_space<vmem>>, vector<1x16xf32>,
          %get3A_354 = vector.shape_cast %get3A_353 : vector<1x16xf32> to vector<16xf32>
          %eq3A_355 = vector.broadcast %and3A_350 : i32 to vector<16xi32>
          %eq3A_356 = arith.cmpi eq, %iota3A, %eq3A_355 : vector<16xi32>
          %select_n3A_357 = arith.select %eq3A_356, %broadcast_in_dim3A_3, %broadcast_in_dim3A_1 : vector<16xi1>, vector<16xf32>
          %add3A_358 = arith.addf %get3A_354, %select_n3A_357 : vector<16xf32>
          %swap3A_359 = arith.index_cast %shift_right_logical3A_346 : i32 to index
          %swap3A_360 = arith.index_cast %and3A_348 : i32 to index
          %swap3A_361 = tpu.vector_load %arg14[%swap3A_359, %swap3A_360] {strides = array<i32>} : memref<80x128xf32, #tpu.memory_space<vmem>>, vector<1x16xf32>,
          %swap3A_362 = vector.shape_cast %swap3A_361 : vector<1x16xf32> to vector<16xf32>
          %swap3A_363 = vector.shape_cast %add3A_358 : vector<16xf32> to vector<1x16xf32>
          tpu.vector_store %arg14[%swap3A_359, %swap3A_360], %swap3A_363 {strides = array<i32>} : memref<80x128xf32, #tpu.memory_space<vmem>>, vector<1x16xf32>,
          %slice3A_364 = vector.extract_strided_slice %get3A_304 {offsets = [3], sizes = [1], strides = [1]} : vector<16xi32> to vector<1xi32>
          %squeeze3A_365 = vector.extract %slice3A_364[0] : i32 from vector<1xi32>
          %shift_right_logical3A_366 = arith.constant 7 : i32
          %shift_right_logical3A_367 = arith.shrui %squeeze3A_365, %shift_right_logical3A_366 : i32
          %and3A_368 = arith.constant 112 : i32
          %and3A_369 = arith.andi %squeeze3A_365, %and3A_368 : i32
          %and3A_370 = arith.constant 15 : i32
          %and3A_371 = arith.andi %squeeze3A_365, %and3A_370 : i32
          %get3A_372 = arith.index_cast %shift_right_logical3A_367 : i32 to index
          %get3A_373 = arith.index_cast %and3A_369 : i32 to index
          %get3A_374 = tpu.vector_load %arg14[%get3A_372, %get3A_373] {strides = array<i32>} : memref<80x128xf32, #tpu.memory_space<vmem>>, vector<1x16xf32>,
          %get3A_375 = vector.shape_cast %get3A_374 : vector<1x16xf32> to vector<16xf32>
          %eq3A_376 = vector.broadcast %and3A_371 : i32 to vector<16xi32>
          %eq3A_377 = arith.cmpi eq, %iota3A, %eq3A_376 : vector<16xi32>
          %select_n3A_378 = arith.select %eq3A_377, %broadcast_in_dim3A_3, %broadcast_in_dim3A_1 : vector<16xi1>, vector<16xf32>
          %add3A_379 = arith.addf %get3A_375, %select_n3A_378 : vector<16xf32>
          %swap3A_380 = arith.index_cast %shift_right_logical3A_367 : i32 to index
          %swap3A_381 = arith.index_cast %and3A_369 : i32 to index
          %swap3A_382 = tpu.vector_load %arg14[%swap3A_380, %swap3A_381] {strides = array<i32>} : memref<80x128xf32, #tpu.memory_space<vmem>>, vector<1x16xf32>,
          %swap3A_383 = vector.shape_cast %swap3A_382 : vector<1x16xf32> to vector<16xf32>
          %swap3A_384 = vector.shape_cast %add3A_379 : vector<16xf32> to vector<1x16xf32>
          tpu.vector_store %arg14[%swap3A_380, %swap3A_381], %swap3A_384 {strides = array<i32>} : memref<80x128xf32, #tpu.memory_space<vmem>>, vector<1x16xf32>,
          %slice3A_385 = vector.extract_strided_slice %get3A_304 {offsets = [4], sizes = [1], strides = [1]} : vector<16xi32> to vector<1xi32>
          %squeeze3A_386 = vector.extract %slice3A_385[0] : i32 from vector<1xi32>
          %shift_right_logical3A_387 = arith.constant 7 : i32
          %shift_right_logical3A_388 = arith.shrui %squeeze3A_386, %shift_right_logical3A_387 : i32
          %and3A_389 = arith.constant 112 : i32
          %and3A_390 = arith.andi %squeeze3A_386, %and3A_389 : i32
          %and3A_391 = arith.constant 15 : i32
          %and3A_392 = arith.andi %squeeze3A_386, %and3A_391 : i32
          %get3A_393 = arith.index_cast %shift_right_logical3A_388 : i32 to index
          %get3A_394 = arith.index_cast %and3A_390 : i32 to index
          %get3A_395 = tpu.vector_load %arg14[%get3A_393, %get3A_394] {strides = array<i32>} : memref<80x128xf32, #tpu.memory_space<vmem>>, vector<1x16xf32>,
          %get3A_396 = vector.shape_cast %get3A_395 : vector<1x16xf32> to vector<16xf32>
          %eq3A_397 = vector.broadcast %and3A_392 : i32 to vector<16xi32>
          %eq3A_398 = arith.cmpi eq, %iota3A, %eq3A_397 : vector<16xi32>
          %select_n3A_399 = arith.select %eq3A_398, %broadcast_in_dim3A_3, %broadcast_in_dim3A_1 : vector<16xi1>, vector<16xf32>
          %add3A_400 = arith.addf %get3A_396, %select_n3A_399 : vector<16xf32>
          %swap3A_401 = arith.index_cast %shift_right_logical3A_388 : i32 to index
          %swap3A_402 = arith.index_cast %and3A_390 : i32 to index
          %swap3A_403 = tpu.vector_load %arg14[%swap3A_401, %swap3A_402] {strides = array<i32>} : memref<80x128xf32, #tpu.memory_space<vmem>>, vector<1x16xf32>,
          %swap3A_404 = vector.shape_cast %swap3A_403 : vector<1x16xf32> to vector<16xf32>
          %swap3A_405 = vector.shape_cast %add3A_400 : vector<16xf32> to vector<1x16xf32>
          tpu.vector_store %arg14[%swap3A_401, %swap3A_402], %swap3A_405 {strides = array<i32>} : memref<80x128xf32, #tpu.memory_space<vmem>>, vector<1x16xf32>,
          %slice3A_406 = vector.extract_strided_slice %get3A_304 {offsets = [5], sizes = [1], strides = [1]} : vector<16xi32> to vector<1xi32>
          %squeeze3A_407 = vector.extract %slice3A_406[0] : i32 from vector<1xi32>
          %shift_right_logical3A_408 = arith.constant 7 : i32
          %shift_right_logical3A_409 = arith.shrui %squeeze3A_407, %shift_right_logical3A_408 : i32
          %and3A_410 = arith.constant 112 : i32
          %and3A_411 = arith.andi %squeeze3A_407, %and3A_410 : i32
          %and3A_412 = arith.constant 15 : i32
          %and3A_413 = arith.andi %squeeze3A_407, %and3A_412 : i32
          %get3A_414 = arith.index_cast %shift_right_logical3A_409 : i32 to index
          %get3A_415 = arith.index_cast %and3A_411 : i32 to index
          %get3A_416 = tpu.vector_load %arg14[%get3A_414, %get3A_415] {strides = array<i32>} : memref<80x128xf32, #tpu.memory_space<vmem>>, vector<1x16xf32>,
          %get3A_417 = vector.shape_cast %get3A_416 : vector<1x16xf32> to vector<16xf32>
          %eq3A_418 = vector.broadcast %and3A_413 : i32 to vector<16xi32>
          %eq3A_419 = arith.cmpi eq, %iota3A, %eq3A_418 : vector<16xi32>
          %select_n3A_420 = arith.select %eq3A_419, %broadcast_in_dim3A_3, %broadcast_in_dim3A_1 : vector<16xi1>, vector<16xf32>
          %add3A_421 = arith.addf %get3A_417, %select_n3A_420 : vector<16xf32>
          %swap3A_422 = arith.index_cast %shift_right_logical3A_409 : i32 to index
          %swap3A_423 = arith.index_cast %and3A_411 : i32 to index
          %swap3A_424 = tpu.vector_load %arg14[%swap3A_422, %swap3A_423] {strides = array<i32>} : memref<80x128xf32, #tpu.memory_space<vmem>>, vector<1x16xf32>,
          %swap3A_425 = vector.shape_cast %swap3A_424 : vector<1x16xf32> to vector<16xf32>
          %swap3A_426 = vector.shape_cast %add3A_421 : vector<16xf32> to vector<1x16xf32>
          tpu.vector_store %arg14[%swap3A_422, %swap3A_423], %swap3A_426 {strides = array<i32>} : memref<80x128xf32, #tpu.memory_space<vmem>>, vector<1x16xf32>,
          %slice3A_427 = vector.extract_strided_slice %get3A_304 {offsets = [6], sizes = [1], strides = [1]} : vector<16xi32> to vector<1xi32>
          %squeeze3A_428 = vector.extract %slice3A_427[0] : i32 from vector<1xi32>
          %shift_right_logical3A_429 = arith.constant 7 : i32
          %shift_right_logical3A_430 = arith.shrui %squeeze3A_428, %shift_right_logical3A_429 : i32
          %and3A_431 = arith.constant 112 : i32
          %and3A_432 = arith.andi %squeeze3A_428, %and3A_431 : i32
          %and3A_433 = arith.constant 15 : i32
          %and3A_434 = arith.andi %squeeze3A_428, %and3A_433 : i32
          %get3A_435 = arith.index_cast %shift_right_logical3A_430 : i32 to index
          %get3A_436 = arith.index_cast %and3A_432 : i32 to index
          %get3A_437 = tpu.vector_load %arg14[%get3A_435, %get3A_436] {strides = array<i32>} : memref<80x128xf32, #tpu.memory_space<vmem>>, vector<1x16xf32>,
          %get3A_438 = vector.shape_cast %get3A_437 : vector<1x16xf32> to vector<16xf32>
          %eq3A_439 = vector.broadcast %and3A_434 : i32 to vector<16xi32>
          %eq3A_440 = arith.cmpi eq, %iota3A, %eq3A_439 : vector<16xi32>
          %select_n3A_441 = arith.select %eq3A_440, %broadcast_in_dim3A_3, %broadcast_in_dim3A_1 : vector<16xi1>, vector<16xf32>
          %add3A_442 = arith.addf %get3A_438, %select_n3A_441 : vector<16xf32>
          %swap3A_443 = arith.index_cast %shift_right_logical3A_430 : i32 to index
          %swap3A_444 = arith.index_cast %and3A_432 : i32 to index
          %swap3A_445 = tpu.vector_load %arg14[%swap3A_443, %swap3A_444] {strides = array<i32>} : memref<80x128xf32, #tpu.memory_space<vmem>>, vector<1x16xf32>,
          %swap3A_446 = vector.shape_cast %swap3A_445 : vector<1x16xf32> to vector<16xf32>
          %swap3A_447 = vector.shape_cast %add3A_442 : vector<16xf32> to vector<1x16xf32>
          tpu.vector_store %arg14[%swap3A_443, %swap3A_444], %swap3A_447 {strides = array<i32>} : memref<80x128xf32, #tpu.memory_space<vmem>>, vector<1x16xf32>,
          %slice3A_448 = vector.extract_strided_slice %get3A_304 {offsets = [7], sizes = [1], strides = [1]} : vector<16xi32> to vector<1xi32>
          %squeeze3A_449 = vector.extract %slice3A_448[0] : i32 from vector<1xi32>
          %shift_right_logical3A_450 = arith.constant 7 : i32
          %shift_right_logical3A_451 = arith.shrui %squeeze3A_449, %shift_right_logical3A_450 : i32
          %and3A_452 = arith.constant 112 : i32
          %and3A_453 = arith.andi %squeeze3A_449, %and3A_452 : i32
          %and3A_454 = arith.constant 15 : i32
          %and3A_455 = arith.andi %squeeze3A_449, %and3A_454 : i32
          %get3A_456 = arith.index_cast %shift_right_logical3A_451 : i32 to index
          %get3A_457 = arith.index_cast %and3A_453 : i32 to index
          %get3A_458 = tpu.vector_load %arg14[%get3A_456, %get3A_457] {strides = array<i32>} : memref<80x128xf32, #tpu.memory_space<vmem>>, vector<1x16xf32>,
          %get3A_459 = vector.shape_cast %get3A_458 : vector<1x16xf32> to vector<16xf32>
          %eq3A_460 = vector.broadcast %and3A_455 : i32 to vector<16xi32>
          %eq3A_461 = arith.cmpi eq, %iota3A, %eq3A_460 : vector<16xi32>
          %select_n3A_462 = arith.select %eq3A_461, %broadcast_in_dim3A_3, %broadcast_in_dim3A_1 : vector<16xi1>, vector<16xf32>
          %add3A_463 = arith.addf %get3A_459, %select_n3A_462 : vector<16xf32>
          %swap3A_464 = arith.index_cast %shift_right_logical3A_451 : i32 to index
          %swap3A_465 = arith.index_cast %and3A_453 : i32 to index
          %swap3A_466 = tpu.vector_load %arg14[%swap3A_464, %swap3A_465] {strides = array<i32>} : memref<80x128xf32, #tpu.memory_space<vmem>>, vector<1x16xf32>,
          %swap3A_467 = vector.shape_cast %swap3A_466 : vector<1x16xf32> to vector<16xf32>
          %swap3A_468 = vector.shape_cast %add3A_463 : vector<16xf32> to vector<1x16xf32>
          tpu.vector_store %arg14[%swap3A_464, %swap3A_465], %swap3A_468 {strides = array<i32>} : memref<80x128xf32, #tpu.memory_space<vmem>>, vector<1x16xf32>,
          %slice3A_469 = vector.extract_strided_slice %get3A_304 {offsets = [8], sizes = [1], strides = [1]} : vector<16xi32> to vector<1xi32>
          %squeeze3A_470 = vector.extract %slice3A_469[0] : i32 from vector<1xi32>
          %shift_right_logical3A_471 = arith.constant 7 : i32
          %shift_right_logical3A_472 = arith.shrui %squeeze3A_470, %shift_right_logical3A_471 : i32
          %and3A_473 = arith.constant 112 : i32
          %and3A_474 = arith.andi %squeeze3A_470, %and3A_473 : i32
          %and3A_475 = arith.constant 15 : i32
          %and3A_476 = arith.andi %squeeze3A_470, %and3A_475 : i32
          %get3A_477 = arith.index_cast %shift_right_logical3A_472 : i32 to index
          %get3A_478 = arith.index_cast %and3A_474 : i32 to index
          %get3A_479 = tpu.vector_load %arg14[%get3A_477, %get3A_478] {strides = array<i32>} : memref<80x128xf32, #tpu.memory_space<vmem>>, vector<1x16xf32>,
          %get3A_480 = vector.shape_cast %get3A_479 : vector<1x16xf32> to vector<16xf32>
          %eq3A_481 = vector.broadcast %and3A_476 : i32 to vector<16xi32>
          %eq3A_482 = arith.cmpi eq, %iota3A, %eq3A_481 : vector<16xi32>
          %select_n3A_483 = arith.select %eq3A_482, %broadcast_in_dim3A_3, %broadcast_in_dim3A_1 : vector<16xi1>, vector<16xf32>
          %add3A_484 = arith.addf %get3A_480, %select_n3A_483 : vector<16xf32>
          %swap3A_485 = arith.index_cast %shift_right_logical3A_472 : i32 to index
          %swap3A_486 = arith.index_cast %and3A_474 : i32 to index
          %swap3A_487 = tpu.vector_load %arg14[%swap3A_485, %swap3A_486] {strides = array<i32>} : memref<80x128xf32, #tpu.memory_space<vmem>>, vector<1x16xf32>,
          %swap3A_488 = vector.shape_cast %swap3A_487 : vector<1x16xf32> to vector<16xf32>
          %swap3A_489 = vector.shape_cast %add3A_484 : vector<16xf32> to vector<1x16xf32>
          tpu.vector_store %arg14[%swap3A_485, %swap3A_486], %swap3A_489 {strides = array<i32>} : memref<80x128xf32, #tpu.memory_space<vmem>>, vector<1x16xf32>,
          %slice3A_490 = vector.extract_strided_slice %get3A_304 {offsets = [9], sizes = [1], strides = [1]} : vector<16xi32> to vector<1xi32>
          %squeeze3A_491 = vector.extract %slice3A_490[0] : i32 from vector<1xi32>
          %shift_right_logical3A_492 = arith.constant 7 : i32
          %shift_right_logical3A_493 = arith.shrui %squeeze3A_491, %shift_right_logical3A_492 : i32
          %and3A_494 = arith.constant 112 : i32
          %and3A_495 = arith.andi %squeeze3A_491, %and3A_494 : i32
          %and3A_496 = arith.constant 15 : i32
          %and3A_497 = arith.andi %squeeze3A_491, %and3A_496 : i32
          %get3A_498 = arith.index_cast %shift_right_logical3A_493 : i32 to index
          %get3A_499 = arith.index_cast %and3A_495 : i32 to index
          %get3A_500 = tpu.vector_load %arg14[%get3A_498, %get3A_499] {strides = array<i32>} : memref<80x128xf32, #tpu.memory_space<vmem>>, vector<1x16xf32>,
          %get3A_501 = vector.shape_cast %get3A_500 : vector<1x16xf32> to vector<16xf32>
          %eq3A_502 = vector.broadcast %and3A_497 : i32 to vector<16xi32>
          %eq3A_503 = arith.cmpi eq, %iota3A, %eq3A_502 : vector<16xi32>
          %select_n3A_504 = arith.select %eq3A_503, %broadcast_in_dim3A_3, %broadcast_in_dim3A_1 : vector<16xi1>, vector<16xf32>
          %add3A_505 = arith.addf %get3A_501, %select_n3A_504 : vector<16xf32>
          %swap3A_506 = arith.index_cast %shift_right_logical3A_493 : i32 to index
          %swap3A_507 = arith.index_cast %and3A_495 : i32 to index
          %swap3A_508 = tpu.vector_load %arg14[%swap3A_506, %swap3A_507] {strides = array<i32>} : memref<80x128xf32, #tpu.memory_space<vmem>>, vector<1x16xf32>,
          %swap3A_509 = vector.shape_cast %swap3A_508 : vector<1x16xf32> to vector<16xf32>
          %swap3A_510 = vector.shape_cast %add3A_505 : vector<16xf32> to vector<1x16xf32>
          tpu.vector_store %arg14[%swap3A_506, %swap3A_507], %swap3A_510 {strides = array<i32>} : memref<80x128xf32, #tpu.memory_space<vmem>>, vector<1x16xf32>,
          %slice3A_511 = vector.extract_strided_slice %get3A_304 {offsets = [10], sizes = [1], strides = [1]} : vector<16xi32> to vector<1xi32>
          %squeeze3A_512 = vector.extract %slice3A_511[0] : i32 from vector<1xi32>
          %shift_right_logical3A_513 = arith.constant 7 : i32
          %shift_right_logical3A_514 = arith.shrui %squeeze3A_512, %shift_right_logical3A_513 : i32
          %and3A_515 = arith.constant 112 : i32
          %and3A_516 = arith.andi %squeeze3A_512, %and3A_515 : i32
          %and3A_517 = arith.constant 15 : i32
          %and3A_518 = arith.andi %squeeze3A_512, %and3A_517 : i32
          %get3A_519 = arith.index_cast %shift_right_logical3A_514 : i32 to index
          %get3A_520 = arith.index_cast %and3A_516 : i32 to index
          %get3A_521 = tpu.vector_load %arg14[%get3A_519, %get3A_520] {strides = array<i32>} : memref<80x128xf32, #tpu.memory_space<vmem>>, vector<1x16xf32>,
          %get3A_522 = vector.shape_cast %get3A_521 : vector<1x16xf32> to vector<16xf32>
          %eq3A_523 = vector.broadcast %and3A_518 : i32 to vector<16xi32>
          %eq3A_524 = arith.cmpi eq, %iota3A, %eq3A_523 : vector<16xi32>
          %select_n3A_525 = arith.select %eq3A_524, %broadcast_in_dim3A_3, %broadcast_in_dim3A_1 : vector<16xi1>, vector<16xf32>
          %add3A_526 = arith.addf %get3A_522, %select_n3A_525 : vector<16xf32>
          %swap3A_527 = arith.index_cast %shift_right_logical3A_514 : i32 to index
          %swap3A_528 = arith.index_cast %and3A_516 : i32 to index
          %swap3A_529 = tpu.vector_load %arg14[%swap3A_527, %swap3A_528] {strides = array<i32>} : memref<80x128xf32, #tpu.memory_space<vmem>>, vector<1x16xf32>,
          %swap3A_530 = vector.shape_cast %swap3A_529 : vector<1x16xf32> to vector<16xf32>
          %swap3A_531 = vector.shape_cast %add3A_526 : vector<16xf32> to vector<1x16xf32>
          tpu.vector_store %arg14[%swap3A_527, %swap3A_528], %swap3A_531 {strides = array<i32>} : memref<80x128xf32, #tpu.memory_space<vmem>>, vector<1x16xf32>,
          %slice3A_532 = vector.extract_strided_slice %get3A_304 {offsets = [11], sizes = [1], strides = [1]} : vector<16xi32> to vector<1xi32>
          %squeeze3A_533 = vector.extract %slice3A_532[0] : i32 from vector<1xi32>
          %shift_right_logical3A_534 = arith.constant 7 : i32
          %shift_right_logical3A_535 = arith.shrui %squeeze3A_533, %shift_right_logical3A_534 : i32
          %and3A_536 = arith.constant 112 : i32
          %and3A_537 = arith.andi %squeeze3A_533, %and3A_536 : i32
          %and3A_538 = arith.constant 15 : i32
          %and3A_539 = arith.andi %squeeze3A_533, %and3A_538 : i32
          %get3A_540 = arith.index_cast %shift_right_logical3A_535 : i32 to index
          %get3A_541 = arith.index_cast %and3A_537 : i32 to index
          %get3A_542 = tpu.vector_load %arg14[%get3A_540, %get3A_541] {strides = array<i32>} : memref<80x128xf32, #tpu.memory_space<vmem>>, vector<1x16xf32>,
          %get3A_543 = vector.shape_cast %get3A_542 : vector<1x16xf32> to vector<16xf32>
          %eq3A_544 = vector.broadcast %and3A_539 : i32 to vector<16xi32>
          %eq3A_545 = arith.cmpi eq, %iota3A, %eq3A_544 : vector<16xi32>
          %select_n3A_546 = arith.select %eq3A_545, %broadcast_in_dim3A_3, %broadcast_in_dim3A_1 : vector<16xi1>, vector<16xf32>
          %add3A_547 = arith.addf %get3A_543, %select_n3A_546 : vector<16xf32>
          %swap3A_548 = arith.index_cast %shift_right_logical3A_535 : i32 to index
          %swap3A_549 = arith.index_cast %and3A_537 : i32 to index
          %swap3A_550 = tpu.vector_load %arg14[%swap3A_548, %swap3A_549] {strides = array<i32>} : memref<80x128xf32, #tpu.memory_space<vmem>>, vector<1x16xf32>,
          %swap3A_551 = vector.shape_cast %swap3A_550 : vector<1x16xf32> to vector<16xf32>
          %swap3A_552 = vector.shape_cast %add3A_547 : vector<16xf32> to vector<1x16xf32>
          tpu.vector_store %arg14[%swap3A_548, %swap3A_549], %swap3A_552 {strides = array<i32>} : memref<80x128xf32, #tpu.memory_space<vmem>>, vector<1x16xf32>,
          %slice3A_553 = vector.extract_strided_slice %get3A_304 {offsets = [12], sizes = [1], strides = [1]} : vector<16xi32> to vector<1xi32>
          %squeeze3A_554 = vector.extract %slice3A_553[0] : i32 from vector<1xi32>
          %shift_right_logical3A_555 = arith.constant 7 : i32
          %shift_right_logical3A_556 = arith.shrui %squeeze3A_554, %shift_right_logical3A_555 : i32
          %and3A_557 = arith.constant 112 : i32
          %and3A_558 = arith.andi %squeeze3A_554, %and3A_557 : i32
          %and3A_559 = arith.constant 15 : i32
          %and3A_560 = arith.andi %squeeze3A_554, %and3A_559 : i32
          %get3A_561 = arith.index_cast %shift_right_logical3A_556 : i32 to index
          %get3A_562 = arith.index_cast %and3A_558 : i32 to index
          %get3A_563 = tpu.vector_load %arg14[%get3A_561, %get3A_562] {strides = array<i32>} : memref<80x128xf32, #tpu.memory_space<vmem>>, vector<1x16xf32>,
          %get3A_564 = vector.shape_cast %get3A_563 : vector<1x16xf32> to vector<16xf32>
          %eq3A_565 = vector.broadcast %and3A_560 : i32 to vector<16xi32>
          %eq3A_566 = arith.cmpi eq, %iota3A, %eq3A_565 : vector<16xi32>
          %select_n3A_567 = arith.select %eq3A_566, %broadcast_in_dim3A_3, %broadcast_in_dim3A_1 : vector<16xi1>, vector<16xf32>
          %add3A_568 = arith.addf %get3A_564, %select_n3A_567 : vector<16xf32>
          %swap3A_569 = arith.index_cast %shift_right_logical3A_556 : i32 to index
          %swap3A_570 = arith.index_cast %and3A_558 : i32 to index
          %swap3A_571 = tpu.vector_load %arg14[%swap3A_569, %swap3A_570] {strides = array<i32>} : memref<80x128xf32, #tpu.memory_space<vmem>>, vector<1x16xf32>,
          %swap3A_572 = vector.shape_cast %swap3A_571 : vector<1x16xf32> to vector<16xf32>
          %swap3A_573 = vector.shape_cast %add3A_568 : vector<16xf32> to vector<1x16xf32>
          tpu.vector_store %arg14[%swap3A_569, %swap3A_570], %swap3A_573 {strides = array<i32>} : memref<80x128xf32, #tpu.memory_space<vmem>>, vector<1x16xf32>,
          %slice3A_574 = vector.extract_strided_slice %get3A_304 {offsets = [13], sizes = [1], strides = [1]} : vector<16xi32> to vector<1xi32>
          %squeeze3A_575 = vector.extract %slice3A_574[0] : i32 from vector<1xi32>
          %shift_right_logical3A_576 = arith.constant 7 : i32
          %shift_right_logical3A_577 = arith.shrui %squeeze3A_575, %shift_right_logical3A_576 : i32
          %and3A_578 = arith.constant 112 : i32
          %and3A_579 = arith.andi %squeeze3A_575, %and3A_578 : i32
          %and3A_580 = arith.constant 15 : i32
          %and3A_581 = arith.andi %squeeze3A_575, %and3A_580 : i32
          %get3A_582 = arith.index_cast %shift_right_logical3A_577 : i32 to index
          %get3A_583 = arith.index_cast %and3A_579 : i32 to index
          %get3A_584 = tpu.vector_load %arg14[%get3A_582, %get3A_583] {strides = array<i32>} : memref<80x128xf32, #tpu.memory_space<vmem>>, vector<1x16xf32>,
          %get3A_585 = vector.shape_cast %get3A_584 : vector<1x16xf32> to vector<16xf32>
          %eq3A_586 = vector.broadcast %and3A_581 : i32 to vector<16xi32>
          %eq3A_587 = arith.cmpi eq, %iota3A, %eq3A_586 : vector<16xi32>
          %select_n3A_588 = arith.select %eq3A_587, %broadcast_in_dim3A_3, %broadcast_in_dim3A_1 : vector<16xi1>, vector<16xf32>
          %add3A_589 = arith.addf %get3A_585, %select_n3A_588 : vector<16xf32>
          %swap3A_590 = arith.index_cast %shift_right_logical3A_577 : i32 to index
          %swap3A_591 = arith.index_cast %and3A_579 : i32 to index
          %swap3A_592 = tpu.vector_load %arg14[%swap3A_590, %swap3A_591] {strides = array<i32>} : memref<80x128xf32, #tpu.memory_space<vmem>>, vector<1x16xf32>,
          %swap3A_593 = vector.shape_cast %swap3A_592 : vector<1x16xf32> to vector<16xf32>
          %swap3A_594 = vector.shape_cast %add3A_589 : vector<16xf32> to vector<1x16xf32>
          tpu.vector_store %arg14[%swap3A_590, %swap3A_591], %swap3A_594 {strides = array<i32>} : memref<80x128xf32, #tpu.memory_space<vmem>>, vector<1x16xf32>,
          %slice3A_595 = vector.extract_strided_slice %get3A_304 {offsets = [14], sizes = [1], strides = [1]} : vector<16xi32> to vector<1xi32>
          %squeeze3A_596 = vector.extract %slice3A_595[0] : i32 from vector<1xi32>
          %shift_right_logical3A_597 = arith.constant 7 : i32
          %shift_right_logical3A_598 = arith.shrui %squeeze3A_596, %shift_right_logical3A_597 : i32
          %and3A_599 = arith.constant 112 : i32
          %and3A_600 = arith.andi %squeeze3A_596, %and3A_599 : i32
          %and3A_601 = arith.constant 15 : i32
          %and3A_602 = arith.andi %squeeze3A_596, %and3A_601 : i32
          %get3A_603 = arith.index_cast %shift_right_logical3A_598 : i32 to index
          %get3A_604 = arith.index_cast %and3A_600 : i32 to index
          %get3A_605 = tpu.vector_load %arg14[%get3A_603, %get3A_604] {strides = array<i32>} : memref<80x128xf32, #tpu.memory_space<vmem>>, vector<1x16xf32>,
          %get3A_606 = vector.shape_cast %get3A_605 : vector<1x16xf32> to vector<16xf32>
          %eq3A_607 = vector.broadcast %and3A_602 : i32 to vector<16xi32>
          %eq3A_608 = arith.cmpi eq, %iota3A, %eq3A_607 : vector<16xi32>
          %select_n3A_609 = arith.select %eq3A_608, %broadcast_in_dim3A_3, %broadcast_in_dim3A_1 : vector<16xi1>, vector<16xf32>
          %add3A_610 = arith.addf %get3A_606, %select_n3A_609 : vector<16xf32>
          %swap3A_611 = arith.index_cast %shift_right_logical3A_598 : i32 to index
          %swap3A_612 = arith.index_cast %and3A_600 : i32 to index
          %swap3A_613 = tpu.vector_load %arg14[%swap3A_611, %swap3A_612] {strides = array<i32>} : memref<80x128xf32, #tpu.memory_space<vmem>>, vector<1x16xf32>,
          %swap3A_614 = vector.shape_cast %swap3A_613 : vector<1x16xf32> to vector<16xf32>
          %swap3A_615 = vector.shape_cast %add3A_610 : vector<16xf32> to vector<1x16xf32>
          tpu.vector_store %arg14[%swap3A_611, %swap3A_612], %swap3A_615 {strides = array<i32>} : memref<80x128xf32, #tpu.memory_space<vmem>>, vector<1x16xf32>,
          %slice3A_616 = vector.extract_strided_slice %get3A_304 {offsets = [15], sizes = [1], strides = [1]} : vector<16xi32> to vector<1xi32>
          %squeeze3A_617 = vector.extract %slice3A_616[0] : i32 from vector<1xi32>
          %shift_right_logical3A_618 = arith.constant 7 : i32
          %shift_right_logical3A_619 = arith.shrui %squeeze3A_617, %shift_right_logical3A_618 : i32
          %and3A_620 = arith.constant 112 : i32
          %and3A_621 = arith.andi %squeeze3A_617, %and3A_620 : i32
          %and3A_622 = arith.constant 15 : i32
          %and3A_623 = arith.andi %squeeze3A_617, %and3A_622 : i32
          %get3A_624 = arith.index_cast %shift_right_logical3A_619 : i32 to index
          %get3A_625 = arith.index_cast %and3A_621 : i32 to index
          %get3A_626 = tpu.vector_load %arg14[%get3A_624, %get3A_625] {strides = array<i32>} : memref<80x128xf32, #tpu.memory_space<vmem>>, vector<1x16xf32>,
          %get3A_627 = vector.shape_cast %get3A_626 : vector<1x16xf32> to vector<16xf32>
          %eq3A_628 = vector.broadcast %and3A_623 : i32 to vector<16xi32>
          %eq3A_629 = arith.cmpi eq, %iota3A, %eq3A_628 : vector<16xi32>
          %select_n3A_630 = arith.select %eq3A_629, %broadcast_in_dim3A_3, %broadcast_in_dim3A_1 : vector<16xi1>, vector<16xf32>
          %add3A_631 = arith.addf %get3A_627, %select_n3A_630 : vector<16xf32>
          %swap3A_632 = arith.index_cast %shift_right_logical3A_619 : i32 to index
          %swap3A_633 = arith.index_cast %and3A_621 : i32 to index
          %swap3A_634 = tpu.vector_load %arg14[%swap3A_632, %swap3A_633] {strides = array<i32>} : memref<80x128xf32, #tpu.memory_space<vmem>>, vector<1x16xf32>,
          %swap3A_635 = vector.shape_cast %swap3A_634 : vector<1x16xf32> to vector<16xf32>
          %swap3A_636 = vector.shape_cast %add3A_631 : vector<16xf32> to vector<1x16xf32>
          tpu.vector_store %arg14[%swap3A_632, %swap3A_633], %swap3A_636 {strides = array<i32>} : memref<80x128xf32, #tpu.memory_space<vmem>>, vector<1x16xf32>,
          %scan3A_637 = arith.constant 0 : i32
          scf.yield %scan3A_637 : i32
        }
        %scan3A_282 = arith.constant 4 : i32
        %parallel_loop3A = arith.constant 0 : i32
        %parallel_loop3A_283 = arith.constant 64 : i32
        %parallel_loop3A_284 = arith.constant 1 : i32
        scf.for %parallel_loop3A_297 = %parallel_loop3A to %parallel_loop3A_283 step %parallel_loop3A_284  : i32 {
          %parallel_loop3A_298 = arith.constant 0 : i32
          %parallel_loop3A_299 = arith.index_cast %parallel_loop3A_298 : i32 to index
          %parallel_loop3A_300 = arith.index_cast %parallel_loop3A_297 : i32 to index
          %parallel_loop3A_301 = arith.constant 0 : index
          %parallel_loop3A_302 = tpu.vector_load %arg11[%parallel_loop3A_299, %parallel_loop3A_300, %parallel_loop3A_301] {strides = array<i32>} : memref<2x64x128xf32, #tpu.memory_space<vmem>>, vector<1x1x16xf32>,
          %parallel_loop3A_303 = vector.shape_cast %parallel_loop3A_302 : vector<1x1x16xf32> to vector<16xf32>
          %parallel_loop3A_304 = arith.constant 0 : i32
          %parallel_loop3A_305 = arith.index_cast %parallel_loop3A_304 : i32 to index
          %parallel_loop3A_306 = arith.index_cast %parallel_loop3A_297 : i32 to index
          %parallel_loop3A_307 = arith.constant 0 : index
          %parallel_loop3A_308 = tpu.vector_load %arg12[%parallel_loop3A_305, %parallel_loop3A_306, %parallel_loop3A_307] {strides = array<i32>} : memref<2x64x128xf32, #tpu.memory_space<vmem>>, vector<1x1x16xf32>,
          %parallel_loop3A_309 = vector.shape_cast %parallel_loop3A_308 : vector<1x1x16xf32> to vector<16xf32>
          %parallel_loop3A_310 = arith.addf %parallel_loop3A_303, %parallel_loop3A_309 : vector<16xf32>
          %parallel_loop3A_311 = arith.constant 0.000000e+00 : f32
          %parallel_loop3A_312 = vector.broadcast %parallel_loop3A_311 : f32 to vector<16xf32>
          %parallel_loop3A_313 = arith.maximumf %parallel_loop3A_310, %parallel_loop3A_312 : vector<16xf32>
          %parallel_loop3A_314 = arith.constant 0 : i32
          %parallel_loop3A_315 = arith.index_cast %parallel_loop3A_314 : i32 to index
          %parallel_loop3A_316 = arith.index_cast %parallel_loop3A_297 : i32 to index
          %parallel_loop3A_317 = arith.constant 0 : index
          %parallel_loop3A_318 = tpu.vector_load %arg11[%parallel_loop3A_315, %parallel_loop3A_316, %parallel_loop3A_317] {strides = array<i32>} : memref<2x64x128xf32, #tpu.memory_space<vmem>>, vector<1x1x16xf32>,
          %parallel_loop3A_319 = vector.shape_cast %parallel_loop3A_318 : vector<1x1x16xf32> to vector<16xf32>
          %parallel_loop3A_320 = vector.shape_cast %parallel_loop3A_313 : vector<16xf32> to vector<1x1x16xf32>
          tpu.vector_store %arg11[%parallel_loop3A_315, %parallel_loop3A_316, %parallel_loop3A_317], %parallel_loop3A_320 {strides = array<i32>} : memref<2x64x128xf32, #tpu.memory_space<vmem>>, vector<1x1x16xf32>,
          %parallel_loop3A_321 = arith.constant 0 : i32
          %parallel_loop3A_322 = arith.index_cast %parallel_loop3A_321 : i32 to index
          %parallel_loop3A_323 = arith.index_cast %parallel_loop3A_297 : i32 to index
          %parallel_loop3A_324 = arith.constant 16 : index
          %parallel_loop3A_325 = tpu.vector_load %arg11[%parallel_loop3A_322, %parallel_loop3A_323, %parallel_loop3A_324] {strides = array<i32>} : memref<2x64x128xf32, #tpu.memory_space<vmem>>, vector<1x1x16xf32>,
          %parallel_loop3A_326 = vector.shape_cast %parallel_loop3A_325 : vector<1x1x16xf32> to vector<16xf32>
          %parallel_loop3A_327 = arith.constant 0 : i32
          %parallel_loop3A_328 = arith.index_cast %parallel_loop3A_327 : i32 to index
          %parallel_loop3A_329 = arith.index_cast %parallel_loop3A_297 : i32 to index
          %parallel_loop3A_330 = arith.constant 16 : index
          %parallel_loop3A_331 = tpu.vector_load %arg12[%parallel_loop3A_328, %parallel_loop3A_329, %parallel_loop3A_330] {strides = array<i32>} : memref<2x64x128xf32, #tpu.memory_space<vmem>>, vector<1x1x16xf32>,
          %parallel_loop3A_332 = vector.shape_cast %parallel_loop3A_331 : vector<1x1x16xf32> to vector<16xf32>
          %parallel_loop3A_333 = arith.addf %parallel_loop3A_326, %parallel_loop3A_332 : vector<16xf32>
          %parallel_loop3A_334 = arith.constant 0.000000e+00 : f32
          %parallel_loop3A_335 = vector.broadcast %parallel_loop3A_334 : f32 to vector<16xf32>
          %parallel_loop3A_336 = arith.maximumf %parallel_loop3A_333, %parallel_loop3A_335 : vector<16xf32>
          %parallel_loop3A_337 = arith.constant 0 : i32
          %parallel_loop3A_338 = arith.index_cast %parallel_loop3A_337 : i32 to index
          %parallel_loop3A_339 = arith.index_cast %parallel_loop3A_297 : i32 to index
          %parallel_loop3A_340 = arith.constant 16 : index
          %parallel_loop3A_341 = tpu.vector_load %arg11[%parallel_loop3A_338, %parallel_loop3A_339, %parallel_loop3A_340] {strides = array<i32>} : memref<2x64x128xf32, #tpu.memory_space<vmem>>, vector<1x1x16xf32>,
          %parallel_loop3A_342 = vector.shape_cast %parallel_loop3A_341 : vector<1x1x16xf32> to vector<16xf32>
          %parallel_loop3A_343 = vector.shape_cast %parallel_loop3A_336 : vector<16xf32> to vector<1x1x16xf32>
          tpu.vector_store %arg11[%parallel_loop3A_338, %parallel_loop3A_339, %parallel_loop3A_340], %parallel_loop3A_343 {strides = array<i32>} : memref<2x64x128xf32, #tpu.memory_space<vmem>>, vector<1x1x16xf32>,
          %parallel_loop3A_344 = arith.constant 0 : i32
          %parallel_loop3A_345 = arith.index_cast %parallel_loop3A_344 : i32 to index
          %parallel_loop3A_346 = arith.index_cast %parallel_loop3A_297 : i32 to index
          %parallel_loop3A_347 = arith.constant 32 : index
          %parallel_loop3A_348 = tpu.vector_load %arg11[%parallel_loop3A_345, %parallel_loop3A_346, %parallel_loop3A_347] {strides = array<i32>} : memref<2x64x128xf32, #tpu.memory_space<vmem>>, vector<1x1x16xf32>,
          %parallel_loop3A_349 = vector.shape_cast %parallel_loop3A_348 : vector<1x1x16xf32> to vector<16xf32>
          %parallel_loop3A_350 = arith.constant 0 : i32
          %parallel_loop3A_351 = arith.index_cast %parallel_loop3A_350 : i32 to index
          %parallel_loop3A_352 = arith.index_cast %parallel_loop3A_297 : i32 to index
          %parallel_loop3A_353 = arith.constant 32 : index
          %parallel_loop3A_354 = tpu.vector_load %arg12[%parallel_loop3A_351, %parallel_loop3A_352, %parallel_loop3A_353] {strides = array<i32>} : memref<2x64x128xf32, #tpu.memory_space<vmem>>, vector<1x1x16xf32>,
          %parallel_loop3A_355 = vector.shape_cast %parallel_loop3A_354 : vector<1x1x16xf32> to vector<16xf32>
          %parallel_loop3A_356 = arith.addf %parallel_loop3A_349, %parallel_loop3A_355 : vector<16xf32>
          %parallel_loop3A_357 = arith.constant 0.000000e+00 : f32
          %parallel_loop3A_358 = vector.broadcast %parallel_loop3A_357 : f32 to vector<16xf32>
          %parallel_loop3A_359 = arith.maximumf %parallel_loop3A_356, %parallel_loop3A_358 : vector<16xf32>
          %parallel_loop3A_360 = arith.constant 0 : i32
          %parallel_loop3A_361 = arith.index_cast %parallel_loop3A_360 : i32 to index
          %parallel_loop3A_362 = arith.index_cast %parallel_loop3A_297 : i32 to index
          %parallel_loop3A_363 = arith.constant 32 : index
          %parallel_loop3A_364 = tpu.vector_load %arg11[%parallel_loop3A_361, %parallel_loop3A_362, %parallel_loop3A_363] {strides = array<i32>} : memref<2x64x128xf32, #tpu.memory_space<vmem>>, vector<1x1x16xf32>,
          %parallel_loop3A_365 = vector.shape_cast %parallel_loop3A_364 : vector<1x1x16xf32> to vector<16xf32>
          %parallel_loop3A_366 = vector.shape_cast %parallel_loop3A_359 : vector<16xf32> to vector<1x1x16xf32>
          tpu.vector_store %arg11[%parallel_loop3A_361, %parallel_loop3A_362, %parallel_loop3A_363], %parallel_loop3A_366 {strides = array<i32>} : memref<2x64x128xf32, #tpu.memory_space<vmem>>, vector<1x1x16xf32>,
          %parallel_loop3A_367 = arith.constant 0 : i32
          %parallel_loop3A_368 = arith.index_cast %parallel_loop3A_367 : i32 to index
          %parallel_loop3A_369 = arith.index_cast %parallel_loop3A_297 : i32 to index
          %parallel_loop3A_370 = arith.constant 48 : index
          %parallel_loop3A_371 = tpu.vector_load %arg11[%parallel_loop3A_368, %parallel_loop3A_369, %parallel_loop3A_370] {strides = array<i32>} : memref<2x64x128xf32, #tpu.memory_space<vmem>>, vector<1x1x16xf32>,
          %parallel_loop3A_372 = vector.shape_cast %parallel_loop3A_371 : vector<1x1x16xf32> to vector<16xf32>
          %parallel_loop3A_373 = arith.constant 0 : i32
          %parallel_loop3A_374 = arith.index_cast %parallel_loop3A_373 : i32 to index
          %parallel_loop3A_375 = arith.index_cast %parallel_loop3A_297 : i32 to index
          %parallel_loop3A_376 = arith.constant 48 : index
          %parallel_loop3A_377 = tpu.vector_load %arg12[%parallel_loop3A_374, %parallel_loop3A_375, %parallel_loop3A_376] {strides = array<i32>} : memref<2x64x128xf32, #tpu.memory_space<vmem>>, vector<1x1x16xf32>,
          %parallel_loop3A_378 = vector.shape_cast %parallel_loop3A_377 : vector<1x1x16xf32> to vector<16xf32>
          %parallel_loop3A_379 = arith.addf %parallel_loop3A_372, %parallel_loop3A_378 : vector<16xf32>
          %parallel_loop3A_380 = arith.constant 0.000000e+00 : f32
          %parallel_loop3A_381 = vector.broadcast %parallel_loop3A_380 : f32 to vector<16xf32>
          %parallel_loop3A_382 = arith.maximumf %parallel_loop3A_379, %parallel_loop3A_381 : vector<16xf32>
          %parallel_loop3A_383 = arith.constant 0 : i32
          %parallel_loop3A_384 = arith.index_cast %parallel_loop3A_383 : i32 to index
          %parallel_loop3A_385 = arith.index_cast %parallel_loop3A_297 : i32 to index
          %parallel_loop3A_386 = arith.constant 48 : index
          %parallel_loop3A_387 = tpu.vector_load %arg11[%parallel_loop3A_384, %parallel_loop3A_385, %parallel_loop3A_386] {strides = array<i32>} : memref<2x64x128xf32, #tpu.memory_space<vmem>>, vector<1x1x16xf32>,
          %parallel_loop3A_388 = vector.shape_cast %parallel_loop3A_387 : vector<1x1x16xf32> to vector<16xf32>
          %parallel_loop3A_389 = vector.shape_cast %parallel_loop3A_382 : vector<16xf32> to vector<1x1x16xf32>
          tpu.vector_store %arg11[%parallel_loop3A_384, %parallel_loop3A_385, %parallel_loop3A_386], %parallel_loop3A_389 {strides = array<i32>} : memref<2x64x128xf32, #tpu.memory_space<vmem>>, vector<1x1x16xf32>,
          %parallel_loop3A_390 = arith.constant 0 : i32
          %parallel_loop3A_391 = arith.index_cast %parallel_loop3A_390 : i32 to index
          %parallel_loop3A_392 = arith.index_cast %parallel_loop3A_297 : i32 to index
          %parallel_loop3A_393 = arith.constant 64 : index
          %parallel_loop3A_394 = tpu.vector_load %arg11[%parallel_loop3A_391, %parallel_loop3A_392, %parallel_loop3A_393] {strides = array<i32>} : memref<2x64x128xf32, #tpu.memory_space<vmem>>, vector<1x1x16xf32>,
          %parallel_loop3A_395 = vector.shape_cast %parallel_loop3A_394 : vector<1x1x16xf32> to vector<16xf32>
          %parallel_loop3A_396 = arith.constant 0 : i32
          %parallel_loop3A_397 = arith.index_cast %parallel_loop3A_396 : i32 to index
          %parallel_loop3A_398 = arith.index_cast %parallel_loop3A_297 : i32 to index
          %parallel_loop3A_399 = arith.constant 64 : index
          %parallel_loop3A_400 = tpu.vector_load %arg12[%parallel_loop3A_397, %parallel_loop3A_398, %parallel_loop3A_399] {strides = array<i32>} : memref<2x64x128xf32, #tpu.memory_space<vmem>>, vector<1x1x16xf32>,
          %parallel_loop3A_401 = vector.shape_cast %parallel_loop3A_400 : vector<1x1x16xf32> to vector<16xf32>
          %parallel_loop3A_402 = arith.addf %parallel_loop3A_395, %parallel_loop3A_401 : vector<16xf32>
          %parallel_loop3A_403 = arith.constant 0.000000e+00 : f32
          %parallel_loop3A_404 = vector.broadcast %parallel_loop3A_403 : f32 to vector<16xf32>
          %parallel_loop3A_405 = arith.maximumf %parallel_loop3A_402, %parallel_loop3A_404 : vector<16xf32>
          %parallel_loop3A_406 = arith.constant 0 : i32
          %parallel_loop3A_407 = arith.index_cast %parallel_loop3A_406 : i32 to index
          %parallel_loop3A_408 = arith.index_cast %parallel_loop3A_297 : i32 to index
          %parallel_loop3A_409 = arith.constant 64 : index
          %parallel_loop3A_410 = tpu.vector_load %arg11[%parallel_loop3A_407, %parallel_loop3A_408, %parallel_loop3A_409] {strides = array<i32>} : memref<2x64x128xf32, #tpu.memory_space<vmem>>, vector<1x1x16xf32>,
          %parallel_loop3A_411 = vector.shape_cast %parallel_loop3A_410 : vector<1x1x16xf32> to vector<16xf32>
          %parallel_loop3A_412 = vector.shape_cast %parallel_loop3A_405 : vector<16xf32> to vector<1x1x16xf32>
          tpu.vector_store %arg11[%parallel_loop3A_407, %parallel_loop3A_408, %parallel_loop3A_409], %parallel_loop3A_412 {strides = array<i32>} : memref<2x64x128xf32, #tpu.memory_space<vmem>>, vector<1x1x16xf32>,
          %parallel_loop3A_413 = arith.constant 0 : i32
          %parallel_loop3A_414 = arith.index_cast %parallel_loop3A_413 : i32 to index
          %parallel_loop3A_415 = arith.index_cast %parallel_loop3A_297 : i32 to index
          %parallel_loop3A_416 = arith.constant 80 : index
          %parallel_loop3A_417 = tpu.vector_load %arg11[%parallel_loop3A_414, %parallel_loop3A_415, %parallel_loop3A_416] {strides = array<i32>} : memref<2x64x128xf32, #tpu.memory_space<vmem>>, vector<1x1x16xf32>,
          %parallel_loop3A_418 = vector.shape_cast %parallel_loop3A_417 : vector<1x1x16xf32> to vector<16xf32>
          %parallel_loop3A_419 = arith.constant 0 : i32
          %parallel_loop3A_420 = arith.index_cast %parallel_loop3A_419 : i32 to index
          %parallel_loop3A_421 = arith.index_cast %parallel_loop3A_297 : i32 to index
          %parallel_loop3A_422 = arith.constant 80 : index
          %parallel_loop3A_423 = tpu.vector_load %arg12[%parallel_loop3A_420, %parallel_loop3A_421, %parallel_loop3A_422] {strides = array<i32>} : memref<2x64x128xf32, #tpu.memory_space<vmem>>, vector<1x1x16xf32>,
          %parallel_loop3A_424 = vector.shape_cast %parallel_loop3A_423 : vector<1x1x16xf32> to vector<16xf32>
          %parallel_loop3A_425 = arith.addf %parallel_loop3A_418, %parallel_loop3A_424 : vector<16xf32>
          %parallel_loop3A_426 = arith.constant 0.000000e+00 : f32
          %parallel_loop3A_427 = vector.broadcast %parallel_loop3A_426 : f32 to vector<16xf32>
          %parallel_loop3A_428 = arith.maximumf %parallel_loop3A_425, %parallel_loop3A_427 : vector<16xf32>
          %parallel_loop3A_429 = arith.constant 0 : i32
          %parallel_loop3A_430 = arith.index_cast %parallel_loop3A_429 : i32 to index
          %parallel_loop3A_431 = arith.index_cast %parallel_loop3A_297 : i32 to index
          %parallel_loop3A_432 = arith.constant 80 : index
          %parallel_loop3A_433 = tpu.vector_load %arg11[%parallel_loop3A_430, %parallel_loop3A_431, %parallel_loop3A_432] {strides = array<i32>} : memref<2x64x128xf32, #tpu.memory_space<vmem>>, vector<1x1x16xf32>,
          %parallel_loop3A_434 = vector.shape_cast %parallel_loop3A_433 : vector<1x1x16xf32> to vector<16xf32>
          %parallel_loop3A_435 = vector.shape_cast %parallel_loop3A_428 : vector<16xf32> to vector<1x1x16xf32>
          tpu.vector_store %arg11[%parallel_loop3A_430, %parallel_loop3A_431, %parallel_loop3A_432], %parallel_loop3A_435 {strides = array<i32>} : memref<2x64x128xf32, #tpu.memory_space<vmem>>, vector<1x1x16xf32>,
          %parallel_loop3A_436 = arith.constant 0 : i32
          %parallel_loop3A_437 = arith.index_cast %parallel_loop3A_436 : i32 to index
          %parallel_loop3A_438 = arith.index_cast %parallel_loop3A_297 : i32 to index
          %parallel_loop3A_439 = arith.constant 96 : index
          %parallel_loop3A_440 = tpu.vector_load %arg11[%parallel_loop3A_437, %parallel_loop3A_438, %parallel_loop3A_439] {strides = array<i32>} : memref<2x64x128xf32, #tpu.memory_space<vmem>>, vector<1x1x16xf32>,
          %parallel_loop3A_441 = vector.shape_cast %parallel_loop3A_440 : vector<1x1x16xf32> to vector<16xf32>
          %parallel_loop3A_442 = arith.constant 0 : i32
          %parallel_loop3A_443 = arith.index_cast %parallel_loop3A_442 : i32 to index
          %parallel_loop3A_444 = arith.index_cast %parallel_loop3A_297 : i32 to index
          %parallel_loop3A_445 = arith.constant 96 : index
          %parallel_loop3A_446 = tpu.vector_load %arg12[%parallel_loop3A_443, %parallel_loop3A_444, %parallel_loop3A_445] {strides = array<i32>} : memref<2x64x128xf32, #tpu.memory_space<vmem>>, vector<1x1x16xf32>,
          %parallel_loop3A_447 = vector.shape_cast %parallel_loop3A_446 : vector<1x1x16xf32> to vector<16xf32>
          %parallel_loop3A_448 = arith.addf %parallel_loop3A_441, %parallel_loop3A_447 : vector<16xf32>
          %parallel_loop3A_449 = arith.constant 0.000000e+00 : f32
          %parallel_loop3A_450 = vector.broadcast %parallel_loop3A_449 : f32 to vector<16xf32>
          %parallel_loop3A_451 = arith.maximumf %parallel_loop3A_448, %parallel_loop3A_450 : vector<16xf32>
          %parallel_loop3A_452 = arith.constant 0 : i32
          %parallel_loop3A_453 = arith.index_cast %parallel_loop3A_452 : i32 to index
          %parallel_loop3A_454 = arith.index_cast %parallel_loop3A_297 : i32 to index
          %parallel_loop3A_455 = arith.constant 96 : index
          %parallel_loop3A_456 = tpu.vector_load %arg11[%parallel_loop3A_453, %parallel_loop3A_454, %parallel_loop3A_455] {strides = array<i32>} : memref<2x64x128xf32, #tpu.memory_space<vmem>>, vector<1x1x16xf32>,
          %parallel_loop3A_457 = vector.shape_cast %parallel_loop3A_456 : vector<1x1x16xf32> to vector<16xf32>
          %parallel_loop3A_458 = vector.shape_cast %parallel_loop3A_451 : vector<16xf32> to vector<1x1x16xf32>
          tpu.vector_store %arg11[%parallel_loop3A_453, %parallel_loop3A_454, %parallel_loop3A_455], %parallel_loop3A_458 {strides = array<i32>} : memref<2x64x128xf32, #tpu.memory_space<vmem>>, vector<1x1x16xf32>,
          %parallel_loop3A_459 = arith.constant 0 : i32
          %parallel_loop3A_460 = arith.index_cast %parallel_loop3A_459 : i32 to index
          %parallel_loop3A_461 = arith.index_cast %parallel_loop3A_297 : i32 to index
          %parallel_loop3A_462 = arith.constant 112 : index
          %parallel_loop3A_463 = tpu.vector_load %arg11[%parallel_loop3A_460, %parallel_loop3A_461, %parallel_loop3A_462] {strides = array<i32>} : memref<2x64x128xf32, #tpu.memory_space<vmem>>, vector<1x1x16xf32>,
          %parallel_loop3A_464 = vector.shape_cast %parallel_loop3A_463 : vector<1x1x16xf32> to vector<16xf32>
          %parallel_loop3A_465 = arith.constant 0 : i32
          %parallel_loop3A_466 = arith.index_cast %parallel_loop3A_465 : i32 to index
          %parallel_loop3A_467 = arith.index_cast %parallel_loop3A_297 : i32 to index
          %parallel_loop3A_468 = arith.constant 112 : index
          %parallel_loop3A_469 = tpu.vector_load %arg12[%parallel_loop3A_466, %parallel_loop3A_467, %parallel_loop3A_468] {strides = array<i32>} : memref<2x64x128xf32, #tpu.memory_space<vmem>>, vector<1x1x16xf32>,
          %parallel_loop3A_470 = vector.shape_cast %parallel_loop3A_469 : vector<1x1x16xf32> to vector<16xf32>
          %parallel_loop3A_471 = arith.addf %parallel_loop3A_464, %parallel_loop3A_470 : vector<16xf32>
          %parallel_loop3A_472 = arith.constant 0.000000e+00 : f32
          %parallel_loop3A_473 = vector.broadcast %parallel_loop3A_472 : f32 to vector<16xf32>
          %parallel_loop3A_474 = arith.maximumf %parallel_loop3A_471, %parallel_loop3A_473 : vector<16xf32>
          %parallel_loop3A_475 = arith.constant 0 : i32
          %parallel_loop3A_476 = arith.index_cast %parallel_loop3A_475 : i32 to index
          %parallel_loop3A_477 = arith.index_cast %parallel_loop3A_297 : i32 to index
          %parallel_loop3A_478 = arith.constant 112 : index
          %parallel_loop3A_479 = tpu.vector_load %arg11[%parallel_loop3A_476, %parallel_loop3A_477, %parallel_loop3A_478] {strides = array<i32>} : memref<2x64x128xf32, #tpu.memory_space<vmem>>, vector<1x1x16xf32>,
          %parallel_loop3A_480 = vector.shape_cast %parallel_loop3A_479 : vector<1x1x16xf32> to vector<16xf32>
          %parallel_loop3A_481 = vector.shape_cast %parallel_loop3A_474 : vector<16xf32> to vector<1x1x16xf32>
          tpu.vector_store %arg11[%parallel_loop3A_476, %parallel_loop3A_477, %parallel_loop3A_478], %parallel_loop3A_481 {strides = array<i32>} : memref<2x64x128xf32, #tpu.memory_space<vmem>>, vector<1x1x16xf32>,
        } {sc.loop_unroll_factor = 4 : i64, sc.parallel_access}
        %dma_start3A_285 = arith.constant 0 : i32
        %dma_start3A_286 = arith.constant 0 : i32
        %dma_start3A_287 = arith.constant 0 : i32
        %dma_start3A_288 = arith.constant 0 : i32
        %dma_start3A_289 = tpu.memref_slice %arg11[%dma_start3A_285, %dma_start3A_287, %dma_start3A_288] : memref<2x64x128xf32, #tpu.memory_space<vmem>> -> memref<1x64x128xf32, #tpu.memory_space<vmem>>
        %dma_start3A_290 = tpu.memref_squeeze %dma_start3A_289 : memref<1x64x128xf32, #tpu.memory_space<vmem>> -> memref<64x128xf32, #tpu.memory_space<vmem>>
        %dma_start3A_291 = arith.constant 0 : i32
        %dma_start3A_292 = tpu.memref_slice %arg10[%dma_start3A_286, %dma_start3A_291] : memref<2x64xi32, #tpu.memory_space<vmem>> -> memref<1x64xi32, #tpu.memory_space<vmem>>
        %dma_start3A_293 = tpu.memref_squeeze %dma_start3A_292 : memref<1x64xi32, #tpu.memory_space<vmem>> -> memref<64xi32, #tpu.memory_space<vmem>>
        %dma_start3A_294 = arith.constant 0 : i32
        %dma_start3A_295 = arith.constant 0 : i32
        %dma_start3A_296 = tpu.memref_slice %arg15[%dma_start3A_294, %dma_start3A_295] : memref<10240x128xf32, #tpu.memory_space<vmem_shared>> -> memref<10240x128xf32, #tpu.memory_space<vmem_shared>>
        tpu.enqueue_indirect_dma source(%dma_start3A_290 : memref<64x128xf32, #tpu.memory_space<vmem>>) target(%dma_start3A_296 : memref<10240x128xf32, #tpu.memory_space<vmem_shared>>) offsets(%dma_start3A_293 : memref<64xi32, #tpu.memory_space<vmem>>) semaphore(%arg21 : memref<!tpu.dma_semaphore, #tpu.memory_space<semaphore_mem>>) {add = true}
      } else {
      }
      %mul3A_227 = arith.constant 2 : i32
      %mul3A_228 = arith.muli %mul3A_227, %scan3A_180 : i32
      %add3A_229 = arith.constant 1 : i32
      %add3A_230 = arith.addi %mul3A_228, %add3A_229 : i32
      %mul3A_231 = arith.constant 32 : i32
      %mul3A_232 = arith.muli %add3A_230, %mul3A_231 : i32
      %add3A_233 = arith.addi %add3A, %mul3A_232 : i32
      %lt3A_234 = arith.constant 5000 : i32
      %lt3A_235 = arith.cmpi slt, %add3A_233, %lt3A_234 : i32
      %convert_element_type3A_236 = arith.extui %lt3A_235 : i1 to i32
      %cond3A_237 = arith.constant 0 : i32
      %cond3A_238 = arith.cmpi ne, %convert_element_type3A_236, %cond3A_237 : i32
      scf.if %cond3A_238 {
        %dma_wait3A_276 = arith.constant 1 : i32
        %dma_wait3A_277 = arith.constant 0 : i32
        %dma_wait3A_278 = arith.constant 0 : i32
        %dma_wait3A_279 = tpu.memref_slice %arg11[%dma_wait3A_276, %dma_wait3A_277, %dma_wait3A_278] : memref<2x64x128xf32, #tpu.memory_space<vmem>> -> memref<1x64x128xf32, #tpu.memory_space<vmem>>
        %dma_wait3A_280 = tpu.memref_squeeze %dma_wait3A_279 : memref<1x64x128xf32, #tpu.memory_space<vmem>> -> memref<64x128xf32, #tpu.memory_space<vmem>>
        %dma_wait3A_281 = arith.constant 0 : i32
        %dma_wait3A_282 = arith.constant 0 : i32
        %dma_wait3A_283 = tpu.memref_slice %arg2[%dma_wait3A_281, %dma_wait3A_282] : memref<10000x128xf32, #tpu.memory_space<hbm>> -> memref<64x128xf32, #tpu.memory_space<hbm>>
        %dma_wait3A_284 = arith.constant 0 : i32
        %dma_wait3A_285 = arith.constant 0 : i32
        %dma_wait3A_286 = tpu.memref_slice %arg11[%dma_wait3A_276, %dma_wait3A_284, %dma_wait3A_285] : memref<2x64x128xf32, #tpu.memory_space<vmem>> -> memref<1x64x128xf32, #tpu.memory_space<vmem>>
        %dma_wait3A_287 = tpu.memref_squeeze %dma_wait3A_286 : memref<1x64x128xf32, #tpu.memory_space<vmem>> -> memref<64x128xf32, #tpu.memory_space<vmem>>
        %dma_wait3A_288 = arith.constant 0 : i32
        %dma_wait3A_289 = arith.constant 0 : i32
        %dma_wait3A_290 = tpu.memref_slice %arg2[%dma_wait3A_288, %dma_wait3A_289] : memref<10000x128xf32, #tpu.memory_space<hbm>> -> memref<64x128xf32, #tpu.memory_space<hbm>>
        tpu.wait_dma2 semaphore(%arg20 : memref<!tpu.dma_semaphore, #tpu.memory_space<semaphore_mem>>) src(%dma_wait3A_290 : memref<64x128xf32, #tpu.memory_space<hbm>>) dst(%dma_wait3A_287 : memref<64x128xf32, #tpu.memory_space<vmem>>)
        %dma_wait3A_291 = arith.constant 1 : i32
        %dma_wait3A_292 = arith.constant 0 : i32
        %dma_wait3A_293 = arith.constant 0 : i32
        %dma_wait3A_294 = tpu.memref_slice %arg12[%dma_wait3A_291, %dma_wait3A_292, %dma_wait3A_293] : memref<2x64x128xf32, #tpu.memory_space<vmem>> -> memref<1x64x128xf32, #tpu.memory_space<vmem>>
        %dma_wait3A_295 = tpu.memref_squeeze %dma_wait3A_294 : memref<1x64x128xf32, #tpu.memory_space<vmem>> -> memref<64x128xf32, #tpu.memory_space<vmem>>
        %dma_wait3A_296 = arith.constant 0 : i32
        %dma_wait3A_297 = arith.constant 0 : i32
        %dma_wait3A_298 = tpu.memref_slice %arg3[%dma_wait3A_296, %dma_wait3A_297] : memref<10000x128xf32, #tpu.memory_space<hbm>> -> memref<64x128xf32, #tpu.memory_space<hbm>>
        %dma_wait3A_299 = arith.constant 0 : i32
        %dma_wait3A_300 = arith.constant 0 : i32
        %dma_wait3A_301 = tpu.memref_slice %arg12[%dma_wait3A_291, %dma_wait3A_299, %dma_wait3A_300] : memref<2x64x128xf32, #tpu.memory_space<vmem>> -> memref<1x64x128xf32, #tpu.memory_space<vmem>>
        %dma_wait3A_302 = tpu.memref_squeeze %dma_wait3A_301 : memref<1x64x128xf32, #tpu.memory_space<vmem>> -> memref<64x128xf32, #tpu.memory_space<vmem>>
        %dma_wait3A_303 = arith.constant 0 : i32
        %dma_wait3A_304 = arith.constant 0 : i32
        %dma_wait3A_305 = tpu.memref_slice %arg3[%dma_wait3A_303, %dma_wait3A_304] : memref<10000x128xf32, #tpu.memory_space<hbm>> -> memref<64x128xf32, #tpu.memory_space<hbm>>
        tpu.wait_dma2 semaphore(%arg20 : memref<!tpu.dma_semaphore, #tpu.memory_space<semaphore_mem>>) src(%dma_wait3A_305 : memref<64x128xf32, #tpu.memory_space<hbm>>) dst(%dma_wait3A_302 : memref<64x128xf32, #tpu.memory_space<vmem>>)
        %get3A = arith.constant 1 : i32
        %get3A_306 = arith.index_cast %get3A : i32 to index
        %get3A_307 = arith.constant 0 : index
        %get3A_308 = tpu.vector_load %arg9[%get3A_306, %get3A_307] {strides = array<i32>} : memref<2x64xi32, #tpu.memory_space<vmem>>, vector<1x16xi32>,
        %get3A_309 = vector.shape_cast %get3A_308 : vector<1x16xi32> to vector<16xi32>
        %swap3A_310 = arith.constant 1 : i32
        %swap3A_311 = arith.index_cast %swap3A_310 : i32 to index
        %swap3A_312 = arith.constant 0 : index
        %swap3A_313 = tpu.vector_load %arg10[%swap3A_311, %swap3A_312] {strides = array<i32>} : memref<2x64xi32, #tpu.memory_space<vmem>>, vector<1x16xi32>,
        %swap3A_314 = vector.shape_cast %swap3A_313 : vector<1x16xi32> to vector<16xi32>
        %swap3A_315 = vector.shape_cast %get3A_309 : vector<16xi32> to vector<1x16xi32>
        tpu.vector_store %arg10[%swap3A_311, %swap3A_312], %swap3A_315 {strides = array<i32>} : memref<2x64xi32, #tpu.memory_space<vmem>>, vector<1x16xi32>,
        %get3A_316 = arith.constant 1 : i32
        %get3A_317 = arith.index_cast %get3A_316 : i32 to index
        %get3A_318 = arith.constant 16 : index
        %get3A_319 = tpu.vector_load %arg9[%get3A_317, %get3A_318] {strides = array<i32>} : memref<2x64xi32, #tpu.memory_space<vmem>>, vector<1x16xi32>,
        %get3A_320 = vector.shape_cast %get3A_319 : vector<1x16xi32> to vector<16xi32>
        %swap3A_321 = arith.constant 1 : i32
        %swap3A_322 = arith.index_cast %swap3A_321 : i32 to index
        %swap3A_323 = arith.constant 16 : index
        %swap3A_324 = tpu.vector_load %arg10[%swap3A_322, %swap3A_323] {strides = array<i32>} : memref<2x64xi32, #tpu.memory_space<vmem>>, vector<1x16xi32>,
        %swap3A_325 = vector.shape_cast %swap3A_324 : vector<1x16xi32> to vector<16xi32>
        %swap3A_326 = vector.shape_cast %get3A_320 : vector<16xi32> to vector<1x16xi32>
        tpu.vector_store %arg10[%swap3A_322, %swap3A_323], %swap3A_326 {strides = array<i32>} : memref<2x64xi32, #tpu.memory_space<vmem>>, vector<1x16xi32>,
        %get3A_327 = arith.constant 1 : i32
        %get3A_328 = arith.index_cast %get3A_327 : i32 to index
        %get3A_329 = arith.constant 32 : index
        %get3A_330 = tpu.vector_load %arg9[%get3A_328, %get3A_329] {strides = array<i32>} : memref<2x64xi32, #tpu.memory_space<vmem>>, vector<1x16xi32>,
        %get3A_331 = vector.shape_cast %get3A_330 : vector<1x16xi32> to vector<16xi32>
        %swap3A_332 = arith.constant 1 : i32
        %swap3A_333 = arith.index_cast %swap3A_332 : i32 to index
        %swap3A_334 = arith.constant 32 : index
        %swap3A_335 = tpu.vector_load %arg10[%swap3A_333, %swap3A_334] {strides = array<i32>} : memref<2x64xi32, #tpu.memory_space<vmem>>, vector<1x16xi32>,
        %swap3A_336 = vector.shape_cast %swap3A_335 : vector<1x16xi32> to vector<16xi32>
        %swap3A_337 = vector.shape_cast %get3A_331 : vector<16xi32> to vector<1x16xi32>
        tpu.vector_store %arg10[%swap3A_333, %swap3A_334], %swap3A_337 {strides = array<i32>} : memref<2x64xi32, #tpu.memory_space<vmem>>, vector<1x16xi32>,
        %get3A_338 = arith.constant 1 : i32
        %get3A_339 = arith.index_cast %get3A_338 : i32 to index
        %get3A_340 = arith.constant 48 : index
        %get3A_341 = tpu.vector_load %arg9[%get3A_339, %get3A_340] {strides = array<i32>} : memref<2x64xi32, #tpu.memory_space<vmem>>, vector<1x16xi32>,
        %get3A_342 = vector.shape_cast %get3A_341 : vector<1x16xi32> to vector<16xi32>
        %swap3A_343 = arith.constant 1 : i32
        %swap3A_344 = arith.index_cast %swap3A_343 : i32 to index
        %swap3A_345 = arith.constant 48 : index
        %swap3A_346 = tpu.vector_load %arg10[%swap3A_344, %swap3A_345] {strides = array<i32>} : memref<2x64xi32, #tpu.memory_space<vmem>>, vector<1x16xi32>,
        %swap3A_347 = vector.shape_cast %swap3A_346 : vector<1x16xi32> to vector<16xi32>
        %swap3A_348 = vector.shape_cast %get3A_342 : vector<16xi32> to vector<1x16xi32>
        tpu.vector_store %arg10[%swap3A_344, %swap3A_345], %swap3A_348 {strides = array<i32>} : memref<2x64xi32, #tpu.memory_space<vmem>>, vector<1x16xi32>,
      } else {
      }
      %add3A_239 = arith.constant 2 : i32
      %add3A_240 = arith.addi %add3A_230, %add3A_239 : i32
      %mul3A_241 = arith.constant 32 : i32
      %mul3A_242 = arith.muli %add3A_240, %mul3A_241 : i32
      %add3A_243 = arith.addi %add3A, %mul3A_242 : i32
      %lt3A_244 = arith.constant 5000 : i32
      %lt3A_245 = arith.cmpi slt, %add3A_243, %lt3A_244 : i32
      %convert_element_type3A_246 = arith.extui %lt3A_245 : i1 to i32
      %cond3A_247 = arith.constant 0 : i32
      %cond3A_248 = arith.cmpi ne, %convert_element_type3A_246, %cond3A_247 : i32
      scf.if %cond3A_248 {
        %mul3A_276 = arith.constant 32 : i32
        %mul3A_277 = arith.muli %add3A_240, %mul3A_276 : i32
        %add3A_278 = arith.addi %add3A, %mul3A_277 : i32
        %mul3A_279 = arith.constant 64 : i32
        %mul3A_280 = arith.muli %add3A_278, %mul3A_279 : i32
        %dma_start3A_281 = arith.constant 1 : i32
        %dma_start3A_282 = arith.constant 0 : i32
        %dma_start3A_283 = tpu.memref_slice %arg8[%dma_start3A_281, %dma_start3A_282] : memref<2x64xi32, #tpu.memory_space<vmem>> -> memref<1x64xi32, #tpu.memory_space<vmem>>
        %dma_start3A_284 = tpu.memref_squeeze %dma_start3A_283 : memref<1x64xi32, #tpu.memory_space<vmem>> -> memref<64xi32, #tpu.memory_space<vmem>>
        %dma_start3A_285 = tpu.memref_slice %arg4[%mul3A_280] : memref<320000xi32, #tpu.memory_space<hbm>> -> memref<64xi32, #tpu.memory_space<hbm>>
        %dma_start3A_286 = arith.constant 0 : i32
        %dma_start3A_287 = tpu.memref_slice %arg8[%dma_start3A_281, %dma_start3A_286] : memref<2x64xi32, #tpu.memory_space<vmem>> -> memref<1x64xi32, #tpu.memory_space<vmem>>
        %dma_start3A_288 = tpu.memref_squeeze %dma_start3A_287 : memref<1x64xi32, #tpu.memory_space<vmem>> -> memref<64xi32, #tpu.memory_space<vmem>>
        %dma_start3A_289 = tpu.memref_slice %arg4[%mul3A_280] : memref<320000xi32, #tpu.memory_space<hbm>> -> memref<64xi32, #tpu.memory_space<hbm>>
        tpu.enqueue_dma source(%dma_start3A_289 : memref<64xi32, #tpu.memory_space<hbm>>) target(%dma_start3A_288 : memref<64xi32, #tpu.memory_space<vmem>>) target_semaphore(%arg18 : memref<!tpu.dma_semaphore, #tpu.memory_space<semaphore_mem>>)
        %dma_start3A_290 = arith.constant 1 : i32
        %dma_start3A_291 = arith.constant 0 : i32
        %dma_start3A_292 = tpu.memref_slice %arg9[%dma_start3A_290, %dma_start3A_291] : memref<2x64xi32, #tpu.memory_space<vmem>> -> memref<1x64xi32, #tpu.memory_space<vmem>>
        %dma_start3A_293 = tpu.memref_squeeze %dma_start3A_292 : memref<1x64xi32, #tpu.memory_space<vmem>> -> memref<64xi32, #tpu.memory_space<vmem>>
        %dma_start3A_294 = tpu.memref_slice %arg5[%mul3A_280] : memref<320000xi32, #tpu.memory_space<hbm>> -> memref<64xi32, #tpu.memory_space<hbm>>
        %dma_start3A_295 = arith.constant 0 : i32
        %dma_start3A_296 = tpu.memref_slice %arg9[%dma_start3A_290, %dma_start3A_295] : memref<2x64xi32, #tpu.memory_space<vmem>> -> memref<1x64xi32, #tpu.memory_space<vmem>>
        %dma_start3A_297 = tpu.memref_squeeze %dma_start3A_296 : memref<1x64xi32, #tpu.memory_space<vmem>> -> memref<64xi32, #tpu.memory_space<vmem>>
        %dma_start3A_298 = tpu.memref_slice %arg5[%mul3A_280] : memref<320000xi32, #tpu.memory_space<hbm>> -> memref<64xi32, #tpu.memory_space<hbm>>
        tpu.enqueue_dma source(%dma_start3A_298 : memref<64xi32, #tpu.memory_space<hbm>>) target(%dma_start3A_297 : memref<64xi32, #tpu.memory_space<vmem>>) target_semaphore(%arg18 : memref<!tpu.dma_semaphore, #tpu.memory_space<semaphore_mem>>)
      } else {
      }
      %ge3A_249 = arith.constant 1 : i32
      %ge3A_250 = arith.cmpi sge, %add3A_230, %ge3A_249 : i32
      %sub3A_251 = arith.constant 1 : i32
      %sub3A_252 = arith.subi %add3A_230, %sub3A_251 : i32
      %mul3A_253 = arith.constant 32 : i32
      %mul3A_254 = arith.muli %sub3A_252, %mul3A_253 : i32
      %add3A_255 = arith.addi %add3A, %mul3A_254 : i32
      %lt3A_256 = arith.constant 5000 : i32
      %lt3A_257 = arith.cmpi slt, %add3A_255, %lt3A_256 : i32
      %and3A_258 = arith.andi %ge3A_250, %lt3A_257 : i1
      %convert_element_type3A_259 = arith.extui %and3A_258 : i1 to i32
      %cond3A_260 = arith.constant 0 : i32
      %cond3A_261 = arith.cmpi ne, %convert_element_type3A_259, %cond3A_260 : i32
      scf.if %cond3A_261 {
        %dma_wait3A_276 = arith.constant 0 : i32
        %dma_wait3A_277 = arith.constant 0 : i32
        %dma_wait3A_278 = arith.constant 0 : i32
        %dma_wait3A_279 = tpu.memref_slice %arg11[%dma_wait3A_276, %dma_wait3A_277, %dma_wait3A_278] : memref<2x64x128xf32, #tpu.memory_space<vmem>> -> memref<1x64x128xf32, #tpu.memory_space<vmem>>
        %dma_wait3A_280 = tpu.memref_squeeze %dma_wait3A_279 : memref<1x64x128xf32, #tpu.memory_space<vmem>> -> memref<64x128xf32, #tpu.memory_space<vmem>>
        %dma_wait3A_281 = arith.constant 0 : i32
        %dma_wait3A_282 = arith.constant 0 : i32
        %dma_wait3A_283 = tpu.memref_slice %arg2[%dma_wait3A_281, %dma_wait3A_282] : memref<10000x128xf32, #tpu.memory_space<hbm>> -> memref<64x128xf32, #tpu.memory_space<hbm>>
        %dma_wait3A_284 = arith.constant 0 : i32
        %dma_wait3A_285 = arith.constant 0 : i32
        %dma_wait3A_286 = tpu.memref_slice %arg11[%dma_wait3A_276, %dma_wait3A_284, %dma_wait3A_285] : memref<2x64x128xf32, #tpu.memory_space<vmem>> -> memref<1x64x128xf32, #tpu.memory_space<vmem>>
        %dma_wait3A_287 = tpu.memref_squeeze %dma_wait3A_286 : memref<1x64x128xf32, #tpu.memory_space<vmem>> -> memref<64x128xf32, #tpu.memory_space<vmem>>
        %dma_wait3A_288 = arith.constant 0 : i32
        %dma_wait3A_289 = arith.constant 0 : i32
        %dma_wait3A_290 = tpu.memref_slice %arg2[%dma_wait3A_288, %dma_wait3A_289] : memref<10000x128xf32, #tpu.memory_space<hbm>> -> memref<64x128xf32, #tpu.memory_space<hbm>>
        tpu.wait_dma2 semaphore(%arg21 : memref<!tpu.dma_semaphore, #tpu.memory_space<semaphore_mem>>) src(%dma_wait3A_290 : memref<64x128xf32, #tpu.memory_space<hbm>>) dst(%dma_wait3A_287 : memref<64x128xf32, #tpu.memory_space<vmem>>)
      } else {
      }
      %add3A_262 = arith.constant 1 : i32
      %add3A_263 = arith.addi %add3A_230, %add3A_262 : i32
      %mul3A_264 = arith.constant 32 : i32
      %mul3A_265 = arith.muli %add3A_263, %mul3A_264 : i32
      %add3A_266 = arith.addi %add3A, %mul3A_265 : i32
      %lt3A_267 = arith.constant 5000 : i32
      %lt3A_268 = arith.cmpi slt, %add3A_266, %lt3A_267 : i32
      %convert_element_type3A_269 = arith.extui %lt3A_268 : i1 to i32
      %cond3A_270 = arith.constant 0 : i32
      %cond3A_271 = arith.cmpi ne, %convert_element_type3A_269, %cond3A_270 : i32
      scf.if %cond3A_271 {
        %dma_wait3A_276 = arith.constant 0 : i32
        %dma_wait3A_277 = arith.constant 0 : i32
        %dma_wait3A_278 = tpu.memref_slice %arg8[%dma_wait3A_276, %dma_wait3A_277] : memref<2x64xi32, #tpu.memory_space<vmem>> -> memref<1x64xi32, #tpu.memory_space<vmem>>
        %dma_wait3A_279 = tpu.memref_squeeze %dma_wait3A_278 : memref<1x64xi32, #tpu.memory_space<vmem>> -> memref<64xi32, #tpu.memory_space<vmem>>
        %dma_wait3A_280 = arith.constant 0 : i32
        %dma_wait3A_281 = tpu.memref_slice %arg4[%dma_wait3A_280] : memref<320000xi32, #tpu.memory_space<hbm>> -> memref<64xi32, #tpu.memory_space<hbm>>
        %dma_wait3A_282 = arith.constant 0 : i32
        %dma_wait3A_283 = tpu.memref_slice %arg8[%dma_wait3A_276, %dma_wait3A_282] : memref<2x64xi32, #tpu.memory_space<vmem>> -> memref<1x64xi32, #tpu.memory_space<vmem>>
        %dma_wait3A_284 = tpu.memref_squeeze %dma_wait3A_283 : memref<1x64xi32, #tpu.memory_space<vmem>> -> memref<64xi32, #tpu.memory_space<vmem>>
        %dma_wait3A_285 = arith.constant 0 : i32
        %dma_wait3A_286 = tpu.memref_slice %arg4[%dma_wait3A_285] : memref<320000xi32, #tpu.memory_space<hbm>> -> memref<64xi32, #tpu.memory_space<hbm>>
        tpu.wait_dma2 semaphore(%arg17 : memref<!tpu.dma_semaphore, #tpu.memory_space<semaphore_mem>>) src(%dma_wait3A_286 : memref<64xi32, #tpu.memory_space<hbm>>) dst(%dma_wait3A_284 : memref<64xi32, #tpu.memory_space<vmem>>)
        %dma_wait3A_287 = arith.constant 0 : i32
        %dma_wait3A_288 = arith.constant 0 : i32
        %dma_wait3A_289 = tpu.memref_slice %arg9[%dma_wait3A_287, %dma_wait3A_288] : memref<2x64xi32, #tpu.memory_space<vmem>> -> memref<1x64xi32, #tpu.memory_space<vmem>>
        %dma_wait3A_290 = tpu.memref_squeeze %dma_wait3A_289 : memref<1x64xi32, #tpu.memory_space<vmem>> -> memref<64xi32, #tpu.memory_space<vmem>>
        %dma_wait3A_291 = arith.constant 0 : i32
        %dma_wait3A_292 = tpu.memref_slice %arg5[%dma_wait3A_291] : memref<320000xi32, #tpu.memory_space<hbm>> -> memref<64xi32, #tpu.memory_space<hbm>>
        %dma_wait3A_293 = arith.constant 0 : i32
        %dma_wait3A_294 = tpu.memref_slice %arg9[%dma_wait3A_287, %dma_wait3A_293] : memref<2x64xi32, #tpu.memory_space<vmem>> -> memref<1x64xi32, #tpu.memory_space<vmem>>
        %dma_wait3A_295 = tpu.memref_squeeze %dma_wait3A_294 : memref<1x64xi32, #tpu.memory_space<vmem>> -> memref<64xi32, #tpu.memory_space<vmem>>
        %dma_wait3A_296 = arith.constant 0 : i32
        %dma_wait3A_297 = tpu.memref_slice %arg5[%dma_wait3A_296] : memref<320000xi32, #tpu.memory_space<hbm>> -> memref<64xi32, #tpu.memory_space<hbm>>
        tpu.wait_dma2 semaphore(%arg17 : memref<!tpu.dma_semaphore, #tpu.memory_space<semaphore_mem>>) src(%dma_wait3A_297 : memref<64xi32, #tpu.memory_space<hbm>>) dst(%dma_wait3A_295 : memref<64xi32, #tpu.memory_space<vmem>>)
        %dma_start3A_298 = arith.constant 0 : i32
        %dma_start3A_299 = arith.constant 0 : i32
        %dma_start3A_300 = arith.constant 0 : i32
        %dma_start3A_301 = arith.constant 0 : i32
        %dma_start3A_302 = tpu.memref_slice %arg11[%dma_start3A_299, %dma_start3A_300, %dma_start3A_301] : memref<2x64x128xf32, #tpu.memory_space<vmem>> -> memref<1x64x128xf32, #tpu.memory_space<vmem>>
        %dma_start3A_303 = tpu.memref_squeeze %dma_start3A_302 : memref<1x64x128xf32, #tpu.memory_space<vmem>> -> memref<64x128xf32, #tpu.memory_space<vmem>>
        %dma_start3A_304 = arith.constant 0 : i32
        %dma_start3A_305 = tpu.memref_slice %arg9[%dma_start3A_298, %dma_start3A_304] : memref<2x64xi32, #tpu.memory_space<vmem>> -> memref<1x64xi32, #tpu.memory_space<vmem>>
        %dma_start3A_306 = tpu.memref_squeeze %dma_start3A_305 : memref<1x64xi32, #tpu.memory_space<vmem>> -> memref<64xi32, #tpu.memory_space<vmem>>
        %dma_start3A_307 = arith.constant 0 : i32
        %dma_start3A_308 = arith.constant 0 : i32
        %dma_start3A_309 = tpu.memref_slice %arg2[%dma_start3A_307, %dma_start3A_308] : memref<10000x128xf32, #tpu.memory_space<hbm>> -> memref<10000x128xf32, #tpu.memory_space<hbm>>
        tpu.enqueue_indirect_dma source(%dma_start3A_309 : memref<10000x128xf32, #tpu.memory_space<hbm>>) target(%dma_start3A_303 : memref<64x128xf32, #tpu.memory_space<vmem>>) offsets(%dma_start3A_306 : memref<64xi32, #tpu.memory_space<vmem>>) semaphore(%arg19 : memref<!tpu.dma_semaphore, #tpu.memory_space<semaphore_mem>>)
        %dma_start3A_310 = arith.constant 0 : i32
        %dma_start3A_311 = arith.constant 0 : i32
        %dma_start3A_312 = arith.constant 0 : i32
        %dma_start3A_313 = arith.constant 0 : i32
        %dma_start3A_314 = tpu.memref_slice %arg12[%dma_start3A_311, %dma_start3A_312, %dma_start3A_313] : memref<2x64x128xf32, #tpu.memory_space<vmem>> -> memref<1x64x128xf32, #tpu.memory_space<vmem>>
        %dma_start3A_315 = tpu.memref_squeeze %dma_start3A_314 : memref<1x64x128xf32, #tpu.memory_space<vmem>> -> memref<64x128xf32, #tpu.memory_space<vmem>>
        %dma_start3A_316 = arith.constant 0 : i32
        %dma_start3A_317 = tpu.memref_slice %arg8[%dma_start3A_310, %dma_start3A_316] : memref<2x64xi32, #tpu.memory_space<vmem>> -> memref<1x64xi32, #tpu.memory_space<vmem>>
        %dma_start3A_318 = tpu.memref_squeeze %dma_start3A_317 : memref<1x64xi32, #tpu.memory_space<vmem>> -> memref<64xi32, #tpu.memory_space<vmem>>
        %dma_start3A_319 = arith.constant 0 : i32
        %dma_start3A_320 = arith.constant 0 : i32
        %dma_start3A_321 = tpu.memref_slice %arg3[%dma_start3A_319, %dma_start3A_320] : memref<10000x128xf32, #tpu.memory_space<hbm>> -> memref<10000x128xf32, #tpu.memory_space<hbm>>
        tpu.enqueue_indirect_dma source(%dma_start3A_321 : memref<10000x128xf32, #tpu.memory_space<hbm>>) target(%dma_start3A_315 : memref<64x128xf32, #tpu.memory_space<vmem>>) offsets(%dma_start3A_318 : memref<64xi32, #tpu.memory_space<vmem>>) semaphore(%arg19 : memref<!tpu.dma_semaphore, #tpu.memory_space<semaphore_mem>>)
      } else {
      }
      %convert_element_type3A_272 = arith.extui %lt3A_235 : i1 to i32
      %cond3A_273 = arith.constant 0 : i32
      %cond3A_274 = arith.cmpi ne, %convert_element_type3A_272, %cond3A_273 : i32
      scf.if %cond3A_274 {
        %scan3A_276 = arith.constant 0 : i32
        %scan3A_277 = arith.constant 0 : i32
        %scan3A_278 = arith.constant 4 : i32
        %scan3A_279 = arith.addi %scan3A_277, %scan3A_278 : i32
        %scan3A_280 = arith.constant 1 : i32
        %scan3A_281 = scf.for %scan3A_297 = %scan3A_277 to %scan3A_279 step %scan3A_280 iter_args(%scan3A_298 = %scan3A_276) -> (i32)  : i32 {
          %mul3A_299 = arith.constant 16 : i32
          %mul3A_300 = arith.muli %scan3A_297, %mul3A_299 : i32
          %get3A = arith.constant 1 : i32
          %get3A_301 = arith.index_cast %get3A : i32 to index
          %get3A_302 = arith.index_cast %mul3A_300 : i32 to index
          %get3A_303 = tpu.vector_load %arg10[%get3A_301, %get3A_302] {strides = array<i32>} : memref<2x64xi32, #tpu.memory_space<vmem>>, vector<1x16xi32>,
          %get3A_304 = vector.shape_cast %get3A_303 : vector<1x16xi32> to vector<16xi32>
          %slice3A = vector.extract_strided_slice %get3A_304 {offsets = [0], sizes = [1], strides = [1]} : vector<16xi32> to vector<1xi32>
          %squeeze3A = vector.extract %slice3A[0] : i32 from vector<1xi32>
          %shift_right_logical3A = arith.constant 7 : i32
          %shift_right_logical3A_305 = arith.shrui %squeeze3A, %shift_right_logical3A : i32
          %and3A_306 = arith.constant 112 : i32
          %and3A_307 = arith.andi %squeeze3A, %and3A_306 : i32
          %and3A_308 = arith.constant 15 : i32
          %and3A_309 = arith.andi %squeeze3A, %and3A_308 : i32
          %get3A_310 = arith.index_cast %shift_right_logical3A_305 : i32 to index
          %get3A_311 = arith.index_cast %and3A_307 : i32 to index
          %get3A_312 = tpu.vector_load %arg14[%get3A_310, %get3A_311] {strides = array<i32>} : memref<80x128xf32, #tpu.memory_space<vmem>>, vector<1x16xf32>,
          %get3A_313 = vector.shape_cast %get3A_312 : vector<1x16xf32> to vector<16xf32>
          %eq3A_314 = vector.broadcast %and3A_309 : i32 to vector<16xi32>
          %eq3A_315 = arith.cmpi eq, %iota3A, %eq3A_314 : vector<16xi32>
          %select_n3A = arith.select %eq3A_315, %broadcast_in_dim3A_3, %broadcast_in_dim3A_1 : vector<16xi1>, vector<16xf32>
          %add3A_316 = arith.addf %get3A_313, %select_n3A : vector<16xf32>
          %swap3A_317 = arith.index_cast %shift_right_logical3A_305 : i32 to index
          %swap3A_318 = arith.index_cast %and3A_307 : i32 to index
          %swap3A_319 = tpu.vector_load %arg14[%swap3A_317, %swap3A_318] {strides = array<i32>} : memref<80x128xf32, #tpu.memory_space<vmem>>, vector<1x16xf32>,
          %swap3A_320 = vector.shape_cast %swap3A_319 : vector<1x16xf32> to vector<16xf32>
          %swap3A_321 = vector.shape_cast %add3A_316 : vector<16xf32> to vector<1x16xf32>
          tpu.vector_store %arg14[%swap3A_317, %swap3A_318], %swap3A_321 {strides = array<i32>} : memref<80x128xf32, #tpu.memory_space<vmem>>, vector<1x16xf32>,
          %slice3A_322 = vector.extract_strided_slice %get3A_304 {offsets = [1], sizes = [1], strides = [1]} : vector<16xi32> to vector<1xi32>
          %squeeze3A_323 = vector.extract %slice3A_322[0] : i32 from vector<1xi32>
          %shift_right_logical3A_324 = arith.constant 7 : i32
          %shift_right_logical3A_325 = arith.shrui %squeeze3A_323, %shift_right_logical3A_324 : i32
          %and3A_326 = arith.constant 112 : i32
          %and3A_327 = arith.andi %squeeze3A_323, %and3A_326 : i32
          %and3A_328 = arith.constant 15 : i32
          %and3A_329 = arith.andi %squeeze3A_323, %and3A_328 : i32
          %get3A_330 = arith.index_cast %shift_right_logical3A_325 : i32 to index
          %get3A_331 = arith.index_cast %and3A_327 : i32 to index
          %get3A_332 = tpu.vector_load %arg14[%get3A_330, %get3A_331] {strides = array<i32>} : memref<80x128xf32, #tpu.memory_space<vmem>>, vector<1x16xf32>,
          %get3A_333 = vector.shape_cast %get3A_332 : vector<1x16xf32> to vector<16xf32>
          %eq3A_334 = vector.broadcast %and3A_329 : i32 to vector<16xi32>
          %eq3A_335 = arith.cmpi eq, %iota3A, %eq3A_334 : vector<16xi32>
          %select_n3A_336 = arith.select %eq3A_335, %broadcast_in_dim3A_3, %broadcast_in_dim3A_1 : vector<16xi1>, vector<16xf32>
          %add3A_337 = arith.addf %get3A_333, %select_n3A_336 : vector<16xf32>
          %swap3A_338 = arith.index_cast %shift_right_logical3A_325 : i32 to index
          %swap3A_339 = arith.index_cast %and3A_327 : i32 to index
          %swap3A_340 = tpu.vector_load %arg14[%swap3A_338, %swap3A_339] {strides = array<i32>} : memref<80x128xf32, #tpu.memory_space<vmem>>, vector<1x16xf32>,
          %swap3A_341 = vector.shape_cast %swap3A_340 : vector<1x16xf32> to vector<16xf32>
          %swap3A_342 = vector.shape_cast %add3A_337 : vector<16xf32> to vector<1x16xf32>
          tpu.vector_store %arg14[%swap3A_338, %swap3A_339], %swap3A_342 {strides = array<i32>} : memref<80x128xf32, #tpu.memory_space<vmem>>, vector<1x16xf32>,
          %slice3A_343 = vector.extract_strided_slice %get3A_304 {offsets = [2], sizes = [1], strides = [1]} : vector<16xi32> to vector<1xi32>
          %squeeze3A_344 = vector.extract %slice3A_343[0] : i32 from vector<1xi32>
          %shift_right_logical3A_345 = arith.constant 7 : i32
          %shift_right_logical3A_346 = arith.shrui %squeeze3A_344, %shift_right_logical3A_345 : i32
          %and3A_347 = arith.constant 112 : i32
          %and3A_348 = arith.andi %squeeze3A_344, %and3A_347 : i32
          %and3A_349 = arith.constant 15 : i32
          %and3A_350 = arith.andi %squeeze3A_344, %and3A_349 : i32
          %get3A_351 = arith.index_cast %shift_right_logical3A_346 : i32 to index
          %get3A_352 = arith.index_cast %and3A_348 : i32 to index
          %get3A_353 = tpu.vector_load %arg14[%get3A_351, %get3A_352] {strides = array<i32>} : memref<80x128xf32, #tpu.memory_space<vmem>>, vector<1x16xf32>,
          %get3A_354 = vector.shape_cast %get3A_353 : vector<1x16xf32> to vector<16xf32>
          %eq3A_355 = vector.broadcast %and3A_350 : i32 to vector<16xi32>
          %eq3A_356 = arith.cmpi eq, %iota3A, %eq3A_355 : vector<16xi32>
          %select_n3A_357 = arith.select %eq3A_356, %broadcast_in_dim3A_3, %broadcast_in_dim3A_1 : vector<16xi1>, vector<16xf32>
          %add3A_358 = arith.addf %get3A_354, %select_n3A_357 : vector<16xf32>
          %swap3A_359 = arith.index_cast %shift_right_logical3A_346 : i32 to index
          %swap3A_360 = arith.index_cast %and3A_348 : i32 to index
          %swap3A_361 = tpu.vector_load %arg14[%swap3A_359, %swap3A_360] {strides = array<i32>} : memref<80x128xf32, #tpu.memory_space<vmem>>, vector<1x16xf32>,
          %swap3A_362 = vector.shape_cast %swap3A_361 : vector<1x16xf32> to vector<16xf32>
          %swap3A_363 = vector.shape_cast %add3A_358 : vector<16xf32> to vector<1x16xf32>
          tpu.vector_store %arg14[%swap3A_359, %swap3A_360], %swap3A_363 {strides = array<i32>} : memref<80x128xf32, #tpu.memory_space<vmem>>, vector<1x16xf32>,
          %slice3A_364 = vector.extract_strided_slice %get3A_304 {offsets = [3], sizes = [1], strides = [1]} : vector<16xi32> to vector<1xi32>
          %squeeze3A_365 = vector.extract %slice3A_364[0] : i32 from vector<1xi32>
          %shift_right_logical3A_366 = arith.constant 7 : i32
          %shift_right_logical3A_367 = arith.shrui %squeeze3A_365, %shift_right_logical3A_366 : i32
          %and3A_368 = arith.constant 112 : i32
          %and3A_369 = arith.andi %squeeze3A_365, %and3A_368 : i32
          %and3A_370 = arith.constant 15 : i32
          %and3A_371 = arith.andi %squeeze3A_365, %and3A_370 : i32
          %get3A_372 = arith.index_cast %shift_right_logical3A_367 : i32 to index
          %get3A_373 = arith.index_cast %and3A_369 : i32 to index
          %get3A_374 = tpu.vector_load %arg14[%get3A_372, %get3A_373] {strides = array<i32>} : memref<80x128xf32, #tpu.memory_space<vmem>>, vector<1x16xf32>,
          %get3A_375 = vector.shape_cast %get3A_374 : vector<1x16xf32> to vector<16xf32>
          %eq3A_376 = vector.broadcast %and3A_371 : i32 to vector<16xi32>
          %eq3A_377 = arith.cmpi eq, %iota3A, %eq3A_376 : vector<16xi32>
          %select_n3A_378 = arith.select %eq3A_377, %broadcast_in_dim3A_3, %broadcast_in_dim3A_1 : vector<16xi1>, vector<16xf32>
          %add3A_379 = arith.addf %get3A_375, %select_n3A_378 : vector<16xf32>
          %swap3A_380 = arith.index_cast %shift_right_logical3A_367 : i32 to index
          %swap3A_381 = arith.index_cast %and3A_369 : i32 to index
          %swap3A_382 = tpu.vector_load %arg14[%swap3A_380, %swap3A_381] {strides = array<i32>} : memref<80x128xf32, #tpu.memory_space<vmem>>, vector<1x16xf32>,
          %swap3A_383 = vector.shape_cast %swap3A_382 : vector<1x16xf32> to vector<16xf32>
          %swap3A_384 = vector.shape_cast %add3A_379 : vector<16xf32> to vector<1x16xf32>
          tpu.vector_store %arg14[%swap3A_380, %swap3A_381], %swap3A_384 {strides = array<i32>} : memref<80x128xf32, #tpu.memory_space<vmem>>, vector<1x16xf32>,
          %slice3A_385 = vector.extract_strided_slice %get3A_304 {offsets = [4], sizes = [1], strides = [1]} : vector<16xi32> to vector<1xi32>
          %squeeze3A_386 = vector.extract %slice3A_385[0] : i32 from vector<1xi32>
          %shift_right_logical3A_387 = arith.constant 7 : i32
          %shift_right_logical3A_388 = arith.shrui %squeeze3A_386, %shift_right_logical3A_387 : i32
          %and3A_389 = arith.constant 112 : i32
          %and3A_390 = arith.andi %squeeze3A_386, %and3A_389 : i32
          %and3A_391 = arith.constant 15 : i32
          %and3A_392 = arith.andi %squeeze3A_386, %and3A_391 : i32
          %get3A_393 = arith.index_cast %shift_right_logical3A_388 : i32 to index
          %get3A_394 = arith.index_cast %and3A_390 : i32 to index
          %get3A_395 = tpu.vector_load %arg14[%get3A_393, %get3A_394] {strides = array<i32>} : memref<80x128xf32, #tpu.memory_space<vmem>>, vector<1x16xf32>,
          %get3A_396 = vector.shape_cast %get3A_395 : vector<1x16xf32> to vector<16xf32>
          %eq3A_397 = vector.broadcast %and3A_392 : i32 to vector<16xi32>
          %eq3A_398 = arith.cmpi eq, %iota3A, %eq3A_397 : vector<16xi32>
          %select_n3A_399 = arith.select %eq3A_398, %broadcast_in_dim3A_3, %broadcast_in_dim3A_1 : vector<16xi1>, vector<16xf32>
          %add3A_400 = arith.addf %get3A_396, %select_n3A_399 : vector<16xf32>
          %swap3A_401 = arith.index_cast %shift_right_logical3A_388 : i32 to index
          %swap3A_402 = arith.index_cast %and3A_390 : i32 to index
          %swap3A_403 = tpu.vector_load %arg14[%swap3A_401, %swap3A_402] {strides = array<i32>} : memref<80x128xf32, #tpu.memory_space<vmem>>, vector<1x16xf32>,
          %swap3A_404 = vector.shape_cast %swap3A_403 : vector<1x16xf32> to vector<16xf32>
          %swap3A_405 = vector.shape_cast %add3A_400 : vector<16xf32> to vector<1x16xf32>
          tpu.vector_store %arg14[%swap3A_401, %swap3A_402], %swap3A_405 {strides = array<i32>} : memref<80x128xf32, #tpu.memory_space<vmem>>, vector<1x16xf32>,
          %slice3A_406 = vector.extract_strided_slice %get3A_304 {offsets = [5], sizes = [1], strides = [1]} : vector<16xi32> to vector<1xi32>
          %squeeze3A_407 = vector.extract %slice3A_406[0] : i32 from vector<1xi32>
          %shift_right_logical3A_408 = arith.constant 7 : i32
          %shift_right_logical3A_409 = arith.shrui %squeeze3A_407, %shift_right_logical3A_408 : i32
          %and3A_410 = arith.constant 112 : i32
          %and3A_411 = arith.andi %squeeze3A_407, %and3A_410 : i32
          %and3A_412 = arith.constant 15 : i32
          %and3A_413 = arith.andi %squeeze3A_407, %and3A_412 : i32
          %get3A_414 = arith.index_cast %shift_right_logical3A_409 : i32 to index
          %get3A_415 = arith.index_cast %and3A_411 : i32 to index
          %get3A_416 = tpu.vector_load %arg14[%get3A_414, %get3A_415] {strides = array<i32>} : memref<80x128xf32, #tpu.memory_space<vmem>>, vector<1x16xf32>,
          %get3A_417 = vector.shape_cast %get3A_416 : vector<1x16xf32> to vector<16xf32>
          %eq3A_418 = vector.broadcast %and3A_413 : i32 to vector<16xi32>
          %eq3A_419 = arith.cmpi eq, %iota3A, %eq3A_418 : vector<16xi32>
          %select_n3A_420 = arith.select %eq3A_419, %broadcast_in_dim3A_3, %broadcast_in_dim3A_1 : vector<16xi1>, vector<16xf32>
          %add3A_421 = arith.addf %get3A_417, %select_n3A_420 : vector<16xf32>
          %swap3A_422 = arith.index_cast %shift_right_logical3A_409 : i32 to index
          %swap3A_423 = arith.index_cast %and3A_411 : i32 to index
          %swap3A_424 = tpu.vector_load %arg14[%swap3A_422, %swap3A_423] {strides = array<i32>} : memref<80x128xf32, #tpu.memory_space<vmem>>, vector<1x16xf32>,
          %swap3A_425 = vector.shape_cast %swap3A_424 : vector<1x16xf32> to vector<16xf32>
          %swap3A_426 = vector.shape_cast %add3A_421 : vector<16xf32> to vector<1x16xf32>
          tpu.vector_store %arg14[%swap3A_422, %swap3A_423], %swap3A_426 {strides = array<i32>} : memref<80x128xf32, #tpu.memory_space<vmem>>, vector<1x16xf32>,
          %slice3A_427 = vector.extract_strided_slice %get3A_304 {offsets = [6], sizes = [1], strides = [1]} : vector<16xi32> to vector<1xi32>
          %squeeze3A_428 = vector.extract %slice3A_427[0] : i32 from vector<1xi32>
          %shift_right_logical3A_429 = arith.constant 7 : i32
          %shift_right_logical3A_430 = arith.shrui %squeeze3A_428, %shift_right_logical3A_429 : i32
          %and3A_431 = arith.constant 112 : i32
          %and3A_432 = arith.andi %squeeze3A_428, %and3A_431 : i32
          %and3A_433 = arith.constant 15 : i32
          %and3A_434 = arith.andi %squeeze3A_428, %and3A_433 : i32
          %get3A_435 = arith.index_cast %shift_right_logical3A_430 : i32 to index
          %get3A_436 = arith.index_cast %and3A_432 : i32 to index
          %get3A_437 = tpu.vector_load %arg14[%get3A_435, %get3A_436] {strides = array<i32>} : memref<80x128xf32, #tpu.memory_space<vmem>>, vector<1x16xf32>,
          %get3A_438 = vector.shape_cast %get3A_437 : vector<1x16xf32> to vector<16xf32>
          %eq3A_439 = vector.broadcast %and3A_434 : i32 to vector<16xi32>
          %eq3A_440 = arith.cmpi eq, %iota3A, %eq3A_439 : vector<16xi32>
          %select_n3A_441 = arith.select %eq3A_440, %broadcast_in_dim3A_3, %broadcast_in_dim3A_1 : vector<16xi1>, vector<16xf32>
          %add3A_442 = arith.addf %get3A_438, %select_n3A_441 : vector<16xf32>
          %swap3A_443 = arith.index_cast %shift_right_logical3A_430 : i32 to index
          %swap3A_444 = arith.index_cast %and3A_432 : i32 to index
          %swap3A_445 = tpu.vector_load %arg14[%swap3A_443, %swap3A_444] {strides = array<i32>} : memref<80x128xf32, #tpu.memory_space<vmem>>, vector<1x16xf32>,
          %swap3A_446 = vector.shape_cast %swap3A_445 : vector<1x16xf32> to vector<16xf32>
          %swap3A_447 = vector.shape_cast %add3A_442 : vector<16xf32> to vector<1x16xf32>
          tpu.vector_store %arg14[%swap3A_443, %swap3A_444], %swap3A_447 {strides = array<i32>} : memref<80x128xf32, #tpu.memory_space<vmem>>, vector<1x16xf32>,
          %slice3A_448 = vector.extract_strided_slice %get3A_304 {offsets = [7], sizes = [1], strides = [1]} : vector<16xi32> to vector<1xi32>
          %squeeze3A_449 = vector.extract %slice3A_448[0] : i32 from vector<1xi32>
          %shift_right_logical3A_450 = arith.constant 7 : i32
          %shift_right_logical3A_451 = arith.shrui %squeeze3A_449, %shift_right_logical3A_450 : i32
          %and3A_452 = arith.constant 112 : i32
          %and3A_453 = arith.andi %squeeze3A_449, %and3A_452 : i32
          %and3A_454 = arith.constant 15 : i32
          %and3A_455 = arith.andi %squeeze3A_449, %and3A_454 : i32
          %get3A_456 = arith.index_cast %shift_right_logical3A_451 : i32 to index
          %get3A_457 = arith.index_cast %and3A_453 : i32 to index
          %get3A_458 = tpu.vector_load %arg14[%get3A_456, %get3A_457] {strides = array<i32>} : memref<80x128xf32, #tpu.memory_space<vmem>>, vector<1x16xf32>,
          %get3A_459 = vector.shape_cast %get3A_458 : vector<1x16xf32> to vector<16xf32>
          %eq3A_460 = vector.broadcast %and3A_455 : i32 to vector<16xi32>
          %eq3A_461 = arith.cmpi eq, %iota3A, %eq3A_460 : vector<16xi32>
          %select_n3A_462 = arith.select %eq3A_461, %broadcast_in_dim3A_3, %broadcast_in_dim3A_1 : vector<16xi1>, vector<16xf32>
          %add3A_463 = arith.addf %get3A_459, %select_n3A_462 : vector<16xf32>
          %swap3A_464 = arith.index_cast %shift_right_logical3A_451 : i32 to index
          %swap3A_465 = arith.index_cast %and3A_453 : i32 to index
          %swap3A_466 = tpu.vector_load %arg14[%swap3A_464, %swap3A_465] {strides = array<i32>} : memref<80x128xf32, #tpu.memory_space<vmem>>, vector<1x16xf32>,
          %swap3A_467 = vector.shape_cast %swap3A_466 : vector<1x16xf32> to vector<16xf32>
          %swap3A_468 = vector.shape_cast %add3A_463 : vector<16xf32> to vector<1x16xf32>
          tpu.vector_store %arg14[%swap3A_464, %swap3A_465], %swap3A_468 {strides = array<i32>} : memref<80x128xf32, #tpu.memory_space<vmem>>, vector<1x16xf32>,
          %slice3A_469 = vector.extract_strided_slice %get3A_304 {offsets = [8], sizes = [1], strides = [1]} : vector<16xi32> to vector<1xi32>
          %squeeze3A_470 = vector.extract %slice3A_469[0] : i32 from vector<1xi32>
          %shift_right_logical3A_471 = arith.constant 7 : i32
          %shift_right_logical3A_472 = arith.shrui %squeeze3A_470, %shift_right_logical3A_471 : i32
          %and3A_473 = arith.constant 112 : i32
          %and3A_474 = arith.andi %squeeze3A_470, %and3A_473 : i32
          %and3A_475 = arith.constant 15 : i32
          %and3A_476 = arith.andi %squeeze3A_470, %and3A_475 : i32
          %get3A_477 = arith.index_cast %shift_right_logical3A_472 : i32 to index
          %get3A_478 = arith.index_cast %and3A_474 : i32 to index
          %get3A_479 = tpu.vector_load %arg14[%get3A_477, %get3A_478] {strides = array<i32>} : memref<80x128xf32, #tpu.memory_space<vmem>>, vector<1x16xf32>,
          %get3A_480 = vector.shape_cast %get3A_479 : vector<1x16xf32> to vector<16xf32>
          %eq3A_481 = vector.broadcast %and3A_476 : i32 to vector<16xi32>
          %eq3A_482 = arith.cmpi eq, %iota3A, %eq3A_481 : vector<16xi32>
          %select_n3A_483 = arith.select %eq3A_482, %broadcast_in_dim3A_3, %broadcast_in_dim3A_1 : vector<16xi1>, vector<16xf32>
          %add3A_484 = arith.addf %get3A_480, %select_n3A_483 : vector<16xf32>
          %swap3A_485 = arith.index_cast %shift_right_logical3A_472 : i32 to index
          %swap3A_486 = arith.index_cast %and3A_474 : i32 to index
          %swap3A_487 = tpu.vector_load %arg14[%swap3A_485, %swap3A_486] {strides = array<i32>} : memref<80x128xf32, #tpu.memory_space<vmem>>, vector<1x16xf32>,
          %swap3A_488 = vector.shape_cast %swap3A_487 : vector<1x16xf32> to vector<16xf32>
          %swap3A_489 = vector.shape_cast %add3A_484 : vector<16xf32> to vector<1x16xf32>
          tpu.vector_store %arg14[%swap3A_485, %swap3A_486], %swap3A_489 {strides = array<i32>} : memref<80x128xf32, #tpu.memory_space<vmem>>, vector<1x16xf32>,
          %slice3A_490 = vector.extract_strided_slice %get3A_304 {offsets = [9], sizes = [1], strides = [1]} : vector<16xi32> to vector<1xi32>
          %squeeze3A_491 = vector.extract %slice3A_490[0] : i32 from vector<1xi32>
          %shift_right_logical3A_492 = arith.constant 7 : i32
          %shift_right_logical3A_493 = arith.shrui %squeeze3A_491, %shift_right_logical3A_492 : i32
          %and3A_494 = arith.constant 112 : i32
          %and3A_495 = arith.andi %squeeze3A_491, %and3A_494 : i32
          %and3A_496 = arith.constant 15 : i32
          %and3A_497 = arith.andi %squeeze3A_491, %and3A_496 : i32
          %get3A_498 = arith.index_cast %shift_right_logical3A_493 : i32 to index
          %get3A_499 = arith.index_cast %and3A_495 : i32 to index
          %get3A_500 = tpu.vector_load %arg14[%get3A_498, %get3A_499] {strides = array<i32>} : memref<80x128xf32, #tpu.memory_space<vmem>>, vector<1x16xf32>,
          %get3A_501 = vector.shape_cast %get3A_500 : vector<1x16xf32> to vector<16xf32>
          %eq3A_502 = vector.broadcast %and3A_497 : i32 to vector<16xi32>
          %eq3A_503 = arith.cmpi eq, %iota3A, %eq3A_502 : vector<16xi32>
          %select_n3A_504 = arith.select %eq3A_503, %broadcast_in_dim3A_3, %broadcast_in_dim3A_1 : vector<16xi1>, vector<16xf32>
          %add3A_505 = arith.addf %get3A_501, %select_n3A_504 : vector<16xf32>
          %swap3A_506 = arith.index_cast %shift_right_logical3A_493 : i32 to index
          %swap3A_507 = arith.index_cast %and3A_495 : i32 to index
          %swap3A_508 = tpu.vector_load %arg14[%swap3A_506, %swap3A_507] {strides = array<i32>} : memref<80x128xf32, #tpu.memory_space<vmem>>, vector<1x16xf32>,
          %swap3A_509 = vector.shape_cast %swap3A_508 : vector<1x16xf32> to vector<16xf32>
          %swap3A_510 = vector.shape_cast %add3A_505 : vector<16xf32> to vector<1x16xf32>
          tpu.vector_store %arg14[%swap3A_506, %swap3A_507], %swap3A_510 {strides = array<i32>} : memref<80x128xf32, #tpu.memory_space<vmem>>, vector<1x16xf32>,
          %slice3A_511 = vector.extract_strided_slice %get3A_304 {offsets = [10], sizes = [1], strides = [1]} : vector<16xi32> to vector<1xi32>
          %squeeze3A_512 = vector.extract %slice3A_511[0] : i32 from vector<1xi32>
          %shift_right_logical3A_513 = arith.constant 7 : i32
          %shift_right_logical3A_514 = arith.shrui %squeeze3A_512, %shift_right_logical3A_513 : i32
          %and3A_515 = arith.constant 112 : i32
          %and3A_516 = arith.andi %squeeze3A_512, %and3A_515 : i32
          %and3A_517 = arith.constant 15 : i32
          %and3A_518 = arith.andi %squeeze3A_512, %and3A_517 : i32
          %get3A_519 = arith.index_cast %shift_right_logical3A_514 : i32 to index
          %get3A_520 = arith.index_cast %and3A_516 : i32 to index
          %get3A_521 = tpu.vector_load %arg14[%get3A_519, %get3A_520] {strides = array<i32>} : memref<80x128xf32, #tpu.memory_space<vmem>>, vector<1x16xf32>,
          %get3A_522 = vector.shape_cast %get3A_521 : vector<1x16xf32> to vector<16xf32>
          %eq3A_523 = vector.broadcast %and3A_518 : i32 to vector<16xi32>
          %eq3A_524 = arith.cmpi eq, %iota3A, %eq3A_523 : vector<16xi32>
          %select_n3A_525 = arith.select %eq3A_524, %broadcast_in_dim3A_3, %broadcast_in_dim3A_1 : vector<16xi1>, vector<16xf32>
          %add3A_526 = arith.addf %get3A_522, %select_n3A_525 : vector<16xf32>
          %swap3A_527 = arith.index_cast %shift_right_logical3A_514 : i32 to index
          %swap3A_528 = arith.index_cast %and3A_516 : i32 to index
          %swap3A_529 = tpu.vector_load %arg14[%swap3A_527, %swap3A_528] {strides = array<i32>} : memref<80x128xf32, #tpu.memory_space<vmem>>, vector<1x16xf32>,
          %swap3A_530 = vector.shape_cast %swap3A_529 : vector<1x16xf32> to vector<16xf32>
          %swap3A_531 = vector.shape_cast %add3A_526 : vector<16xf32> to vector<1x16xf32>
          tpu.vector_store %arg14[%swap3A_527, %swap3A_528], %swap3A_531 {strides = array<i32>} : memref<80x128xf32, #tpu.memory_space<vmem>>, vector<1x16xf32>,
          %slice3A_532 = vector.extract_strided_slice %get3A_304 {offsets = [11], sizes = [1], strides = [1]} : vector<16xi32> to vector<1xi32>
          %squeeze3A_533 = vector.extract %slice3A_532[0] : i32 from vector<1xi32>
          %shift_right_logical3A_534 = arith.constant 7 : i32
          %shift_right_logical3A_535 = arith.shrui %squeeze3A_533, %shift_right_logical3A_534 : i32
          %and3A_536 = arith.constant 112 : i32
          %and3A_537 = arith.andi %squeeze3A_533, %and3A_536 : i32
          %and3A_538 = arith.constant 15 : i32
          %and3A_539 = arith.andi %squeeze3A_533, %and3A_538 : i32
          %get3A_540 = arith.index_cast %shift_right_logical3A_535 : i32 to index
          %get3A_541 = arith.index_cast %and3A_537 : i32 to index
          %get3A_542 = tpu.vector_load %arg14[%get3A_540, %get3A_541] {strides = array<i32>} : memref<80x128xf32, #tpu.memory_space<vmem>>, vector<1x16xf32>,
          %get3A_543 = vector.shape_cast %get3A_542 : vector<1x16xf32> to vector<16xf32>
          %eq3A_544 = vector.broadcast %and3A_539 : i32 to vector<16xi32>
          %eq3A_545 = arith.cmpi eq, %iota3A, %eq3A_544 : vector<16xi32>
          %select_n3A_546 = arith.select %eq3A_545, %broadcast_in_dim3A_3, %broadcast_in_dim3A_1 : vector<16xi1>, vector<16xf32>
          %add3A_547 = arith.addf %get3A_543, %select_n3A_546 : vector<16xf32>
          %swap3A_548 = arith.index_cast %shift_right_logical3A_535 : i32 to index
          %swap3A_549 = arith.index_cast %and3A_537 : i32 to index
          %swap3A_550 = tpu.vector_load %arg14[%swap3A_548, %swap3A_549] {strides = array<i32>} : memref<80x128xf32, #tpu.memory_space<vmem>>, vector<1x16xf32>,
          %swap3A_551 = vector.shape_cast %swap3A_550 : vector<1x16xf32> to vector<16xf32>
          %swap3A_552 = vector.shape_cast %add3A_547 : vector<16xf32> to vector<1x16xf32>
          tpu.vector_store %arg14[%swap3A_548, %swap3A_549], %swap3A_552 {strides = array<i32>} : memref<80x128xf32, #tpu.memory_space<vmem>>, vector<1x16xf32>,
          %slice3A_553 = vector.extract_strided_slice %get3A_304 {offsets = [12], sizes = [1], strides = [1]} : vector<16xi32> to vector<1xi32>
          %squeeze3A_554 = vector.extract %slice3A_553[0] : i32 from vector<1xi32>
          %shift_right_logical3A_555 = arith.constant 7 : i32
          %shift_right_logical3A_556 = arith.shrui %squeeze3A_554, %shift_right_logical3A_555 : i32
          %and3A_557 = arith.constant 112 : i32
          %and3A_558 = arith.andi %squeeze3A_554, %and3A_557 : i32
          %and3A_559 = arith.constant 15 : i32
          %and3A_560 = arith.andi %squeeze3A_554, %and3A_559 : i32
          %get3A_561 = arith.index_cast %shift_right_logical3A_556 : i32 to index
          %get3A_562 = arith.index_cast %and3A_558 : i32 to index
          %get3A_563 = tpu.vector_load %arg14[%get3A_561, %get3A_562] {strides = array<i32>} : memref<80x128xf32, #tpu.memory_space<vmem>>, vector<1x16xf32>,
          %get3A_564 = vector.shape_cast %get3A_563 : vector<1x16xf32> to vector<16xf32>
          %eq3A_565 = vector.broadcast %and3A_560 : i32 to vector<16xi32>
          %eq3A_566 = arith.cmpi eq, %iota3A, %eq3A_565 : vector<16xi32>
          %select_n3A_567 = arith.select %eq3A_566, %broadcast_in_dim3A_3, %broadcast_in_dim3A_1 : vector<16xi1>, vector<16xf32>
          %add3A_568 = arith.addf %get3A_564, %select_n3A_567 : vector<16xf32>
          %swap3A_569 = arith.index_cast %shift_right_logical3A_556 : i32 to index
          %swap3A_570 = arith.index_cast %and3A_558 : i32 to index
          %swap3A_571 = tpu.vector_load %arg14[%swap3A_569, %swap3A_570] {strides = array<i32>} : memref<80x128xf32, #tpu.memory_space<vmem>>, vector<1x16xf32>,
          %swap3A_572 = vector.shape_cast %swap3A_571 : vector<1x16xf32> to vector<16xf32>
          %swap3A_573 = vector.shape_cast %add3A_568 : vector<16xf32> to vector<1x16xf32>
          tpu.vector_store %arg14[%swap3A_569, %swap3A_570], %swap3A_573 {strides = array<i32>} : memref<80x128xf32, #tpu.memory_space<vmem>>, vector<1x16xf32>,
          %slice3A_574 = vector.extract_strided_slice %get3A_304 {offsets = [13], sizes = [1], strides = [1]} : vector<16xi32> to vector<1xi32>
          %squeeze3A_575 = vector.extract %slice3A_574[0] : i32 from vector<1xi32>
          %shift_right_logical3A_576 = arith.constant 7 : i32
          %shift_right_logical3A_577 = arith.shrui %squeeze3A_575, %shift_right_logical3A_576 : i32
          %and3A_578 = arith.constant 112 : i32
          %and3A_579 = arith.andi %squeeze3A_575, %and3A_578 : i32
          %and3A_580 = arith.constant 15 : i32
          %and3A_581 = arith.andi %squeeze3A_575, %and3A_580 : i32
          %get3A_582 = arith.index_cast %shift_right_logical3A_577 : i32 to index
          %get3A_583 = arith.index_cast %and3A_579 : i32 to index
          %get3A_584 = tpu.vector_load %arg14[%get3A_582, %get3A_583] {strides = array<i32>} : memref<80x128xf32, #tpu.memory_space<vmem>>, vector<1x16xf32>,
          %get3A_585 = vector.shape_cast %get3A_584 : vector<1x16xf32> to vector<16xf32>
          %eq3A_586 = vector.broadcast %and3A_581 : i32 to vector<16xi32>
          %eq3A_587 = arith.cmpi eq, %iota3A, %eq3A_586 : vector<16xi32>
          %select_n3A_588 = arith.select %eq3A_587, %broadcast_in_dim3A_3, %broadcast_in_dim3A_1 : vector<16xi1>, vector<16xf32>
          %add3A_589 = arith.addf %get3A_585, %select_n3A_588 : vector<16xf32>
          %swap3A_590 = arith.index_cast %shift_right_logical3A_577 : i32 to index
          %swap3A_591 = arith.index_cast %and3A_579 : i32 to index
          %swap3A_592 = tpu.vector_load %arg14[%swap3A_590, %swap3A_591] {strides = array<i32>} : memref<80x128xf32, #tpu.memory_space<vmem>>, vector<1x16xf32>,
          %swap3A_593 = vector.shape_cast %swap3A_592 : vector<1x16xf32> to vector<16xf32>
          %swap3A_594 = vector.shape_cast %add3A_589 : vector<16xf32> to vector<1x16xf32>
          tpu.vector_store %arg14[%swap3A_590, %swap3A_591], %swap3A_594 {strides = array<i32>} : memref<80x128xf32, #tpu.memory_space<vmem>>, vector<1x16xf32>,
          %slice3A_595 = vector.extract_strided_slice %get3A_304 {offsets = [14], sizes = [1], strides = [1]} : vector<16xi32> to vector<1xi32>
          %squeeze3A_596 = vector.extract %slice3A_595[0] : i32 from vector<1xi32>
          %shift_right_logical3A_597 = arith.constant 7 : i32
          %shift_right_logical3A_598 = arith.shrui %squeeze3A_596, %shift_right_logical3A_597 : i32
          %and3A_599 = arith.constant 112 : i32
          %and3A_600 = arith.andi %squeeze3A_596, %and3A_599 : i32
          %and3A_601 = arith.constant 15 : i32
          %and3A_602 = arith.andi %squeeze3A_596, %and3A_601 : i32
          %get3A_603 = arith.index_cast %shift_right_logical3A_598 : i32 to index
          %get3A_604 = arith.index_cast %and3A_600 : i32 to index
          %get3A_605 = tpu.vector_load %arg14[%get3A_603, %get3A_604] {strides = array<i32>} : memref<80x128xf32, #tpu.memory_space<vmem>>, vector<1x16xf32>,
          %get3A_606 = vector.shape_cast %get3A_605 : vector<1x16xf32> to vector<16xf32>
          %eq3A_607 = vector.broadcast %and3A_602 : i32 to vector<16xi32>
          %eq3A_608 = arith.cmpi eq, %iota3A, %eq3A_607 : vector<16xi32>
          %select_n3A_609 = arith.select %eq3A_608, %broadcast_in_dim3A_3, %broadcast_in_dim3A_1 : vector<16xi1>, vector<16xf32>
          %add3A_610 = arith.addf %get3A_606, %select_n3A_609 : vector<16xf32>
          %swap3A_611 = arith.index_cast %shift_right_logical3A_598 : i32 to index
          %swap3A_612 = arith.index_cast %and3A_600 : i32 to index
          %swap3A_613 = tpu.vector_load %arg14[%swap3A_611, %swap3A_612] {strides = array<i32>} : memref<80x128xf32, #tpu.memory_space<vmem>>, vector<1x16xf32>,
          %swap3A_614 = vector.shape_cast %swap3A_613 : vector<1x16xf32> to vector<16xf32>
          %swap3A_615 = vector.shape_cast %add3A_610 : vector<16xf32> to vector<1x16xf32>
          tpu.vector_store %arg14[%swap3A_611, %swap3A_612], %swap3A_615 {strides = array<i32>} : memref<80x128xf32, #tpu.memory_space<vmem>>, vector<1x16xf32>,
          %slice3A_616 = vector.extract_strided_slice %get3A_304 {offsets = [15], sizes = [1], strides = [1]} : vector<16xi32> to vector<1xi32>
          %squeeze3A_617 = vector.extract %slice3A_616[0] : i32 from vector<1xi32>
          %shift_right_logical3A_618 = arith.constant 7 : i32
          %shift_right_logical3A_619 = arith.shrui %squeeze3A_617, %shift_right_logical3A_618 : i32
          %and3A_620 = arith.constant 112 : i32
          %and3A_621 = arith.andi %squeeze3A_617, %and3A_620 : i32
          %and3A_622 = arith.constant 15 : i32
          %and3A_623 = arith.andi %squeeze3A_617, %and3A_622 : i32
          %get3A_624 = arith.index_cast %shift_right_logical3A_619 : i32 to index
          %get3A_625 = arith.index_cast %and3A_621 : i32 to index
          %get3A_626 = tpu.vector_load %arg14[%get3A_624, %get3A_625] {strides = array<i32>} : memref<80x128xf32, #tpu.memory_space<vmem>>, vector<1x16xf32>,
          %get3A_627 = vector.shape_cast %get3A_626 : vector<1x16xf32> to vector<16xf32>
          %eq3A_628 = vector.broadcast %and3A_623 : i32 to vector<16xi32>
          %eq3A_629 = arith.cmpi eq, %iota3A, %eq3A_628 : vector<16xi32>
          %select_n3A_630 = arith.select %eq3A_629, %broadcast_in_dim3A_3, %broadcast_in_dim3A_1 : vector<16xi1>, vector<16xf32>
          %add3A_631 = arith.addf %get3A_627, %select_n3A_630 : vector<16xf32>
          %swap3A_632 = arith.index_cast %shift_right_logical3A_619 : i32 to index
          %swap3A_633 = arith.index_cast %and3A_621 : i32 to index
          %swap3A_634 = tpu.vector_load %arg14[%swap3A_632, %swap3A_633] {strides = array<i32>} : memref<80x128xf32, #tpu.memory_space<vmem>>, vector<1x16xf32>,
          %swap3A_635 = vector.shape_cast %swap3A_634 : vector<1x16xf32> to vector<16xf32>
          %swap3A_636 = vector.shape_cast %add3A_631 : vector<16xf32> to vector<1x16xf32>
          tpu.vector_store %arg14[%swap3A_632, %swap3A_633], %swap3A_636 {strides = array<i32>} : memref<80x128xf32, #tpu.memory_space<vmem>>, vector<1x16xf32>,
          %scan3A_637 = arith.constant 0 : i32
          scf.yield %scan3A_637 : i32
        }
        %scan3A_282 = arith.constant 4 : i32
        %parallel_loop3A = arith.constant 0 : i32
        %parallel_loop3A_283 = arith.constant 64 : i32
        %parallel_loop3A_284 = arith.constant 1 : i32
        scf.for %parallel_loop3A_297 = %parallel_loop3A to %parallel_loop3A_283 step %parallel_loop3A_284  : i32 {
          %parallel_loop3A_298 = arith.constant 1 : i32
          %parallel_loop3A_299 = arith.index_cast %parallel_loop3A_298 : i32 to index
          %parallel_loop3A_300 = arith.index_cast %parallel_loop3A_297 : i32 to index
          %parallel_loop3A_301 = arith.constant 0 : index
          %parallel_loop3A_302 = tpu.vector_load %arg11[%parallel_loop3A_299, %parallel_loop3A_300, %parallel_loop3A_301] {strides = array<i32>} : memref<2x64x128xf32, #tpu.memory_space<vmem>>, vector<1x1x16xf32>,
          %parallel_loop3A_303 = vector.shape_cast %parallel_loop3A_302 : vector<1x1x16xf32> to vector<16xf32>
          %parallel_loop3A_304 = arith.constant 1 : i32
          %parallel_loop3A_305 = arith.index_cast %parallel_loop3A_304 : i32 to index
          %parallel_loop3A_306 = arith.index_cast %parallel_loop3A_297 : i32 to index
          %parallel_loop3A_307 = arith.constant 0 : index
          %parallel_loop3A_308 = tpu.vector_load %arg12[%parallel_loop3A_305, %parallel_loop3A_306, %parallel_loop3A_307] {strides = array<i32>} : memref<2x64x128xf32, #tpu.memory_space<vmem>>, vector<1x1x16xf32>,
          %parallel_loop3A_309 = vector.shape_cast %parallel_loop3A_308 : vector<1x1x16xf32> to vector<16xf32>
          %parallel_loop3A_310 = arith.addf %parallel_loop3A_303, %parallel_loop3A_309 : vector<16xf32>
          %parallel_loop3A_311 = arith.constant 0.000000e+00 : f32
          %parallel_loop3A_312 = vector.broadcast %parallel_loop3A_311 : f32 to vector<16xf32>
          %parallel_loop3A_313 = arith.maximumf %parallel_loop3A_310, %parallel_loop3A_312 : vector<16xf32>
          %parallel_loop3A_314 = arith.constant 1 : i32
          %parallel_loop3A_315 = arith.index_cast %parallel_loop3A_314 : i32 to index
          %parallel_loop3A_316 = arith.index_cast %parallel_loop3A_297 : i32 to index
          %parallel_loop3A_317 = arith.constant 0 : index
          %parallel_loop3A_318 = tpu.vector_load %arg11[%parallel_loop3A_315, %parallel_loop3A_316, %parallel_loop3A_317] {strides = array<i32>} : memref<2x64x128xf32, #tpu.memory_space<vmem>>, vector<1x1x16xf32>,
          %parallel_loop3A_319 = vector.shape_cast %parallel_loop3A_318 : vector<1x1x16xf32> to vector<16xf32>
          %parallel_loop3A_320 = vector.shape_cast %parallel_loop3A_313 : vector<16xf32> to vector<1x1x16xf32>
          tpu.vector_store %arg11[%parallel_loop3A_315, %parallel_loop3A_316, %parallel_loop3A_317], %parallel_loop3A_320 {strides = array<i32>} : memref<2x64x128xf32, #tpu.memory_space<vmem>>, vector<1x1x16xf32>,
          %parallel_loop3A_321 = arith.constant 1 : i32
          %parallel_loop3A_322 = arith.index_cast %parallel_loop3A_321 : i32 to index
          %parallel_loop3A_323 = arith.index_cast %parallel_loop3A_297 : i32 to index
          %parallel_loop3A_324 = arith.constant 16 : index
          %parallel_loop3A_325 = tpu.vector_load %arg11[%parallel_loop3A_322, %parallel_loop3A_323, %parallel_loop3A_324] {strides = array<i32>} : memref<2x64x128xf32, #tpu.memory_space<vmem>>, vector<1x1x16xf32>,
          %parallel_loop3A_326 = vector.shape_cast %parallel_loop3A_325 : vector<1x1x16xf32> to vector<16xf32>
          %parallel_loop3A_327 = arith.constant 1 : i32
          %parallel_loop3A_328 = arith.index_cast %parallel_loop3A_327 : i32 to index
          %parallel_loop3A_329 = arith.index_cast %parallel_loop3A_297 : i32 to index
          %parallel_loop3A_330 = arith.constant 16 : index
          %parallel_loop3A_331 = tpu.vector_load %arg12[%parallel_loop3A_328, %parallel_loop3A_329, %parallel_loop3A_330] {strides = array<i32>} : memref<2x64x128xf32, #tpu.memory_space<vmem>>, vector<1x1x16xf32>,
          %parallel_loop3A_332 = vector.shape_cast %parallel_loop3A_331 : vector<1x1x16xf32> to vector<16xf32>
          %parallel_loop3A_333 = arith.addf %parallel_loop3A_326, %parallel_loop3A_332 : vector<16xf32>
          %parallel_loop3A_334 = arith.constant 0.000000e+00 : f32
          %parallel_loop3A_335 = vector.broadcast %parallel_loop3A_334 : f32 to vector<16xf32>
          %parallel_loop3A_336 = arith.maximumf %parallel_loop3A_333, %parallel_loop3A_335 : vector<16xf32>
          %parallel_loop3A_337 = arith.constant 1 : i32
          %parallel_loop3A_338 = arith.index_cast %parallel_loop3A_337 : i32 to index
          %parallel_loop3A_339 = arith.index_cast %parallel_loop3A_297 : i32 to index
          %parallel_loop3A_340 = arith.constant 16 : index
          %parallel_loop3A_341 = tpu.vector_load %arg11[%parallel_loop3A_338, %parallel_loop3A_339, %parallel_loop3A_340] {strides = array<i32>} : memref<2x64x128xf32, #tpu.memory_space<vmem>>, vector<1x1x16xf32>,
          %parallel_loop3A_342 = vector.shape_cast %parallel_loop3A_341 : vector<1x1x16xf32> to vector<16xf32>
          %parallel_loop3A_343 = vector.shape_cast %parallel_loop3A_336 : vector<16xf32> to vector<1x1x16xf32>
          tpu.vector_store %arg11[%parallel_loop3A_338, %parallel_loop3A_339, %parallel_loop3A_340], %parallel_loop3A_343 {strides = array<i32>} : memref<2x64x128xf32, #tpu.memory_space<vmem>>, vector<1x1x16xf32>,
          %parallel_loop3A_344 = arith.constant 1 : i32
          %parallel_loop3A_345 = arith.index_cast %parallel_loop3A_344 : i32 to index
          %parallel_loop3A_346 = arith.index_cast %parallel_loop3A_297 : i32 to index
          %parallel_loop3A_347 = arith.constant 32 : index
          %parallel_loop3A_348 = tpu.vector_load %arg11[%parallel_loop3A_345, %parallel_loop3A_346, %parallel_loop3A_347] {strides = array<i32>} : memref<2x64x128xf32, #tpu.memory_space<vmem>>, vector<1x1x16xf32>,
          %parallel_loop3A_349 = vector.shape_cast %parallel_loop3A_348 : vector<1x1x16xf32> to vector<16xf32>
          %parallel_loop3A_350 = arith.constant 1 : i32
          %parallel_loop3A_351 = arith.index_cast %parallel_loop3A_350 : i32 to index
          %parallel_loop3A_352 = arith.index_cast %parallel_loop3A_297 : i32 to index
          %parallel_loop3A_353 = arith.constant 32 : index
          %parallel_loop3A_354 = tpu.vector_load %arg12[%parallel_loop3A_351, %parallel_loop3A_352, %parallel_loop3A_353] {strides = array<i32>} : memref<2x64x128xf32, #tpu.memory_space<vmem>>, vector<1x1x16xf32>,
          %parallel_loop3A_355 = vector.shape_cast %parallel_loop3A_354 : vector<1x1x16xf32> to vector<16xf32>
          %parallel_loop3A_356 = arith.addf %parallel_loop3A_349, %parallel_loop3A_355 : vector<16xf32>
          %parallel_loop3A_357 = arith.constant 0.000000e+00 : f32
          %parallel_loop3A_358 = vector.broadcast %parallel_loop3A_357 : f32 to vector<16xf32>
          %parallel_loop3A_359 = arith.maximumf %parallel_loop3A_356, %parallel_loop3A_358 : vector<16xf32>
          %parallel_loop3A_360 = arith.constant 1 : i32
          %parallel_loop3A_361 = arith.index_cast %parallel_loop3A_360 : i32 to index
          %parallel_loop3A_362 = arith.index_cast %parallel_loop3A_297 : i32 to index
          %parallel_loop3A_363 = arith.constant 32 : index
          %parallel_loop3A_364 = tpu.vector_load %arg11[%parallel_loop3A_361, %parallel_loop3A_362, %parallel_loop3A_363] {strides = array<i32>} : memref<2x64x128xf32, #tpu.memory_space<vmem>>, vector<1x1x16xf32>,
          %parallel_loop3A_365 = vector.shape_cast %parallel_loop3A_364 : vector<1x1x16xf32> to vector<16xf32>
          %parallel_loop3A_366 = vector.shape_cast %parallel_loop3A_359 : vector<16xf32> to vector<1x1x16xf32>
          tpu.vector_store %arg11[%parallel_loop3A_361, %parallel_loop3A_362, %parallel_loop3A_363], %parallel_loop3A_366 {strides = array<i32>} : memref<2x64x128xf32, #tpu.memory_space<vmem>>, vector<1x1x16xf32>,
          %parallel_loop3A_367 = arith.constant 1 : i32
          %parallel_loop3A_368 = arith.index_cast %parallel_loop3A_367 : i32 to index
          %parallel_loop3A_369 = arith.index_cast %parallel_loop3A_297 : i32 to index
          %parallel_loop3A_370 = arith.constant 48 : index
          %parallel_loop3A_371 = tpu.vector_load %arg11[%parallel_loop3A_368, %parallel_loop3A_369, %parallel_loop3A_370] {strides = array<i32>} : memref<2x64x128xf32, #tpu.memory_space<vmem>>, vector<1x1x16xf32>,
          %parallel_loop3A_372 = vector.shape_cast %parallel_loop3A_371 : vector<1x1x16xf32> to vector<16xf32>
          %parallel_loop3A_373 = arith.constant 1 : i32
          %parallel_loop3A_374 = arith.index_cast %parallel_loop3A_373 : i32 to index
          %parallel_loop3A_375 = arith.index_cast %parallel_loop3A_297 : i32 to index
          %parallel_loop3A_376 = arith.constant 48 : index
          %parallel_loop3A_377 = tpu.vector_load %arg12[%parallel_loop3A_374, %parallel_loop3A_375, %parallel_loop3A_376] {strides = array<i32>} : memref<2x64x128xf32, #tpu.memory_space<vmem>>, vector<1x1x16xf32>,
          %parallel_loop3A_378 = vector.shape_cast %parallel_loop3A_377 : vector<1x1x16xf32> to vector<16xf32>
          %parallel_loop3A_379 = arith.addf %parallel_loop3A_372, %parallel_loop3A_378 : vector<16xf32>
          %parallel_loop3A_380 = arith.constant 0.000000e+00 : f32
          %parallel_loop3A_381 = vector.broadcast %parallel_loop3A_380 : f32 to vector<16xf32>
          %parallel_loop3A_382 = arith.maximumf %parallel_loop3A_379, %parallel_loop3A_381 : vector<16xf32>
          %parallel_loop3A_383 = arith.constant 1 : i32
          %parallel_loop3A_384 = arith.index_cast %parallel_loop3A_383 : i32 to index
          %parallel_loop3A_385 = arith.index_cast %parallel_loop3A_297 : i32 to index
          %parallel_loop3A_386 = arith.constant 48 : index
          %parallel_loop3A_387 = tpu.vector_load %arg11[%parallel_loop3A_384, %parallel_loop3A_385, %parallel_loop3A_386] {strides = array<i32>} : memref<2x64x128xf32, #tpu.memory_space<vmem>>, vector<1x1x16xf32>,
          %parallel_loop3A_388 = vector.shape_cast %parallel_loop3A_387 : vector<1x1x16xf32> to vector<16xf32>
          %parallel_loop3A_389 = vector.shape_cast %parallel_loop3A_382 : vector<16xf32> to vector<1x1x16xf32>
          tpu.vector_store %arg11[%parallel_loop3A_384, %parallel_loop3A_385, %parallel_loop3A_386], %parallel_loop3A_389 {strides = array<i32>} : memref<2x64x128xf32, #tpu.memory_space<vmem>>, vector<1x1x16xf32>,
          %parallel_loop3A_390 = arith.constant 1 : i32
          %parallel_loop3A_391 = arith.index_cast %parallel_loop3A_390 : i32 to index
          %parallel_loop3A_392 = arith.index_cast %parallel_loop3A_297 : i32 to index
          %parallel_loop3A_393 = arith.constant 64 : index
          %parallel_loop3A_394 = tpu.vector_load %arg11[%parallel_loop3A_391, %parallel_loop3A_392, %parallel_loop3A_393] {strides = array<i32>} : memref<2x64x128xf32, #tpu.memory_space<vmem>>, vector<1x1x16xf32>,
          %parallel_loop3A_395 = vector.shape_cast %parallel_loop3A_394 : vector<1x1x16xf32> to vector<16xf32>
          %parallel_loop3A_396 = arith.constant 1 : i32
          %parallel_loop3A_397 = arith.index_cast %parallel_loop3A_396 : i32 to index
          %parallel_loop3A_398 = arith.index_cast %parallel_loop3A_297 : i32 to index
          %parallel_loop3A_399 = arith.constant 64 : index
          %parallel_loop3A_400 = tpu.vector_load %arg12[%parallel_loop3A_397, %parallel_loop3A_398, %parallel_loop3A_399] {strides = array<i32>} : memref<2x64x128xf32, #tpu.memory_space<vmem>>, vector<1x1x16xf32>,
          %parallel_loop3A_401 = vector.shape_cast %parallel_loop3A_400 : vector<1x1x16xf32> to vector<16xf32>
          %parallel_loop3A_402 = arith.addf %parallel_loop3A_395, %parallel_loop3A_401 : vector<16xf32>
          %parallel_loop3A_403 = arith.constant 0.000000e+00 : f32
          %parallel_loop3A_404 = vector.broadcast %parallel_loop3A_403 : f32 to vector<16xf32>
          %parallel_loop3A_405 = arith.maximumf %parallel_loop3A_402, %parallel_loop3A_404 : vector<16xf32>
          %parallel_loop3A_406 = arith.constant 1 : i32
          %parallel_loop3A_407 = arith.index_cast %parallel_loop3A_406 : i32 to index
          %parallel_loop3A_408 = arith.index_cast %parallel_loop3A_297 : i32 to index
          %parallel_loop3A_409 = arith.constant 64 : index
          %parallel_loop3A_410 = tpu.vector_load %arg11[%parallel_loop3A_407, %parallel_loop3A_408, %parallel_loop3A_409] {strides = array<i32>} : memref<2x64x128xf32, #tpu.memory_space<vmem>>, vector<1x1x16xf32>,
          %parallel_loop3A_411 = vector.shape_cast %parallel_loop3A_410 : vector<1x1x16xf32> to vector<16xf32>
          %parallel_loop3A_412 = vector.shape_cast %parallel_loop3A_405 : vector<16xf32> to vector<1x1x16xf32>
          tpu.vector_store %arg11[%parallel_loop3A_407, %parallel_loop3A_408, %parallel_loop3A_409], %parallel_loop3A_412 {strides = array<i32>} : memref<2x64x128xf32, #tpu.memory_space<vmem>>, vector<1x1x16xf32>,
          %parallel_loop3A_413 = arith.constant 1 : i32
          %parallel_loop3A_414 = arith.index_cast %parallel_loop3A_413 : i32 to index
          %parallel_loop3A_415 = arith.index_cast %parallel_loop3A_297 : i32 to index
          %parallel_loop3A_416 = arith.constant 80 : index
          %parallel_loop3A_417 = tpu.vector_load %arg11[%parallel_loop3A_414, %parallel_loop3A_415, %parallel_loop3A_416] {strides = array<i32>} : memref<2x64x128xf32, #tpu.memory_space<vmem>>, vector<1x1x16xf32>,
          %parallel_loop3A_418 = vector.shape_cast %parallel_loop3A_417 : vector<1x1x16xf32> to vector<16xf32>
          %parallel_loop3A_419 = arith.constant 1 : i32
          %parallel_loop3A_420 = arith.index_cast %parallel_loop3A_419 : i32 to index
          %parallel_loop3A_421 = arith.index_cast %parallel_loop3A_297 : i32 to index
          %parallel_loop3A_422 = arith.constant 80 : index
          %parallel_loop3A_423 = tpu.vector_load %arg12[%parallel_loop3A_420, %parallel_loop3A_421, %parallel_loop3A_422] {strides = array<i32>} : memref<2x64x128xf32, #tpu.memory_space<vmem>>, vector<1x1x16xf32>,
          %parallel_loop3A_424 = vector.shape_cast %parallel_loop3A_423 : vector<1x1x16xf32> to vector<16xf32>
          %parallel_loop3A_425 = arith.addf %parallel_loop3A_418, %parallel_loop3A_424 : vector<16xf32>
          %parallel_loop3A_426 = arith.constant 0.000000e+00 : f32
          %parallel_loop3A_427 = vector.broadcast %parallel_loop3A_426 : f32 to vector<16xf32>
          %parallel_loop3A_428 = arith.maximumf %parallel_loop3A_425, %parallel_loop3A_427 : vector<16xf32>
          %parallel_loop3A_429 = arith.constant 1 : i32
          %parallel_loop3A_430 = arith.index_cast %parallel_loop3A_429 : i32 to index
          %parallel_loop3A_431 = arith.index_cast %parallel_loop3A_297 : i32 to index
          %parallel_loop3A_432 = arith.constant 80 : index
          %parallel_loop3A_433 = tpu.vector_load %arg11[%parallel_loop3A_430, %parallel_loop3A_431, %parallel_loop3A_432] {strides = array<i32>} : memref<2x64x128xf32, #tpu.memory_space<vmem>>, vector<1x1x16xf32>,
          %parallel_loop3A_434 = vector.shape_cast %parallel_loop3A_433 : vector<1x1x16xf32> to vector<16xf32>
          %parallel_loop3A_435 = vector.shape_cast %parallel_loop3A_428 : vector<16xf32> to vector<1x1x16xf32>
          tpu.vector_store %arg11[%parallel_loop3A_430, %parallel_loop3A_431, %parallel_loop3A_432], %parallel_loop3A_435 {strides = array<i32>} : memref<2x64x128xf32, #tpu.memory_space<vmem>>, vector<1x1x16xf32>,
          %parallel_loop3A_436 = arith.constant 1 : i32
          %parallel_loop3A_437 = arith.index_cast %parallel_loop3A_436 : i32 to index
          %parallel_loop3A_438 = arith.index_cast %parallel_loop3A_297 : i32 to index
          %parallel_loop3A_439 = arith.constant 96 : index
          %parallel_loop3A_440 = tpu.vector_load %arg11[%parallel_loop3A_437, %parallel_loop3A_438, %parallel_loop3A_439] {strides = array<i32>} : memref<2x64x128xf32, #tpu.memory_space<vmem>>, vector<1x1x16xf32>,
          %parallel_loop3A_441 = vector.shape_cast %parallel_loop3A_440 : vector<1x1x16xf32> to vector<16xf32>
          %parallel_loop3A_442 = arith.constant 1 : i32
          %parallel_loop3A_443 = arith.index_cast %parallel_loop3A_442 : i32 to index
          %parallel_loop3A_444 = arith.index_cast %parallel_loop3A_297 : i32 to index
          %parallel_loop3A_445 = arith.constant 96 : index
          %parallel_loop3A_446 = tpu.vector_load %arg12[%parallel_loop3A_443, %parallel_loop3A_444, %parallel_loop3A_445] {strides = array<i32>} : memref<2x64x128xf32, #tpu.memory_space<vmem>>, vector<1x1x16xf32>,
          %parallel_loop3A_447 = vector.shape_cast %parallel_loop3A_446 : vector<1x1x16xf32> to vector<16xf32>
          %parallel_loop3A_448 = arith.addf %parallel_loop3A_441, %parallel_loop3A_447 : vector<16xf32>
          %parallel_loop3A_449 = arith.constant 0.000000e+00 : f32
          %parallel_loop3A_450 = vector.broadcast %parallel_loop3A_449 : f32 to vector<16xf32>
          %parallel_loop3A_451 = arith.maximumf %parallel_loop3A_448, %parallel_loop3A_450 : vector<16xf32>
          %parallel_loop3A_452 = arith.constant 1 : i32
          %parallel_loop3A_453 = arith.index_cast %parallel_loop3A_452 : i32 to index
          %parallel_loop3A_454 = arith.index_cast %parallel_loop3A_297 : i32 to index
          %parallel_loop3A_455 = arith.constant 96 : index
          %parallel_loop3A_456 = tpu.vector_load %arg11[%parallel_loop3A_453, %parallel_loop3A_454, %parallel_loop3A_455] {strides = array<i32>} : memref<2x64x128xf32, #tpu.memory_space<vmem>>, vector<1x1x16xf32>,
          %parallel_loop3A_457 = vector.shape_cast %parallel_loop3A_456 : vector<1x1x16xf32> to vector<16xf32>
          %parallel_loop3A_458 = vector.shape_cast %parallel_loop3A_451 : vector<16xf32> to vector<1x1x16xf32>
          tpu.vector_store %arg11[%parallel_loop3A_453, %parallel_loop3A_454, %parallel_loop3A_455], %parallel_loop3A_458 {strides = array<i32>} : memref<2x64x128xf32, #tpu.memory_space<vmem>>, vector<1x1x16xf32>,
          %parallel_loop3A_459 = arith.constant 1 : i32
          %parallel_loop3A_460 = arith.index_cast %parallel_loop3A_459 : i32 to index
          %parallel_loop3A_461 = arith.index_cast %parallel_loop3A_297 : i32 to index
          %parallel_loop3A_462 = arith.constant 112 : index
          %parallel_loop3A_463 = tpu.vector_load %arg11[%parallel_loop3A_460, %parallel_loop3A_461, %parallel_loop3A_462] {strides = array<i32>} : memref<2x64x128xf32, #tpu.memory_space<vmem>>, vector<1x1x16xf32>,
          %parallel_loop3A_464 = vector.shape_cast %parallel_loop3A_463 : vector<1x1x16xf32> to vector<16xf32>
          %parallel_loop3A_465 = arith.constant 1 : i32
          %parallel_loop3A_466 = arith.index_cast %parallel_loop3A_465 : i32 to index
          %parallel_loop3A_467 = arith.index_cast %parallel_loop3A_297 : i32 to index
          %parallel_loop3A_468 = arith.constant 112 : index
          %parallel_loop3A_469 = tpu.vector_load %arg12[%parallel_loop3A_466, %parallel_loop3A_467, %parallel_loop3A_468] {strides = array<i32>} : memref<2x64x128xf32, #tpu.memory_space<vmem>>, vector<1x1x16xf32>,
          %parallel_loop3A_470 = vector.shape_cast %parallel_loop3A_469 : vector<1x1x16xf32> to vector<16xf32>
          %parallel_loop3A_471 = arith.addf %parallel_loop3A_464, %parallel_loop3A_470 : vector<16xf32>
          %parallel_loop3A_472 = arith.constant 0.000000e+00 : f32
          %parallel_loop3A_473 = vector.broadcast %parallel_loop3A_472 : f32 to vector<16xf32>
          %parallel_loop3A_474 = arith.maximumf %parallel_loop3A_471, %parallel_loop3A_473 : vector<16xf32>
          %parallel_loop3A_475 = arith.constant 1 : i32
          %parallel_loop3A_476 = arith.index_cast %parallel_loop3A_475 : i32 to index
          %parallel_loop3A_477 = arith.index_cast %parallel_loop3A_297 : i32 to index
          %parallel_loop3A_478 = arith.constant 112 : index
          %parallel_loop3A_479 = tpu.vector_load %arg11[%parallel_loop3A_476, %parallel_loop3A_477, %parallel_loop3A_478] {strides = array<i32>} : memref<2x64x128xf32, #tpu.memory_space<vmem>>, vector<1x1x16xf32>,
          %parallel_loop3A_480 = vector.shape_cast %parallel_loop3A_479 : vector<1x1x16xf32> to vector<16xf32>
          %parallel_loop3A_481 = vector.shape_cast %parallel_loop3A_474 : vector<16xf32> to vector<1x1x16xf32>
          tpu.vector_store %arg11[%parallel_loop3A_476, %parallel_loop3A_477, %parallel_loop3A_478], %parallel_loop3A_481 {strides = array<i32>} : memref<2x64x128xf32, #tpu.memory_space<vmem>>, vector<1x1x16xf32>,
        } {sc.loop_unroll_factor = 4 : i64, sc.parallel_access}
        %dma_start3A_285 = arith.constant 1 : i32
        %dma_start3A_286 = arith.constant 1 : i32
        %dma_start3A_287 = arith.constant 0 : i32
        %dma_start3A_288 = arith.constant 0 : i32
        %dma_start3A_289 = tpu.memref_slice %arg11[%dma_start3A_285, %dma_start3A_287, %dma_start3A_288] : memref<2x64x128xf32, #tpu.memory_space<vmem>> -> memref<1x64x128xf32, #tpu.memory_space<vmem>>
        %dma_start3A_290 = tpu.memref_squeeze %dma_start3A_289 : memref<1x64x128xf32, #tpu.memory_space<vmem>> -> memref<64x128xf32, #tpu.memory_space<vmem>>
        %dma_start3A_291 = arith.constant 0 : i32
        %dma_start3A_292 = tpu.memref_slice %arg10[%dma_start3A_286, %dma_start3A_291] : memref<2x64xi32, #tpu.memory_space<vmem>> -> memref<1x64xi32, #tpu.memory_space<vmem>>
        %dma_start3A_293 = tpu.memref_squeeze %dma_start3A_292 : memref<1x64xi32, #tpu.memory_space<vmem>> -> memref<64xi32, #tpu.memory_space<vmem>>
        %dma_start3A_294 = arith.constant 0 : i32
        %dma_start3A_295 = arith.constant 0 : i32
        %dma_start3A_296 = tpu.memref_slice %arg15[%dma_start3A_294, %dma_start3A_295] : memref<10240x128xf32, #tpu.memory_space<vmem_shared>> -> memref<10240x128xf32, #tpu.memory_space<vmem_shared>>
        tpu.enqueue_indirect_dma source(%dma_start3A_290 : memref<64x128xf32, #tpu.memory_space<vmem>>) target(%dma_start3A_296 : memref<10240x128xf32, #tpu.memory_space<vmem_shared>>) offsets(%dma_start3A_293 : memref<64xi32, #tpu.memory_space<vmem>>) semaphore(%arg22 : memref<!tpu.dma_semaphore, #tpu.memory_space<semaphore_mem>>) {add = true}
      } else {
      }
      %scan3A_275 = arith.constant 0 : i32
      scf.yield %scan3A_275 : i32
    }
    %scan3A_170 = arith.constant 79 : i32
    %barrier3A_171 = arith.constant 0 : index
    tpu.barrier barrier_id(%barrier3A_171)
    "tpu.region"() ({
      %run_scoped3A_180 = tpu.sem_alloc : memref<!tpu.dma_semaphore, #tpu.memory_space<semaphore_mem>>
      %dma_start3A_181 = arith.constant 0 : i32
      %dma_start3A_182 = arith.constant 0 : i32
      %dma_start3A_183 = tpu.memref_slice %arg16[%dma_start3A_181, %dma_start3A_182] : memref<80x128xf32, #tpu.memory_space<vmem_shared>> -> memref<80x128xf32, #tpu.memory_space<vmem_shared>>
      tpu.enqueue_indirect_dma source(%arg14 : memref<80x128xf32, #tpu.memory_space<vmem>>) target(%dma_start3A_183 : memref<80x128xf32, #tpu.memory_space<vmem_shared>>) offsets(%arg13 : memref<80xi32, #tpu.memory_space<vmem>>) semaphore(%run_scoped3A_180 : memref<!tpu.dma_semaphore, #tpu.memory_space<semaphore_mem>>) {add = true}
      %dma_wait3A_184 = arith.constant 0 : i32
      %dma_wait3A_185 = arith.constant 0 : i32
      %dma_wait3A_186 = tpu.memref_slice %arg16[%dma_wait3A_184, %dma_wait3A_185] : memref<80x128xf32, #tpu.memory_space<vmem_shared>> -> memref<80x128xf32, #tpu.memory_space<vmem_shared>>
      tpu.wait_indirect_dma semaphore(%run_scoped3A_180 : memref<!tpu.dma_semaphore, #tpu.memory_space<semaphore_mem>>) src(%arg14 : memref<80x128xf32, #tpu.memory_space<vmem>>) dst(%dma_wait3A_186 : memref<80x128xf32, #tpu.memory_space<vmem_shared>>)
      tpu.yield
    }) : () -> ()
    %barrier3A_172 = arith.constant 0 : index
    tpu.barrier barrier_id(%barrier3A_172)
    %mul3A_173 = arith.constant 640 : i32
    %mul3A_174 = arith.muli %arg1, %mul3A_173 : i32
    "tpu.region"() ({
      %run_scoped3A_180 = tpu.sem_alloc : memref<!tpu.dma_semaphore, #tpu.memory_space<semaphore_mem>>
      %dma_start3A_181 = arith.constant 0 : i32
      %dma_start3A_182 = tpu.memref_slice %arg6[%arg0, %mul3A_174, %dma_start3A_181] : memref<2x10240x128xf32, #tpu.memory_space<hbm>> -> memref<1x640x128xf32, #tpu.memory_space<hbm>>
      %dma_start3A_183 = tpu.memref_squeeze %dma_start3A_182 : memref<1x640x128xf32, #tpu.memory_space<hbm>> -> memref<640x128xf32, #tpu.memory_space<hbm>>
      %dma_start3A_184 = arith.constant 0 : i32
      %dma_start3A_185 = tpu.memref_slice %arg15[%mul3A_174, %dma_start3A_184] : memref<10240x128xf32, #tpu.memory_space<vmem_shared>> -> memref<640x128xf32, #tpu.memory_space<vmem_shared>>
      tpu.enqueue_dma source(%dma_start3A_185 : memref<640x128xf32, #tpu.memory_space<vmem_shared>>) target(%dma_start3A_183 : memref<640x128xf32, #tpu.memory_space<hbm>>) target_semaphore(%run_scoped3A_180 : memref<!tpu.dma_semaphore, #tpu.memory_space<semaphore_mem>>)
      %dma_wait3A_186 = arith.constant 0 : i32
      %dma_wait3A_187 = tpu.memref_slice %arg6[%arg0, %mul3A_174, %dma_wait3A_186] : memref<2x10240x128xf32, #tpu.memory_space<hbm>> -> memref<1x640x128xf32, #tpu.memory_space<hbm>>
      %dma_wait3A_188 = tpu.memref_squeeze %dma_wait3A_187 : memref<1x640x128xf32, #tpu.memory_space<hbm>> -> memref<640x128xf32, #tpu.memory_space<hbm>>
      %dma_wait3A_189 = arith.constant 0 : i32
      %dma_wait3A_190 = tpu.memref_slice %arg15[%mul3A_174, %dma_wait3A_189] : memref<10240x128xf32, #tpu.memory_space<vmem_shared>> -> memref<640x128xf32, #tpu.memory_space<vmem_shared>>
      tpu.wait_dma2 semaphore(%run_scoped3A_180 : memref<!tpu.dma_semaphore, #tpu.memory_space<semaphore_mem>>) src(%dma_wait3A_190 : memref<640x128xf32, #tpu.memory_space<vmem_shared>>) dst(%dma_wait3A_188 : memref<640x128xf32, #tpu.memory_space<hbm>>)
      tpu.yield
    }) : () -> ()
    %eq3A_175 = arith.constant 0 : i32
    %eq3A_176 = arith.cmpi eq, %arg1, %eq3A_175 : i32
    %convert_element_type3A_177 = arith.extui %eq3A_176 : i1 to i32
    %cond3A_178 = arith.constant 0 : i32
    %cond3A_179 = arith.cmpi ne, %convert_element_type3A_177, %cond3A_178 : i32
    scf.if %cond3A_179 {
      "tpu.region"() ({
        %run_scoped3A_180 = tpu.sem_alloc : memref<!tpu.dma_semaphore, #tpu.memory_space<semaphore_mem>>
        %dma_start3A_181 = arith.constant 0 : i32
        %dma_start3A_182 = arith.constant 0 : i32
        %dma_start3A_183 = tpu.memref_slice %arg7[%arg0, %dma_start3A_181, %dma_start3A_182] : memref<2x80x128xf32, #tpu.memory_space<hbm>> -> memref<1x80x128xf32, #tpu.memory_space<hbm>>
        %dma_start3A_184 = tpu.memref_squeeze %dma_start3A_183 : memref<1x80x128xf32, #tpu.memory_space<hbm>> -> memref<80x128xf32, #tpu.memory_space<hbm>>
        tpu.enqueue_dma source(%arg16 : memref<80x128xf32, #tpu.memory_space<vmem_shared>>) target(%dma_start3A_184 : memref<80x128xf32, #tpu.memory_space<hbm>>) target_semaphore(%run_scoped3A_180 : memref<!tpu.dma_semaphore, #tpu.memory_space<semaphore_mem>>)
        %dma_wait3A_185 = arith.constant 0 : i32
        %dma_wait3A_186 = arith.constant 0 : i32
        %dma_wait3A_187 = tpu.memref_slice %arg7[%arg0, %dma_wait3A_185, %dma_wait3A_186] : memref<2x80x128xf32, #tpu.memory_space<hbm>> -> memref<1x80x128xf32, #tpu.memory_space<hbm>>
        %dma_wait3A_188 = tpu.memref_squeeze %dma_wait3A_187 : memref<1x80x128xf32, #tpu.memory_space<hbm>> -> memref<80x128xf32, #tpu.memory_space<hbm>>
        tpu.wait_dma2 semaphore(%run_scoped3A_180 : memref<!tpu.dma_semaphore, #tpu.memory_space<semaphore_mem>>) src(%arg16 : memref<80x128xf32, #tpu.memory_space<vmem_shared>>) dst(%dma_wait3A_188 : memref<80x128xf32, #tpu.memory_space<hbm>>)
        tpu.yield
      }) : () -> ()
    } else {
    }
    return
  }
}

module attributes {stable_mosaic.version = 14 : i64} {
  func.func @_proj_body(%arg0: i32, %arg1: memref<1000x128xf32, #tpu.memory_space<vmem>>, %arg2: memref<128x128xf32, #tpu.memory_space<vmem>>, %arg3: memref<128x128xf32, #tpu.memory_space<vmem>>, %arg4: memref<1x128xf32, #tpu.memory_space<vmem>>, %arg5: memref<1000x128xf32, #tpu.memory_space<vmem>>, %arg6: memref<1000x128xf32, #tpu.memory_space<vmem>>) attributes {dimension_semantics = [#tpu.dimension_semantics<arbitrary>], iteration_bounds = array<i64: 10>, scalar_prefetch = 0 : i64, scratch_operands = 0 : i64, tpu.core_type = #tpu.core_type<tc>, window_params = [{transform_indices = @transform_0, window_bounds = array<i64: 1000, 128>}, {pipeline_mode = #tpu.pipeline_mode<synchronous>, transform_indices = @transform_1, window_bounds = array<i64: 128, 128>}, {pipeline_mode = #tpu.pipeline_mode<synchronous>, transform_indices = @transform_2, window_bounds = array<i64: 128, 128>}, {pipeline_mode = #tpu.pipeline_mode<synchronous>, transform_indices = @transform_3, window_bounds = array<i64: 1, 128>}, {transform_indices = @transform_4, window_bounds = array<i64: 1000, 128>}, {transform_indices = @transform_5, window_bounds = array<i64: 1000, 128>}]} {
    %get3A = arith.constant 0 : index
    %get3A_0 = arith.constant 0 : index
    %get3A_1 = vector.load %arg1[%get3A, %get3A_0] : memref<1000x128xf32, #tpu.memory_space<vmem>>, vector<1000x128xf32>
    %get3A_2 = arith.constant 0 : index
    %get3A_3 = arith.constant 0 : index
    %get3A_4 = vector.load %arg2[%get3A_2, %get3A_3] : memref<128x128xf32, #tpu.memory_space<vmem>>, vector<128x128xf32>
    %dot_general3A = arith.constant dense<0.000000e+00> : vector<1000x128xf32>
    %dot_general3A_5 = tpu.matmul %get3A_1, %get3A_4, %dot_general3A {dimension_numbers = #tpu.dot_dimension_numbers<[1], [0], [0], [1], [0, 0, 1, 1], [], []>, transpose_lhs_hint = false} : vector<1000x128xf32>, vector<128x128xf32>, vector<1000x128xf32> -> vector<1000x128xf32>
    %get3A_6 = arith.constant 0 : index
    %get3A_7 = arith.constant 0 : index
    %get3A_8 = vector.load %arg4[%get3A_6, %get3A_7] : memref<1x128xf32, #tpu.memory_space<vmem>>, vector<1x128xf32>
    %add3A = vector.broadcast %get3A_8 : vector<1x128xf32> to vector<1000x128xf32>
    %add3A_9 = arith.addf %dot_general3A_5, %add3A : vector<1000x128xf32>
    %swap3A = arith.constant 0 : index
    %swap3A_10 = arith.constant 0 : index
    %swap3A_11 = vector.load %arg5[%swap3A, %swap3A_10] : memref<1000x128xf32, #tpu.memory_space<vmem>>, vector<1000x128xf32>
    tpu.vector_store %arg5[%swap3A, %swap3A_10], %add3A_9 {strides = array<i32>} : memref<1000x128xf32, #tpu.memory_space<vmem>>, vector<1000x128xf32>,
    %get3A_12 = arith.constant 0 : index
    %get3A_13 = arith.constant 0 : index
    %get3A_14 = vector.load %arg3[%get3A_12, %get3A_13] : memref<128x128xf32, #tpu.memory_space<vmem>>, vector<128x128xf32>
    %dot_general3A_15 = arith.constant dense<0.000000e+00> : vector<1000x128xf32>
    %dot_general3A_16 = tpu.matmul %get3A_1, %get3A_14, %dot_general3A_15 {dimension_numbers = #tpu.dot_dimension_numbers<[1], [0], [0], [1], [0, 0, 1, 1], [], []>, transpose_lhs_hint = false} : vector<1000x128xf32>, vector<128x128xf32>, vector<1000x128xf32> -> vector<1000x128xf32>
    %swap3A_17 = arith.constant 0 : index
    %swap3A_18 = arith.constant 0 : index
    %swap3A_19 = vector.load %arg6[%swap3A_17, %swap3A_18] : memref<1000x128xf32, #tpu.memory_space<vmem>>, vector<1000x128xf32>
    tpu.vector_store %arg6[%swap3A_17, %swap3A_18], %dot_general3A_16 {strides = array<i32>} : memref<1000x128xf32, #tpu.memory_space<vmem>>, vector<1000x128xf32>,
    return
  }
  func.func @transform_0(%arg0: i32) -> (i32, i32) {
    %c0_i32 = arith.constant 0 : i32
    %c0_i32_0 = arith.constant 0 : i32
    return %arg0, %c0_i32 : i32, i32
  }
  func.func @transform_1(%arg0: i32) -> (i32, i32) {
    %c0_i32 = arith.constant 0 : i32
    %c0_i32_0 = arith.constant 0 : i32
    %c0_i32_1 = arith.constant 0 : i32
    return %c0_i32, %c0_i32_0 : i32, i32
  }
  func.func @transform_2(%arg0: i32) -> (i32, i32) {
    %c0_i32 = arith.constant 0 : i32
    %c0_i32_0 = arith.constant 0 : i32
    %c0_i32_1 = arith.constant 0 : i32
    return %c0_i32, %c0_i32_0 : i32, i32
  }
  func.func @transform_3(%arg0: i32) -> (i32, i32) {
    %c0_i32 = arith.constant 0 : i32
    %c0_i32_0 = arith.constant 0 : i32
    %c0_i32_1 = arith.constant 0 : i32
    return %c0_i32, %c0_i32_0 : i32, i32
  }
  func.func @transform_4(%arg0: i32) -> (i32, i32) {
    %c0_i32 = arith.constant 0 : i32
    %c0_i32_0 = arith.constant 0 : i32
    return %arg0, %c0_i32 : i32, i32
  }
  func.func @transform_5(%arg0: i32) -> (i32, i32) {
    %c0_i32 = arith.constant 0 : i32
    %c0_i32_0 = arith.constant 0 : i32
    return %arg0, %c0_i32 : i32, i32
  }
}

module attributes {stable_mosaic.version = 14 : i64} {
  func.func @_update_body(%arg0: i32, %arg1: memref<1280x128xf32, #tpu.memory_space<vmem>>, %arg2: memref<1280x128xf32, #tpu.memory_space<vmem>>, %arg3: memref<1280x1xf32, #tpu.memory_space<vmem>>, %arg4: memref<1280x1xf32, #tpu.memory_space<vmem>>, %arg5: memref<1280x128xf32, #tpu.memory_space<vmem>>, %arg6: memref<128x128xf32, #tpu.memory_space<vmem>>, %arg7: memref<1x128xf32, #tpu.memory_space<vmem>>, %arg8: memref<128x128xf32, #tpu.memory_space<vmem>>, %arg9: memref<128x128xf32, #tpu.memory_space<vmem>>, %arg10: memref<1x128xf32, #tpu.memory_space<vmem>>, %arg11: memref<128x128xf32, #tpu.memory_space<vmem>>, %arg12: memref<1x128xf32, #tpu.memory_space<vmem>>, %arg13: memref<1280x128xf32, #tpu.memory_space<vmem>>) attributes {dimension_semantics = [#tpu.dimension_semantics<arbitrary>], iteration_bounds = array<i64: 8>, scalar_prefetch = 0 : i64, scratch_operands = 0 : i64, tpu.core_type = #tpu.core_type<tc>, window_params = [{transform_indices = @transform_0, window_bounds = array<i64: 1280, 128>}, {transform_indices = @transform_1, window_bounds = array<i64: 1280, 128>}, {transform_indices = @transform_2, window_bounds = array<i64: 1280, 1>}, {transform_indices = @transform_3, window_bounds = array<i64: 1280, 1>}, {transform_indices = @transform_4, window_bounds = array<i64: 1280, 128>}, {pipeline_mode = #tpu.pipeline_mode<synchronous>, transform_indices = @transform_5, window_bounds = array<i64: 128, 128>}, {pipeline_mode = #tpu.pipeline_mode<synchronous>, transform_indices = @transform_6, window_bounds = array<i64: 1, 128>}, {pipeline_mode = #tpu.pipeline_mode<synchronous>, transform_indices = @transform_7, window_bounds = array<i64: 128, 128>}, {pipeline_mode = #tpu.pipeline_mode<synchronous>, transform_indices = @transform_8, window_bounds = array<i64: 128, 128>}, {pipeline_mode = #tpu.pipeline_mode<synchronous>, transform_indices = @transform_9, window_bounds = array<i64: 1, 128>}, {pipeline_mode = #tpu.pipeline_mode<synchronous>, transform_indices = @transform_10, window_bounds = array<i64: 128, 128>}, {pipeline_mode = #tpu.pipeline_mode<synchronous>, transform_indices = @transform_11, window_bounds = array<i64: 1, 128>}, {transform_indices = @transform_12, window_bounds = array<i64: 1280, 128>}]} {
    %get3A = arith.constant 0 : index
    %get3A_0 = arith.constant 0 : index
    %get3A_1 = vector.load %arg1[%get3A, %get3A_0] : memref<1280x128xf32, #tpu.memory_space<vmem>>, vector<1280x128xf32>
    %get3A_2 = arith.constant 0 : index
    %get3A_3 = arith.constant 0 : index
    %get3A_4 = vector.load %arg2[%get3A_2, %get3A_3] : memref<1280x128xf32, #tpu.memory_space<vmem>>, vector<1280x128xf32>
    %add3A = arith.addf %get3A_1, %get3A_4 : vector<1280x128xf32>
    %get3A_5 = arith.constant 0 : index
    %get3A_6 = arith.constant 0 : index
    %get3A_7 = vector.load %arg3[%get3A_5, %get3A_6] : memref<1280x1xf32, #tpu.memory_space<vmem>>, vector<1280x1xf32>
    %get3A_8 = arith.constant 0 : index
    %get3A_9 = arith.constant 0 : index
    %get3A_10 = vector.load %arg4[%get3A_8, %get3A_9] : memref<1280x1xf32, #tpu.memory_space<vmem>>, vector<1280x1xf32>
    %add3A_11 = arith.addf %get3A_7, %get3A_10 : vector<1280x1xf32>
    %get3A_12 = arith.constant 0 : index
    %get3A_13 = arith.constant 0 : index
    %get3A_14 = vector.load %arg6[%get3A_12, %get3A_13] : memref<128x128xf32, #tpu.memory_space<vmem>>, vector<128x128xf32>
    %dot_general3A = arith.constant dense<0.000000e+00> : vector<1280x128xf32>
    %dot_general3A_15 = tpu.matmul %add3A, %get3A_14, %dot_general3A {dimension_numbers = #tpu.dot_dimension_numbers<[1], [0], [0], [1], [0, 0, 1, 1], [], []>, transpose_lhs_hint = false} : vector<1280x128xf32>, vector<128x128xf32>, vector<1280x128xf32> -> vector<1280x128xf32>
    %get3A_16 = arith.constant 0 : index
    %get3A_17 = arith.constant 0 : index
    %get3A_18 = vector.load %arg7[%get3A_16, %get3A_17] : memref<1x128xf32, #tpu.memory_space<vmem>>, vector<1x128xf32>
    %mul3A = vector.broadcast %add3A_11 : vector<1280x1xf32> to vector<1280x128xf32>
    %mul3A_19 = vector.broadcast %get3A_18 : vector<1x128xf32> to vector<1280x128xf32>
    %mul3A_20 = arith.mulf %mul3A, %mul3A_19 : vector<1280x128xf32>
    %add3A_21 = arith.addf %dot_general3A_15, %mul3A_20 : vector<1280x128xf32>
    %get3A_22 = arith.constant 0 : index
    %get3A_23 = arith.constant 0 : index
    %get3A_24 = vector.load %arg5[%get3A_22, %get3A_23] : memref<1280x128xf32, #tpu.memory_space<vmem>>, vector<1280x128xf32>
    %get3A_25 = arith.constant 0 : index
    %get3A_26 = arith.constant 0 : index
    %get3A_27 = vector.load %arg8[%get3A_25, %get3A_26] : memref<128x128xf32, #tpu.memory_space<vmem>>, vector<128x128xf32>
    %dot_general3A_28 = arith.constant dense<0.000000e+00> : vector<1280x128xf32>
    %dot_general3A_29 = tpu.matmul %get3A_24, %get3A_27, %dot_general3A_28 {dimension_numbers = #tpu.dot_dimension_numbers<[1], [0], [0], [1], [0, 0, 1, 1], [], []>, transpose_lhs_hint = false} : vector<1280x128xf32>, vector<128x128xf32>, vector<1280x128xf32> -> vector<1280x128xf32>
    %get3A_30 = arith.constant 0 : index
    %get3A_31 = arith.constant 0 : index
    %get3A_32 = vector.load %arg9[%get3A_30, %get3A_31] : memref<128x128xf32, #tpu.memory_space<vmem>>, vector<128x128xf32>
    %dot_general3A_33 = arith.constant dense<0.000000e+00> : vector<1280x128xf32>
    %dot_general3A_34 = tpu.matmul %add3A_21, %get3A_32, %dot_general3A_33 {dimension_numbers = #tpu.dot_dimension_numbers<[1], [0], [0], [1], [0, 0, 1, 1], [], []>, transpose_lhs_hint = false} : vector<1280x128xf32>, vector<128x128xf32>, vector<1280x128xf32> -> vector<1280x128xf32>
    %add3A_35 = arith.addf %dot_general3A_29, %dot_general3A_34 : vector<1280x128xf32>
    %get3A_36 = arith.constant 0 : index
    %get3A_37 = arith.constant 0 : index
    %get3A_38 = vector.load %arg10[%get3A_36, %get3A_37] : memref<1x128xf32, #tpu.memory_space<vmem>>, vector<1x128xf32>
    %add3A_39 = vector.broadcast %get3A_38 : vector<1x128xf32> to vector<1280x128xf32>
    %add3A_40 = arith.addf %add3A_35, %add3A_39 : vector<1280x128xf32>
    %max3A = arith.constant 0.000000e+00 : f32
    %max3A_41 = vector.broadcast %max3A : f32 to vector<1280x128xf32>
    %max3A_42 = arith.maximumf %add3A_40, %max3A_41 : vector<1280x128xf32>
    %get3A_43 = arith.constant 0 : index
    %get3A_44 = arith.constant 0 : index
    %get3A_45 = vector.load %arg11[%get3A_43, %get3A_44] : memref<128x128xf32, #tpu.memory_space<vmem>>, vector<128x128xf32>
    %dot_general3A_46 = arith.constant dense<0.000000e+00> : vector<1280x128xf32>
    %dot_general3A_47 = tpu.matmul %max3A_42, %get3A_45, %dot_general3A_46 {dimension_numbers = #tpu.dot_dimension_numbers<[1], [0], [0], [1], [0, 0, 1, 1], [], []>, transpose_lhs_hint = false} : vector<1280x128xf32>, vector<128x128xf32>, vector<1280x128xf32> -> vector<1280x128xf32>
    %get3A_48 = arith.constant 0 : index
    %get3A_49 = arith.constant 0 : index
    %get3A_50 = vector.load %arg12[%get3A_48, %get3A_49] : memref<1x128xf32, #tpu.memory_space<vmem>>, vector<1x128xf32>
    %add3A_51 = vector.broadcast %get3A_50 : vector<1x128xf32> to vector<1280x128xf32>
    %add3A_52 = arith.addf %dot_general3A_47, %add3A_51 : vector<1280x128xf32>
    %swap3A = arith.constant 0 : index
    %swap3A_53 = arith.constant 0 : index
    %swap3A_54 = vector.load %arg13[%swap3A, %swap3A_53] : memref<1280x128xf32, #tpu.memory_space<vmem>>, vector<1280x128xf32>
    tpu.vector_store %arg13[%swap3A, %swap3A_53], %add3A_52 {strides = array<i32>} : memref<1280x128xf32, #tpu.memory_space<vmem>>, vector<1280x128xf32>,
    return
  }
  func.func @transform_0(%arg0: i32) -> (i32, i32) {
    %c0_i32 = arith.constant 0 : i32
    %c0_i32_0 = arith.constant 0 : i32
    return %arg0, %c0_i32 : i32, i32
  }
  func.func @transform_1(%arg0: i32) -> (i32, i32) {
    %c0_i32 = arith.constant 0 : i32
    %c0_i32_0 = arith.constant 0 : i32
    return %arg0, %c0_i32 : i32, i32
  }
  func.func @transform_2(%arg0: i32) -> (i32, i32) {
    %c0_i32 = arith.constant 0 : i32
    %c0_i32_0 = arith.constant 0 : i32
    return %arg0, %c0_i32 : i32, i32
  }
  func.func @transform_3(%arg0: i32) -> (i32, i32) {
    %c0_i32 = arith.constant 0 : i32
    %c0_i32_0 = arith.constant 0 : i32
    return %arg0, %c0_i32 : i32, i32
  }
  func.func @transform_4(%arg0: i32) -> (i32, i32) {
    %c0_i32 = arith.constant 0 : i32
    %c0_i32_0 = arith.constant 0 : i32
    return %arg0, %c0_i32 : i32, i32
  }
  func.func @transform_5(%arg0: i32) -> (i32, i32) {
    %c0_i32 = arith.constant 0 : i32
    %c0_i32_0 = arith.constant 0 : i32
    %c0_i32_1 = arith.constant 0 : i32
    return %c0_i32, %c0_i32_0 : i32, i32
  }
  func.func @transform_6(%arg0: i32) -> (i32, i32) {
    %c0_i32 = arith.constant 0 : i32
    %c0_i32_0 = arith.constant 0 : i32
    %c0_i32_1 = arith.constant 0 : i32
    return %c0_i32, %c0_i32_0 : i32, i32
  }
  func.func @transform_7(%arg0: i32) -> (i32, i32) {
    %c0_i32 = arith.constant 0 : i32
    %c0_i32_0 = arith.constant 0 : i32
    %c0_i32_1 = arith.constant 0 : i32
    return %c0_i32, %c0_i32_0 : i32, i32
  }
  func.func @transform_8(%arg0: i32) -> (i32, i32) {
    %c0_i32 = arith.constant 0 : i32
    %c0_i32_0 = arith.constant 0 : i32
    %c0_i32_1 = arith.constant 0 : i32
    return %c0_i32, %c0_i32_0 : i32, i32
  }
  func.func @transform_9(%arg0: i32) -> (i32, i32) {
    %c0_i32 = arith.constant 0 : i32
    %c0_i32_0 = arith.constant 0 : i32
    %c0_i32_1 = arith.constant 0 : i32
    return %c0_i32, %c0_i32_0 : i32, i32
  }
  func.func @transform_10(%arg0: i32) -> (i32, i32) {
    %c0_i32 = arith.constant 0 : i32
    %c0_i32_0 = arith.constant 0 : i32
    %c0_i32_1 = arith.constant 0 : i32
    return %c0_i32, %c0_i32_0 : i32, i32
  }
  func.func @transform_11(%arg0: i32) -> (i32, i32) {
    %c0_i32 = arith.constant 0 : i32
    %c0_i32_0 = arith.constant 0 : i32
    %c0_i32_1 = arith.constant 0 : i32
    return %c0_i32, %c0_i32_0 : i32, i32
  }
  func.func @transform_12(%arg0: i32) -> (i32, i32) {
    %c0_i32 = arith.constant 0 : i32
    %c0_i32_0 = arith.constant 0 : i32
    return %arg0, %c0_i32 : i32, i32
  }
}

</mosaic_0001>

<sc_bundles>
// kernel: kernel.5.cloned.1.call-start
scs
__scs_entry_jumppad:
0x0: {  	(pc) =	sbr.rel $0x88, $3  }
0x1: {  	(tag) =	ssettag $0x0;
	lr =	simm.s32 $0x1  }
0x2: {  	[smem:$0x3F97] =	sst lr;
	_ =	strace $0xD0000000  }
0x3: {  	_ = 	snop  }
0x4: {  	_ = 	snop  }
0x5: {  	_ = 	snop  }
0x6: {  	_ = 	snop  }
0x7: {  	_ = 	snop  }
__scs_overlays_trampoline_lowered:
0x8: {  	[smem:$0x3FA6] =	sst s0  }
0x9: {  	[smem:$0x3FA7] =	sst s1  }
0xa: {  	[smem:$0x3FA8] =	sst s2  }
0xb: {  	[smem:$0x3FA9] =	sst s3  }
0xc: {  	[smem:$0x3FAA] =	sst s4  }
0xd: {  	[smem:$0x3FAB] =	sst s5  }
0xe: {  	[smem:$0x3FAC] =	sst s6  }
0xf: {  	[smem:$0x3FAD] =	sst s7  }
0x10: {  	[smem:$0x3FAE] =	sst s8  }
0x11: {  	[smem:$0x3FAF] =	sst s9;
	s0 =	simm.s32 @!p0 $0x0  }
0x12: {  	s1 =	sld [smem:$0x3F95];
	s0 =	simm.s32 @p0 $0x1  }
0x13: {  	[smem:$0x3FB0] =	sst s0;
	s0 =	simm.s32 @!p1 $0x0  }
0x14: {  	s2 =	sld [smem:$0x3F94];
	s0 =	simm.s32 @p1 $0x1  }
0x15: {  	[smem:$0x3FB1] =	sst s0;
	s0 =	simm.s32 @!p2 $0x0  }
0x16: {  	s3 =	sld [smem:$0x3FDB];
	s0 =	simm.s32 @p2 $0x1  }
0x17: {  	s4 =	simm.s32 $0x1BF5;
	[smem:$0x3FB3] =	sst s0  }
0x18: {  	s0 =	sld [smem:$0x3F96];
	_ =	swait.ge [sflag:s4], $0x0  }
0x19: {  	s7 =	sld [smem:$0x3F97]  }
0x1a: {  	s8 =	sadd.s32 $0xFFFFE003, lr  }
0x1b: {  	s9 =	sadd.s32 $0xFFFFFEF7, lr;
	s5 =	simm.s32 $0xFFFFFFFF;
	p2 =	slt.u32 s8, $0xFFFFF086  }
0x1c: {  	p1 =	slt.u32 s9, $0xF7A;
	s5 =	simm.s32 @!p2 $0x0  }
0x1d: {  	s5 =	simm.s32 @p1 $0x1;
	p0 =	seq.s32 s7, s2  }
0x1e: {  	s7 =	smul.u32 @!p0 $0xF7A, s2;
	p2 =	seq.s32 @!p0 s5, $0x0  }
0x1f: {  	s9 =	smul.u32 $0xF7A, s1;
	s8 =	simm.s32 @!p0 $0x1BF5;
	p2 =	por !p2, p0  }
0x20: {  	[sflag:s8] =	ssyncset.s32 @!p0 $0xFFFFF086;
	s6 =	sadd.s32 @!p0 s3, s7;
	s7 =	simm.s32 @!p0 $0x108  }
0x21: {  	s3 =	sadd.s32 s3, s9;
	s6 =	sadd.s32 @!p0 $0x88, s6;
	s7 =	simm.s32 @p2 $0x1082  }
0x22: {  	[simem:s7], [sflag:s8] =	dma.local @!p0 [hbm:s6], $0xF7A  }
0x23: {  	s9 =	sor.u32 $0xD0000000, s2;
	s6 =	simm.s32 $0x108;
	_ =	swait.ge @!p0 [sflag:s8], $0x0  }
0x24: {  	s3 =	sadd.s32 $0x88, s3;
	s6 =	simm.s32 @!p1 $0x1082;
	[sflag:s4] =	ssyncset.s32 $0xFFFFF086  }
0x25: {  	[simem:s6], [sflag:s4] =	dma.local [hbm:s3], $0xF7A  }
0x26: {  	[smem:$0x3F97] =	sst s1;
	(tag) =	ssettag s2;
	_ =	strace s9  }
0x27: {  	s1 =	sld [smem:$0x3FA7]  }
0x28: {  	s2 =	sld [smem:$0x3FA8]  }
0x29: {  	s4 =	sld [smem:$0x3FAA]  }
0x2a: {  	p0 =	seq.s32 s5, $0x0;
	s5 =	sld [smem:$0x3FAB]  }
0x2b: {  	s6 =	sld [smem:$0x3FAC]  }
0x2c: {  	s7 =	sld [smem:$0x3FAD]  }
0x2d: {  	s3 =	simm.s32 $0x108;
	s8 =	sld [smem:$0x3FAE]  }
0x2e: {  	s3 =	simm.s32 @!p0 $0x1082;
	s9 =	sld [smem:$0x3FAF]  }
0x2f: {  	lr =	sadd.s32 s0, s3;
	s0 =	sld [smem:$0x3FA6]  }
0x30: {  	s3 =	sld [smem:$0x3FA9]  }
0x31: {  	[smem:$0x3FB2] =	sst s10  }
0x32: {  	s10 =	sld [smem:$0x3FB0];
	_ =	sdelay $0x3  }
0x33: {  	p0 =	seq.s32 s10, $0x1;
	s10 =	sld [smem:$0x3FB2];
	_ =	sdelay $0x3  }
0x34: {  	[smem:$0x3FB2] =	sst s10  }
0x35: {  	s10 =	sld [smem:$0x3FB1];
	_ =	sdelay $0x3  }
0x36: {  	p1 =	seq.s32 s10, $0x1;
	s10 =	sld [smem:$0x3FB2];
	_ =	sdelay $0x3  }
0x37: {  	[smem:$0x3FB2] =	sst s10  }
0x38: {  	s10 =	sld [smem:$0x3FB3]  }
0x39: {  	_ = 	snop;
	(pc) =	sbr.ind lr, $3  }
0x3a: {  	_ = 	snop  }
0x3b: {  	_ = 	snop  }
0x3c: {  	p2 =	seq.s32 s10, $0x1;
	s10 =	sld [smem:$0x3FB2]  }
0x3d: {  	_ =	shalt  }
0x3e: {  	_ =	shalt  }
0x3f: {  	_ =	shalt  }
0x40: {  	_ =	shalt  }
0x41: {  	_ =	shalt  }
0x42: {  	_ =	shalt  }
0x43: {  	_ =	shalt  }
0x44: {  	_ =	shalt  }
0x45: {  	_ =	shalt  }
0x46: {  	_ =	shalt  }
0x47: {  	_ =	shalt  }
0x48: {  	_ =	shalt  }
0x49: {  	_ =	shalt  }
0x4a: {  	_ =	shalt  }
0x4b: {  	_ =	shalt  }
0x4c: {  	_ =	shalt  }
0x4d: {  	_ =	shalt  }
0x4e: {  	_ =	shalt  }
0x4f: {  	_ =	shalt  }
0x50: {  	_ =	shalt  }
0x51: {  	_ =	shalt  }
0x52: {  	_ =	shalt  }
0x53: {  	_ =	shalt  }
0x54: {  	_ =	shalt  }
0x55: {  	_ =	shalt  }
0x56: {  	_ =	shalt  }
0x57: {  	_ =	shalt  }
0x58: {  	_ =	shalt  }
0x59: {  	_ =	shalt  }
0x5a: {  	_ =	shalt  }
0x5b: {  	_ =	shalt  }
0x5c: {  	_ =	shalt  }
0x5d: {  	_ =	shalt  }
0x5e: {  	_ =	shalt  }
0x5f: {  	_ =	shalt  }
0x60: {  	_ =	shalt  }
0x61: {  	_ =	shalt  }
0x62: {  	_ =	shalt  }
0x63: {  	_ =	shalt  }
0x64: {  	_ =	shalt  }
0x65: {  	_ =	shalt  }
0x66: {  	_ =	shalt  }
0x67: {  	_ =	shalt  }
0x68: {  	_ =	shalt  }
0x69: {  	_ =	shalt  }
0x6a: {  	_ =	shalt  }
0x6b: {  	_ =	shalt  }
0x6c: {  	_ =	shalt  }
0x6d: {  	_ =	shalt  }
0x6e: {  	_ =	shalt  }
0x6f: {  	_ =	shalt  }
0x70: {  	_ =	shalt  }
0x71: {  	_ =	shalt  }
0x72: {  	_ =	shalt  }
0x73: {  	_ =	shalt  }
0x74: {  	_ =	shalt  }
0x75: {  	_ =	shalt  }
0x76: {  	_ =	shalt  }
0x77: {  	_ =	shalt  }
0x78: {  	_ =	shalt  }
0x79: {  	_ =	shalt  }
0x7a: {  	_ =	shalt  }
0x7b: {  	_ =	shalt  }
0x7c: {  	_ =	shalt  }
0x7d: {  	_ =	shalt  }
0x7e: {  	_ =	shalt  }
0x7f: {  	_ =	shalt  }
0x80: {  	_ =	shalt  }
0x81: {  	_ =	shalt  }
0x82: {  	_ =	shalt  }
0x83: {  	_ =	shalt  }
0x84: {  	_ =	shalt  }
0x85: {  	_ =	shalt  }
0x86: {  	_ =	shalt  }
0x87: {  	_ =	shalt  }
.Lfunc_end0:
.L_simem_size_0:
called_computation_lowered:
.L_overlay_start_0:
0x88: {  	s2 =	sld [smem:$0x3FD9]  }
0x89: {  	s3 =	sld [smem:$0x3FFE];
	_ =	sdelay $0x1  }
0x8a: {  	s1 =	srdreg.scid  }
0x8b: {  	s0 =	sand.u32 $0x1, s1  }
0x8c: {  	s17 =	sshll.u32 s0, $0xA;
	s2 =	sadd.s32 s3, s2  }
0x8d: {  	s2 =	sadd.s32 s2, s17  }
0x8e: {  	[smem:$0x3FBE] =	sst s2  }
0x8f: {  	_ = 	snop  }
0x90: {  	s2 =	sld [smem:$0x3FD0];
	(tm) =	ssettm $0x1  }
0x91: {  	s18 =	sld [smem:$0x3FFB];
	_ =	sdelay $0x3  }
0x92: {  	_ =	strace s18  }
0x93: {  	s3 =	sld [smem:$0x3FFC];
	_ =	sdelay $0x3  }
0x94: {  	_ =	strace s3  }
0x95: {  	s3 =	sld [smem:$0x3FFD];
	_ =	sdelay $0x3  }
0x96: {  	_ =	strace s3  }
0x97: {  	_ =	strace $0x8FFFFFFF  }
0x98: {  	s19 =	sld [smem:$0x3FDB];
	_ =	sdelay $0x1  }
0x99: {  	s4 =	simm.s32 $_scs_section_size  }
0x9a: {  	s5 =	simm.s32 $_size__tile_overlayer_lowered;
	s6 =	simm.s32 $_tile_overlayer_lowered  }
0x9b: {  	s22 =	simm.s32 $0x1BFF;
	s21 =	sshll.u32 s6, $0x1;
	s3 =	sadd.s32 s4, s19  }
0x9c: {  	s7 =	simm.s32 $0x0;
	s20 =	sshll.u32 s5, $0x1;
	s5 =	sadd.s32 s21, s3  }
0x9d: {  	[timem:s7], [sflag:s22] =	dma.local [hbm:s5], s20  }
0x9e: {  	_ =	swait.ge [sflag:s22], s20  }
0x9f: {  	s4 =	ssub.s32 $0x0, s20;
	[sflag:s22] =	ssyncset.done $0x0  }
0xa0: {  	[sflag:s22] =	ssyncadd.s32 s4;
	_ =	sdelay $0x1  }
0xa1: {  	s23 =	simm.s32 $0x1B8B  }
0xa2: {  	_ =	swait.ge [sflag:s23], $0x1  }
0xa3: {  	[sflag:s23] =	ssyncset.done $0x0  }
0xa4: {  	s25 =	simm.s32 $0x1B8E;
	s24 =	sld [smem:$0x3FFE];
	[sflag:s23] =	ssyncadd.s32 $0xFFFFFFFF  }
0xa5: {  	s26 =	simm.s32 $execute0_lowered;
	[smem:$0x3FD2] =	sst s25  }
0xa6: {  	s5 =	sshll.u32 s26, $0x1;
	_ =	strace $0x80000046;
	[dreg:$0x1] =	wrdreg $0xFFFFFFFF  }
0xa7: {  	s28 =	simm.s32 $_size_execute0_lowered;
	s3 =	sadd.s32 s3, s5;
	[dreg:$0x0] =	wrdreg $0x0  }
0xa8: {  	s5 =	sshll.u32 s28, $0x1;
	[dreg:$0x2] =	wrdreg s3  }
0xa9: {  	[dreg:$0x3] =	wrdreg s5  }
0xaa: {  	[dreg:$0x4] =	wrdreg $0xC0  }
0xab: {  	_ =	task [dreg:s7], $0x5FFFF  }
0xac: {  	[dreg:$0x1] =	wrdreg $0xFFFFFFFF  }
0xad: {  	[dreg:$0x0] =	wrdreg $0x60  }
0xae: {  	[dreg:$0x2] =	wrdreg s2  }
0xaf: {  	[dreg:$0x3] =	wrdreg s24  }
0xb0: {  	[dreg:$0x4] =	wrdreg $0xAB800  }
0xb1: {  	[dreg:$0x5] =	wrdreg $0x1EB800  }
0xb2: {  	[dreg:$0x6] =	wrdreg $0x9  }
0xb3: {  	_ =	task.clear_ibuf [dreg:s7], $0x7FFFF;
	_ =	strace $0x90000046  }
0xb4: {  	s29 =	simm.s32 $0x9;
	_ =	strace $0x80000048  }
0xb5: {  	_ =	swait.ge [sflag:s29], $0x1  }
0xb6: {  	[sflag:s29] =	ssyncadd.s32 $0xFFFFFFFF  }
0xb7: {  	_ =	strace $0x90000048  }
0xb8: {  	_ =	sfence  }
0xb9: {  	s30 =	sld [smem:$0x0];
	_ =	sdelay $0x2  }
0xba: {  	s31 =	sshll.u32 s1, $0xD;
	s1 =	sshrl.u32 s1, $0x2  }
0xbb: {  	s3 =	sand.u32 $0x4000, s31;
	s1 =	sadd.s32 s1, s30  }
0xbc: {  	s0 =	sor.u32 s3, s0;
	s1 =	sshll.u32 s1, $0x11  }
0xbd: {  	s0 =	sor.u32 s1, s0  }
0xbe: {  	s0 =	sadd.s32 $0x8F2B, s0  }
0xbf: {  	[sflag:s0] =	ssyncadd.remote.s32 $0x1  }
0xc0: {  	_ =	sfence.sel $0xFFFF  }
0xc1: {  	[dreg:$0x0] =	wrdreg $0xFFFFFFFF;
	(pc) =	sbr.abs _section_cstart, $3  }
0xc2: {  	[dreg:$0x1] =	wrdreg $0xFFFFFFFF  }
0xc3: {  	_ =	task.clear_ibuf [dreg:s7], $0x2FFFF;
	_ =	strace $0x9FFFFFFF  }
0xc4: {  	(tm) =	ssettm $0x7FFFFFFF  }
0xc5: {  	_ =	shalt  }
tec
execute0_lowered:
.L_overlay_start_1:
0x0: {  	(tag) =	ssettag $0x1  }
0x1: {  	s1 =	rddreg [dreg:$0x0]  }
0x2: {  	s0 =	rddreg [dreg:$0x1]  }
0x3: {  	s29 =	rddreg [dreg:$0x2]  }
0x4: {  	s12 =	rddreg [dreg:$0x3];
	s13 =	stileid.u32  }
0x5: {  	s3 =	srdreg.scid;
	s5 =	smul.u32 $0x14000, s13  }
0x6: {  	s2 =	simm.s32 $0x0;
	s3 =	sand.u32 $0x1, s3;
	s9 =	smul.u32 $0x50000, s13  }
0x7: {  	[smem:$0x7FF] =	sst s2;
	s31 =	sshll.u32 s13, $0x1;
	s4 =	smul.u32 $0x140000, s3  }
0x8: {  	s28 =	smul.u32 $0x500, s3;
	s10 =	ssub.s32 $0x2, s3;
	s3 =	sor.u32 s3, s31  }
0x9: {  	s6 =	sadd.s32 $0x15A00, s0;
	s7 =	sadd.s32 $0xBC00, s0;
	s18 =	sshll.u32 s3, $0x3  }
0xa: {  	s8 =	sadd.s32 $0x1E00, s0;
	s9 =	sshrl.u32 s9, $0x2;
	s19 =	sadd.s32 s7, s18  }
0xb: {  	_ =	strace $0x80000047;
	s14 =	sadd.s32 s9, s29;
	[dreg:$0xc] =	wrdreg s19  }
0xc: {  	p1 =	seq.s32 s13, $0x1;
	s9 =	sadd.s32 $0x2000, s14;
	[dreg:$0x6] =	wrdreg s14  }
0xd: {  	p0 =	sne.s32 @!p1 s13, $0x0;
	s15 =	sadd.s32 $0x4000, s14;
	[dreg:$0x7] =	wrdreg s9  }
0xe: {  	s30 =	sshrl.u32 s10, $0x1;
	s16 =	sadd.s32 $0x6000, s14;
	[dreg:$0x8] =	wrdreg s15  }
0xf: {  	p2 =	por p0, p1;
	s17 =	sadd.s32 $0x8000, s14;
	[dreg:$0x9] =	wrdreg s16  }
0x10: {  	s20 =	sor.u32 $0x100, s18;
	s11 =	sadd.s32 $0xA000, s14;
	[dreg:$0xa] =	wrdreg s17  }
0x11: {  	s4 =	sadd.s32 s5, s4;
	s21 =	sadd.s32 s7, s20;
	[dreg:$0xb] =	wrdreg s11  }
0x12: {  	s5 =	ssub.s32 s10, s30;
	s22 =	sadd.s32 s8, s20;
	[dreg:$0xe] =	wrdreg s21  }
0x13: {  	p0 =	sne.s32 s13, $0x0;
	s24 =	smax.u32 s5, $0x1;
	[dreg:$0xf] =	wrdreg s22  }
0x14: {  	s4 =	sshrl.u32 s4, $0x3;
	s25 =	sadd.s32 $0xC000, s14;
	[dreg:$0x12] =	wrdreg s24  }
0x15: {  	s19 =	ssub.s32 $0x1388, s31;
	s26 =	sadd.s32 $0xE000, s14;
	[dreg:$0x13] =	wrdreg s25  }
0x16: {  	s30 =	sadd.s32 $0x12000, s14;
	s4 =	sadd.s32 s4, s0;
	[dreg:$0x14] =	wrdreg s26  }
0x17: {  	s0 =	sadd.s32 s28, s0;
	s9 =	sadd.s32 s8, s18;
	[dreg:$0x16] =	wrdreg s30  }
.Ltmp0:
0x18: {  	s28 =	sadd.s32 $0x10000, s14;
	[dreg:$0xd] =	wrdreg s9;
	(pc) =	sbr.rel .LBB2_1-.Ltmp0, $4  }
0x19: {  	s22 =	ssub.s32 $0x1368, s31;
	s31 =	sadd.s32 $0x2000, s12;
	[dreg:$0x15] =	wrdreg s28  }
0x1a: {  	v0 =	vlaneseq.u32;
	s20 =	sor.u32 $0x40, s3;
	s23 =	sadd.s32 $0x3CC00, s4;
	[dreg:$0x17] =	wrdreg s31  }
0x1b: {  	v1 =	vimm.f32 $0.0e+00;
	v2 =	vor.u32 $0x10, v0;
	s5 =	simm.s32 $0x40;
	s0 =	sadd.s32 $0x8CC00, s0;
	[dreg:$0x10] =	wrdreg s23  }
0x1c: {  	v3 =	vor.u32 $0x20, v0;
	v4 =	vor.u32 $0x30, v0;
	v5 =	vor.u32 $0x40, v0;
	s21 =	sor.u32 $0x60, s3;
	s4 =	simm.s32 $0x7;
	[dreg:$0x11] =	wrdreg s0  }
.LBB2_19:
0x1d: {  	[bflag:$0x0] =	sbarrier.arrive $0xFFFF;
	s0 =	simm.s32 $0x50;
	s2 =	simm.s32 $0x8300  }
0x1e: {  	s3 =	simm.s32 $0x8380;
	s4 =	simm.s32 $0x7;
	s12 =	rddreg [dreg:$0x3]  }
0x1f: {  	[spmem:s12] =	stream.indirect.scatter.add.f32 [tilespmem:s3], [sflag:$0x7], $0x80, s2, s0, $0xb8;
	[tilespmem:$0x1EE00] =	vst v63  }
0x20: {  	_ =	swait.ge [sflag:s4], $0x2800  }
0x21: {  	[sflag:s4] =	ssyncset.done $0x0  }
0x22: {  	[sflag:s4] =	ssyncadd.s32 $0xFFFFD800  }
0x23: {  	s25 =	stileid.u32;
	[bflag:$0x0] =	sbarrier.arrive $0xFFFF  }
0x24: {  	s0 =	sshll.u32 s25, $0x6;
	s14 =	rddreg [dreg:$0x6]  }
0x25: {  	s0 =	sor.u32 $0x1C07, s0;
	s28 =	rddreg [dreg:$0x10];
	s26 =	sshrl.u32 s14, $0x3  }
0x26: {  	[hbm:s28], [sflag:s0] =	dma.local [spmem:s26], $0x2800  }
0x27: {  	_ =	swait.ge [sflag:s4], $0x2800  }
0x28: {  	[sflag:s4] =	ssyncset.done $0x0  }
0x29: {  	s2 =	sshrl.u32 @!p0 s12, $0x3;
	s3 =	rddreg [dreg:$0x11];
	[sflag:s4] =	ssyncadd.s32 $0xFFFFD800  }
0x2a: {  	[hbm:s3], [sflag:s0] =	dma.local @!p0 [spmem:s2], $0x500  }
0x2b: {  	s0 =	simm.s32 @!p0 $0x7  }
0x2c: {  	_ =	swait.ge @!p0 [sflag:s0], $0x500  }
0x2d: {  	s30 =	rddreg [dreg:$0x5]  }
0x2e: {  	s31 =	rddreg [dreg:$0x12];
	s2 =	sadd.s32 $0x1, s30  }
0x2f: {  	p3 =	sne.s32 s2, s31  }
.Ltmp1:
0x30: {  	_ = 	snop;
	(pc) =	sbr.rel @!p3 .LBB2_20-.Ltmp1, $3  }
0x31: {  	_ =	sdelay $0x1  }
0x32: {  	[sflag:s0] =	ssyncset.done @!p0 $0x0  }
0x33: {  	[sflag:s0] =	ssyncadd.s32 @!p0 $0xFFFFFB00  }
.LBB2_1:
0x34: {  	s0 =	simm.s32 $0x0;
	s3 =	simm.s32 $0x200  }
.LBB2_2:
0x35: {  	p3 =	sne.s32 s3, $0x7E00;
	[tilespmem:s0+$0x370] =	vst v1  }
0x36: {  	[tilespmem:s0+$0x300] =	vst v1  }
0x37: {  	[tilespmem:s0+$0x310] =	vst v1  }
.Ltmp2:
0x38: {  	[tilespmem:s0+$0x320] =	vst v1;
	(pc) =	sbr.rel @p3 .LBB2_2-.Ltmp2, $4  }
0x39: {  	[tilespmem:s0+$0x330] =	vst v1  }
0x3a: {  	[tilespmem:s0+$0x340] =	vst v1  }
0x3b: {  	[tilespmem:s0+$0x350] =	vst v1  }
0x3c: {  	[tilespmem:s0+$0x360] =	vst v1;
	s0 =	sshra.s32 s3, $0x2;
	s3 =	sadd.s32 $0x200, s3  }
0x3d: {  	[tilespmem:s0+$0x370] =	vst v1  }
0x3e: {  	[tilespmem:s0+$0x300] =	vst v1  }
0x3f: {  	[tilespmem:s0+$0x310] =	vst v1  }
0x40: {  	[tilespmem:s0+$0x320] =	vst v1  }
0x41: {  	[tilespmem:s0+$0x330] =	vst v1  }
0x42: {  	[tilespmem:s0+$0x340] =	vst v1  }
0x43: {  	[tilespmem:s0+$0x350] =	vst v1  }
0x44: {  	[tilespmem:s0+$0x360] =	vst v1;
	s0 =	simm.s32 $0x0;
	s3 =	simm.s32 $0x200  }
.LBB2_4:
0x45: {  	p3 =	sne.s32 s3, $0x9E00;
	[tilespmem:s0+$0x83F0] =	vst v1  }
0x46: {  	[tilespmem:s0+$0x8380] =	vst v1  }
0x47: {  	[tilespmem:s0+$0x8390] =	vst v1  }
.Ltmp3:
0x48: {  	[tilespmem:s0+$0x83A0] =	vst v1;
	(pc) =	sbr.rel @p3 .LBB2_4-.Ltmp3, $4  }
0x49: {  	[tilespmem:s0+$0x83B0] =	vst v1  }
0x4a: {  	[tilespmem:s0+$0x83C0] =	vst v1  }
0x4b: {  	[tilespmem:s0+$0x83D0] =	vst v1  }
0x4c: {  	[tilespmem:s0+$0x83E0] =	vst v1;
	s0 =	sshra.s32 s3, $0x2;
	s3 =	sadd.s32 $0x200, s3  }
0x4d: {  	[tilespmem:s0+$0x83F0] =	vst v1  }
0x4e: {  	[tilespmem:s0+$0x8380] =	vst v1  }
0x4f: {  	[tilespmem:s0+$0x8390] =	vst v1  }
0x50: {  	[tilespmem:s0+$0x83A0] =	vst v1  }
0x51: {  	[tilespmem:s0+$0x83B0] =	vst v1  }
0x52: {  	[tilespmem:s0+$0x83C0] =	vst v1  }
0x53: {  	[tilespmem:s0+$0x83D0] =	vst v1  }
0x54: {  	[dreg:$0x5] =	wrdreg s2;
	[tilespmem:s0+$0x83E0] =	vst v1;
	s3 =	simm.s32 $0x300  }
0x55: {  	[spmem:s14] =	stream.linear.scatter [tilespmem:s3], [sflag:$0x7], $0x2000, $0x38;
	[tilespmem:$0x1EE00] =	vst v63  }
0x56: {  	_ =	swait.ge [sflag:s4], $0x2000  }
0x57: {  	[sflag:s4] =	ssyncset.done $0x0  }
0x58: {  	s31 =	rddreg [dreg:$0x7];
	[sflag:s4] =	ssyncadd.s32 $0xFFFFE000  }
0x59: {  	[spmem:s31] =	stream.linear.scatter [tilespmem:s3], [sflag:$0x7], $0x2000, $0x38;
	[tilespmem:$0x1EE00] =	vst v63  }
0x5a: {  	_ =	swait.ge [sflag:s4], $0x2000  }
0x5b: {  	[sflag:s4] =	ssyncset.done $0x0  }
0x5c: {  	s2 =	rddreg [dreg:$0x8];
	[sflag:s4] =	ssyncadd.s32 $0xFFFFE000  }
0x5d: {  	[spmem:s2] =	stream.linear.scatter [tilespmem:s3], [sflag:$0x7], $0x2000, $0x38;
	[tilespmem:$0x1EE00] =	vst v63  }
0x5e: {  	_ =	swait.ge [sflag:s4], $0x2000  }
0x5f: {  	[sflag:s4] =	ssyncset.done $0x0  }
0x60: {  	s9 =	rddreg [dreg:$0x9];
	[sflag:s4] =	ssyncadd.s32 $0xFFFFE000  }
0x61: {  	[spmem:s9] =	stream.linear.scatter [tilespmem:s3], [sflag:$0x7], $0x2000, $0x38;
	[tilespmem:$0x1EE00] =	vst v63  }
0x62: {  	_ =	swait.ge [sflag:s4], $0x2000  }
0x63: {  	[sflag:s4] =	ssyncset.done $0x0  }
0x64: {  	s10 =	rddreg [dreg:$0xa];
	[sflag:s4] =	ssyncadd.s32 $0xFFFFE000  }
0x65: {  	[spmem:s10] =	stream.linear.scatter [tilespmem:s3], [sflag:$0x7], $0x2000, $0x38;
	[tilespmem:$0x1EE00] =	vst v63  }
0x66: {  	_ =	swait.ge [sflag:s4], $0x2000  }
0x67: {  	[sflag:s4] =	ssyncset.done $0x0  }
0x68: {  	s11 =	rddreg [dreg:$0xb];
	[sflag:s4] =	ssyncadd.s32 $0xFFFFE000  }
0x69: {  	[spmem:s11] =	stream.linear.scatter [tilespmem:s3], [sflag:$0x7], $0x2000, $0x38;
	[tilespmem:$0x1EE00] =	vst v63  }
0x6a: {  	_ =	swait.ge [sflag:s4], $0x2000  }
0x6b: {  	[sflag:s4] =	ssyncset.done $0x0  }
0x6c: {  	s13 =	rddreg [dreg:$0x13];
	[sflag:s4] =	ssyncadd.s32 $0xFFFFE000  }
0x6d: {  	[spmem:s13] =	stream.linear.scatter [tilespmem:s3], [sflag:$0x7], $0x2000, $0x38;
	[tilespmem:$0x1EE00] =	vst v63  }
0x6e: {  	_ =	swait.ge [sflag:s4], $0x2000  }
0x6f: {  	[sflag:s4] =	ssyncset.done $0x0  }
0x70: {  	s14 =	rddreg [dreg:$0x14];
	[sflag:s4] =	ssyncadd.s32 $0xFFFFE000  }
0x71: {  	[spmem:s14] =	stream.linear.scatter [tilespmem:s3], [sflag:$0x7], $0x2000, $0x38;
	[tilespmem:$0x1EE00] =	vst v63  }
0x72: {  	_ =	swait.ge [sflag:s4], $0x2000  }
0x73: {  	[sflag:s4] =	ssyncset.done $0x0  }
0x74: {  	s15 =	rddreg [dreg:$0x15];
	[sflag:s4] =	ssyncadd.s32 $0xFFFFE000  }
0x75: {  	[spmem:s15] =	stream.linear.scatter [tilespmem:s3], [sflag:$0x7], $0x2000, $0x38;
	[tilespmem:$0x1EE00] =	vst v63  }
0x76: {  	_ =	swait.ge [sflag:s4], $0x2000  }
0x77: {  	[sflag:s4] =	ssyncset.done $0x0  }
0x78: {  	s16 =	rddreg [dreg:$0x16];
	[sflag:s4] =	ssyncadd.s32 $0xFFFFE000  }
0x79: {  	[spmem:s16] =	stream.linear.scatter [tilespmem:s3], [sflag:$0x7], $0x2000, $0x38;
	[tilespmem:$0x1EE00] =	vst v63  }
0x7a: {  	_ =	swait.ge [sflag:s4], $0x2000  }
0x7b: {  	[sflag:s4] =	ssyncset.done $0x0  }
0x7c: {  	s0 =	simm.s32 @p1 $0x300;
	s2 =	rddreg [dreg:$0x17];
	[sflag:s4] =	ssyncadd.s32 $0xFFFFE000  }
0x7d: {  	[spmem:s2] =	stream.linear.scatter @p1 [tilespmem:s0], [sflag:$0x7], $0x800, $0x38;
	[tilespmem:$0x1EE00] =	vst v63  }
0x7e: {  	s0 =	simm.s32 @p1 $0x7  }
0x7f: {  	_ =	swait.ge @p1 [sflag:s0], $0x800  }
0x80: {  	[sflag:s0] =	ssyncset.done @p1 $0x0  }
0x81: {  	[sflag:s0] =	ssyncadd.s32 @p1 $0xFFFFF800;
	s0 =	simm.s32 @!p2 $0x300  }
0x82: {  	[spmem:s12] =	stream.linear.scatter @!p2 [tilespmem:s0], [sflag:$0x7], $0x2000, $0x38;
	[tilespmem:$0x1EE00] =	vst v63  }
0x83: {  	s0 =	simm.s32 @!p2 $0x7  }
0x84: {  	_ =	swait.ge @!p2 [sflag:s0], $0x2000  }
0x85: {  	[sflag:s0] =	ssyncset.done @!p2 $0x0  }
0x86: {  	[sflag:s0] =	ssyncadd.s32 @!p2 $0xFFFFE000  }
0x87: {  	[tilespmem:$0x8300] =	vst v0  }
0x88: {  	[tilespmem:$0x8310] =	vst v2  }
0x89: {  	[tilespmem:$0x8320] =	vst v3  }
0x8a: {  	[tilespmem:$0x8330] =	vst v4  }
0x8b: {  	[tilespmem:$0x8340] =	vst v5  }
0x8c: {  	[bflag:$0x0] =	sbarrier.arrive $0xFFFF  }
0x8d: {  	s15 =	simm.s32 $0x0;
	s17 =	rddreg [dreg:$0xc]  }
0x8e: {  	[tilespmem:s15], [sflag:$0x1] =	stream.linear.gather [hbm4b:s17+s15], $0x40, $0x38;
	[tilespmem:$0x1EE00] =	vst v63  }
0x8f: {  	s23 =	simm.s32 $0x100;
	s18 =	rddreg [dreg:$0xd]  }
0x90: {  	[tilespmem:s23], [sflag:$0x1] =	stream.linear.gather [hbm4b:s18+s15], $0x40, $0x38;
	[tilespmem:$0x1EE00] =	vst v63  }
0x91: {  	s25 =	simm.s32 $0x80;
	s24 =	rddreg [dreg:$0xe]  }
0x92: {  	[tilespmem:s25], [sflag:$0x2] =	stream.linear.gather [hbm4b:s24+s15], $0x40, $0x38;
	[tilespmem:$0x1EE00] =	vst v63  }
0x93: {  	s28 =	simm.s32 $0x180;
	s30 =	simm.s32 $0x1;
	s26 =	rddreg [dreg:$0xf]  }
0x94: {  	[tilespmem:s28], [sflag:$0x2] =	stream.linear.gather [hbm4b:s26+s15], $0x40, $0x38;
	[tilespmem:$0x1EE00] =	vst v63  }
0x95: {  	_ =	swait.ge [sflag:s30], $0x40  }
0x96: {  	[sflag:s30] =	ssyncset.done $0x0  }
0x97: {  	[sflag:s30] =	ssyncadd.s32 $0xFFFFFFC0  }
0x98: {  	_ =	swait.ge [sflag:s30], $0x40  }
.Ltmp4:
0x99: {  	[sflag:s30] =	ssyncset.done $0x0;
	(pc) =	sbr.rel .LBB2_6-.Ltmp4, $4  }
0x9a: {  	[sflag:s30] =	ssyncadd.s32 $0xFFFFFFC0  }
0x9b: {  	[tilespmem:s3], [sflag:$0x3] =	stream.indirect.gather [hbm4b:s1+s5], $0x80, s23, s5, $0xb8;
	[tilespmem:$0x1EE00] =	vst v63  }
0x9c: {  	s31 =	simm.s32 $0x4300  }
0x9d: {  	[tilespmem:s31], [sflag:$0x3] =	stream.indirect.gather [hbm4b:s6+s5], $0x80, s15, s5, $0xb8;
	[tilespmem:$0x1EE00] =	vst v63  }
.LBB2_18:
0x9e: {  	s15 =	sadd.s32 $0x1, s15  }
0x9f: {  	p3 =	sne.s32 s15, $0x4F  }
.Ltmp5:
0xa0: {  	_ = 	snop;
	(pc) =	sbr.rel @!p3 .LBB2_19-.Ltmp5, $1  }
0xa1: {  	_ =	sdelay $0x3  }
.LBB2_6:
0xa2: {  	s18 =	sshll.u32 s15, $0x6  }
0xa3: {  	p3 =	sge.u32 s18, s19  }
0xa4: {  	s0 =	simm.s32 @!p3 $0x3  }
0xa5: {  	_ =	swait.ge @!p3 [sflag:s0], $0x2000  }
0xa6: {  	[sflag:s0] =	ssyncset.done @!p3 $0x0  }
0xa7: {  	[sflag:s0] =	ssyncadd.s32 @!p3 $0xFFFFE000  }
0xa8: {  	_ =	swait.ge @!p3 [sflag:s0], $0x2000  }
0xa9: {  	[sflag:s0] =	ssyncset.done @!p3 $0x0  }
0xaa: {  	[sflag:s0] =	ssyncadd.s32 @!p3 $0xFFFFE000  }
0xab: {  	v6 =	vld @!p3 [tilespmem:$0x100]  }
0xac: {  	v7 =	vld @!p3 [tilespmem:$0x110]  }
0xad: {  	v8 =	vld @!p3 [tilespmem:$0x120]  }
0xae: {  	v9 =	vld @!p3 [tilespmem:$0x130];
	_ =	sdelay $0x1  }
0xaf: {  	s0 =	sadd.s32 s20, s18;
	[tilespmem:$0x200] =	vst @!p3 v6  }
0xb0: {  	p4 =	sgt.u32 s0, $0x1387;
	[tilespmem:$0x210] =	vst @!p3 v7  }
0xb1: {  	s0 =	sshll.u32 @!p4 s0, $0x3;
	[tilespmem:$0x220] =	vst @!p3 v8  }
0xb2: {  	s16 =	simm.s32 @!p4 $0x0;
	s3 =	sadd.s32 @!p4 s7, s0;
	[tilespmem:$0x230] =	vst @!p3 v9  }
0xb3: {  	[tilespmem:s16], [sflag:$0x1] =	stream.linear.gather @!p4 [hbm4b:s3+s16], $0x40, $0x38;
	[tilespmem:$0x1EE00] =	vst v63  }
0xb4: {  	p6 =	seq.s32 s15, $0x0;
	s17 =	simm.s32 @!p4 $0x100;
	s0 =	sadd.s32 @!p4 s8, s0  }
0xb5: {  	[tilespmem:s17], [sflag:$0x1] =	stream.linear.gather @!p4 [hbm4b:s0+s16], $0x40, $0x38;
	[tilespmem:$0x1EE00] =	vst v63  }
0xb6: {  	s0 =	simm.s32 @!p6 $0x6  }
0xb7: {  	_ =	swait.ge @!p6 [sflag:s0], $0x2000  }
0xb8: {  	p5 =	sge.u32 s18, s22;
	[sflag:s0] =	ssyncset.done @!p6 $0x0  }
0xb9: {  	[sflag:s0] =	ssyncadd.s32 @!p6 $0xFFFFE000;
	s0 =	simm.s32 @!p5 $0x2  }
0xba: {  	_ =	swait.ge @!p5 [sflag:s0], $0x40  }
0xbb: {  	[sflag:s0] =	ssyncset.done @!p5 $0x0  }
0xbc: {  	[sflag:s0] =	ssyncadd.s32 @!p5 $0xFFFFFFC0  }
0xbd: {  	_ =	swait.ge @!p5 [sflag:s0], $0x40  }
.Ltmp6:
0xbe: {  	s4 =	simm.s32 @!p5 $0x2300;
	[sflag:s0] =	ssyncset.done @!p5 $0x0;
	(pc) =	sbr.rel @p3 .LBB2_12-.Ltmp6, $4  }
0xbf: {  	s3 =	simm.s32 @!p5 $0x180;
	[sflag:s0] =	ssyncadd.s32 @!p5 $0xFFFFFFC0;
	s0 =	simm.s32 @!p5 $0x40  }
0xc0: {  	[tilespmem:s4], [sflag:$0x4] =	stream.indirect.gather @!p5 [hbm4b:s1+s0], $0x80, s3, s0, $0xb8;
	[tilespmem:$0x1EE00] =	vst v63  }
0xc1: {  	s3 =	simm.s32 @!p5 $0x80;
	s4 =	simm.s32 @!p5 $0x6300  }
0xc2: {  	[tilespmem:s4], [sflag:$0x4] =	stream.indirect.gather @!p5 [hbm4b:s6+s0], $0x80, s3, s0, $0xb8;
	[tilespmem:$0x1EE00] =	vst v63  }
0xc3: {  	s0 =	simm.s32 $0x0  }
0xc4: {  	v6 =	vld [tilespmem:s0+$0x200];
	_ =	sdelay $0x4  }
0xc5: {  	(v2sf) =	vpush v6, $0x0;
	_ =	sdelay $0x7  }
0xc6: {  	(v2sf) =	vpush v6, $0x1;
	_ =	sdelay $0x6  }
0xc7: {  	s9 =	spop (v2sf)  }
0xc8: {  	(v2sf) =	vpush v6, $0x2;
	s3 =	sand.u32 $0xFFFFFFF0, s9  }
0xc9: {  	v7 =	vld [tilespmem:s3+$0x8380]  }
0xca: {  	s0 =	sand.u32 $0xF, s9  }
0xcb: {  	v8 =	vmov s0  }
0xcc: {  	vm0 =	veq.s32 v8, v0  }
0xcd: {  	v8 =	vsel vm0, $0x3F800000, v1  }
0xce: {  	v7 =	vadd.f32 v8, v7  }
0xcf: {  	s10 =	spop (v2sf)  }
0xd0: {  	(v2sf) =	vpush v6, $0x3;
	s11 =	sand.u32 $0xFFFFFFF0, s10;
	[tilespmem:s3+$0x8380] =	vst v7  }
0xd1: {  	v7 =	vld [tilespmem:s11+$0x8380]  }
0xd2: {  	s0 =	sand.u32 $0xF, s10  }
0xd3: {  	v8 =	vmov s0  }
0xd4: {  	vm13 =	veq.s32 v8, v0  }
0xd5: {  	v8 =	vsel vm13, $0x3F800000, v1  }
0xd6: {  	v7 =	vadd.f32 v8, v7  }
0xd7: {  	s12 =	spop (v2sf)  }
0xd8: {  	(v2sf) =	vpush v6, $0x4;
	s13 =	sand.u32 $0xFFFFFFF0, s12;
	[tilespmem:s11+$0x8380] =	vst v7  }
0xd9: {  	v7 =	vld [tilespmem:s13+$0x8380]  }
0xda: {  	s0 =	sand.u32 $0xF, s12  }
0xdb: {  	v8 =	vmov s0  }
0xdc: {  	vm14 =	veq.s32 v8, v0  }
0xdd: {  	v8 =	vsel vm14, $0x3F800000, v1  }
0xde: {  	v7 =	vadd.f32 v8, v7  }
0xdf: {  	s14 =	spop (v2sf)  }
0xe0: {  	(v2sf) =	vpush v6, $0x5;
	s23 =	sand.u32 $0xFFFFFFF0, s14;
	[tilespmem:s13+$0x8380] =	vst v7  }
0xe1: {  	v7 =	vld [tilespmem:s23+$0x8380]  }
0xe2: {  	s0 =	sand.u32 $0xF, s14  }
0xe3: {  	v8 =	vmov s0  }
0xe4: {  	vm15 =	veq.s32 v8, v0  }
0xe5: {  	v8 =	vsel vm15, $0x3F800000, v1  }
0xe6: {  	v7 =	vadd.f32 v7, v8  }
0xe7: {  	s24 =	spop (v2sf)  }
0xe8: {  	(v2sf) =	vpush v6, $0x6;
	s25 =	sand.u32 $0xFFFFFFF0, s24;
	[tilespmem:s23+$0x8380] =	vst v7  }
0xe9: {  	v7 =	vld [tilespmem:s25+$0x8380]  }
0xea: {  	s0 =	sand.u32 $0xF, s24  }
0xeb: {  	v8 =	vmov s0  }
0xec: {  	vm4 =	veq.s32 v8, v0  }
0xed: {  	v8 =	vsel vm4, $0x3F800000, v1  }
0xee: {  	v7 =	vadd.f32 v7, v8  }
0xef: {  	s26 =	spop (v2sf)  }
0xf0: {  	(v2sf) =	vpush v6, $0x7;
	s28 =	sand.u32 $0xFFFFFFF0, s26;
	[tilespmem:s25+$0x8380] =	vst v7  }
0xf1: {  	v7 =	vld [tilespmem:s28+$0x8380]  }
0xf2: {  	s0 =	sand.u32 $0xF, s26  }
0xf3: {  	v8 =	vmov s0  }
0xf4: {  	vm5 =	veq.s32 v8, v0  }
0xf5: {  	v8 =	vsel vm5, $0x3F800000, v1  }
0xf6: {  	v7 =	vadd.f32 v7, v8  }
0xf7: {  	s5 =	smov.u32 s29;
	s29 =	spop (v2sf)  }
0xf8: {  	(v2sf) =	vpush v6, $0x8;
	s30 =	sand.u32 $0xFFFFFFF0, s29;
	[tilespmem:s28+$0x8380] =	vst v7  }
0xf9: {  	v7 =	vld [tilespmem:s30+$0x8380]  }
0xfa: {  	s0 =	sand.u32 $0xF, s29  }
0xfb: {  	v8 =	vmov s0  }
0xfc: {  	vm6 =	veq.s32 v8, v0  }
0xfd: {  	v8 =	vsel vm6, $0x3F800000, v1  }
0xfe: {  	v7 =	vadd.f32 v7, v8  }
0xff: {  	s31 =	spop (v2sf)  }
0x100: {  	(v2sf) =	vpush v6, $0x9;
	s2 =	sand.u32 $0xFFFFFFF0, s31;
	[tilespmem:s30+$0x8380] =	vst v7  }
0x101: {  	v7 =	vld [tilespmem:s2+$0x8380]  }
0x102: {  	s0 =	sand.u32 $0xF, s31  }
0x103: {  	v8 =	vmov s0  }
0x104: {  	vm7 =	veq.s32 v8, v0  }
0x105: {  	v8 =	vsel vm7, $0x3F800000, v1  }
0x106: {  	v7 =	vadd.f32 v7, v8  }
0x107: {  	s4 =	spop (v2sf)  }
0x108: {  	(v2sf) =	vpush v6, $0xA;
	s9 =	sand.u32 $0xFFFFFFF0, s4;
	[tilespmem:s2+$0x8380] =	vst v7  }
0x109: {  	v7 =	vld [tilespmem:s9+$0x8380]  }
0x10a: {  	s0 =	sand.u32 $0xF, s4  }
0x10b: {  	v8 =	vmov s0  }
0x10c: {  	vm8 =	veq.s32 v8, v0  }
0x10d: {  	v8 =	vsel vm8, $0x3F800000, v1  }
0x10e: {  	v7 =	vadd.f32 v7, v8  }
0x10f: {  	s10 =	spop (v2sf)  }
0x110: {  	(v2sf) =	vpush v6, $0xB;
	s11 =	sand.u32 $0xFFFFFFF0, s10;
	[tilespmem:s9+$0x8380] =	vst v7  }
0x111: {  	v7 =	vld [tilespmem:s11+$0x8380]  }
0x112: {  	s0 =	sand.u32 $0xF, s10  }
0x113: {  	v8 =	vmov s0  }
0x114: {  	vm9 =	veq.s32 v8, v0  }
0x115: {  	v8 =	vsel vm9, $0x3F800000, v1  }
0x116: {  	v7 =	vadd.f32 v7, v8  }
0x117: {  	s12 =	spop (v2sf)  }
0x118: {  	(v2sf) =	vpush v6, $0xC;
	s13 =	sand.u32 $0xFFFFFFF0, s12;
	[tilespmem:s11+$0x8380] =	vst v7  }
0x119: {  	v7 =	vld [tilespmem:s13+$0x8380]  }
0x11a: {  	s0 =	sand.u32 $0xF, s12  }
0x11b: {  	v8 =	vmov s0  }
0x11c: {  	vm10 =	veq.s32 v8, v0  }
0x11d: {  	v8 =	vsel vm10, $0x3F800000, v1  }
0x11e: {  	v7 =	vadd.f32 v7, v8  }
0x11f: {  	s14 =	spop (v2sf)  }
0x120: {  	(v2sf) =	vpush v6, $0xD;
	s23 =	sand.u32 $0xFFFFFFF0, s14;
	[tilespmem:s13+$0x8380] =	vst v7  }
0x121: {  	v7 =	vld [tilespmem:s23+$0x8380]  }
0x122: {  	s0 =	sand.u32 $0xF, s14  }
0x123: {  	v8 =	vmov s0  }
0x124: {  	vm11 =	veq.s32 v8, v0  }
0x125: {  	v8 =	vsel vm11, $0x3F800000, v1  }
0x126: {  	v7 =	vadd.f32 v7, v8  }
0x127: {  	s24 =	spop (v2sf)  }
0x128: {  	(v2sf) =	vpush v6, $0xE;
	s25 =	sand.u32 $0xFFFFFFF0, s24;
	[tilespmem:s23+$0x8380] =	vst v7  }
0x129: {  	v7 =	vld [tilespmem:s25+$0x8380]  }
0x12a: {  	s0 =	sand.u32 $0xF, s24  }
0x12b: {  	v8 =	vmov s0  }
0x12c: {  	vm12 =	veq.s32 v8, v0  }
0x12d: {  	v8 =	vsel vm12, $0x3F800000, v1  }
0x12e: {  	v7 =	vadd.f32 v7, v8  }
0x12f: {  	s26 =	spop (v2sf)  }
0x130: {  	(v2sf) =	vpush v6, $0xF;
	s28 =	sand.u32 $0xFFFFFFF0, s26;
	[tilespmem:s25+$0x8380] =	vst v7  }
0x131: {  	v6 =	vld [tilespmem:s28+$0x8380]  }
0x132: {  	s0 =	sand.u32 $0xF, s26  }
0x133: {  	v7 =	vmov s0  }
0x134: {  	vm13 =	veq.s32 v7, v0  }
0x135: {  	v7 =	vsel vm13, $0x3F800000, v1  }
0x136: {  	v6 =	vadd.f32 v6, v7  }
0x137: {  	s29 =	spop (v2sf)  }
0x138: {  	s30 =	sand.u32 $0xFFFFFFF0, s29;
	[tilespmem:s28+$0x8380] =	vst v6  }
0x139: {  	v6 =	vld [tilespmem:s30+$0x8380]  }
0x13a: {  	s0 =	sand.u32 $0xF, s29  }
0x13b: {  	v7 =	vmov s0  }
0x13c: {  	vm14 =	veq.s32 v7, v0  }
0x13d: {  	v7 =	vsel vm14, $0x3F800000, v1  }
0x13e: {  	v6 =	vadd.f32 v6, v7  }
0x13f: {  	s4 =	spop (v2sf)  }
0x140: {  	s0 =	sand.u32 $0xFFFFFFF0, s4;
	[tilespmem:s30+$0x8380] =	vst v6  }
0x141: {  	v6 =	vld [tilespmem:s0+$0x8380]  }
0x142: {  	s31 =	sand.u32 $0xF, s4  }
0x143: {  	v7 =	vmov s31  }
0x144: {  	vm15 =	veq.s32 v7, v0  }
0x145: {  	v7 =	vsel vm15, $0x3F800000, v1  }
0x146: {  	s24 =	simm.s32 $0x80;
	s23 =	simm.s32 $0x40;
	v6 =	vadd.f32 v6, v7  }
.LBB2_8:
0x147: {  	p6 =	sne.s32 s24, $0xC0  }
0x148: {  	s3 =	sshra.s32 s23, $0x2;
	s23 =	smov.u32 s24;
	s24 =	sadd.s32 $0x40, s24;
	[tilespmem:s0+$0x8380] =	vst v6  }
0x149: {  	v6 =	vld [tilespmem:s3+$0x200];
	_ =	sdelay $0x4  }
0x14a: {  	(v2sf) =	vpush v6, $0x0  }
0x14b: {  	(v2sf) =	vpush v6, $0x1  }
0x14c: {  	(v2sf) =	vpush v6, $0x2  }
0x14d: {  	(v2sf) =	vpush v6, $0x3  }
0x14e: {  	(v2sf) =	vpush v6, $0x4  }
0x14f: {  	(v2sf) =	vpush v6, $0x5  }
0x150: {  	(v2sf) =	vpush v6, $0x6  }
0x151: {  	(v2sf) =	vpush v6, $0x7  }
0x152: {  	(v2sf) =	vpush v6, $0x8  }
0x153: {  	(v2sf) =	vpush v6, $0x9  }
0x154: {  	(v2sf) =	vpush v6, $0xA  }
0x155: {  	(v2sf) =	vpush v6, $0xB  }
0x156: {  	(v2sf) =	vpush v6, $0xC  }
0x157: {  	(v2sf) =	vpush v6, $0xD  }
0x158: {  	(v2sf) =	vpush v6, $0xE  }
0x159: {  	s0 =	spop (v2sf);
	(v2sf) =	vpush v6, $0xF  }
0x15a: {  	s3 =	sand.u32 $0xF, s0;
	s25 =	sand.u32 $0xFFFFFFF0, s0;
	s26 =	spop (v2sf)  }
0x15b: {  	v6 =	vld [tilespmem:s25+$0x8380];
	v7 =	vmov s3;
	s3 =	sand.u32 $0xF, s26;
	s0 =	spop (v2sf)  }
0x15c: {  	vm1 =	veq.s32 v7, v0;
	v7 =	vmov s3;
	s3 =	sand.u32 $0xF, s0;
	s14 =	spop (v2sf)  }
0x15d: {  	vm0 =	veq.s32 v7, v0;
	v7 =	vmov s3;
	s3 =	sand.u32 $0xF, s14;
	s13 =	spop (v2sf)  }
0x15e: {  	vm13 =	veq.s32 v7, v0;
	v7 =	vmov s3;
	s3 =	sand.u32 $0xF, s13;
	s12 =	spop (v2sf)  }
0x15f: {  	v8 =	vsel vm1, $0x3F800000, v1;
	vm12 =	veq.s32 v7, v0;
	v7 =	vmov s3;
	s3 =	sand.u32 $0xF, s12;
	s4 =	spop (v2sf)  }
0x160: {  	v6 =	vadd.f32 v8, v6;
	vm11 =	veq.s32 v7, v0;
	v7 =	vmov s3;
	s3 =	sand.u32 $0xF, s4;
	s10 =	spop (v2sf)  }
0x161: {  	vm10 =	veq.s32 v7, v0;
	v7 =	vmov s3;
	s3 =	sand.u32 $0xF, s10;
	s9 =	spop (v2sf)  }
0x162: {  	s2 =	sand.u32 $0xFFFFFFF0, s26;
	[tilespmem:s25+$0x8380] =	vst v6;
	vm9 =	veq.s32 v7, v0;
	v6 =	vmov s3;
	s25 =	sand.u32 $0xF, s9;
	s3 =	spop (v2sf)  }
0x163: {  	v7 =	vld [tilespmem:s2+$0x8380];
	vm8 =	veq.s32 v6, v0;
	v6 =	vmov s25;
	s25 =	sand.u32 $0xF, s3;
	s31 =	spop (v2sf)  }
0x164: {  	vm7 =	veq.s32 v6, v0;
	v6 =	vmov s25;
	s25 =	sand.u32 $0xF, s31;
	s30 =	spop (v2sf)  }
0x165: {  	vm6 =	veq.s32 v6, v0;
	v6 =	vmov s25;
	s25 =	sand.u32 $0xF, s30;
	s29 =	spop (v2sf)  }
0x166: {  	vm5 =	veq.s32 v6, v0;
	v6 =	vmov s25;
	s25 =	sand.u32 $0xF, s29;
	s28 =	spop (v2sf)  }
0x167: {  	v8 =	vsel vm0, $0x3F800000, v1;
	vm4 =	veq.s32 v6, v0;
	v6 =	vmov s25;
	s25 =	sand.u32 $0xF, s28;
	s26 =	spop (v2sf)  }
0x168: {  	v7 =	vadd.f32 v8, v7;
	vm3 =	veq.s32 v6, v0;
	v6 =	vmov s25;
	s11 =	sand.u32 $0xF, s26;
	s25 =	spop (v2sf)  }
0x169: {  	vm2 =	veq.s32 v6, v0;
	v6 =	vmov s11;
	s11 =	sand.u32 $0xF, s25  }
0x16a: {  	s0 =	sand.u32 $0xFFFFFFF0, s0;
	[tilespmem:s2+$0x8380] =	vst v7;
	vm1 =	veq.s32 v6, v0;
	v6 =	vmov s11  }
0x16b: {  	v7 =	vld [tilespmem:s0+$0x8380];
	vm0 =	veq.s32 v6, v0;
	_ =	sdelay $0x3  }
0x16c: {  	v6 =	vsel vm13, $0x3F800000, v1  }
0x16d: {  	v6 =	vadd.f32 v6, v7;
	_ =	sdelay $0x1  }
0x16e: {  	[tilespmem:s0+$0x8380] =	vst v6;
	s0 =	sand.u32 $0xFFFFFFF0, s14  }
0x16f: {  	v6 =	vld [tilespmem:s0+$0x8380];
	_ =	sdelay $0x3  }
0x170: {  	v7 =	vsel vm12, $0x3F800000, v1  }
0x171: {  	v6 =	vadd.f32 v6, v7;
	_ =	sdelay $0x1  }
0x172: {  	[tilespmem:s0+$0x8380] =	vst v6;
	s0 =	sand.u32 $0xFFFFFFF0, s13  }
0x173: {  	v6 =	vld [tilespmem:s0+$0x8380];
	_ =	sdelay $0x3  }
0x174: {  	v7 =	vsel vm11, $0x3F800000, v1  }
0x175: {  	v6 =	vadd.f32 v6, v7;
	_ =	sdelay $0x1  }
0x176: {  	[tilespmem:s0+$0x8380] =	vst v6;
	s0 =	sand.u32 $0xFFFFFFF0, s12  }
0x177: {  	v6 =	vld [tilespmem:s0+$0x8380];
	_ =	sdelay $0x3  }
0x178: {  	v7 =	vsel vm10, $0x3F800000, v1  }
0x179: {  	v6 =	vadd.f32 v6, v7;
	_ =	sdelay $0x1  }
0x17a: {  	[tilespmem:s0+$0x8380] =	vst v6;
	s0 =	sand.u32 $0xFFFFFFF0, s4  }
0x17b: {  	v6 =	vld [tilespmem:s0+$0x8380];
	_ =	sdelay $0x3  }
0x17c: {  	v7 =	vsel vm9, $0x3F800000, v1  }
0x17d: {  	v6 =	vadd.f32 v6, v7;
	_ =	sdelay $0x1  }
0x17e: {  	[tilespmem:s0+$0x8380] =	vst v6;
	s0 =	sand.u32 $0xFFFFFFF0, s10  }
0x17f: {  	v6 =	vld [tilespmem:s0+$0x8380];
	_ =	sdelay $0x3  }
0x180: {  	v7 =	vsel vm8, $0x3F800000, v1  }
0x181: {  	v6 =	vadd.f32 v6, v7;
	_ =	sdelay $0x1  }
0x182: {  	[tilespmem:s0+$0x8380] =	vst v6;
	s0 =	sand.u32 $0xFFFFFFF0, s9  }
0x183: {  	v6 =	vld [tilespmem:s0+$0x8380];
	_ =	sdelay $0x3  }
0x184: {  	v7 =	vsel vm7, $0x3F800000, v1  }
0x185: {  	v6 =	vadd.f32 v6, v7;
	_ =	sdelay $0x1  }
0x186: {  	[tilespmem:s0+$0x8380] =	vst v6;
	s0 =	sand.u32 $0xFFFFFFF0, s3  }
0x187: {  	v6 =	vld [tilespmem:s0+$0x8380];
	_ =	sdelay $0x3  }
0x188: {  	v7 =	vsel vm6, $0x3F800000, v1  }
0x189: {  	v6 =	vadd.f32 v6, v7;
	_ =	sdelay $0x1  }
0x18a: {  	[tilespmem:s0+$0x8380] =	vst v6;
	s0 =	sand.u32 $0xFFFFFFF0, s31  }
0x18b: {  	v6 =	vld [tilespmem:s0+$0x8380];
	_ =	sdelay $0x3  }
0x18c: {  	v7 =	vsel vm5, $0x3F800000, v1  }
0x18d: {  	v6 =	vadd.f32 v6, v7;
	_ =	sdelay $0x1  }
0x18e: {  	[tilespmem:s0+$0x8380] =	vst v6;
	s0 =	sand.u32 $0xFFFFFFF0, s30  }
0x18f: {  	v6 =	vld [tilespmem:s0+$0x8380];
	_ =	sdelay $0x3  }
0x190: {  	v7 =	vsel vm4, $0x3F800000, v1  }
0x191: {  	v6 =	vadd.f32 v6, v7;
	_ =	sdelay $0x1  }
0x192: {  	[tilespmem:s0+$0x8380] =	vst v6;
	s0 =	sand.u32 $0xFFFFFFF0, s29  }
0x193: {  	v6 =	vld [tilespmem:s0+$0x8380];
	_ =	sdelay $0x3  }
0x194: {  	v7 =	vsel vm3, $0x3F800000, v1  }
0x195: {  	v6 =	vadd.f32 v6, v7;
	_ =	sdelay $0x1  }
0x196: {  	[tilespmem:s0+$0x8380] =	vst v6;
	s0 =	sand.u32 $0xFFFFFFF0, s28  }
0x197: {  	v6 =	vld [tilespmem:s0+$0x8380];
	_ =	sdelay $0x3  }
0x198: {  	v7 =	vsel vm2, $0x3F800000, v1  }
0x199: {  	v6 =	vadd.f32 v6, v7;
	_ =	sdelay $0x1  }
0x19a: {  	[tilespmem:s0+$0x8380] =	vst v6;
	s0 =	sand.u32 $0xFFFFFFF0, s26  }
0x19b: {  	v6 =	vld [tilespmem:s0+$0x8380];
	_ =	sdelay $0x3  }
0x19c: {  	v7 =	vsel vm1, $0x3F800000, v1  }
0x19d: {  	v6 =	vadd.f32 v6, v7;
	_ =	sdelay $0x1  }
0x19e: {  	[tilespmem:s0+$0x8380] =	vst v6;
	s0 =	sand.u32 $0xFFFFFFF0, s25  }
0x19f: {  	v6 =	vld [tilespmem:s0+$0x8380]  }
.Ltmp7:
0x1a0: {  	(pc) =	sbr.rel @p6 .LBB2_8-.Ltmp7, $3  }
0x1a1: {  	_ =	sdelay $0x1  }
0x1a2: {  	v7 =	vsel vm0, $0x3F800000, v1  }
0x1a3: {  	v6 =	vadd.f32 v6, v7  }
0x1a4: {  	_ = 	snop  }
0x1a5: {  	s2 =	sshra.s32 s23, $0x2;
	[tilespmem:s0+$0x8380] =	vst v6  }
0x1a6: {  	v6 =	vld [tilespmem:s2+$0x200];
	_ =	sdelay $0x4  }
0x1a7: {  	(v2sf) =	vpush v6, $0x0;
	_ =	sdelay $0x7  }
0x1a8: {  	(v2sf) =	vpush v6, $0x1;
	_ =	sdelay $0x6  }
0x1a9: {  	s30 =	spop (v2sf)  }
0x1aa: {  	(v2sf) =	vpush v6, $0x2;
	s31 =	sand.u32 $0xFFFFFFF0, s30  }
0x1ab: {  	v7 =	vld [tilespmem:s31+$0x8380]  }
0x1ac: {  	s0 =	sand.u32 $0xF, s30  }
0x1ad: {  	v8 =	vmov s0  }
0x1ae: {  	vm0 =	veq.s32 v8, v0  }
0x1af: {  	v8 =	vsel vm0, $0x3F800000, v1  }
0x1b0: {  	v7 =	vadd.f32 v8, v7  }
0x1b1: {  	s3 =	spop (v2sf)  }
0x1b2: {  	(v2sf) =	vpush v6, $0x3;
	s4 =	sand.u32 $0xFFFFFFF0, s3;
	[tilespmem:s31+$0x8380] =	vst v7  }
0x1b3: {  	v7 =	vld [tilespmem:s4+$0x8380]  }
0x1b4: {  	s0 =	sand.u32 $0xF, s3  }
0x1b5: {  	v8 =	vmov s0  }
0x1b6: {  	vm13 =	veq.s32 v8, v0  }
0x1b7: {  	v8 =	vsel vm13, $0x3F800000, v1  }
0x1b8: {  	v7 =	vadd.f32 v8, v7  }
0x1b9: {  	s9 =	spop (v2sf)  }
0x1ba: {  	(v2sf) =	vpush v6, $0x4;
	s10 =	sand.u32 $0xFFFFFFF0, s9;
	[tilespmem:s4+$0x8380] =	vst v7  }
0x1bb: {  	v7 =	vld [tilespmem:s10+$0x8380]  }
0x1bc: {  	s0 =	sand.u32 $0xF, s9  }
0x1bd: {  	v8 =	vmov s0  }
0x1be: {  	vm14 =	veq.s32 v8, v0  }
0x1bf: {  	v8 =	vsel vm14, $0x3F800000, v1  }
0x1c0: {  	v7 =	vadd.f32 v8, v7  }
0x1c1: {  	s11 =	spop (v2sf)  }
0x1c2: {  	(v2sf) =	vpush v6, $0x5;
	s12 =	sand.u32 $0xFFFFFFF0, s11;
	[tilespmem:s10+$0x8380] =	vst v7  }
0x1c3: {  	v7 =	vld [tilespmem:s12+$0x8380]  }
0x1c4: {  	s0 =	sand.u32 $0xF, s11  }
0x1c5: {  	v8 =	vmov s0  }
0x1c6: {  	vm15 =	veq.s32 v8, v0  }
0x1c7: {  	v8 =	vsel vm15, $0x3F800000, v1  }
0x1c8: {  	v7 =	vadd.f32 v7, v8  }
0x1c9: {  	s13 =	spop (v2sf)  }
0x1ca: {  	(v2sf) =	vpush v6, $0x6;
	s14 =	sand.u32 $0xFFFFFFF0, s13;
	[tilespmem:s12+$0x8380] =	vst v7  }
0x1cb: {  	v7 =	vld [tilespmem:s14+$0x8380]  }
0x1cc: {  	s0 =	sand.u32 $0xF, s13  }
0x1cd: {  	v8 =	vmov s0  }
0x1ce: {  	vm4 =	veq.s32 v8, v0  }
0x1cf: {  	v8 =	vsel vm4, $0x3F800000, v1  }
0x1d0: {  	v7 =	vadd.f32 v7, v8  }
0x1d1: {  	s23 =	spop (v2sf)  }
0x1d2: {  	(v2sf) =	vpush v6, $0x7;
	s24 =	sand.u32 $0xFFFFFFF0, s23;
	[tilespmem:s14+$0x8380] =	vst v7  }
0x1d3: {  	v7 =	vld [tilespmem:s24+$0x8380]  }
0x1d4: {  	s0 =	sand.u32 $0xF, s23  }
0x1d5: {  	v8 =	vmov s0  }
0x1d6: {  	vm5 =	veq.s32 v8, v0  }
0x1d7: {  	v8 =	vsel vm5, $0x3F800000, v1  }
0x1d8: {  	v7 =	vadd.f32 v7, v8  }
0x1d9: {  	s25 =	spop (v2sf)  }
0x1da: {  	(v2sf) =	vpush v6, $0x8;
	s26 =	sand.u32 $0xFFFFFFF0, s25;
	[tilespmem:s24+$0x8380] =	vst v7  }
0x1db: {  	v7 =	vld [tilespmem:s26+$0x8380]  }
0x1dc: {  	s0 =	sand.u32 $0xF, s25  }
0x1dd: {  	v8 =	vmov s0  }
0x1de: {  	vm6 =	veq.s32 v8, v0  }
0x1df: {  	v8 =	vsel vm6, $0x3F800000, v1  }
0x1e0: {  	v7 =	vadd.f32 v7, v8  }
0x1e1: {  	s29 =	spop (v2sf)  }
0x1e2: {  	(v2sf) =	vpush v6, $0x9;
	s30 =	sand.u32 $0xFFFFFFF0, s29;
	[tilespmem:s26+$0x8380] =	vst v7  }
0x1e3: {  	v7 =	vld [tilespmem:s30+$0x8380]  }
0x1e4: {  	s0 =	sand.u32 $0xF, s29  }
0x1e5: {  	v8 =	vmov s0  }
0x1e6: {  	vm7 =	veq.s32 v8, v0  }
0x1e7: {  	v8 =	vsel vm7, $0x3F800000, v1  }
0x1e8: {  	v7 =	vadd.f32 v7, v8  }
0x1e9: {  	s31 =	spop (v2sf)  }
0x1ea: {  	(v2sf) =	vpush v6, $0xA;
	s3 =	sand.u32 $0xFFFFFFF0, s31;
	[tilespmem:s30+$0x8380] =	vst v7  }
0x1eb: {  	v7 =	vld [tilespmem:s3+$0x8380]  }
0x1ec: {  	s0 =	sand.u32 $0xF, s31  }
0x1ed: {  	v8 =	vmov s0  }
0x1ee: {  	vm8 =	veq.s32 v8, v0  }
0x1ef: {  	v8 =	vsel vm8, $0x3F800000, v1  }
0x1f0: {  	v7 =	vadd.f32 v7, v8  }
0x1f1: {  	s4 =	spop (v2sf)  }
0x1f2: {  	(v2sf) =	vpush v6, $0xB;
	s9 =	sand.u32 $0xFFFFFFF0, s4;
	[tilespmem:s3+$0x8380] =	vst v7  }
0x1f3: {  	v7 =	vld [tilespmem:s9+$0x8380]  }
0x1f4: {  	s0 =	sand.u32 $0xF, s4  }
0x1f5: {  	v8 =	vmov s0  }
0x1f6: {  	vm9 =	veq.s32 v8, v0  }
0x1f7: {  	v8 =	vsel vm9, $0x3F800000, v1  }
0x1f8: {  	v7 =	vadd.f32 v7, v8  }
0x1f9: {  	s10 =	spop (v2sf)  }
0x1fa: {  	(v2sf) =	vpush v6, $0xC;
	s11 =	sand.u32 $0xFFFFFFF0, s10;
	[tilespmem:s9+$0x8380] =	vst v7  }
0x1fb: {  	v7 =	vld [tilespmem:s11+$0x8380]  }
0x1fc: {  	s0 =	sand.u32 $0xF, s10  }
0x1fd: {  	v8 =	vmov s0  }
0x1fe: {  	vm10 =	veq.s32 v8, v0  }
0x1ff: {  	v8 =	vsel vm10, $0x3F800000, v1  }
0x200: {  	v7 =	vadd.f32 v7, v8  }
0x201: {  	s12 =	spop (v2sf)  }
0x202: {  	(v2sf) =	vpush v6, $0xD;
	s13 =	sand.u32 $0xFFFFFFF0, s12;
	[tilespmem:s11+$0x8380] =	vst v7  }
0x203: {  	v7 =	vld [tilespmem:s13+$0x8380]  }
0x204: {  	s0 =	sand.u32 $0xF, s12  }
0x205: {  	v8 =	vmov s0  }
0x206: {  	vm11 =	veq.s32 v8, v0  }
0x207: {  	v8 =	vsel vm11, $0x3F800000, v1  }
0x208: {  	v7 =	vadd.f32 v7, v8  }
0x209: {  	s14 =	spop (v2sf)  }
0x20a: {  	(v2sf) =	vpush v6, $0xE;
	s23 =	sand.u32 $0xFFFFFFF0, s14;
	[tilespmem:s13+$0x8380] =	vst v7  }
0x20b: {  	v7 =	vld [tilespmem:s23+$0x8380]  }
0x20c: {  	s0 =	sand.u32 $0xF, s14  }
0x20d: {  	v8 =	vmov s0  }
0x20e: {  	vm12 =	veq.s32 v8, v0  }
0x20f: {  	v8 =	vsel vm12, $0x3F800000, v1  }
0x210: {  	v7 =	vadd.f32 v7, v8  }
0x211: {  	s24 =	spop (v2sf)  }
0x212: {  	(v2sf) =	vpush v6, $0xF;
	s25 =	sand.u32 $0xFFFFFFF0, s24;
	[tilespmem:s23+$0x8380] =	vst v7  }
0x213: {  	v6 =	vld [tilespmem:s25+$0x8380]  }
0x214: {  	s0 =	sand.u32 $0xF, s24  }
0x215: {  	v7 =	vmov s0  }
0x216: {  	vm13 =	veq.s32 v7, v0  }
0x217: {  	v7 =	vsel vm13, $0x3F800000, v1  }
0x218: {  	v6 =	vadd.f32 v6, v7  }
0x219: {  	s26 =	spop (v2sf)  }
0x21a: {  	s29 =	sand.u32 $0xFFFFFFF0, s26;
	[tilespmem:s25+$0x8380] =	vst v6  }
0x21b: {  	v6 =	vld [tilespmem:s29+$0x8380]  }
0x21c: {  	s0 =	sand.u32 $0xF, s26  }
0x21d: {  	v7 =	vmov s0  }
0x21e: {  	vm14 =	veq.s32 v7, v0  }
0x21f: {  	v7 =	vsel vm14, $0x3F800000, v1  }
0x220: {  	v6 =	vadd.f32 v6, v7  }
0x221: {  	s30 =	spop (v2sf)  }
0x222: {  	s31 =	sand.u32 $0xFFFFFFF0, s30;
	[tilespmem:s29+$0x8380] =	vst v6  }
0x223: {  	v6 =	vld [tilespmem:s31+$0x8380]  }
0x224: {  	s0 =	sand.u32 $0xF, s30  }
0x225: {  	v7 =	vmov s0  }
0x226: {  	vm15 =	veq.s32 v7, v0  }
0x227: {  	v7 =	vsel vm15, $0x3F800000, v1  }
0x228: {  	v6 =	vadd.f32 v6, v7;
	_ =	sdelay $0x1  }
0x229: {  	s23 =	simm.s32 $0x400;
	[tilespmem:s31+$0x8380] =	vst v6  }
0x22a: {  	s24 =	simm.s32 $0x4400;
	v6 =	vld [tilespmem:s23+$0x80]  }
0x22b: {  	v7 =	vld [tilespmem:s24+$0x80]  }
0x22c: {  	v8 =	vld [tilespmem:s24+$0xFFFFFF00]  }
0x22d: {  	v9 =	vld [tilespmem:s23+$0xFFFFFF80]  }
0x22e: {  	v10 =	vld [tilespmem:s24+$0xFFFFFF80]  }
0x22f: {  	v11 =	vld [tilespmem:s24+$0x0]  }
0x230: {  	v6 =	vadd.f32 v7, v6;
	v7 =	vld [tilespmem:s23+$0x0]  }
0x231: {  	v12 =	vld [tilespmem:s23+$0xFFFFFF00]  }
0x232: {  	v6 =	vmax.f32 v6, $0.0e+00  }
0x233: {  	v9 =	vadd.f32 v10, v9;
	[tilespmem:s23+$0x80] =	vst v6;
	v6 =	vld [tilespmem:s23+$0x90]  }
0x234: {  	v13 =	vld [tilespmem:s24+$0x90]  }
0x235: {  	v14 =	vld [tilespmem:s23+$0xFFFFFF90];
	v9 =	vmax.f32 v9, $0.0e+00;
	v7 =	vadd.f32 v11, v7  }
0x236: {  	v10 =	vld [tilespmem:s23+$0xFFFFFF10];
	v8 =	vadd.f32 v8, v12;
	[tilespmem:s23+$0xFFFFFF80] =	vst v9  }
0x237: {  	v11 =	vld [tilespmem:s24+$0xFFFFFF90];
	v7 =	vmax.f32 v7, $0.0e+00  }
0x238: {  	v8 =	vmax.f32 v8, $0.0e+00;
	v9 =	vld [tilespmem:s23+$0x10];
	[tilespmem:s23+$0x0] =	vst v7  }
0x239: {  	[tilespmem:s23+$0xFFFFFF00] =	vst v8;
	v6 =	vadd.f32 v13, v6;
	v7 =	vld [tilespmem:s24+$0x10]  }
0x23a: {  	v8 =	vld [tilespmem:s24+$0xFFFFFF10]  }
0x23b: {  	v6 =	vmax.f32 v6, $0.0e+00  }
0x23c: {  	v11 =	vadd.f32 v11, v14;
	[tilespmem:s23+$0x90] =	vst v6;
	v6 =	vld [tilespmem:s23+$0xA0]  }
0x23d: {  	v13 =	vld [tilespmem:s24+$0xA0]  }
0x23e: {  	v12 =	vld [tilespmem:s23+$0xFFFFFF20];
	v11 =	vmax.f32 v11, $0.0e+00;
	v7 =	vadd.f32 v7, v9  }
0x23f: {  	v8 =	vadd.f32 v8, v10;
	v14 =	vld [tilespmem:s23+$0xFFFFFFA0];
	[tilespmem:s23+$0xFFFFFF90] =	vst v11  }
0x240: {  	v10 =	vld [tilespmem:s24+$0xFFFFFFA0];
	v7 =	vmax.f32 v7, $0.0e+00  }
0x241: {  	v8 =	vmax.f32 v8, $0.0e+00;
	v9 =	vld [tilespmem:s23+$0x20];
	[tilespmem:s23+$0x10] =	vst v7  }
0x242: {  	[tilespmem:s23+$0xFFFFFF10] =	vst v8;
	v6 =	vadd.f32 v13, v6;
	v7 =	vld [tilespmem:s24+$0x20]  }
0x243: {  	v8 =	vld [tilespmem:s24+$0xFFFFFF20]  }
0x244: {  	v6 =	vmax.f32 v6, $0.0e+00  }
0x245: {  	v10 =	vadd.f32 v10, v14;
	[tilespmem:s23+$0xA0] =	vst v6;
	v6 =	vld [tilespmem:s23+$0xB0]  }
0x246: {  	v13 =	vld [tilespmem:s24+$0xB0]  }
0x247: {  	v15 =	vld [tilespmem:s23+$0x30];
	v10 =	vmax.f32 v10, $0.0e+00;
	v7 =	vadd.f32 v7, v9  }
0x248: {  	v8 =	vadd.f32 v8, v12;
	v14 =	vld [tilespmem:s23+$0xFFFFFFB0];
	[tilespmem:s23+$0xFFFFFFA0] =	vst v10  }
0x249: {  	v9 =	vld [tilespmem:s24+$0xFFFFFFB0];
	v7 =	vmax.f32 v7, $0.0e+00  }
0x24a: {  	v11 =	vld [tilespmem:s23+$0xFFFFFF30];
	[tilespmem:s23+$0x20] =	vst v7;
	v7 =	vmax.f32 v8, $0.0e+00  }
0x24b: {  	v6 =	vadd.f32 v13, v6;
	[tilespmem:s23+$0xFFFFFF20] =	vst v7;
	v7 =	vld [tilespmem:s24+$0x30]  }
0x24c: {  	v12 =	vld [tilespmem:s24+$0xFFFFFF30]  }
0x24d: {  	v16 =	vld [tilespmem:s23+$0xFFFFFF40];
	v6 =	vmax.f32 v6, $0.0e+00  }
0x24e: {  	v9 =	vadd.f32 v9, v14;
	[tilespmem:s23+$0xB0] =	vst v6;
	v6 =	vld [tilespmem:s23+$0xC0]  }
0x24f: {  	v13 =	vld [tilespmem:s24+$0xC0]  }
0x250: {  	v17 =	vld [tilespmem:s23+$0xFFFFFFD0];
	v9 =	vmax.f32 v9, $0.0e+00;
	v7 =	vadd.f32 v7, v15  }
0x251: {  	v10 =	vld [tilespmem:s23+$0xFFFFFFC0];
	[tilespmem:s23+$0xFFFFFFB0] =	vst v9;
	v11 =	vadd.f32 v12, v11  }
0x252: {  	v12 =	vld [tilespmem:s24+$0xFFFFFFC0];
	v7 =	vmax.f32 v7, $0.0e+00  }
0x253: {  	v8 =	vld [tilespmem:s23+$0x40];
	[tilespmem:s23+$0x30] =	vst v7;
	v7 =	vmax.f32 v11, $0.0e+00  }
0x254: {  	v6 =	vadd.f32 v13, v6;
	v11 =	vld [tilespmem:s24+$0x40];
	[tilespmem:s23+$0xFFFFFF30] =	vst v7  }
0x255: {  	v7 =	vld [tilespmem:s24+$0xFFFFFF40]  }
0x256: {  	v14 =	vld [tilespmem:s23+$0xFFFFFF50];
	v6 =	vmax.f32 v6, $0.0e+00  }
0x257: {  	[tilespmem:s23+$0xC0] =	vst v6;
	v6 =	vadd.f32 v12, v10;
	v12 =	vld [tilespmem:s23+$0xD0]  }
0x258: {  	v13 =	vld [tilespmem:s24+$0xD0]  }
0x259: {  	v9 =	vld [tilespmem:s23+$0xFFFFFF60];
	v6 =	vmax.f32 v6, $0.0e+00;
	v8 =	vadd.f32 v11, v8  }
0x25a: {  	v15 =	vld [tilespmem:s23+$0x50];
	[tilespmem:s23+$0xFFFFFFC0] =	vst v6;
	v6 =	vadd.f32 v7, v16  }
0x25b: {  	v7 =	vld [tilespmem:s24+$0xFFFFFFD0];
	v8 =	vmax.f32 v8, $0.0e+00  }
0x25c: {  	v10 =	vld [tilespmem:s23+$0xFFFFFFE0];
	[tilespmem:s23+$0x40] =	vst v8;
	v6 =	vmax.f32 v6, $0.0e+00  }
0x25d: {  	v8 =	vld [tilespmem:s24+$0x50];
	v12 =	vadd.f32 v13, v12;
	[tilespmem:s23+$0xFFFFFF40] =	vst v6  }
0x25e: {  	v6 =	vld [tilespmem:s24+$0xFFFFFF50]  }
0x25f: {  	v11 =	vld [tilespmem:s23+$0x60];
	v12 =	vmax.f32 v12, $0.0e+00  }
0x260: {  	v7 =	vadd.f32 v7, v17;
	[tilespmem:s23+$0xD0] =	vst v12;
	v12 =	vld [tilespmem:s23+$0xE0]  }
0x261: {  	v16 =	vld [tilespmem:s24+$0xE0]  }
0x262: {  	v7 =	vmax.f32 v7, $0.0e+00;
	v13 =	vadd.f32 v8, v15;
	v8 =	vld [tilespmem:s23+$0xFFFFFF70]  }
0x263: {  	[tilespmem:s23+$0xFFFFFFD0] =	vst v7;
	v6 =	vadd.f32 v6, v14;
	v7 =	vld [tilespmem:s23+$0xFFFFFFF0]  }
0x264: {  	v14 =	vmax.f32 v13, $0.0e+00;
	v13 =	vld [tilespmem:s24+$0xFFFFFFE0]  }
0x265: {  	[tilespmem:s23+$0x50] =	vst v14;
	v14 =	vmax.f32 v6, $0.0e+00;
	v6 =	vld [tilespmem:s23+$0x70]  }
0x266: {  	[tilespmem:s23+$0xFFFFFF50] =	vst v14;
	v14 =	vld [tilespmem:s24+$0x60];
	v12 =	vadd.f32 v16, v12  }
0x267: {  	v15 =	vld [tilespmem:s24+$0xFFFFFF60]  }
0x268: {  	s28 =	simm.s32 $0x4400;
	s26 =	simm.s32 $0x600;
	s25 =	simm.s32 $0x0;
	v16 =	vmax.f32 v12, $0.0e+00;
	v12 =	vld [tilespmem:s23+$0xF0]  }
.LBB2_10:
0x269: {  	v17 =	vld [tilespmem:s26+$0x80];
	v10 =	vadd.f32 v13, v10;
	[tilespmem:s23+$0xE0] =	vst v16  }
0x26a: {  	s28 =	sadd.s32 $0x200, s28;
	v13 =	vld [tilespmem:s24+$0xF0]  }
0x26b: {  	s25 =	sadd.s32 $0x4, s25;
	v16 =	vld [tilespmem:s28+$0x80];
	v10 =	vmax.f32 v10, $0.0e+00;
	v11 =	vadd.f32 v14, v11  }
0x26c: {  	p6 =	slt.u32 s25, $0x3C;
	v14 =	vld [tilespmem:s28+$0xFFFFFF00];
	v9 =	vadd.f32 v15, v9;
	[tilespmem:s23+$0xFFFFFFE0] =	vst v10  }
0x26d: {  	v10 =	vld [tilespmem:s26+$0xFFFFFF80];
	v11 =	vmax.f32 v11, $0.0e+00  }
0x26e: {  	v15 =	vld [tilespmem:s28+$0xFFFFFF80];
	v9 =	vmax.f32 v9, $0.0e+00;
	[tilespmem:s23+$0x60] =	vst v11  }
0x26f: {  	v11 =	vld [tilespmem:s26+$0x0];
	[tilespmem:s23+$0xFFFFFF60] =	vst v9;
	v9 =	vadd.f32 v13, v12  }
0x270: {  	v12 =	vld [tilespmem:s28+$0x0];
	v13 =	vadd.f32 v16, v17  }
0x271: {  	v16 =	vld [tilespmem:s26+$0xFFFFFF00];
	v9 =	vmax.f32 v9, $0.0e+00  }
0x272: {  	v17 =	vld [tilespmem:s26+$0xFFFFFF10];
	v13 =	vmax.f32 v13, $0.0e+00;
	[tilespmem:s23+$0xF0] =	vst v9  }
0x273: {  	v9 =	vadd.f32 v15, v10;
	[tilespmem:s26+$0x80] =	vst v13;
	v10 =	vld [tilespmem:s26+$0x90]  }
0x274: {  	v13 =	vld [tilespmem:s28+$0x90]  }
0x275: {  	v9 =	vmax.f32 v9, $0.0e+00;
	v15 =	vld [tilespmem:s26+$0xFFFFFF90];
	v11 =	vadd.f32 v12, v11  }
0x276: {  	v12 =	vadd.f32 v14, v16;
	[tilespmem:s26+$0xFFFFFF80] =	vst v9;
	v9 =	vld [tilespmem:s26+$0x10]  }
0x277: {  	v14 =	vld [tilespmem:s28+$0xFFFFFF90];
	v11 =	vmax.f32 v11, $0.0e+00  }
0x278: {  	v12 =	vmax.f32 v12, $0.0e+00;
	v16 =	vld [tilespmem:s26+$0xFFFFFF20];
	[tilespmem:s26+$0x0] =	vst v11  }
0x279: {  	[tilespmem:s26+$0xFFFFFF00] =	vst v12;
	v11 =	vld [tilespmem:s28+$0x10];
	v10 =	vadd.f32 v13, v10  }
0x27a: {  	v12 =	vld [tilespmem:s28+$0xFFFFFF10]  }
0x27b: {  	v13 =	vld [tilespmem:s26+$0xFFFFFFA0];
	v10 =	vmax.f32 v10, $0.0e+00  }
0x27c: {  	v14 =	vadd.f32 v14, v15;
	[tilespmem:s26+$0x90] =	vst v10;
	v10 =	vld [tilespmem:s26+$0xA0]  }
0x27d: {  	v15 =	vld [tilespmem:s28+$0xA0]  }
0x27e: {  	v14 =	vmax.f32 v14, $0.0e+00;
	v9 =	vadd.f32 v11, v9;
	v11 =	vld [tilespmem:s26+$0x20]  }
0x27f: {  	v12 =	vadd.f32 v12, v17;
	v17 =	vld [tilespmem:s26+$0xFFFFFF30];
	[tilespmem:s26+$0xFFFFFF90] =	vst v14  }
0x280: {  	v14 =	vld [tilespmem:s28+$0xFFFFFFA0];
	v9 =	vmax.f32 v9, $0.0e+00  }
0x281: {  	v12 =	vmax.f32 v12, $0.0e+00;
	v18 =	vld [tilespmem:s26+$0xFFFFFFB0];
	[tilespmem:s26+$0x10] =	vst v9  }
0x282: {  	[tilespmem:s26+$0xFFFFFF10] =	vst v12;
	v9 =	vld [tilespmem:s28+$0x20];
	v10 =	vadd.f32 v15, v10  }
0x283: {  	v12 =	vld [tilespmem:s28+$0xFFFFFF20]  }
0x284: {  	v15 =	vld [tilespmem:s26+$0x30];
	v10 =	vmax.f32 v10, $0.0e+00  }
0x285: {  	v13 =	vadd.f32 v14, v13;
	[tilespmem:s26+$0xA0] =	vst v10;
	v10 =	vld [tilespmem:s26+$0xB0]  }
0x286: {  	v14 =	vld [tilespmem:s28+$0xB0]  }
0x287: {  	v19 =	vld [tilespmem:s26+$0xFFFFFF40];
	v13 =	vmax.f32 v13, $0.0e+00;
	v9 =	vadd.f32 v9, v11  }
0x288: {  	v11 =	vadd.f32 v12, v16;
	[tilespmem:s26+$0xFFFFFFA0] =	vst v13;
	v12 =	vld [tilespmem:s26+$0xFFFFFFC0]  }
0x289: {  	v13 =	vld [tilespmem:s28+$0xFFFFFFB0];
	v9 =	vmax.f32 v9, $0.0e+00  }
0x28a: {  	v11 =	vmax.f32 v11, $0.0e+00;
	[tilespmem:s26+$0x20] =	vst v9;
	v16 =	vld [tilespmem:s26+$0x40]  }
0x28b: {  	[tilespmem:s26+$0xFFFFFF20] =	vst v11;
	v9 =	vld [tilespmem:s28+$0x30];
	v10 =	vadd.f32 v14, v10  }
0x28c: {  	v11 =	vld [tilespmem:s28+$0xFFFFFF30]  }
0x28d: {  	v14 =	vld [tilespmem:s26+$0xFFFFFF50];
	v10 =	vmax.f32 v10, $0.0e+00  }
0x28e: {  	v13 =	vadd.f32 v13, v18;
	[tilespmem:s26+$0xB0] =	vst v10;
	v10 =	vld [tilespmem:s26+$0xC0]  }
0x28f: {  	v18 =	vld [tilespmem:s28+$0xC0]  }
0x290: {  	v13 =	vmax.f32 v13, $0.0e+00;
	v20 =	vld [tilespmem:s26+$0xFFFFFFD0];
	v9 =	vadd.f32 v9, v15  }
0x291: {  	v11 =	vadd.f32 v11, v17;
	[tilespmem:s26+$0xFFFFFFB0] =	vst v13;
	v13 =	vld [tilespmem:s26+$0x50]  }
0x292: {  	v15 =	vld [tilespmem:s28+$0xFFFFFFC0];
	v17 =	vmax.f32 v9, $0.0e+00  }
0x293: {  	v11 =	vmax.f32 v11, $0.0e+00;
	v9 =	vld [tilespmem:s26+$0xFFFFFF60];
	[tilespmem:s26+$0x30] =	vst v17  }
0x294: {  	[tilespmem:s26+$0xFFFFFF30] =	vst v11;
	v11 =	vld [tilespmem:s28+$0x40];
	v17 =	vadd.f32 v18, v10  }
0x295: {  	v18 =	vld [tilespmem:s28+$0xFFFFFF40]  }
0x296: {  	v10 =	vld [tilespmem:s26+$0xFFFFFFE0];
	v17 =	vmax.f32 v17, $0.0e+00  }
0x297: {  	v12 =	vadd.f32 v15, v12;
	[tilespmem:s26+$0xC0] =	vst v17;
	v15 =	vld [tilespmem:s26+$0xD0]  }
0x298: {  	v17 =	vld [tilespmem:s28+$0xD0]  }
0x299: {  	v12 =	vmax.f32 v12, $0.0e+00;
	v16 =	vadd.f32 v11, v16;
	v11 =	vld [tilespmem:s26+$0x60]  }
0x29a: {  	v18 =	vadd.f32 v18, v19;
	[tilespmem:s26+$0xFFFFFFC0] =	vst v12;
	v12 =	vld [tilespmem:s24+$0xFFFFFF70]  }
0x29b: {  	v19 =	vld [tilespmem:s28+$0xFFFFFFD0];
	v16 =	vmax.f32 v16, $0.0e+00  }
0x29c: {  	v18 =	vmax.f32 v18, $0.0e+00;
	[tilespmem:s26+$0x40] =	vst v16;
	v16 =	vld [tilespmem:s24+$0xFFFFFFF0]  }
0x29d: {  	[tilespmem:s26+$0xFFFFFF40] =	vst v18;
	v18 =	vld [tilespmem:s28+$0x50];
	v15 =	vadd.f32 v17, v15  }
0x29e: {  	v17 =	vld [tilespmem:s28+$0xFFFFFF50]  }
0x29f: {  	v15 =	vmax.f32 v15, $0.0e+00;
	v8 =	vadd.f32 v12, v8;
	v12 =	vld [tilespmem:s24+$0x70];
	s24 =	smov.u32 s28  }
0x2a0: {  	v19 =	vadd.f32 v19, v20;
	[tilespmem:s26+$0xD0] =	vst v15;
	v15 =	vld [tilespmem:s26+$0xE0]  }
0x2a1: {  	v20 =	vld [tilespmem:s28+$0xE0];
	v21 =	vmax.f32 v8, $0.0e+00;
	v16 =	vadd.f32 v16, v7  }
0x2a2: {  	v8 =	vld [tilespmem:s26+$0xFFFFFF70];
	v7 =	vmax.f32 v19, $0.0e+00;
	v18 =	vadd.f32 v18, v13;
	[tilespmem:s23+$0xFFFFFF70] =	vst v21  }
0x2a3: {  	v14 =	vadd.f32 v17, v14;
	[tilespmem:s26+$0xFFFFFFD0] =	vst v7;
	v7 =	vld [tilespmem:s26+$0xFFFFFFF0];
	v16 =	vmax.f32 v16, $0.0e+00  }
.Ltmp8:
0x2a4: {  	v13 =	vld [tilespmem:s28+$0xFFFFFFE0];
	v17 =	vmax.f32 v18, $0.0e+00;
	[tilespmem:s23+$0xFFFFFFF0] =	vst v16;
	v12 =	vadd.f32 v12, v6;
	(pc) =	sbr.rel @p6 .LBB2_10-.Ltmp8, $4  }
0x2a5: {  	v14 =	vmax.f32 v14, $0.0e+00;
	[tilespmem:s26+$0x50] =	vst v17;
	v6 =	vld [tilespmem:s26+$0x70]  }
0x2a6: {  	[tilespmem:s26+$0xFFFFFF50] =	vst v14;
	v14 =	vld [tilespmem:s28+$0x60];
	v16 =	vadd.f32 v20, v15;
	v12 =	vmax.f32 v12, $0.0e+00  }
0x2a7: {  	v15 =	vld [tilespmem:s28+$0xFFFFFF60];
	[tilespmem:s23+$0x70] =	vst v12;
	s23 =	smov.u32 s26  }
0x2a8: {  	s26 =	sadd.s32 $0x200, s26;
	v16 =	vmax.f32 v16, $0.0e+00;
	v12 =	vld [tilespmem:s23+$0xF0]  }
0x2a9: {  	_ = 	snop  }
0x2aa: {  	v10 =	vadd.f32 v13, v10  }
0x2ab: {  	v11 =	vadd.f32 v14, v11  }
0x2ac: {  	[tilespmem:s23+$0xE0] =	vst v16;
	v10 =	vmax.f32 v10, $0.0e+00;
	v9 =	vadd.f32 v15, v9  }
0x2ad: {  	v58 =	vld [tilespmem:s24+$0xF0];
	[tilespmem:s23+$0xFFFFFFE0] =	vst v10;
	v59 =	vmax.f32 v11, $0.0e+00  }
0x2ae: {  	v61 =	vld [tilespmem:s24+$0xFFFFFFF0];
	v9 =	vmax.f32 v9, $0.0e+00;
	[tilespmem:s23+$0x60] =	vst v59  }
0x2af: {  	[tilespmem:s23+$0xFFFFFF60] =	vst v9;
	v62 =	vld [tilespmem:s24+$0x70]  }
0x2b0: {  	v60 =	vld [tilespmem:s24+$0xFFFFFF70];
	_ =	sdelay $0x1  }
0x2b1: {  	v12 =	vadd.f32 v58, v12  }
0x2b2: {  	v7 =	vadd.f32 v61, v7  }
0x2b3: {  	v63 =	vmax.f32 v12, $0.0e+00;
	v6 =	vadd.f32 v62, v6  }
0x2b4: {  	[tilespmem:s23+$0xF0] =	vst v63;
	v7 =	vmax.f32 v7, $0.0e+00;
	v8 =	vadd.f32 v60, v8  }
0x2b5: {  	[tilespmem:s23+$0xFFFFFFF0] =	vst v7;
	v6 =	vmax.f32 v6, $0.0e+00  }
0x2b6: {  	s29 =	smov.u32 s5;
	v8 =	vmax.f32 v8, $0.0e+00;
	[tilespmem:s23+$0x70] =	vst v6  }
0x2b7: {  	s0 =	simm.s32 $0x300;
	s5 =	simm.s32 $0x40;
	s2 =	simm.s32 $0x200;
	[tilespmem:s23+$0xFFFFFF70] =	vst v8  }
0x2b8: {  	[spmem:s29] =	stream.indirect.scatter.add.f32 [tilespmem:s0], [sflag:$0x5], $0x80, s2, s5, $0xb8;
	[tilespmem:$0x1EE00] =	vst v63  }
.LBB2_12:
0x2b9: {  	s0 =	simm.s32 @!p5 $0x4  }
0x2ba: {  	_ =	swait.ge @!p5 [sflag:s0], $0x2000  }
0x2bb: {  	[sflag:s0] =	ssyncset.done @!p5 $0x0  }
0x2bc: {  	[sflag:s0] =	ssyncadd.s32 @!p5 $0xFFFFE000  }
0x2bd: {  	_ =	swait.ge @!p5 [sflag:s0], $0x2000  }
0x2be: {  	[sflag:s0] =	ssyncset.done @!p5 $0x0  }
0x2bf: {  	[sflag:s0] =	ssyncadd.s32 @!p5 $0xFFFFE000  }
0x2c0: {  	v6 =	vld @!p5 [tilespmem:$0x180]  }
0x2c1: {  	v7 =	vld @!p5 [tilespmem:$0x190]  }
0x2c2: {  	v8 =	vld @!p5 [tilespmem:$0x1A0]  }
0x2c3: {  	v9 =	vld @!p5 [tilespmem:$0x1B0];
	_ =	sdelay $0x1  }
0x2c4: {  	s0 =	sadd.s32 s21, s18;
	[tilespmem:$0x280] =	vst @!p5 v6  }
0x2c5: {  	p6 =	sgt.u32 s0, $0x1387;
	[tilespmem:$0x290] =	vst @!p5 v7  }
0x2c6: {  	s0 =	sshll.u32 @!p6 s0, $0x3;
	[tilespmem:$0x2A0] =	vst @!p5 v8  }
0x2c7: {  	s3 =	simm.s32 @!p6 $0x0;
	s4 =	simm.s32 @!p6 $0x80;
	s2 =	sadd.s32 @!p6 s7, s0;
	[tilespmem:$0x2B0] =	vst @!p5 v9  }
0x2c8: {  	[tilespmem:s4], [sflag:$0x2] =	stream.linear.gather @!p6 [hbm4b:s2+s3], $0x40, $0x38;
	[tilespmem:$0x1EE00] =	vst v63  }
0x2c9: {  	s0 =	sadd.s32 @!p6 s8, s0;
	s2 =	simm.s32 @!p6 $0x180  }
0x2ca: {  	[tilespmem:s2], [sflag:$0x2] =	stream.linear.gather @!p6 [hbm4b:s0+s3], $0x40, $0x38;
	[tilespmem:$0x1EE00] =	vst v63  }
0x2cb: {  	s0 =	simm.s32 @!p3 $0x5  }
0x2cc: {  	_ =	swait.ge @!p3 [sflag:s0], $0x2000  }
0x2cd: {  	[sflag:s0] =	ssyncset.done @!p3 $0x0  }
0x2ce: {  	[sflag:s0] =	ssyncadd.s32 @!p3 $0xFFFFE000;
	s0 =	simm.s32 @!p4 $0x1  }
0x2cf: {  	_ =	swait.ge @!p4 [sflag:s0], $0x40  }
0x2d0: {  	[sflag:s0] =	ssyncset.done @!p4 $0x0  }
0x2d1: {  	[sflag:s0] =	ssyncadd.s32 @!p4 $0xFFFFFFC0  }
0x2d2: {  	_ =	swait.ge @!p4 [sflag:s0], $0x40  }
.Ltmp9:
0x2d3: {  	[sflag:s0] =	ssyncset.done @!p4 $0x0;
	(pc) =	sbr.rel @p5 .LBB2_18-.Ltmp9, $4  }
0x2d4: {  	s2 =	simm.s32 @!p4 $0x300;
	[sflag:s0] =	ssyncadd.s32 @!p4 $0xFFFFFFC0;
	s0 =	simm.s32 @!p4 $0x40  }
0x2d5: {  	[tilespmem:s2], [sflag:$0x3] =	stream.indirect.gather @!p4 [hbm4b:s1+s0], $0x80, s17, s0, $0xb8;
	[tilespmem:$0x1EE00] =	vst v63  }
0x2d6: {  	s2 =	simm.s32 @!p4 $0x4300  }
0x2d7: {  	[tilespmem:s2], [sflag:$0x3] =	stream.indirect.gather @!p4 [hbm4b:s6+s0], $0x80, s16, s0, $0xb8;
	[tilespmem:$0x1EE00] =	vst v63  }
0x2d8: {  	s0 =	simm.s32 $0x0  }
0x2d9: {  	v6 =	vld [tilespmem:s0+$0x280];
	_ =	sdelay $0x4  }
0x2da: {  	(v2sf) =	vpush v6, $0x0;
	_ =	sdelay $0x7  }
0x2db: {  	(v2sf) =	vpush v6, $0x1;
	_ =	sdelay $0x6  }
0x2dc: {  	s13 =	spop (v2sf)  }
0x2dd: {  	(v2sf) =	vpush v6, $0x2;
	s2 =	sand.u32 $0xFFFFFFF0, s13  }
0x2de: {  	v7 =	vld [tilespmem:s2+$0x8380]  }
0x2df: {  	s0 =	sand.u32 $0xF, s13  }
0x2e0: {  	v8 =	vmov s0  }
0x2e1: {  	vm0 =	veq.s32 v8, v0  }
0x2e2: {  	v8 =	vsel vm0, $0x3F800000, v1  }
0x2e3: {  	v7 =	vadd.f32 v8, v7  }
0x2e4: {  	s14 =	spop (v2sf)  }
0x2e5: {  	(v2sf) =	vpush v6, $0x3;
	s16 =	sand.u32 $0xFFFFFFF0, s14;
	[tilespmem:s2+$0x8380] =	vst v7  }
0x2e6: {  	v7 =	vld [tilespmem:s16+$0x8380]  }
0x2e7: {  	s0 =	sand.u32 $0xF, s14  }
0x2e8: {  	v8 =	vmov s0  }
0x2e9: {  	vm13 =	veq.s32 v8, v0  }
0x2ea: {  	v8 =	vsel vm13, $0x3F800000, v1  }
0x2eb: {  	v7 =	vadd.f32 v8, v7  }
0x2ec: {  	s17 =	spop (v2sf)  }
0x2ed: {  	(v2sf) =	vpush v6, $0x4;
	s18 =	sand.u32 $0xFFFFFFF0, s17;
	[tilespmem:s16+$0x8380] =	vst v7  }
0x2ee: {  	v7 =	vld [tilespmem:s18+$0x8380]  }
0x2ef: {  	s0 =	sand.u32 $0xF, s17  }
0x2f0: {  	v8 =	vmov s0  }
0x2f1: {  	vm14 =	veq.s32 v8, v0  }
0x2f2: {  	v8 =	vsel vm14, $0x3F800000, v1  }
0x2f3: {  	v7 =	vadd.f32 v8, v7  }
0x2f4: {  	s23 =	spop (v2sf)  }
0x2f5: {  	(v2sf) =	vpush v6, $0x5;
	s24 =	sand.u32 $0xFFFFFFF0, s23;
	[tilespmem:s18+$0x8380] =	vst v7  }
0x2f6: {  	v7 =	vld [tilespmem:s24+$0x8380]  }
0x2f7: {  	s0 =	sand.u32 $0xF, s23  }
0x2f8: {  	v8 =	vmov s0  }
0x2f9: {  	vm15 =	veq.s32 v8, v0  }
0x2fa: {  	v8 =	vsel vm15, $0x3F800000, v1  }
0x2fb: {  	v7 =	vadd.f32 v7, v8  }
0x2fc: {  	s25 =	spop (v2sf)  }
0x2fd: {  	(v2sf) =	vpush v6, $0x6;
	s26 =	sand.u32 $0xFFFFFFF0, s25;
	[tilespmem:s24+$0x8380] =	vst v7  }
0x2fe: {  	v7 =	vld [tilespmem:s26+$0x8380]  }
0x2ff: {  	s0 =	sand.u32 $0xF, s25  }
0x300: {  	v8 =	vmov s0  }
0x301: {  	vm4 =	veq.s32 v8, v0  }
0x302: {  	v8 =	vsel vm4, $0x3F800000, v1  }
0x303: {  	v7 =	vadd.f32 v7, v8  }
0x304: {  	s28 =	spop (v2sf)  }
0x305: {  	(v2sf) =	vpush v6, $0x7;
	s30 =	sand.u32 $0xFFFFFFF0, s28;
	[tilespmem:s26+$0x8380] =	vst v7  }
0x306: {  	v7 =	vld [tilespmem:s30+$0x8380]  }
0x307: {  	s0 =	sand.u32 $0xF, s28  }
0x308: {  	v8 =	vmov s0  }
0x309: {  	vm5 =	veq.s32 v8, v0  }
0x30a: {  	v8 =	vsel vm5, $0x3F800000, v1  }
0x30b: {  	v7 =	vadd.f32 v7, v8  }
0x30c: {  	s31 =	spop (v2sf)  }
0x30d: {  	(v2sf) =	vpush v6, $0x8;
	s3 =	sand.u32 $0xFFFFFFF0, s31;
	[tilespmem:s30+$0x8380] =	vst v7  }
0x30e: {  	v7 =	vld [tilespmem:s3+$0x8380]  }
0x30f: {  	s0 =	sand.u32 $0xF, s31  }
0x310: {  	v8 =	vmov s0  }
0x311: {  	vm6 =	veq.s32 v8, v0  }
0x312: {  	v8 =	vsel vm6, $0x3F800000, v1  }
0x313: {  	v7 =	vadd.f32 v7, v8  }
0x314: {  	s4 =	spop (v2sf)  }
0x315: {  	(v2sf) =	vpush v6, $0x9;
	s9 =	sand.u32 $0xFFFFFFF0, s4;
	[tilespmem:s3+$0x8380] =	vst v7  }
0x316: {  	v7 =	vld [tilespmem:s9+$0x8380]  }
0x317: {  	s0 =	sand.u32 $0xF, s4  }
0x318: {  	v8 =	vmov s0  }
0x319: {  	vm7 =	veq.s32 v8, v0  }
0x31a: {  	v8 =	vsel vm7, $0x3F800000, v1  }
0x31b: {  	v7 =	vadd.f32 v7, v8  }
0x31c: {  	s10 =	spop (v2sf)  }
0x31d: {  	(v2sf) =	vpush v6, $0xA;
	s11 =	sand.u32 $0xFFFFFFF0, s10;
	[tilespmem:s9+$0x8380] =	vst v7  }
0x31e: {  	v7 =	vld [tilespmem:s11+$0x8380]  }
0x31f: {  	s0 =	sand.u32 $0xF, s10  }
0x320: {  	v8 =	vmov s0  }
0x321: {  	vm8 =	veq.s32 v8, v0  }
0x322: {  	v8 =	vsel vm8, $0x3F800000, v1  }
0x323: {  	v7 =	vadd.f32 v7, v8  }
0x324: {  	s12 =	spop (v2sf)  }
0x325: {  	(v2sf) =	vpush v6, $0xB;
	s13 =	sand.u32 $0xFFFFFFF0, s12;
	[tilespmem:s11+$0x8380] =	vst v7  }
0x326: {  	v7 =	vld [tilespmem:s13+$0x8380]  }
0x327: {  	s0 =	sand.u32 $0xF, s12  }
0x328: {  	v8 =	vmov s0  }
0x329: {  	vm9 =	veq.s32 v8, v0  }
0x32a: {  	v8 =	vsel vm9, $0x3F800000, v1  }
0x32b: {  	v7 =	vadd.f32 v7, v8  }
0x32c: {  	s14 =	spop (v2sf)  }
0x32d: {  	(v2sf) =	vpush v6, $0xC;
	s16 =	sand.u32 $0xFFFFFFF0, s14;
	[tilespmem:s13+$0x8380] =	vst v7  }
0x32e: {  	v7 =	vld [tilespmem:s16+$0x8380]  }
0x32f: {  	s0 =	sand.u32 $0xF, s14  }
0x330: {  	v8 =	vmov s0  }
0x331: {  	vm10 =	veq.s32 v8, v0  }
0x332: {  	v8 =	vsel vm10, $0x3F800000, v1  }
0x333: {  	v7 =	vadd.f32 v7, v8  }
0x334: {  	s17 =	spop (v2sf)  }
0x335: {  	(v2sf) =	vpush v6, $0xD;
	s18 =	sand.u32 $0xFFFFFFF0, s17;
	[tilespmem:s16+$0x8380] =	vst v7  }
0x336: {  	v7 =	vld [tilespmem:s18+$0x8380]  }
0x337: {  	s0 =	sand.u32 $0xF, s17  }
0x338: {  	v8 =	vmov s0  }
0x339: {  	vm11 =	veq.s32 v8, v0  }
0x33a: {  	v8 =	vsel vm11, $0x3F800000, v1  }
0x33b: {  	v7 =	vadd.f32 v7, v8  }
0x33c: {  	s23 =	spop (v2sf)  }
0x33d: {  	(v2sf) =	vpush v6, $0xE;
	s24 =	sand.u32 $0xFFFFFFF0, s23;
	[tilespmem:s18+$0x8380] =	vst v7  }
0x33e: {  	v7 =	vld [tilespmem:s24+$0x8380]  }
0x33f: {  	s0 =	sand.u32 $0xF, s23  }
0x340: {  	v8 =	vmov s0  }
0x341: {  	vm12 =	veq.s32 v8, v0  }
0x342: {  	v8 =	vsel vm12, $0x3F800000, v1  }
0x343: {  	v7 =	vadd.f32 v7, v8  }
0x344: {  	s25 =	spop (v2sf)  }
0x345: {  	(v2sf) =	vpush v6, $0xF;
	s26 =	sand.u32 $0xFFFFFFF0, s25;
	[tilespmem:s24+$0x8380] =	vst v7  }
0x346: {  	v6 =	vld [tilespmem:s26+$0x8380]  }
0x347: {  	s0 =	sand.u32 $0xF, s25  }
0x348: {  	v7 =	vmov s0  }
0x349: {  	vm13 =	veq.s32 v7, v0  }
0x34a: {  	v7 =	vsel vm13, $0x3F800000, v1  }
0x34b: {  	v6 =	vadd.f32 v6, v7  }
0x34c: {  	s28 =	spop (v2sf)  }
0x34d: {  	s30 =	sand.u32 $0xFFFFFFF0, s28;
	[tilespmem:s26+$0x8380] =	vst v6  }
0x34e: {  	v6 =	vld [tilespmem:s30+$0x8380]  }
0x34f: {  	s0 =	sand.u32 $0xF, s28  }
0x350: {  	v7 =	vmov s0  }
0x351: {  	vm14 =	veq.s32 v7, v0  }
0x352: {  	v7 =	vsel vm14, $0x3F800000, v1  }
0x353: {  	v6 =	vadd.f32 v6, v7  }
0x354: {  	s3 =	spop (v2sf)  }
0x355: {  	s0 =	sand.u32 $0xFFFFFFF0, s3;
	[tilespmem:s30+$0x8380] =	vst v6  }
0x356: {  	v6 =	vld [tilespmem:s0+$0x8380]  }
0x357: {  	s31 =	sand.u32 $0xF, s3  }
0x358: {  	v7 =	vmov s31  }
0x359: {  	vm15 =	veq.s32 v7, v0  }
0x35a: {  	v7 =	vsel vm15, $0x3F800000, v1  }
0x35b: {  	s17 =	simm.s32 $0x80;
	s16 =	simm.s32 $0x40;
	v6 =	vadd.f32 v6, v7  }
.LBB2_14:
0x35c: {  	p3 =	sne.s32 s17, $0xC0  }
0x35d: {  	s2 =	sshra.s32 s16, $0x2;
	s16 =	smov.u32 s17;
	s17 =	sadd.s32 $0x40, s17;
	[tilespmem:s0+$0x8380] =	vst v6  }
0x35e: {  	v6 =	vld [tilespmem:s2+$0x280];
	_ =	sdelay $0x4  }
0x35f: {  	(v2sf) =	vpush v6, $0x0  }
0x360: {  	(v2sf) =	vpush v6, $0x1  }
0x361: {  	(v2sf) =	vpush v6, $0x2  }
0x362: {  	(v2sf) =	vpush v6, $0x3  }
0x363: {  	(v2sf) =	vpush v6, $0x4  }
0x364: {  	(v2sf) =	vpush v6, $0x5  }
0x365: {  	(v2sf) =	vpush v6, $0x6  }
0x366: {  	(v2sf) =	vpush v6, $0x7  }
0x367: {  	(v2sf) =	vpush v6, $0x8  }
0x368: {  	(v2sf) =	vpush v6, $0x9  }
0x369: {  	(v2sf) =	vpush v6, $0xA  }
0x36a: {  	(v2sf) =	vpush v6, $0xB  }
0x36b: {  	(v2sf) =	vpush v6, $0xC  }
0x36c: {  	(v2sf) =	vpush v6, $0xD  }
0x36d: {  	(v2sf) =	vpush v6, $0xE  }
0x36e: {  	s0 =	spop (v2sf);
	(v2sf) =	vpush v6, $0xF  }
0x36f: {  	s2 =	sand.u32 $0xF, s0;
	s3 =	sand.u32 $0xFFFFFFF0, s0;
	s11 =	spop (v2sf)  }
0x370: {  	v6 =	vld [tilespmem:s3+$0x8380];
	v7 =	vmov s2;
	s2 =	sand.u32 $0xF, s11;
	s0 =	spop (v2sf)  }
0x371: {  	vm1 =	veq.s32 v7, v0;
	v7 =	vmov s2;
	s2 =	sand.u32 $0xF, s0;
	s14 =	spop (v2sf)  }
0x372: {  	vm0 =	veq.s32 v7, v0;
	v7 =	vmov s2;
	s2 =	sand.u32 $0xF, s14;
	s13 =	spop (v2sf)  }
0x373: {  	vm13 =	veq.s32 v7, v0;
	v7 =	vmov s2;
	s2 =	sand.u32 $0xF, s13;
	s12 =	spop (v2sf)  }
0x374: {  	v8 =	vsel vm1, $0x3F800000, v1;
	vm12 =	veq.s32 v7, v0;
	v7 =	vmov s2;
	s2 =	sand.u32 $0xF, s12;
	s4 =	spop (v2sf)  }
0x375: {  	v6 =	vadd.f32 v8, v6;
	vm11 =	veq.s32 v7, v0;
	v7 =	vmov s2;
	s2 =	sand.u32 $0xF, s4;
	s10 =	spop (v2sf)  }
0x376: {  	vm10 =	veq.s32 v7, v0;
	v7 =	vmov s2;
	s2 =	sand.u32 $0xF, s10;
	s9 =	spop (v2sf)  }
0x377: {  	s11 =	sand.u32 $0xFFFFFFF0, s11;
	[tilespmem:s3+$0x8380] =	vst v6;
	vm9 =	veq.s32 v7, v0;
	v6 =	vmov s2;
	s2 =	sand.u32 $0xF, s9;
	s3 =	spop (v2sf)  }
0x378: {  	v7 =	vld [tilespmem:s11+$0x8380];
	vm8 =	veq.s32 v6, v0;
	v6 =	vmov s2;
	s2 =	sand.u32 $0xF, s3;
	s28 =	spop (v2sf)  }
0x379: {  	vm7 =	veq.s32 v6, v0;
	v6 =	vmov s2;
	s2 =	sand.u32 $0xF, s28;
	s26 =	spop (v2sf)  }
0x37a: {  	vm6 =	veq.s32 v6, v0;
	v6 =	vmov s2;
	s2 =	sand.u32 $0xF, s26;
	s25 =	spop (v2sf)  }
0x37b: {  	vm5 =	veq.s32 v6, v0;
	v6 =	vmov s2;
	s2 =	sand.u32 $0xF, s25;
	s24 =	spop (v2sf)  }
0x37c: {  	v8 =	vsel vm0, $0x3F800000, v1;
	vm4 =	veq.s32 v6, v0;
	v6 =	vmov s2;
	s2 =	sand.u32 $0xF, s24;
	s23 =	spop (v2sf)  }
0x37d: {  	v7 =	vadd.f32 v8, v7;
	vm3 =	veq.s32 v6, v0;
	v6 =	vmov s2;
	s2 =	sand.u32 $0xF, s23;
	s18 =	spop (v2sf)  }
0x37e: {  	vm2 =	veq.s32 v6, v0;
	v6 =	vmov s2;
	s2 =	sand.u32 $0xF, s18  }
0x37f: {  	s0 =	sand.u32 $0xFFFFFFF0, s0;
	[tilespmem:s11+$0x8380] =	vst v7;
	vm1 =	veq.s32 v6, v0;
	v6 =	vmov s2  }
0x380: {  	v7 =	vld [tilespmem:s0+$0x8380];
	vm0 =	veq.s32 v6, v0;
	_ =	sdelay $0x3  }
0x381: {  	v6 =	vsel vm13, $0x3F800000, v1  }
0x382: {  	v6 =	vadd.f32 v6, v7;
	_ =	sdelay $0x1  }
0x383: {  	[tilespmem:s0+$0x8380] =	vst v6;
	s0 =	sand.u32 $0xFFFFFFF0, s14  }
0x384: {  	v6 =	vld [tilespmem:s0+$0x8380];
	_ =	sdelay $0x3  }
0x385: {  	v7 =	vsel vm12, $0x3F800000, v1  }
0x386: {  	v6 =	vadd.f32 v6, v7;
	_ =	sdelay $0x1  }
0x387: {  	[tilespmem:s0+$0x8380] =	vst v6;
	s0 =	sand.u32 $0xFFFFFFF0, s13  }
0x388: {  	v6 =	vld [tilespmem:s0+$0x8380];
	_ =	sdelay $0x3  }
0x389: {  	v7 =	vsel vm11, $0x3F800000, v1  }
0x38a: {  	v6 =	vadd.f32 v6, v7;
	_ =	sdelay $0x1  }
0x38b: {  	[tilespmem:s0+$0x8380] =	vst v6;
	s0 =	sand.u32 $0xFFFFFFF0, s12  }
0x38c: {  	v6 =	vld [tilespmem:s0+$0x8380];
	_ =	sdelay $0x3  }
0x38d: {  	v7 =	vsel vm10, $0x3F800000, v1  }
0x38e: {  	v6 =	vadd.f32 v6, v7;
	_ =	sdelay $0x1  }
0x38f: {  	[tilespmem:s0+$0x8380] =	vst v6;
	s0 =	sand.u32 $0xFFFFFFF0, s4  }
0x390: {  	v6 =	vld [tilespmem:s0+$0x8380];
	_ =	sdelay $0x3  }
0x391: {  	v7 =	vsel vm9, $0x3F800000, v1  }
0x392: {  	v6 =	vadd.f32 v6, v7;
	_ =	sdelay $0x1  }
0x393: {  	[tilespmem:s0+$0x8380] =	vst v6;
	s0 =	sand.u32 $0xFFFFFFF0, s10  }
0x394: {  	v6 =	vld [tilespmem:s0+$0x8380];
	_ =	sdelay $0x3  }
0x395: {  	v7 =	vsel vm8, $0x3F800000, v1  }
0x396: {  	v6 =	vadd.f32 v6, v7;
	_ =	sdelay $0x1  }
0x397: {  	[tilespmem:s0+$0x8380] =	vst v6;
	s0 =	sand.u32 $0xFFFFFFF0, s9  }
0x398: {  	v6 =	vld [tilespmem:s0+$0x8380];
	_ =	sdelay $0x3  }
0x399: {  	v7 =	vsel vm7, $0x3F800000, v1  }
0x39a: {  	v6 =	vadd.f32 v6, v7;
	_ =	sdelay $0x1  }
0x39b: {  	[tilespmem:s0+$0x8380] =	vst v6;
	s0 =	sand.u32 $0xFFFFFFF0, s3  }
0x39c: {  	v6 =	vld [tilespmem:s0+$0x8380];
	_ =	sdelay $0x3  }
0x39d: {  	v7 =	vsel vm6, $0x3F800000, v1  }
0x39e: {  	v6 =	vadd.f32 v6, v7;
	_ =	sdelay $0x1  }
0x39f: {  	[tilespmem:s0+$0x8380] =	vst v6;
	s0 =	sand.u32 $0xFFFFFFF0, s28  }
0x3a0: {  	v6 =	vld [tilespmem:s0+$0x8380];
	_ =	sdelay $0x3  }
0x3a1: {  	v7 =	vsel vm5, $0x3F800000, v1  }
0x3a2: {  	v6 =	vadd.f32 v6, v7;
	_ =	sdelay $0x1  }
0x3a3: {  	[tilespmem:s0+$0x8380] =	vst v6;
	s0 =	sand.u32 $0xFFFFFFF0, s26  }
0x3a4: {  	v6 =	vld [tilespmem:s0+$0x8380];
	_ =	sdelay $0x3  }
0x3a5: {  	v7 =	vsel vm4, $0x3F800000, v1  }
0x3a6: {  	v6 =	vadd.f32 v6, v7;
	_ =	sdelay $0x1  }
0x3a7: {  	[tilespmem:s0+$0x8380] =	vst v6;
	s0 =	sand.u32 $0xFFFFFFF0, s25  }
0x3a8: {  	v6 =	vld [tilespmem:s0+$0x8380];
	_ =	sdelay $0x3  }
0x3a9: {  	v7 =	vsel vm3, $0x3F800000, v1  }
0x3aa: {  	v6 =	vadd.f32 v6, v7;
	_ =	sdelay $0x1  }
0x3ab: {  	[tilespmem:s0+$0x8380] =	vst v6;
	s0 =	sand.u32 $0xFFFFFFF0, s24  }
0x3ac: {  	v6 =	vld [tilespmem:s0+$0x8380];
	_ =	sdelay $0x3  }
0x3ad: {  	v7 =	vsel vm2, $0x3F800000, v1  }
0x3ae: {  	v6 =	vadd.f32 v6, v7;
	_ =	sdelay $0x1  }
0x3af: {  	[tilespmem:s0+$0x8380] =	vst v6;
	s0 =	sand.u32 $0xFFFFFFF0, s23  }
0x3b0: {  	v6 =	vld [tilespmem:s0+$0x8380];
	_ =	sdelay $0x3  }
0x3b1: {  	v7 =	vsel vm1, $0x3F800000, v1  }
0x3b2: {  	v6 =	vadd.f32 v6, v7;
	_ =	sdelay $0x1  }
0x3b3: {  	[tilespmem:s0+$0x8380] =	vst v6;
	s0 =	sand.u32 $0xFFFFFFF0, s18  }
0x3b4: {  	v6 =	vld [tilespmem:s0+$0x8380]  }
.Ltmp10:
0x3b5: {  	(pc) =	sbr.rel @p3 .LBB2_14-.Ltmp10, $3  }
0x3b6: {  	_ =	sdelay $0x1  }
0x3b7: {  	v7 =	vsel vm0, $0x3F800000, v1  }
0x3b8: {  	v6 =	vadd.f32 v6, v7  }
0x3b9: {  	_ = 	snop  }
0x3ba: {  	s2 =	sshra.s32 s16, $0x2;
	[tilespmem:s0+$0x8380] =	vst v6  }
0x3bb: {  	v6 =	vld [tilespmem:s2+$0x280];
	_ =	sdelay $0x4  }
0x3bc: {  	(v2sf) =	vpush v6, $0x0;
	_ =	sdelay $0x7  }
0x3bd: {  	(v2sf) =	vpush v6, $0x1;
	_ =	sdelay $0x6  }
0x3be: {  	s11 =	spop (v2sf)  }
0x3bf: {  	(v2sf) =	vpush v6, $0x2;
	s12 =	sand.u32 $0xFFFFFFF0, s11  }
0x3c0: {  	v7 =	vld [tilespmem:s12+$0x8380]  }
0x3c1: {  	s0 =	sand.u32 $0xF, s11  }
0x3c2: {  	v8 =	vmov s0  }
0x3c3: {  	vm0 =	veq.s32 v8, v0  }
0x3c4: {  	v8 =	vsel vm0, $0x3F800000, v1  }
0x3c5: {  	v7 =	vadd.f32 v8, v7  }
0x3c6: {  	s13 =	spop (v2sf)  }
0x3c7: {  	(v2sf) =	vpush v6, $0x3;
	s14 =	sand.u32 $0xFFFFFFF0, s13;
	[tilespmem:s12+$0x8380] =	vst v7  }
0x3c8: {  	v7 =	vld [tilespmem:s14+$0x8380]  }
0x3c9: {  	s0 =	sand.u32 $0xF, s13  }
0x3ca: {  	v8 =	vmov s0  }
0x3cb: {  	vm13 =	veq.s32 v8, v0  }
0x3cc: {  	v8 =	vsel vm13, $0x3F800000, v1  }
0x3cd: {  	v7 =	vadd.f32 v8, v7  }
0x3ce: {  	s16 =	spop (v2sf)  }
0x3cf: {  	(v2sf) =	vpush v6, $0x4;
	s17 =	sand.u32 $0xFFFFFFF0, s16;
	[tilespmem:s14+$0x8380] =	vst v7  }
0x3d0: {  	v7 =	vld [tilespmem:s17+$0x8380]  }
0x3d1: {  	s0 =	sand.u32 $0xF, s16  }
0x3d2: {  	v8 =	vmov s0  }
0x3d3: {  	vm14 =	veq.s32 v8, v0  }
0x3d4: {  	v8 =	vsel vm14, $0x3F800000, v1  }
0x3d5: {  	v7 =	vadd.f32 v8, v7  }
0x3d6: {  	s18 =	spop (v2sf)  }
0x3d7: {  	(v2sf) =	vpush v6, $0x5;
	s23 =	sand.u32 $0xFFFFFFF0, s18;
	[tilespmem:s17+$0x8380] =	vst v7  }
0x3d8: {  	v7 =	vld [tilespmem:s23+$0x8380]  }
0x3d9: {  	s0 =	sand.u32 $0xF, s18  }
0x3da: {  	v8 =	vmov s0  }
0x3db: {  	vm15 =	veq.s32 v8, v0  }
0x3dc: {  	v8 =	vsel vm15, $0x3F800000, v1  }
0x3dd: {  	v7 =	vadd.f32 v7, v8  }
0x3de: {  	s24 =	spop (v2sf)  }
0x3df: {  	(v2sf) =	vpush v6, $0x6;
	s25 =	sand.u32 $0xFFFFFFF0, s24;
	[tilespmem:s23+$0x8380] =	vst v7  }
0x3e0: {  	v7 =	vld [tilespmem:s25+$0x8380]  }
0x3e1: {  	s0 =	sand.u32 $0xF, s24  }
0x3e2: {  	v8 =	vmov s0  }
0x3e3: {  	vm4 =	veq.s32 v8, v0  }
0x3e4: {  	v8 =	vsel vm4, $0x3F800000, v1  }
0x3e5: {  	v7 =	vadd.f32 v7, v8  }
0x3e6: {  	s26 =	spop (v2sf)  }
0x3e7: {  	(v2sf) =	vpush v6, $0x7;
	s28 =	sand.u32 $0xFFFFFFF0, s26;
	[tilespmem:s25+$0x8380] =	vst v7  }
0x3e8: {  	v7 =	vld [tilespmem:s28+$0x8380]  }
0x3e9: {  	s0 =	sand.u32 $0xF, s26  }
0x3ea: {  	v8 =	vmov s0  }
0x3eb: {  	vm5 =	veq.s32 v8, v0  }
0x3ec: {  	v8 =	vsel vm5, $0x3F800000, v1  }
0x3ed: {  	v7 =	vadd.f32 v7, v8  }
0x3ee: {  	s30 =	spop (v2sf)  }
0x3ef: {  	(v2sf) =	vpush v6, $0x8;
	s31 =	sand.u32 $0xFFFFFFF0, s30;
	[tilespmem:s28+$0x8380] =	vst v7  }
0x3f0: {  	v7 =	vld [tilespmem:s31+$0x8380]  }
0x3f1: {  	s0 =	sand.u32 $0xF, s30  }
0x3f2: {  	v8 =	vmov s0  }
0x3f3: {  	vm6 =	veq.s32 v8, v0  }
0x3f4: {  	v8 =	vsel vm6, $0x3F800000, v1  }
0x3f5: {  	v7 =	vadd.f32 v7, v8  }
0x3f6: {  	s3 =	spop (v2sf)  }
0x3f7: {  	(v2sf) =	vpush v6, $0x9;
	s4 =	sand.u32 $0xFFFFFFF0, s3;
	[tilespmem:s31+$0x8380] =	vst v7  }
0x3f8: {  	v7 =	vld [tilespmem:s4+$0x8380]  }
0x3f9: {  	s0 =	sand.u32 $0xF, s3  }
0x3fa: {  	v8 =	vmov s0  }
0x3fb: {  	vm7 =	veq.s32 v8, v0  }
0x3fc: {  	v8 =	vsel vm7, $0x3F800000, v1  }
0x3fd: {  	v7 =	vadd.f32 v7, v8  }
0x3fe: {  	s9 =	spop (v2sf)  }
0x3ff: {  	(v2sf) =	vpush v6, $0xA;
	s10 =	sand.u32 $0xFFFFFFF0, s9;
	[tilespmem:s4+$0x8380] =	vst v7  }
0x400: {  	v7 =	vld [tilespmem:s10+$0x8380]  }
0x401: {  	s0 =	sand.u32 $0xF, s9  }
0x402: {  	v8 =	vmov s0  }
0x403: {  	vm8 =	veq.s32 v8, v0  }
0x404: {  	v8 =	vsel vm8, $0x3F800000, v1  }
0x405: {  	v7 =	vadd.f32 v7, v8  }
0x406: {  	s11 =	spop (v2sf)  }
0x407: {  	(v2sf) =	vpush v6, $0xB;
	s12 =	sand.u32 $0xFFFFFFF0, s11;
	[tilespmem:s10+$0x8380] =	vst v7  }
0x408: {  	v7 =	vld [tilespmem:s12+$0x8380]  }
0x409: {  	s0 =	sand.u32 $0xF, s11  }
0x40a: {  	v8 =	vmov s0  }
0x40b: {  	vm9 =	veq.s32 v8, v0  }
0x40c: {  	v8 =	vsel vm9, $0x3F800000, v1  }
0x40d: {  	v7 =	vadd.f32 v7, v8  }
0x40e: {  	s13 =	spop (v2sf)  }
0x40f: {  	(v2sf) =	vpush v6, $0xC;
	s14 =	sand.u32 $0xFFFFFFF0, s13;
	[tilespmem:s12+$0x8380] =	vst v7  }
0x410: {  	v7 =	vld [tilespmem:s14+$0x8380]  }
0x411: {  	s0 =	sand.u32 $0xF, s13  }
0x412: {  	v8 =	vmov s0  }
0x413: {  	vm10 =	veq.s32 v8, v0  }
0x414: {  	v8 =	vsel vm10, $0x3F800000, v1  }
0x415: {  	v7 =	vadd.f32 v7, v8  }
0x416: {  	s16 =	spop (v2sf)  }
0x417: {  	(v2sf) =	vpush v6, $0xD;
	s17 =	sand.u32 $0xFFFFFFF0, s16;
	[tilespmem:s14+$0x8380] =	vst v7  }
0x418: {  	v7 =	vld [tilespmem:s17+$0x8380]  }
0x419: {  	s0 =	sand.u32 $0xF, s16  }
0x41a: {  	v8 =	vmov s0  }
0x41b: {  	vm11 =	veq.s32 v8, v0  }
0x41c: {  	v8 =	vsel vm11, $0x3F800000, v1  }
0x41d: {  	v7 =	vadd.f32 v7, v8  }
0x41e: {  	s18 =	spop (v2sf)  }
0x41f: {  	(v2sf) =	vpush v6, $0xE;
	s23 =	sand.u32 $0xFFFFFFF0, s18;
	[tilespmem:s17+$0x8380] =	vst v7  }
0x420: {  	v7 =	vld [tilespmem:s23+$0x8380]  }
0x421: {  	s0 =	sand.u32 $0xF, s18  }
0x422: {  	v8 =	vmov s0  }
0x423: {  	vm12 =	veq.s32 v8, v0  }
0x424: {  	v8 =	vsel vm12, $0x3F800000, v1  }
0x425: {  	v7 =	vadd.f32 v7, v8  }
0x426: {  	s24 =	spop (v2sf)  }
0x427: {  	(v2sf) =	vpush v6, $0xF;
	s25 =	sand.u32 $0xFFFFFFF0, s24;
	[tilespmem:s23+$0x8380] =	vst v7  }
0x428: {  	v6 =	vld [tilespmem:s25+$0x8380]  }
0x429: {  	s0 =	sand.u32 $0xF, s24  }
0x42a: {  	v7 =	vmov s0  }
0x42b: {  	vm13 =	veq.s32 v7, v0  }
0x42c: {  	v7 =	vsel vm13, $0x3F800000, v1  }
0x42d: {  	v6 =	vadd.f32 v6, v7  }
0x42e: {  	s26 =	spop (v2sf)  }
0x42f: {  	s28 =	sand.u32 $0xFFFFFFF0, s26;
	[tilespmem:s25+$0x8380] =	vst v6  }
0x430: {  	v6 =	vld [tilespmem:s28+$0x8380]  }
0x431: {  	s0 =	sand.u32 $0xF, s26  }
0x432: {  	v7 =	vmov s0  }
0x433: {  	vm14 =	veq.s32 v7, v0  }
0x434: {  	v7 =	vsel vm14, $0x3F800000, v1  }
0x435: {  	v6 =	vadd.f32 v6, v7  }
0x436: {  	s30 =	spop (v2sf)  }
0x437: {  	s31 =	sand.u32 $0xFFFFFFF0, s30;
	[tilespmem:s28+$0x8380] =	vst v6  }
0x438: {  	v6 =	vld [tilespmem:s31+$0x8380]  }
0x439: {  	s0 =	sand.u32 $0xF, s30  }
0x43a: {  	v7 =	vmov s0  }
0x43b: {  	vm15 =	veq.s32 v7, v0  }
0x43c: {  	v7 =	vsel vm15, $0x3F800000, v1  }
0x43d: {  	v6 =	vadd.f32 v6, v7;
	_ =	sdelay $0x1  }
0x43e: {  	s16 =	simm.s32 $0x24F0;
	[tilespmem:s31+$0x8380] =	vst v6  }
0x43f: {  	s17 =	simm.s32 $0x64F0;
	v6 =	vld [tilespmem:s16+$0xFFFFFF90]  }
0x440: {  	v7 =	vld [tilespmem:s17+$0xFFFFFF90]  }
0x441: {  	v8 =	vld [tilespmem:s17+$0xFFFFFE10]  }
0x442: {  	v9 =	vld [tilespmem:s16+$0xFFFFFE90]  }
0x443: {  	v10 =	vld [tilespmem:s17+$0xFFFFFE90]  }
0x444: {  	v11 =	vld [tilespmem:s17+$0xFFFFFF10]  }
0x445: {  	v6 =	vadd.f32 v7, v6;
	v7 =	vld [tilespmem:s16+$0xFFFFFF10]  }
0x446: {  	v12 =	vld [tilespmem:s16+$0xFFFFFE10]  }
0x447: {  	v6 =	vmax.f32 v6, $0.0e+00  }
0x448: {  	v9 =	vadd.f32 v10, v9;
	[tilespmem:s16+$0xFFFFFF90] =	vst v6;
	v6 =	vld [tilespmem:s16+$0xFFFFFFA0]  }
0x449: {  	v13 =	vld [tilespmem:s17+$0xFFFFFFA0]  }
0x44a: {  	v14 =	vld [tilespmem:s16+$0xFFFFFEA0];
	v9 =	vmax.f32 v9, $0.0e+00;
	v7 =	vadd.f32 v11, v7  }
0x44b: {  	v10 =	vld [tilespmem:s16+$0xFFFFFE20];
	v8 =	vadd.f32 v8, v12;
	[tilespmem:s16+$0xFFFFFE90] =	vst v9  }
0x44c: {  	v11 =	vld [tilespmem:s17+$0xFFFFFEA0];
	v7 =	vmax.f32 v7, $0.0e+00  }
0x44d: {  	v8 =	vmax.f32 v8, $0.0e+00;
	v9 =	vld [tilespmem:s16+$0xFFFFFF20];
	[tilespmem:s16+$0xFFFFFF10] =	vst v7  }
0x44e: {  	[tilespmem:s16+$0xFFFFFE10] =	vst v8;
	v6 =	vadd.f32 v13, v6;
	v7 =	vld [tilespmem:s17+$0xFFFFFF20]  }
0x44f: {  	v8 =	vld [tilespmem:s17+$0xFFFFFE20]  }
0x450: {  	v6 =	vmax.f32 v6, $0.0e+00  }
0x451: {  	v11 =	vadd.f32 v11, v14;
	[tilespmem:s16+$0xFFFFFFA0] =	vst v6;
	v6 =	vld [tilespmem:s16+$0xFFFFFFB0]  }
0x452: {  	v13 =	vld [tilespmem:s17+$0xFFFFFFB0]  }
0x453: {  	v12 =	vld [tilespmem:s16+$0xFFFFFE30];
	v11 =	vmax.f32 v11, $0.0e+00;
	v7 =	vadd.f32 v7, v9  }
0x454: {  	v8 =	vadd.f32 v8, v10;
	v14 =	vld [tilespmem:s16+$0xFFFFFEB0];
	[tilespmem:s16+$0xFFFFFEA0] =	vst v11  }
0x455: {  	v10 =	vld [tilespmem:s17+$0xFFFFFEB0];
	v7 =	vmax.f32 v7, $0.0e+00  }
0x456: {  	v8 =	vmax.f32 v8, $0.0e+00;
	v9 =	vld [tilespmem:s16+$0xFFFFFF30];
	[tilespmem:s16+$0xFFFFFF20] =	vst v7  }
0x457: {  	[tilespmem:s16+$0xFFFFFE20] =	vst v8;
	v6 =	vadd.f32 v13, v6;
	v7 =	vld [tilespmem:s17+$0xFFFFFF30]  }
0x458: {  	v8 =	vld [tilespmem:s17+$0xFFFFFE30]  }
0x459: {  	v6 =	vmax.f32 v6, $0.0e+00  }
0x45a: {  	v10 =	vadd.f32 v10, v14;
	[tilespmem:s16+$0xFFFFFFB0] =	vst v6;
	v6 =	vld [tilespmem:s16+$0xFFFFFFC0]  }
0x45b: {  	v13 =	vld [tilespmem:s17+$0xFFFFFFC0]  }
0x45c: {  	v15 =	vld [tilespmem:s16+$0xFFFFFF40];
	v10 =	vmax.f32 v10, $0.0e+00;
	v7 =	vadd.f32 v7, v9  }
0x45d: {  	v8 =	vadd.f32 v8, v12;
	v14 =	vld [tilespmem:s16+$0xFFFFFEC0];
	[tilespmem:s16+$0xFFFFFEB0] =	vst v10  }
0x45e: {  	v9 =	vld [tilespmem:s17+$0xFFFFFEC0];
	v7 =	vmax.f32 v7, $0.0e+00  }
0x45f: {  	v11 =	vld [tilespmem:s16+$0xFFFFFE40];
	[tilespmem:s16+$0xFFFFFF30] =	vst v7;
	v7 =	vmax.f32 v8, $0.0e+00  }
0x460: {  	v6 =	vadd.f32 v13, v6;
	[tilespmem:s16+$0xFFFFFE30] =	vst v7;
	v7 =	vld [tilespmem:s17+$0xFFFFFF40]  }
0x461: {  	v12 =	vld [tilespmem:s17+$0xFFFFFE40]  }
0x462: {  	v16 =	vld [tilespmem:s16+$0xFFFFFE50];
	v6 =	vmax.f32 v6, $0.0e+00  }
0x463: {  	v9 =	vadd.f32 v9, v14;
	[tilespmem:s16+$0xFFFFFFC0] =	vst v6;
	v6 =	vld [tilespmem:s16+$0xFFFFFFD0]  }
0x464: {  	v13 =	vld [tilespmem:s17+$0xFFFFFFD0]  }
0x465: {  	v17 =	vld [tilespmem:s16+$0xFFFFFEE0];
	v9 =	vmax.f32 v9, $0.0e+00;
	v7 =	vadd.f32 v7, v15  }
0x466: {  	v10 =	vld [tilespmem:s16+$0xFFFFFED0];
	[tilespmem:s16+$0xFFFFFEC0] =	vst v9;
	v11 =	vadd.f32 v12, v11  }
0x467: {  	v12 =	vld [tilespmem:s17+$0xFFFFFED0];
	v7 =	vmax.f32 v7, $0.0e+00  }
0x468: {  	v8 =	vld [tilespmem:s16+$0xFFFFFF50];
	[tilespmem:s16+$0xFFFFFF40] =	vst v7;
	v7 =	vmax.f32 v11, $0.0e+00  }
0x469: {  	v6 =	vadd.f32 v13, v6;
	v11 =	vld [tilespmem:s17+$0xFFFFFF50];
	[tilespmem:s16+$0xFFFFFE40] =	vst v7  }
0x46a: {  	v7 =	vld [tilespmem:s17+$0xFFFFFE50]  }
0x46b: {  	v14 =	vld [tilespmem:s16+$0xFFFFFE60];
	v6 =	vmax.f32 v6, $0.0e+00  }
0x46c: {  	[tilespmem:s16+$0xFFFFFFD0] =	vst v6;
	v6 =	vadd.f32 v12, v10;
	v12 =	vld [tilespmem:s16+$0xFFFFFFE0]  }
0x46d: {  	v13 =	vld [tilespmem:s17+$0xFFFFFFE0]  }
0x46e: {  	v9 =	vld [tilespmem:s16+$0xFFFFFE70];
	v6 =	vmax.f32 v6, $0.0e+00;
	v8 =	vadd.f32 v11, v8  }
0x46f: {  	v15 =	vld [tilespmem:s16+$0xFFFFFF60];
	[tilespmem:s16+$0xFFFFFED0] =	vst v6;
	v6 =	vadd.f32 v7, v16  }
0x470: {  	v7 =	vld [tilespmem:s17+$0xFFFFFEE0];
	v8 =	vmax.f32 v8, $0.0e+00  }
0x471: {  	v10 =	vld [tilespmem:s16+$0xFFFFFEF0];
	[tilespmem:s16+$0xFFFFFF50] =	vst v8;
	v6 =	vmax.f32 v6, $0.0e+00  }
0x472: {  	v8 =	vld [tilespmem:s17+$0xFFFFFF60];
	v12 =	vadd.f32 v13, v12;
	[tilespmem:s16+$0xFFFFFE50] =	vst v6  }
0x473: {  	v6 =	vld [tilespmem:s17+$0xFFFFFE60]  }
0x474: {  	v11 =	vld [tilespmem:s16+$0xFFFFFF70];
	v12 =	vmax.f32 v12, $0.0e+00  }
0x475: {  	v7 =	vadd.f32 v7, v17;
	[tilespmem:s16+$0xFFFFFFE0] =	vst v12;
	v12 =	vld [tilespmem:s16+$0xFFFFFFF0]  }
0x476: {  	v16 =	vld [tilespmem:s17+$0xFFFFFFF0]  }
0x477: {  	v7 =	vmax.f32 v7, $0.0e+00;
	v13 =	vadd.f32 v8, v15;
	v8 =	vld [tilespmem:s16+$0xFFFFFE80]  }
0x478: {  	[tilespmem:s16+$0xFFFFFEE0] =	vst v7;
	v6 =	vadd.f32 v6, v14;
	v7 =	vld [tilespmem:s16+$0xFFFFFF00]  }
0x479: {  	v14 =	vmax.f32 v13, $0.0e+00;
	v13 =	vld [tilespmem:s17+$0xFFFFFEF0]  }
0x47a: {  	[tilespmem:s16+$0xFFFFFF60] =	vst v14;
	v14 =	vmax.f32 v6, $0.0e+00;
	v6 =	vld [tilespmem:s16+$0xFFFFFF80]  }
0x47b: {  	[tilespmem:s16+$0xFFFFFE60] =	vst v14;
	v14 =	vld [tilespmem:s17+$0xFFFFFF70];
	v12 =	vadd.f32 v16, v12  }
0x47c: {  	v15 =	vld [tilespmem:s17+$0xFFFFFE70]  }
0x47d: {  	s18 =	simm.s32 $0x0;
	s24 =	simm.s32 $0x64F0;
	s23 =	simm.s32 $0x26F0;
	v16 =	vmax.f32 v12, $0.0e+00;
	v12 =	vld [tilespmem:s16+$0x0]  }
.LBB2_16:
0x47e: {  	v17 =	vld [tilespmem:s23+$0xFFFFFF90];
	v10 =	vadd.f32 v13, v10;
	[tilespmem:s16+$0xFFFFFFF0] =	vst v16  }
0x47f: {  	s24 =	sadd.s32 $0x200, s24;
	v13 =	vld [tilespmem:s17+$0x0]  }
0x480: {  	s18 =	sadd.s32 $0x4, s18;
	v16 =	vld [tilespmem:s24+$0xFFFFFF90];
	v10 =	vmax.f32 v10, $0.0e+00;
	v11 =	vadd.f32 v14, v11  }
0x481: {  	p3 =	slt.u32 s18, $0x3C;
	v14 =	vld [tilespmem:s24+$0xFFFFFE10];
	v9 =	vadd.f32 v15, v9;
	[tilespmem:s16+$0xFFFFFEF0] =	vst v10  }
0x482: {  	v10 =	vld [tilespmem:s23+$0xFFFFFE90];
	v11 =	vmax.f32 v11, $0.0e+00  }
0x483: {  	v15 =	vld [tilespmem:s24+$0xFFFFFE90];
	v9 =	vmax.f32 v9, $0.0e+00;
	[tilespmem:s16+$0xFFFFFF70] =	vst v11  }
0x484: {  	v11 =	vld [tilespmem:s23+$0xFFFFFF10];
	[tilespmem:s16+$0xFFFFFE70] =	vst v9;
	v9 =	vadd.f32 v13, v12  }
0x485: {  	v12 =	vld [tilespmem:s24+$0xFFFFFF10];
	v13 =	vadd.f32 v16, v17  }
0x486: {  	v16 =	vld [tilespmem:s23+$0xFFFFFE10];
	v9 =	vmax.f32 v9, $0.0e+00  }
0x487: {  	v17 =	vld [tilespmem:s23+$0xFFFFFE20];
	v13 =	vmax.f32 v13, $0.0e+00;
	[tilespmem:s16+$0x0] =	vst v9  }
0x488: {  	v9 =	vadd.f32 v15, v10;
	[tilespmem:s23+$0xFFFFFF90] =	vst v13;
	v10 =	vld [tilespmem:s23+$0xFFFFFFA0]  }
0x489: {  	v13 =	vld [tilespmem:s24+$0xFFFFFFA0]  }
0x48a: {  	v9 =	vmax.f32 v9, $0.0e+00;
	v15 =	vld [tilespmem:s23+$0xFFFFFEA0];
	v11 =	vadd.f32 v12, v11  }
0x48b: {  	v12 =	vadd.f32 v14, v16;
	[tilespmem:s23+$0xFFFFFE90] =	vst v9;
	v9 =	vld [tilespmem:s23+$0xFFFFFF20]  }
0x48c: {  	v14 =	vld [tilespmem:s24+$0xFFFFFEA0];
	v11 =	vmax.f32 v11, $0.0e+00  }
0x48d: {  	v12 =	vmax.f32 v12, $0.0e+00;
	v16 =	vld [tilespmem:s23+$0xFFFFFE30];
	[tilespmem:s23+$0xFFFFFF10] =	vst v11  }
0x48e: {  	[tilespmem:s23+$0xFFFFFE10] =	vst v12;
	v11 =	vld [tilespmem:s24+$0xFFFFFF20];
	v10 =	vadd.f32 v13, v10  }
0x48f: {  	v12 =	vld [tilespmem:s24+$0xFFFFFE20]  }
0x490: {  	v13 =	vld [tilespmem:s23+$0xFFFFFEB0];
	v10 =	vmax.f32 v10, $0.0e+00  }
0x491: {  	v14 =	vadd.f32 v14, v15;
	[tilespmem:s23+$0xFFFFFFA0] =	vst v10;
	v10 =	vld [tilespmem:s23+$0xFFFFFFB0]  }
0x492: {  	v15 =	vld [tilespmem:s24+$0xFFFFFFB0]  }
0x493: {  	v14 =	vmax.f32 v14, $0.0e+00;
	v9 =	vadd.f32 v11, v9;
	v11 =	vld [tilespmem:s23+$0xFFFFFF30]  }
0x494: {  	v12 =	vadd.f32 v12, v17;
	v17 =	vld [tilespmem:s23+$0xFFFFFE40];
	[tilespmem:s23+$0xFFFFFEA0] =	vst v14  }
0x495: {  	v14 =	vld [tilespmem:s24+$0xFFFFFEB0];
	v9 =	vmax.f32 v9, $0.0e+00  }
0x496: {  	v12 =	vmax.f32 v12, $0.0e+00;
	v18 =	vld [tilespmem:s23+$0xFFFFFEC0];
	[tilespmem:s23+$0xFFFFFF20] =	vst v9  }
0x497: {  	[tilespmem:s23+$0xFFFFFE20] =	vst v12;
	v9 =	vld [tilespmem:s24+$0xFFFFFF30];
	v10 =	vadd.f32 v15, v10  }
0x498: {  	v12 =	vld [tilespmem:s24+$0xFFFFFE30]  }
0x499: {  	v15 =	vld [tilespmem:s23+$0xFFFFFF40];
	v10 =	vmax.f32 v10, $0.0e+00  }
0x49a: {  	v13 =	vadd.f32 v14, v13;
	[tilespmem:s23+$0xFFFFFFB0] =	vst v10;
	v10 =	vld [tilespmem:s23+$0xFFFFFFC0]  }
0x49b: {  	v14 =	vld [tilespmem:s24+$0xFFFFFFC0]  }
0x49c: {  	v19 =	vld [tilespmem:s23+$0xFFFFFE50];
	v13 =	vmax.f32 v13, $0.0e+00;
	v9 =	vadd.f32 v9, v11  }
0x49d: {  	v11 =	vadd.f32 v12, v16;
	[tilespmem:s23+$0xFFFFFEB0] =	vst v13;
	v12 =	vld [tilespmem:s23+$0xFFFFFED0]  }
0x49e: {  	v13 =	vld [tilespmem:s24+$0xFFFFFEC0];
	v9 =	vmax.f32 v9, $0.0e+00  }
0x49f: {  	v11 =	vmax.f32 v11, $0.0e+00;
	[tilespmem:s23+$0xFFFFFF30] =	vst v9;
	v16 =	vld [tilespmem:s23+$0xFFFFFF50]  }
0x4a0: {  	[tilespmem:s23+$0xFFFFFE30] =	vst v11;
	v9 =	vld [tilespmem:s24+$0xFFFFFF40];
	v10 =	vadd.f32 v14, v10  }
0x4a1: {  	v11 =	vld [tilespmem:s24+$0xFFFFFE40]  }
0x4a2: {  	v14 =	vld [tilespmem:s23+$0xFFFFFE60];
	v10 =	vmax.f32 v10, $0.0e+00  }
0x4a3: {  	v13 =	vadd.f32 v13, v18;
	[tilespmem:s23+$0xFFFFFFC0] =	vst v10;
	v10 =	vld [tilespmem:s23+$0xFFFFFFD0]  }
0x4a4: {  	v18 =	vld [tilespmem:s24+$0xFFFFFFD0]  }
0x4a5: {  	v13 =	vmax.f32 v13, $0.0e+00;
	v20 =	vld [tilespmem:s23+$0xFFFFFEE0];
	v9 =	vadd.f32 v9, v15  }
0x4a6: {  	v11 =	vadd.f32 v11, v17;
	[tilespmem:s23+$0xFFFFFEC0] =	vst v13;
	v13 =	vld [tilespmem:s23+$0xFFFFFF60]  }
0x4a7: {  	v15 =	vld [tilespmem:s24+$0xFFFFFED0];
	v17 =	vmax.f32 v9, $0.0e+00  }
0x4a8: {  	v11 =	vmax.f32 v11, $0.0e+00;
	v9 =	vld [tilespmem:s23+$0xFFFFFE70];
	[tilespmem:s23+$0xFFFFFF40] =	vst v17  }
0x4a9: {  	[tilespmem:s23+$0xFFFFFE40] =	vst v11;
	v11 =	vld [tilespmem:s24+$0xFFFFFF50];
	v17 =	vadd.f32 v18, v10  }
0x4aa: {  	v18 =	vld [tilespmem:s24+$0xFFFFFE50]  }
0x4ab: {  	v10 =	vld [tilespmem:s23+$0xFFFFFEF0];
	v17 =	vmax.f32 v17, $0.0e+00  }
0x4ac: {  	v12 =	vadd.f32 v15, v12;
	[tilespmem:s23+$0xFFFFFFD0] =	vst v17;
	v15 =	vld [tilespmem:s23+$0xFFFFFFE0]  }
0x4ad: {  	v17 =	vld [tilespmem:s24+$0xFFFFFFE0]  }
0x4ae: {  	v12 =	vmax.f32 v12, $0.0e+00;
	v16 =	vadd.f32 v11, v16;
	v11 =	vld [tilespmem:s23+$0xFFFFFF70]  }
0x4af: {  	v18 =	vadd.f32 v18, v19;
	[tilespmem:s23+$0xFFFFFED0] =	vst v12;
	v12 =	vld [tilespmem:s17+$0xFFFFFE80]  }
0x4b0: {  	v19 =	vld [tilespmem:s24+$0xFFFFFEE0];
	v16 =	vmax.f32 v16, $0.0e+00  }
0x4b1: {  	v18 =	vmax.f32 v18, $0.0e+00;
	[tilespmem:s23+$0xFFFFFF50] =	vst v16;
	v16 =	vld [tilespmem:s17+$0xFFFFFF00]  }
0x4b2: {  	[tilespmem:s23+$0xFFFFFE50] =	vst v18;
	v18 =	vld [tilespmem:s24+$0xFFFFFF60];
	v15 =	vadd.f32 v17, v15  }
0x4b3: {  	v17 =	vld [tilespmem:s24+$0xFFFFFE60]  }
0x4b4: {  	v15 =	vmax.f32 v15, $0.0e+00;
	v8 =	vadd.f32 v12, v8;
	v12 =	vld [tilespmem:s17+$0xFFFFFF80];
	s17 =	smov.u32 s24  }
0x4b5: {  	v19 =	vadd.f32 v19, v20;
	[tilespmem:s23+$0xFFFFFFE0] =	vst v15;
	v15 =	vld [tilespmem:s23+$0xFFFFFFF0]  }
0x4b6: {  	v20 =	vld [tilespmem:s24+$0xFFFFFFF0];
	v21 =	vmax.f32 v8, $0.0e+00;
	v16 =	vadd.f32 v16, v7  }
0x4b7: {  	v8 =	vld [tilespmem:s23+$0xFFFFFE80];
	v7 =	vmax.f32 v19, $0.0e+00;
	v18 =	vadd.f32 v18, v13;
	[tilespmem:s16+$0xFFFFFE80] =	vst v21  }
0x4b8: {  	v14 =	vadd.f32 v17, v14;
	[tilespmem:s23+$0xFFFFFEE0] =	vst v7;
	v7 =	vld [tilespmem:s23+$0xFFFFFF00];
	v16 =	vmax.f32 v16, $0.0e+00  }
.Ltmp11:
0x4b9: {  	v13 =	vld [tilespmem:s24+$0xFFFFFEF0];
	v17 =	vmax.f32 v18, $0.0e+00;
	[tilespmem:s16+$0xFFFFFF00] =	vst v16;
	v12 =	vadd.f32 v12, v6;
	(pc) =	sbr.rel @p3 .LBB2_16-.Ltmp11, $4  }
0x4ba: {  	v14 =	vmax.f32 v14, $0.0e+00;
	[tilespmem:s23+$0xFFFFFF60] =	vst v17;
	v6 =	vld [tilespmem:s23+$0xFFFFFF80]  }
0x4bb: {  	[tilespmem:s23+$0xFFFFFE60] =	vst v14;
	v14 =	vld [tilespmem:s24+$0xFFFFFF70];
	v16 =	vadd.f32 v20, v15;
	v12 =	vmax.f32 v12, $0.0e+00  }
0x4bc: {  	v15 =	vld [tilespmem:s24+$0xFFFFFE70];
	[tilespmem:s16+$0xFFFFFF80] =	vst v12;
	s16 =	smov.u32 s23  }
0x4bd: {  	s23 =	sadd.s32 $0x200, s23;
	v16 =	vmax.f32 v16, $0.0e+00;
	v12 =	vld [tilespmem:s16+$0x0]  }
0x4be: {  	_ = 	snop  }
0x4bf: {  	v10 =	vadd.f32 v13, v10  }
0x4c0: {  	v11 =	vadd.f32 v14, v11  }
0x4c1: {  	[tilespmem:s16+$0xFFFFFFF0] =	vst v16;
	v10 =	vmax.f32 v10, $0.0e+00;
	v9 =	vadd.f32 v15, v9  }
0x4c2: {  	v58 =	vld [tilespmem:s17+$0x0];
	[tilespmem:s16+$0xFFFFFEF0] =	vst v10;
	v59 =	vmax.f32 v11, $0.0e+00  }
0x4c3: {  	v61 =	vld [tilespmem:s17+$0xFFFFFF00];
	v9 =	vmax.f32 v9, $0.0e+00;
	[tilespmem:s16+$0xFFFFFF70] =	vst v59  }
0x4c4: {  	[tilespmem:s16+$0xFFFFFE70] =	vst v9;
	v62 =	vld [tilespmem:s17+$0xFFFFFF80]  }
0x4c5: {  	v60 =	vld [tilespmem:s17+$0xFFFFFE80];
	_ =	sdelay $0x1  }
0x4c6: {  	v12 =	vadd.f32 v58, v12  }
0x4c7: {  	v7 =	vadd.f32 v61, v7  }
0x4c8: {  	v63 =	vmax.f32 v12, $0.0e+00;
	v6 =	vadd.f32 v62, v6  }
.Ltmp12:
0x4c9: {  	[tilespmem:s16+$0x0] =	vst v63;
	v7 =	vmax.f32 v7, $0.0e+00;
	v8 =	vadd.f32 v60, v8;
	(pc) =	sbr.rel .LBB2_18-.Ltmp12, $4  }
0x4ca: {  	[tilespmem:s16+$0xFFFFFF00] =	vst v7;
	v6 =	vmax.f32 v6, $0.0e+00  }
0x4cb: {  	v8 =	vmax.f32 v8, $0.0e+00;
	[tilespmem:s16+$0xFFFFFF80] =	vst v6  }
0x4cc: {  	s0 =	simm.s32 $0x280;
	s2 =	simm.s32 $0x2300;
	[tilespmem:s16+$0xFFFFFE80] =	vst v8  }
0x4cd: {  	[spmem:s29] =	stream.indirect.scatter.add.f32 [tilespmem:s2], [sflag:$0x6], $0x80, s0, s5, $0xb8;
	[tilespmem:$0x1EE00] =	vst v63  }
.LBB2_20:
0x4ce: {  	_ =	sfence.sel $0x180000  }
0x4cf: {  	[bflag:$0x0] =	sbarrier.arrive $0xFFFF  }
0x4d0: {  	_ =	strace $0x90000047  }
0x4d1: {  	[bflag:$0x2] =	sbarrier.arrive $0xFFFF  }
0x4d2: {  	s0 =	rddreg [dreg:$0x4]  }
0x4d3: {  	s0 =	sadd.s32 @!p0 $0x100000, s0  }
0x4d4: {  	[sflag:s0] =	ssyncadd.tile.s32 @!p0 $0x1;
	_ =	shalt  }
.Lfunc_end2:
_tile_overlayer_lowered:
.L_overlay_start_2:
0x4d5: {  	(tag) =	ssettag $0x2  }
0x4d6: {  	s0 =	rddreg [dreg:$0x0];
	s2 =	stileid.u32  }
0x4d7: {  	s1 =	rddreg [dreg:$0x1];
	p0 =	sne.s32 s2, $0x0  }
0x4d8: {  	s3 =	rddreg [dreg:$0x2];
	[bflag:$0x3] =	sbarrier.arrive $0xFFFF;
	s2 =	simm.s32 @!p0 $0x1C07  }
0x4d9: {  	[timem:s3], [sflag:s2] =	dma.local @!p0 [hbm:s0], s1  }
0x4da: {  	s0 =	simm.s32 @!p0 $0x7  }
0x4db: {  	_ =	swait.ge @!p0 [sflag:s0], s1  }
0x4dc: {  	s1 =	ssub.s32 @!p0 $0x0, s1;
	[sflag:s0] =	ssyncset.done @!p0 $0x0  }
0x4dd: {  	[sflag:s0] =	ssyncadd.s32 @!p0 s1  }
0x4de: {  	[bflag:$0x3] =	sbarrier.arrive $0xFFFF  }
0x4df: {  	_ =	shalt  }

</sc_bundles>
